<compile_context>
chip_gen: v7x
topology: tpu7x:2x2x1
jax: 0.10.2.dev20260603
libtpu: 0.0.44.dev20260713+nightly
codegen_flags: <defaults>
</compile_context>

<pallas_src>
import functools
import math

import jax
import jax.numpy as jnp
import numpy as np
from jax import lax
from jax.experimental import pallas as pl
from jax.experimental.pallas import tpu as pltpu
from jax.experimental.pallas import tpu_sc as plsc

H = 4
F = 64
D = 16
NET = 5
NLAYER = 2
E = 160000
N_COMPANY = 50000
NHALF = 16672
NPASS = 3
ETOT = NET * E
CHUNK = 64
NCHUNK = 12512
ETOTP = NCHUNK * CHUNK
NC = 2
NS = 16
TRIPS = NCHUNK // NS
PAIRS = TRIPS // 2
ACC_DATA_ROWS = NHALF // 4
ACC_FLUSH = 264
ACC_ROWS = NS * ACC_FLUSH
DEN_ROWS = 264


def _edge_body(lo, kv_hbm, q_hbm, sg_hbm, dg_hbm, zacc_hbm, zden_hbm,
               acc_out, den_out,
               acc_sp, den_sp,
               sgv0, sgv1, dgv0, dgv1, kv0, kv1, q0b, q1b,
               accidx0, accidx1, denrv0, denrv1,
               col4v, prev4v, dencv, prevdv, inhv, rowv, denrowv,
               msg, den_msg, gsem0, gsem1, ssem):
    c = lax.axis_index("c")
    s = lax.axis_index("s")

    sgv = (sgv0, sgv1)
    dgv = (dgv0, dgv1)
    kvb = (kv0, kv1)
    qb_ = (q0b, q1b)
    accidx = (accidx0, accidx1)
    denrv = (denrv0, denrv1)
    gsem = (gsem0, gsem1)

    pltpu.sync_copy(zacc_hbm, acc_sp.at[pl.ds(s * ACC_FLUSH, ACC_FLUSH)])

    @pl.when(s == 0)
    def _():
        pltpu.sync_copy(zden_hbm, den_sp)

    zero16 = jnp.zeros((16,), jnp.float32)
    zero16i = jnp.zeros((16,), jnp.int32)

    def zero_body(e, carry):
        for g in range(8):
            msg[e, pl.ds(g * 16, 16)] = zero16
        return carry

    lax.fori_loop(0, CHUNK, zero_body, 0)

    def zero_dben(e, carry):
        for g in range(8):
            den_msg[e, pl.ds(g * 16, 16)] = zero16
        return carry

    lax.fori_loop(0, CHUNK + 1, zero_dben, 0)

    def zero_idx_body(g, carry):
        prev4v[pl.ds(g * 16, 16)] = zero16i
        prevdv[pl.ds(g * 16, 16)] = zero16i
        return carry

    lax.fori_loop(0, (CHUNK + 16) // 16, zero_idx_body, 0)
    plsc.subcore_barrier()

    lane = lax.iota(jnp.int32, 16)
    perm = [lane ^ 8, lane ^ 4, lane ^ 2, lane ^ 1]

    def _sum_splat(x):
        for p in perm:
            x = x + x.at[p].get(mode="promise_in_bounds")
        return x

    cb = c * 64
    qoff = c * 32

    def load_and_fire(b, j):
        pltpu.sync_copy(sg_hbm.at[pl.ds(j * CHUNK, CHUNK)], sgv[b])
        pltpu.sync_copy(dg_hbm.at[pl.ds(j * CHUNK, CHUNK)],
                        dgv[b].at[pl.ds(0, CHUNK)])
        pltpu.async_copy(kv_hbm.at[sgv[b]], kvb[b], gsem[b])
        pltpu.async_copy(q_hbm.at[dgv[b].at[pl.ds(0, CHUNK)]], qb_[b],
                         gsem[b])

    for b in range(2):
        load_and_fire(b, s + b * NS)

    lane0 = lane == 0
    garb_acc = jnp.full((16,), ACC_DATA_ROWS, jnp.int32)
    garb_den = jnp.full((16,), DEN_ROWS - 3, jnp.int32)

    def run_chunk(tp, b):
        t = 2 * tp + b
        o = 1 - b

        @pl.when(t >= 1)
        def _():
            pltpu.make_async_copy(msg.at[pl.ds(0, 32)],
                                  acc_sp.at[accidx[o].at[0]], ssem).wait()
            pltpu.make_async_copy(den_msg.at[pl.ds(0, 32)],
                                  den_sp.at[denrv[o].at[0]], ssem).wait()

        pltpu.make_async_copy(kv_hbm.at[sgv[b]], kvb[b], gsem[b]).wait()
        pltpu.make_async_copy(q_hbm.at[dgv[b].at[pl.ds(0, CHUNK)]],
                              qb_[b], gsem[b]).wait()

        for r in range(2):
            accidx[b][r, pl.ds(0, 16)] = garb_acc
            accidx[b][r, pl.ds(16, 16)] = garb_acc
            denrv[b][r, pl.ds(0, 16)] = garb_den
            denrv[b][r, pl.ds(16, 16)] = garb_den

        def idx_body(g, carry2):
            d16 = dgv[b][pl.ds(g * 16, 16)]
            dl = d16 - lo
            inh = (dl >= 0) & (dl < NHALF)
            inhv[pl.ds(g * 16, 16)] = inh.astype(jnp.int32)
            rowv[pl.ds(g * 16, 16)] = dl >> 2
            col4v[pl.ds(g * 16, 16)] = (dl & 3) * 32
            denrowv[pl.ds(g * 16, 16)] = dl >> 6
            dencv[pl.ds(g * 16, 16)] = (dl & 63) * 2
            return carry2

        lax.fori_loop(0, CHUNK // 16, idx_body, 0)

        def edge_body(e, w):
            inh = inhv[pl.ds(e, 16)][0]

            @pl.when(inh > 0)
            def _():
                prev4 = prev4v[pl.ds(w, 16)][0]
                msg[w, pl.ds(prev4, 16)] = zero16
                msg[w, pl.ds(prev4 + 16, 16)] = zero16
                prevd = prevdv[pl.ds(w, 16)][0]
                den_msg[w, pl.ds(prevd, 16)] = zero16
                k0 = kvb[b][e, pl.ds(cb, 16)]
                k1 = kvb[b][e, pl.ds(cb + 16, 16)]
                v0 = kvb[b][e, pl.ds(cb + 32, 16)]
                v1 = kvb[b][e, pl.ds(cb + 48, 16)]
                q0 = qb_[b][e, pl.ds(qoff, 16)]
                q1 = qb_[b][e, pl.ds(qoff + 16, 16)]
                e0 = jnp.exp(_sum_splat(k0 * q0))
                e1 = jnp.exp(_sum_splat(k1 * q1))
                col4 = col4v[pl.ds(e, 16)][0]
                msg[w, pl.ds(col4, 16)] = v0 * e0
                msg[w, pl.ds(col4 + 16, 16)] = v1 * e1
                exd = jnp.where(lane == 0, e0,
                                jnp.where(lane == 1, e1, 0.0))
                dencol = dencv[pl.ds(e, 16)][0]
                den_msg[w, pl.ds(dencol, 16)] = exd
                plsc.store_scatter(prev4v, [jnp.full((16,), w, jnp.int32)],
                                   jnp.full((16,), col4, jnp.int32),
                                   mask=lane0)
                plsc.store_scatter(prevdv, [jnp.full((16,), w, jnp.int32)],
                                   jnp.full((16,), dencol, jnp.int32),
                                   mask=lane0)
                hi = jnp.full((16,), w >> 5, jnp.int32)
                lo16 = jnp.full((16,), w & 31, jnp.int32)
                plsc.store_scatter(
                    accidx[b], [hi, lo16],
                    jnp.full((16,), rowv[pl.ds(e, 16)][0], jnp.int32),
                    mask=lane0)
                plsc.store_scatter(
                    denrv[b], [hi, lo16],
                    jnp.full((16,), denrowv[pl.ds(e, 16)][0], jnp.int32),
                    mask=lane0)

            return w + inh

        cnt = lax.fori_loop(0, CHUNK, edge_body, 0, unroll=4)

        pltpu.async_copy(msg.at[pl.ds(0, 32)],
                         acc_sp.at[accidx[b].at[0]], ssem, add=True)
        pltpu.async_copy(den_msg.at[pl.ds(0, 32)],
                         den_sp.at[denrv[b].at[0]], ssem, add=True)

        @pl.when(cnt > 32)
        def _():
            pltpu.sync_copy(msg.at[pl.ds(32, 32)],
                            acc_sp.at[accidx[b].at[1]], add=True)
            pltpu.sync_copy(den_msg.at[pl.ds(32, 32)],
                            den_sp.at[denrv[b].at[1]], add=True)

        @pl.when(tp < PAIRS - 1)
        def _():
            load_and_fire(b, s + (t + 2) * NS)

    def pair_body(tp, carry):
        run_chunk(tp, 0)
        run_chunk(tp, 1)
        return carry

    lax.fori_loop(0, PAIRS, pair_body, 0)

    pltpu.make_async_copy(msg.at[pl.ds(0, 32)],
                          acc_sp.at[accidx[1].at[0]], ssem).wait()
    pltpu.make_async_copy(den_msg.at[pl.ds(0, 32)],
                          den_sp.at[denrv[1].at[0]], ssem).wait()
    plsc.subcore_barrier()

    pltpu.sync_copy(acc_sp.at[pl.ds(s * ACC_FLUSH, ACC_FLUSH)],
                    acc_out.at[c, s])

    @pl.when(s == 0)
    def _():
        pltpu.sync_copy(den_sp, den_out.at[c])


@functools.partial(jax.jit, static_argnums=0)
def _edge_pass(lo, kv, q2, sg, dg, zacc, zden):
    mesh = plsc.VectorSubcoreMesh(core_axis_name="c", subcore_axis_name="s",
                                  num_cores=NC, num_subcores=NS)
    return pl.kernel(
        functools.partial(_edge_body, lo),
        out_type=(
            jax.ShapeDtypeStruct((NC, NS, ACC_FLUSH, 128), jnp.float32),
            jax.ShapeDtypeStruct((NC, DEN_ROWS, 128), jnp.float32),
        ),
        mesh=mesh,
        scratch_types=[
            pltpu.VMEM_SHARED((ACC_ROWS, 128), jnp.float32),
            pltpu.VMEM_SHARED((DEN_ROWS, 128), jnp.float32),
            pltpu.VMEM((CHUNK,), jnp.int32),
            pltpu.VMEM((CHUNK,), jnp.int32),
            pltpu.VMEM((CHUNK + 16,), jnp.int32),
            pltpu.VMEM((CHUNK + 16,), jnp.int32),
            pltpu.VMEM((CHUNK, 128), jnp.float32),
            pltpu.VMEM((CHUNK, 128), jnp.float32),
            pltpu.VMEM((CHUNK, 128), jnp.float32),
            pltpu.VMEM((CHUNK, 128), jnp.float32),
            pltpu.VMEM((2, 32), jnp.int32),
            pltpu.VMEM((2, 32), jnp.int32),
            pltpu.VMEM((2, 32), jnp.int32),
            pltpu.VMEM((2, 32), jnp.int32),
            pltpu.VMEM((CHUNK + 16,), jnp.int32),
            pltpu.VMEM((CHUNK + 16,), jnp.int32),
            pltpu.VMEM((CHUNK + 16,), jnp.int32),
            pltpu.VMEM((CHUNK + 16,), jnp.int32),
            pltpu.VMEM((CHUNK + 16,), jnp.int32),
            pltpu.VMEM((CHUNK + 16,), jnp.int32),
            pltpu.VMEM((CHUNK + 16,), jnp.int32),
            pltpu.VMEM((CHUNK, 128), jnp.float32),
            pltpu.VMEM((CHUNK + 1, 128), jnp.float32),
            pltpu.SemaphoreType.DMA,
            pltpu.SemaphoreType.DMA,
            pltpu.SemaphoreType.DMA,
        ],
        compiler_params=pltpu.CompilerParams(needs_layout_passes=False),
    )(kv, q2, sg, dg, zacc, zden)


def _mm_body(x_ref, w_ref, b_ref, o_ref):
    o_ref[...] = x_ref[...] @ w_ref[...] + b_ref[...]


def _mm(x, w, b):
    n, k = x.shape
    m = w.shape[1]
    blk = 5000
    return pl.pallas_call(
        _mm_body,
        out_shape=jax.ShapeDtypeStruct((n, m), jnp.float32),
        grid=(n // blk,),
        in_specs=[
            pl.BlockSpec((blk, k), lambda i: (i, 0)),
            pl.BlockSpec((k, m), lambda i: (0, 0)),
            pl.BlockSpec((1, m), lambda i: (0, 0)),
        ],
        out_specs=pl.BlockSpec((blk, m), lambda i: (i, 0)),
    )(x, w, b.reshape(1, -1))


def kernel(x_company, x_offshore_entity, x_person, edge_index_owns,
           edge_index_controls, edge_index_alias, edge_index_phoenix_successor,
           edge_index_issued_invoice_to, Win, b_in, Wkqv, b_kqv, Wk_rel,
           Wv_rel, p_rel, Wout, b_out, skip, Wc1, b_c1, Wc2, b_c2):
    NT = ['company', 'offshore_entity', 'person']
    xs = [x_company, x_offshore_entity, x_person]
    x = {}
    for i, nt in enumerate(NT):
        x[nt] = _mm(xs[i], Win[i], b_in[i])

    ei = [edge_index_owns, edge_index_controls, edge_index_alias,
          edge_index_phoenix_successor, edge_index_issued_invoice_to]
    src_of = ['company', 'person', 'company', 'company', 'company']
    src_off = [0, 50000, 100000, 150000, 200000]
    npad = ETOTP - ETOT
    sg = jnp.concatenate(
        [ei[j][0] + src_off[j] for j in range(NET)]
        + [jnp.zeros((npad,), jnp.int32)])
    dg = jnp.concatenate([ei[j][1] for j in range(NET)]
                         + [jnp.full((npad,), N_COMPANY, jnp.int32)])
    zacc = jnp.zeros((ACC_FLUSH, 128), jnp.float32)
    zden = jnp.zeros((DEN_ROWS, 128), jnp.float32)

    inv_sqrt_d = 1.0 / math.sqrt(D)
    for l in range(NLAYER):
        kd, qd, vd = {}, {}, {}
        for i, nt in enumerate(NT):
            kqv = _mm(x[nt], Wkqv[l, i], b_kqv[l, i])
            k_, q_, v_ = jnp.split(kqv, 3, axis=1)
            kd[nt] = k_
            qd[nt] = q_
            vd[nt] = v_
        q2 = jnp.pad(qd['company'], ((0, 8), (0, 64)))
        zf = jnp.zeros((F,), jnp.float32)
        ks_l, vs_l = [], []
        for j in range(NET):
            sname = src_of[j]
            idx = np.arange(H) * NET + j
            wkb = jax.scipy.linalg.block_diag(
                *[Wk_rel[l, idx[hh]] * (p_rel[l, j, hh] * inv_sqrt_d)
                  for hh in range(H)])
            wvb = jax.scipy.linalg.block_diag(
                *[Wv_rel[l, idx[hh]] for hh in range(H)])
            ks_l.append(_mm(kd[sname], wkb, zf))
            vs_l.append(_mm(vd[sname], wvb, zf))
        k_all = jnp.concatenate(ks_l).reshape(-1, H, D)
        v_all = jnp.concatenate(vs_l).reshape(-1, H, D)
        kv = jnp.concatenate([
            k_all[:, 0:2].reshape(-1, 32), v_all[:, 0:2].reshape(-1, 32),
            k_all[:, 2:4].reshape(-1, 32), v_all[:, 2:4].reshape(-1, 32),
        ], axis=1)

        accs, dens = [], []
        for h in range(NPASS):
            acc_out, den_out = _edge_pass(h * NHALF, kv, q2, sg, dg,
                                          zacc, zden)
            acc_full = acc_out.reshape(NC, ACC_ROWS, 128)
            accs.append(jnp.concatenate(
                [acc_full[0, :ACC_DATA_ROWS].reshape(-1, 32),
                 acc_full[1, :ACC_DATA_ROWS].reshape(-1, 32)], axis=1))
            dens.append(jnp.concatenate(
                [den_out[0].reshape(-1, 2)[:NHALF],
                 den_out[1].reshape(-1, 2)[:NHALF]], axis=1))
        acc = jnp.concatenate(accs, axis=0)[:N_COMPANY]
        den = jnp.concatenate(dens, axis=0)[:N_COMPANY]
        o = (acc.reshape(-1, H, D) / (den[..., None] + 1e-16)).reshape(-1, F)
        a = _mm(jax.nn.gelu(o, approximate=False), Wout[l, 0], b_out[l, 0])
        beta = jax.nn.sigmoid(skip[l, 0])
        x['company'] = jax.nn.elu(beta * a + (1.0 - beta) * x['company'])

    outs = []
    for i, nt in enumerate(NT):
        h1 = jax.nn.relu(_mm(x[nt], Wc1[i], b_c1[i]))
        outs.append((h1 @ Wc2[i] + b_c2[i])[:, 0])
    return tuple(outs)

# --- scband reference (transcript-rebuilt; emitter-appended) ---
"""Pipeline reference for scband-tax-fraud-hgt-72679436583024 (READ-ONLY COPY).

The authoritative reference and input builder live on the scoring server;
editing this copy changes nothing except your own understanding.
"""

import jax, jax.numpy as jnp
import numpy as np

NT = ['company', 'offshore_entity', 'person']
N_NODES = {'company': 50000, 'offshore_entity': 10000, 'person': 50000}
ET = [('company', 'owns', 'company'), ('person', 'controls', 'company'), ('company', 'alias', 'company'), ('company', 'phoenix_successor', 'company'), ('company', 'issued_invoice_to', 'company')]
H = 4
F = 64
D = F // H
NET = len(ET)
L = 2
E = 160000
FEAT = 15


def setup_inputs(seed: int = 0):
    key = jax.random.key(seed)
    ks = jax.random.split(key, 24)
    inp = {}
    inp['x_company'] = jax.random.normal(ks[0], (50000, FEAT), jnp.float32)
    inp['x_offshore_entity'] = jax.random.normal(ks[1], (10000, FEAT), jnp.float32)
    inp['x_person'] = jax.random.normal(ks[2], (50000, FEAT), jnp.float32)
    names = ['owns', 'controls', 'alias', 'phoenix_successor', 'issued_invoice_to']
    for j, nm in enumerate(names):
        inp['edge_index_' + nm] = jax.random.randint(ks[3 + j], (2, E), 0, 50000, jnp.int32)
    inp['Win'] = jax.random.normal(ks[8], (3, FEAT, F), jnp.float32) * 0.1
    inp['b_in'] = jnp.zeros((3, F), jnp.float32)
    inp['Wkqv'] = jax.random.normal(ks[9], (L, 3, F, 3 * F), jnp.float32) * 0.05
    inp['b_kqv'] = jnp.zeros((L, 3, 3 * F), jnp.float32)
    inp['Wk_rel'] = jax.random.normal(ks[10], (L, H * NET, D, D), jnp.float32) * 0.1
    inp['Wv_rel'] = jax.random.normal(ks[11], (L, H * NET, D, D), jnp.float32) * 0.1
    inp['p_rel'] = jnp.ones((L, NET, H), jnp.float32)
    inp['Wout'] = jax.random.normal(ks[12], (L, 3, F, F), jnp.float32) * 0.05
    inp['b_out'] = jnp.zeros((L, 3, F), jnp.float32)
    inp['skip'] = jnp.ones((L, 3), jnp.float32)
    inp['Wc1'] = jax.random.normal(ks[13], (3, F, 32), jnp.float32) * 0.1
    inp['b_c1'] = jnp.zeros((3, 32), jnp.float32)
    inp['Wc2'] = jax.random.normal(ks[14], (3, 32, 1), jnp.float32) * 0.1
    inp['b_c2'] = jnp.zeros((3, 1), jnp.float32)
    return inp


def _hgt_forward(x_company, x_offshore_entity, x_person, Win, b_in, Wkqv, b_kqv, Wk_rel, Wv_rel, p_rel, Wout, b_out, skip, Wc1, b_c1, Wc2, b_c2, edges):
    # input projections (eval mode: dropout = identity)
    xs = [x_company, x_offshore_entity, x_person]
    x = {}
    for i, nt in enumerate(NT):
        x[nt] = xs[i] @ Win[i] + b_in[i]
    src_of = [et[0] for et in ET]
    dst_of = [et[2] for et in ET]
    for l in range(L):
        # kqv projection per node type (HeteroDictLinear -> split into K,Q,V)
        kd, qd, vd = {}, {}, {}
        for i, nt in enumerate(NT):
            kqv = x[nt] @ Wkqv[l, i] + b_kqv[l, i]
            k_, q_, v_ = jnp.split(kqv, 3, axis=1)
            kd[nt] = k_.reshape(-1, H, D)
            qd[nt] = q_.reshape(-1, H, D)
            vd[nt] = v_.reshape(-1, H, D)
        # concatenated destination (query) node space
        q = jnp.concatenate([qd[nt] for nt in NT], axis=0)
        dst_offset, c = {}, 0
        for nt in NT:
            dst_offset[nt] = c
            c += N_NODES[nt]
        n_dst = c
        # per-edge-type relation transforms of K,V (HeteroLinear k_rel / v_rel)
        ks_l, vs_l, src_offset, c2 = [], [], [], 0
        for j in range(NET):
            s = src_of[j]
            idx = jnp.arange(H) * NET + j
            ks_l.append(jnp.einsum('nhd,hde->nhe', kd[s], Wk_rel[l][idx]))
            vs_l.append(jnp.einsum('nhd,hde->nhe', vd[s], Wv_rel[l][idx]))
            src_offset.append(c2)
            c2 += N_NODES[s]
        k_all = jnp.concatenate(ks_l, axis=0)
        v_all = jnp.concatenate(vs_l, axis=0)
        # bipartite edge construction with per-edge-type p_rel as edge_attr
        sg, dg, ea = [], [], []
        for j in range(NET):
            ei = edges[j]
            sg.append(ei[0] + src_offset[j])
            dg.append(ei[1] + dst_offset[dst_of[j]])
            ea.append(jnp.broadcast_to(p_rel[l, j][None, :], (ei.shape[1], H)))
        sg = jnp.concatenate(sg)
        dg = jnp.concatenate(dg)
        ea = jnp.concatenate(ea, axis=0)
        k_j = k_all[sg]
        v_j = v_all[sg]
        q_i = q[dg]
        alpha = (q_i * k_j).sum(-1) * ea / np.sqrt(D)
        amax = jax.ops.segment_max(alpha, dg, num_segments=n_dst)
        ex = jnp.exp(alpha - amax[dg])
        den = jax.ops.segment_sum(ex, dg, num_segments=n_dst)
        att = ex / (den[dg] + 1e-16)
        out = jax.ops.segment_sum(v_j * att[..., None], dg, num_segments=n_dst).reshape(n_dst, F)
        # only 'company' is a destination node type in this metadata
        i_c = NT.index('company')
        o = out[dst_offset['company']:dst_offset['company'] + N_NODES['company']]
        a = jax.nn.gelu(o, approximate=False) @ Wout[l, i_c] + b_out[l, i_c]
        beta = jax.nn.sigmoid(skip[l, i_c])
        x['company'] = jax.nn.elu(beta * a + (1.0 - beta) * x['company'])
    # per-node-type classification heads
    outs = []
    for i, nt in enumerate(NT):
        h1 = jax.nn.relu(x[nt] @ Wc1[i] + b_c1[i])
        outs.append((h1 @ Wc2[i] + b_c2[i])[:, 0])
    return tuple(outs)


def reference(x_company, x_offshore_entity, x_person, edge_index_owns, edge_index_controls, edge_index_alias, edge_index_phoenix_successor, edge_index_issued_invoice_to, Win, b_in, Wkqv, b_kqv, Wk_rel, Wv_rel, p_rel, Wout, b_out, skip, Wc1, b_c1, Wc2, b_c2):
    edges = (edge_index_owns, edge_index_controls, edge_index_alias, edge_index_phoenix_successor, edge_index_issued_invoice_to)
    return _hgt_forward(x_company, x_offshore_entity, x_person, Win, b_in, Wkqv, b_kqv, Wk_rel, Wv_rel, p_rel, Wout, b_out, skip, Wc1, b_c1, Wc2, b_c2, edges)

if __name__ == "__main__":
    import jax
    _d = setup_inputs()
    print(jax.jit(kernel)(*tuple(_d.values())))

</pallas_src>

<mosaic_0001>
#map = affine_map<(d0, d1) -> (0, 0)>
#map1 = affine_map<(d0, d1) -> (0)>
#map2 = affine_map<(d0, d1) -> (0, 0, 0, 0)>
#map3 = affine_map<(d0, d1) -> (0, 0, 0)>
module attributes {stable_mosaic.version = 14 : i64} {
  func.func @_edge_body(%arg0: i32, %arg1: i32, %arg2: memref<250000x128xf32, #tpu.memory_space<hbm>>, %arg3: memref<50008x128xf32, #tpu.memory_space<hbm>>, %arg4: memref<800768xi32, #tpu.memory_space<hbm>>, %arg5: memref<800768xi32, #tpu.memory_space<hbm>>, %arg6: memref<264x128xf32, #tpu.memory_space<hbm>>, %arg7: memref<264x128xf32, #tpu.memory_space<hbm>>, %arg8: memref<2x16x264x128xf32, #tpu.memory_space<hbm>>, %arg9: memref<2x264x128xf32, #tpu.memory_space<hbm>>, %arg10: memref<4224x128xf32, #tpu.memory_space<vmem_shared>>, %arg11: memref<264x128xf32, #tpu.memory_space<vmem_shared>>, %arg12: memref<64xi32, #tpu.memory_space<vmem>>, %arg13: memref<64xi32, #tpu.memory_space<vmem>>, %arg14: memref<80xi32, #tpu.memory_space<vmem>>, %arg15: memref<80xi32, #tpu.memory_space<vmem>>, %arg16: memref<64x128xf32, #tpu.memory_space<vmem>>, %arg17: memref<64x128xf32, #tpu.memory_space<vmem>>, %arg18: memref<64x128xf32, #tpu.memory_space<vmem>>, %arg19: memref<64x128xf32, #tpu.memory_space<vmem>>, %arg20: memref<2x32xi32, #tpu.memory_space<vmem>>, %arg21: memref<2x32xi32, #tpu.memory_space<vmem>>, %arg22: memref<2x32xi32, #tpu.memory_space<vmem>>, %arg23: memref<2x32xi32, #tpu.memory_space<vmem>>, %arg24: memref<80xi32, #tpu.memory_space<vmem>>, %arg25: memref<80xi32, #tpu.memory_space<vmem>>, %arg26: memref<80xi32, #tpu.memory_space<vmem>>, %arg27: memref<80xi32, #tpu.memory_space<vmem>>, %arg28: memref<80xi32, #tpu.memory_space<vmem>>, %arg29: memref<80xi32, #tpu.memory_space<vmem>>, %arg30: memref<80xi32, #tpu.memory_space<vmem>>, %arg31: memref<64x128xf32, #tpu.memory_space<vmem>>, %arg32: memref<65x128xf32, #tpu.memory_space<vmem>>, %arg33: memref<!tpu.dma_semaphore, #tpu.memory_space<semaphore_mem>>, %arg34: memref<!tpu.dma_semaphore, #tpu.memory_space<semaphore_mem>>, %arg35: memref<!tpu.dma_semaphore, #tpu.memory_space<semaphore_mem>>) attributes {dimension_semantics = [#tpu.dimension_semantics<core_parallel>, #tpu.dimension_semantics<subcore_parallel>], iteration_bounds = array<i64: 2, 16>, scalar_prefetch = 0 : i64, scratch_operands = 26 : i64, tpu.core_type = #tpu.core_type<sc_vector_subcore>, window_params = [{transform_indices = #map}, {transform_indices = #map}, {transform_indices = #map1}, {transform_indices = #map1}, {transform_indices = #map}, {transform_indices = #map}, {transform_indices = #map2}, {transform_indices = #map3}]} {
    %mul3A = arith.constant 264 : i32
    %mul3A_0 = arith.muli %arg1, %mul3A : i32
    "tpu.region"() ({
      %run_scoped3A = tpu.sem_alloc : memref<!tpu.dma_semaphore, #tpu.memory_space<semaphore_mem>>
      %dma_start3A_104 = arith.constant 0 : i32
      %dma_start3A_105 = tpu.memref_slice %arg10[%mul3A_0, %dma_start3A_104] : memref<4224x128xf32, #tpu.memory_space<vmem_shared>> -> memref<264x128xf32, #tpu.memory_space<vmem_shared>>
      tpu.enqueue_dma source(%arg6 : memref<264x128xf32, #tpu.memory_space<hbm>>) target(%dma_start3A_105 : memref<264x128xf32, #tpu.memory_space<vmem_shared>>) target_semaphore(%run_scoped3A : memref<!tpu.dma_semaphore, #tpu.memory_space<semaphore_mem>>)
      %dma_wait3A_106 = arith.constant 0 : i32
      %dma_wait3A_107 = tpu.memref_slice %arg10[%mul3A_0, %dma_wait3A_106] : memref<4224x128xf32, #tpu.memory_space<vmem_shared>> -> memref<264x128xf32, #tpu.memory_space<vmem_shared>>
      tpu.wait_dma2 semaphore(%run_scoped3A : memref<!tpu.dma_semaphore, #tpu.memory_space<semaphore_mem>>) src(%arg6 : memref<264x128xf32, #tpu.memory_space<hbm>>) dst(%dma_wait3A_107 : memref<264x128xf32, #tpu.memory_space<vmem_shared>>)
      tpu.yield
    }) : () -> ()
    %eq3A = arith.constant 0 : i32
    %eq3A_1 = arith.cmpi eq, %arg1, %eq3A : i32
    %convert_element_type3A = arith.extui %eq3A_1 : i1 to i32
    %cond3A = arith.constant 0 : i32
    %cond3A_2 = arith.cmpi ne, %convert_element_type3A, %cond3A : i32
    scf.if %cond3A_2 {
      "tpu.region"() ({
        %run_scoped3A = tpu.sem_alloc : memref<!tpu.dma_semaphore, #tpu.memory_space<semaphore_mem>>
        tpu.enqueue_dma source(%arg7 : memref<264x128xf32, #tpu.memory_space<hbm>>) target(%arg11 : memref<264x128xf32, #tpu.memory_space<vmem_shared>>) target_semaphore(%run_scoped3A : memref<!tpu.dma_semaphore, #tpu.memory_space<semaphore_mem>>)
        tpu.wait_dma2 semaphore(%run_scoped3A : memref<!tpu.dma_semaphore, #tpu.memory_space<semaphore_mem>>) src(%arg7 : memref<264x128xf32, #tpu.memory_space<hbm>>) dst(%arg11 : memref<264x128xf32, #tpu.memory_space<vmem_shared>>)
        tpu.yield
      }) : () -> ()
    } else {
    }
    %broadcast_in_dim3A = arith.constant 0.000000e+00 : f32
    %broadcast_in_dim3A_3 = vector.broadcast %broadcast_in_dim3A : f32 to vector<16xf32>
    %broadcast_in_dim3A_4 = arith.constant 0 : i32
    %broadcast_in_dim3A_5 = vector.broadcast %broadcast_in_dim3A_4 : i32 to vector<16xi32>
    %scan3A = arith.constant 0 : i32
    %scan3A_6 = arith.constant 0 : i32
    %scan3A_7 = arith.constant 64 : i32
    %scan3A_8 = arith.addi %scan3A_6, %scan3A_7 : i32
    %scan3A_9 = arith.constant 1 : i32
    scf.for %scan3A_104 = %scan3A_6 to %scan3A_8 step %scan3A_9  : i32 {
      %swap3A = arith.index_cast %scan3A_104 : i32 to index
      %swap3A_105 = arith.constant 0 : index
      %swap3A_106 = tpu.vector_load %arg31[%swap3A, %swap3A_105] {strides = array<i32>} : memref<64x128xf32, #tpu.memory_space<vmem>>, vector<16xf32>,
      tpu.vector_store %arg31[%swap3A, %swap3A_105], %broadcast_in_dim3A_3 {strides = array<i32>} : memref<64x128xf32, #tpu.memory_space<vmem>>, vector<16xf32>,
      %swap3A_107 = arith.index_cast %scan3A_104 : i32 to index
      %swap3A_108 = arith.constant 16 : index
      %swap3A_109 = tpu.vector_load %arg31[%swap3A_107, %swap3A_108] {strides = array<i32>} : memref<64x128xf32, #tpu.memory_space<vmem>>, vector<16xf32>,
      tpu.vector_store %arg31[%swap3A_107, %swap3A_108], %broadcast_in_dim3A_3 {strides = array<i32>} : memref<64x128xf32, #tpu.memory_space<vmem>>, vector<16xf32>,
      %swap3A_110 = arith.index_cast %scan3A_104 : i32 to index
      %swap3A_111 = arith.constant 32 : index
      %swap3A_112 = tpu.vector_load %arg31[%swap3A_110, %swap3A_111] {strides = array<i32>} : memref<64x128xf32, #tpu.memory_space<vmem>>, vector<16xf32>,
      tpu.vector_store %arg31[%swap3A_110, %swap3A_111], %broadcast_in_dim3A_3 {strides = array<i32>} : memref<64x128xf32, #tpu.memory_space<vmem>>, vector<16xf32>,
      %swap3A_113 = arith.index_cast %scan3A_104 : i32 to index
      %swap3A_114 = arith.constant 48 : index
      %swap3A_115 = tpu.vector_load %arg31[%swap3A_113, %swap3A_114] {strides = array<i32>} : memref<64x128xf32, #tpu.memory_space<vmem>>, vector<16xf32>,
      tpu.vector_store %arg31[%swap3A_113, %swap3A_114], %broadcast_in_dim3A_3 {strides = array<i32>} : memref<64x128xf32, #tpu.memory_space<vmem>>, vector<16xf32>,
      %swap3A_116 = arith.index_cast %scan3A_104 : i32 to index
      %swap3A_117 = arith.constant 64 : index
      %swap3A_118 = tpu.vector_load %arg31[%swap3A_116, %swap3A_117] {strides = array<i32>} : memref<64x128xf32, #tpu.memory_space<vmem>>, vector<16xf32>,
      tpu.vector_store %arg31[%swap3A_116, %swap3A_117], %broadcast_in_dim3A_3 {strides = array<i32>} : memref<64x128xf32, #tpu.memory_space<vmem>>, vector<16xf32>,
      %swap3A_119 = arith.index_cast %scan3A_104 : i32 to index
      %swap3A_120 = arith.constant 80 : index
      %swap3A_121 = tpu.vector_load %arg31[%swap3A_119, %swap3A_120] {strides = array<i32>} : memref<64x128xf32, #tpu.memory_space<vmem>>, vector<16xf32>,
      tpu.vector_store %arg31[%swap3A_119, %swap3A_120], %broadcast_in_dim3A_3 {strides = array<i32>} : memref<64x128xf32, #tpu.memory_space<vmem>>, vector<16xf32>,
      %swap3A_122 = arith.index_cast %scan3A_104 : i32 to index
      %swap3A_123 = arith.constant 96 : index
      %swap3A_124 = tpu.vector_load %arg31[%swap3A_122, %swap3A_123] {strides = array<i32>} : memref<64x128xf32, #tpu.memory_space<vmem>>, vector<16xf32>,
      tpu.vector_store %arg31[%swap3A_122, %swap3A_123], %broadcast_in_dim3A_3 {strides = array<i32>} : memref<64x128xf32, #tpu.memory_space<vmem>>, vector<16xf32>,
      %swap3A_125 = arith.index_cast %scan3A_104 : i32 to index
      %swap3A_126 = arith.constant 112 : index
      %swap3A_127 = tpu.vector_load %arg31[%swap3A_125, %swap3A_126] {strides = array<i32>} : memref<64x128xf32, #tpu.memory_space<vmem>>, vector<16xf32>,
      tpu.vector_store %arg31[%swap3A_125, %swap3A_126], %broadcast_in_dim3A_3 {strides = array<i32>} : memref<64x128xf32, #tpu.memory_space<vmem>>, vector<16xf32>,
    }
    %scan3A_10 = arith.constant 64 : i32
    %scan3A_11 = arith.constant 0 : i32
    %scan3A_12 = arith.constant 0 : i32
    %scan3A_13 = arith.constant 65 : i32
    %scan3A_14 = arith.addi %scan3A_12, %scan3A_13 : i32
    %scan3A_15 = arith.constant 1 : i32
    scf.for %scan3A_104 = %scan3A_12 to %scan3A_14 step %scan3A_15  : i32 {
      %swap3A = arith.index_cast %scan3A_104 : i32 to index
      %swap3A_105 = arith.constant 0 : index
      %swap3A_106 = tpu.vector_load %arg32[%swap3A, %swap3A_105] {strides = array<i32>} : memref<65x128xf32, #tpu.memory_space<vmem>>, vector<16xf32>,
      tpu.vector_store %arg32[%swap3A, %swap3A_105], %broadcast_in_dim3A_3 {strides = array<i32>} : memref<65x128xf32, #tpu.memory_space<vmem>>, vector<16xf32>,
      %swap3A_107 = arith.index_cast %scan3A_104 : i32 to index
      %swap3A_108 = arith.constant 16 : index
      %swap3A_109 = tpu.vector_load %arg32[%swap3A_107, %swap3A_108] {strides = array<i32>} : memref<65x128xf32, #tpu.memory_space<vmem>>, vector<16xf32>,
      tpu.vector_store %arg32[%swap3A_107, %swap3A_108], %broadcast_in_dim3A_3 {strides = array<i32>} : memref<65x128xf32, #tpu.memory_space<vmem>>, vector<16xf32>,
      %swap3A_110 = arith.index_cast %scan3A_104 : i32 to index
      %swap3A_111 = arith.constant 32 : index
      %swap3A_112 = tpu.vector_load %arg32[%swap3A_110, %swap3A_111] {strides = array<i32>} : memref<65x128xf32, #tpu.memory_space<vmem>>, vector<16xf32>,
      tpu.vector_store %arg32[%swap3A_110, %swap3A_111], %broadcast_in_dim3A_3 {strides = array<i32>} : memref<65x128xf32, #tpu.memory_space<vmem>>, vector<16xf32>,
      %swap3A_113 = arith.index_cast %scan3A_104 : i32 to index
      %swap3A_114 = arith.constant 48 : index
      %swap3A_115 = tpu.vector_load %arg32[%swap3A_113, %swap3A_114] {strides = array<i32>} : memref<65x128xf32, #tpu.memory_space<vmem>>, vector<16xf32>,
      tpu.vector_store %arg32[%swap3A_113, %swap3A_114], %broadcast_in_dim3A_3 {strides = array<i32>} : memref<65x128xf32, #tpu.memory_space<vmem>>, vector<16xf32>,
      %swap3A_116 = arith.index_cast %scan3A_104 : i32 to index
      %swap3A_117 = arith.constant 64 : index
      %swap3A_118 = tpu.vector_load %arg32[%swap3A_116, %swap3A_117] {strides = array<i32>} : memref<65x128xf32, #tpu.memory_space<vmem>>, vector<16xf32>,
      tpu.vector_store %arg32[%swap3A_116, %swap3A_117], %broadcast_in_dim3A_3 {strides = array<i32>} : memref<65x128xf32, #tpu.memory_space<vmem>>, vector<16xf32>,
      %swap3A_119 = arith.index_cast %scan3A_104 : i32 to index
      %swap3A_120 = arith.constant 80 : index
      %swap3A_121 = tpu.vector_load %arg32[%swap3A_119, %swap3A_120] {strides = array<i32>} : memref<65x128xf32, #tpu.memory_space<vmem>>, vector<16xf32>,
      tpu.vector_store %arg32[%swap3A_119, %swap3A_120], %broadcast_in_dim3A_3 {strides = array<i32>} : memref<65x128xf32, #tpu.memory_space<vmem>>, vector<16xf32>,
      %swap3A_122 = arith.index_cast %scan3A_104 : i32 to index
      %swap3A_123 = arith.constant 96 : index
      %swap3A_124 = tpu.vector_load %arg32[%swap3A_122, %swap3A_123] {strides = array<i32>} : memref<65x128xf32, #tpu.memory_space<vmem>>, vector<16xf32>,
      tpu.vector_store %arg32[%swap3A_122, %swap3A_123], %broadcast_in_dim3A_3 {strides = array<i32>} : memref<65x128xf32, #tpu.memory_space<vmem>>, vector<16xf32>,
      %swap3A_125 = arith.index_cast %scan3A_104 : i32 to index
      %swap3A_126 = arith.constant 112 : index
      %swap3A_127 = tpu.vector_load %arg32[%swap3A_125, %swap3A_126] {strides = array<i32>} : memref<65x128xf32, #tpu.memory_space<vmem>>, vector<16xf32>,
      tpu.vector_store %arg32[%swap3A_125, %swap3A_126], %broadcast_in_dim3A_3 {strides = array<i32>} : memref<65x128xf32, #tpu.memory_space<vmem>>, vector<16xf32>,
    }
    %scan3A_16 = arith.constant 65 : i32
    %scan3A_17 = arith.constant 0 : i32
    %scan3A_18 = arith.constant 0 : i32
    %scan3A_19 = arith.constant 5 : i32
    %scan3A_20 = arith.addi %scan3A_18, %scan3A_19 : i32
    %scan3A_21 = arith.constant 1 : i32
    scf.for %scan3A_104 = %scan3A_18 to %scan3A_20 step %scan3A_21  : i32 {
      %mul3A_105 = arith.constant 16 : i32
      %mul3A_106 = arith.muli %scan3A_104, %mul3A_105 : i32
      %swap3A = arith.index_cast %mul3A_106 : i32 to index
      %swap3A_107 = tpu.vector_load %arg25[%swap3A] {strides = array<i32>} : memref<80xi32, #tpu.memory_space<vmem>>, vector<16xi32>,
      tpu.vector_store %arg25[%swap3A], %broadcast_in_dim3A_5 {strides = array<i32>} : memref<80xi32, #tpu.memory_space<vmem>>, vector<16xi32>,
      %mul3A_108 = arith.constant 16 : i32
      %mul3A_109 = arith.muli %scan3A_104, %mul3A_108 : i32
      %swap3A_110 = arith.index_cast %mul3A_109 : i32 to index
      %swap3A_111 = tpu.vector_load %arg27[%swap3A_110] {strides = array<i32>} : memref<80xi32, #tpu.memory_space<vmem>>, vector<16xi32>,
      tpu.vector_store %arg27[%swap3A_110], %broadcast_in_dim3A_5 {strides = array<i32>} : memref<80xi32, #tpu.memory_space<vmem>>, vector<16xi32>,
    }
    %scan3A_22 = arith.constant 5 : i32
    %barrier3A = arith.constant 0 : index
    tpu.barrier barrier_id(%barrier3A)
    %iota3A = tpu.iota {dimensions = array<i32: 0>} : vector<16xi32>
    %xor3A = arith.constant 8 : i32
    %xor3A_23 = vector.broadcast %xor3A : i32 to vector<16xi32>
    %xor3A_24 = arith.xori %iota3A, %xor3A_23 : vector<16xi32>
    %xor3A_25 = arith.constant 4 : i32
    %xor3A_26 = vector.broadcast %xor3A_25 : i32 to vector<16xi32>
    %xor3A_27 = arith.xori %iota3A, %xor3A_26 : vector<16xi32>
    %xor3A_28 = arith.constant 2 : i32
    %xor3A_29 = vector.broadcast %xor3A_28 : i32 to vector<16xi32>
    %xor3A_30 = arith.xori %iota3A, %xor3A_29 : vector<16xi32>
    %xor3A_31 = arith.constant 1 : i32
    %xor3A_32 = vector.broadcast %xor3A_31 : i32 to vector<16xi32>
    %xor3A_33 = arith.xori %iota3A, %xor3A_32 : vector<16xi32>
    %mul3A_34 = arith.constant 64 : i32
    %mul3A_35 = arith.muli %arg0, %mul3A_34 : i32
    %mul3A_36 = arith.constant 32 : i32
    %mul3A_37 = arith.muli %arg0, %mul3A_36 : i32
    %add3A = arith.constant 0 : i32
    %add3A_38 = arith.addi %arg1, %add3A : i32
    %mul3A_39 = arith.constant 64 : i32
    %mul3A_40 = arith.muli %add3A_38, %mul3A_39 : i32
    "tpu.region"() ({
      %run_scoped3A = tpu.sem_alloc : memref<!tpu.dma_semaphore, #tpu.memory_space<semaphore_mem>>
      %dma_start3A_104 = tpu.memref_slice %arg4[%mul3A_40] : memref<800768xi32, #tpu.memory_space<hbm>> -> memref<64xi32, #tpu.memory_space<hbm>>
      %dma_start3A_105 = tpu.memref_slice %arg4[%mul3A_40] : memref<800768xi32, #tpu.memory_space<hbm>> -> memref<64xi32, #tpu.memory_space<hbm>>
      tpu.enqueue_dma source(%dma_start3A_105 : memref<64xi32, #tpu.memory_space<hbm>>) target(%arg12 : memref<64xi32, #tpu.memory_space<vmem>>) target_semaphore(%run_scoped3A : memref<!tpu.dma_semaphore, #tpu.memory_space<semaphore_mem>>)
      %dma_wait3A_106 = tpu.memref_slice %arg4[%mul3A_40] : memref<800768xi32, #tpu.memory_space<hbm>> -> memref<64xi32, #tpu.memory_space<hbm>>
      %dma_wait3A_107 = tpu.memref_slice %arg4[%mul3A_40] : memref<800768xi32, #tpu.memory_space<hbm>> -> memref<64xi32, #tpu.memory_space<hbm>>
      tpu.wait_dma2 semaphore(%run_scoped3A : memref<!tpu.dma_semaphore, #tpu.memory_space<semaphore_mem>>) src(%dma_wait3A_107 : memref<64xi32, #tpu.memory_space<hbm>>) dst(%arg12 : memref<64xi32, #tpu.memory_space<vmem>>)
      tpu.yield
    }) : () -> ()
    %mul3A_41 = arith.constant 64 : i32
    %mul3A_42 = arith.muli %add3A_38, %mul3A_41 : i32
    "tpu.region"() ({
      %run_scoped3A = tpu.sem_alloc : memref<!tpu.dma_semaphore, #tpu.memory_space<semaphore_mem>>
      %dma_start3A_104 = arith.constant 0 : i32
      %dma_start3A_105 = tpu.memref_slice %arg14[%dma_start3A_104] : memref<80xi32, #tpu.memory_space<vmem>> -> memref<64xi32, #tpu.memory_space<vmem>>
      %dma_start3A_106 = tpu.memref_slice %arg5[%mul3A_42] : memref<800768xi32, #tpu.memory_space<hbm>> -> memref<64xi32, #tpu.memory_space<hbm>>
      %dma_start3A_107 = arith.constant 0 : i32
      %dma_start3A_108 = tpu.memref_slice %arg14[%dma_start3A_107] : memref<80xi32, #tpu.memory_space<vmem>> -> memref<64xi32, #tpu.memory_space<vmem>>
      %dma_start3A_109 = tpu.memref_slice %arg5[%mul3A_42] : memref<800768xi32, #tpu.memory_space<hbm>> -> memref<64xi32, #tpu.memory_space<hbm>>
      tpu.enqueue_dma source(%dma_start3A_109 : memref<64xi32, #tpu.memory_space<hbm>>) target(%dma_start3A_108 : memref<64xi32, #tpu.memory_space<vmem>>) target_semaphore(%run_scoped3A : memref<!tpu.dma_semaphore, #tpu.memory_space<semaphore_mem>>)
      %dma_wait3A_110 = arith.constant 0 : i32
      %dma_wait3A_111 = tpu.memref_slice %arg14[%dma_wait3A_110] : memref<80xi32, #tpu.memory_space<vmem>> -> memref<64xi32, #tpu.memory_space<vmem>>
      %dma_wait3A_112 = tpu.memref_slice %arg5[%mul3A_42] : memref<800768xi32, #tpu.memory_space<hbm>> -> memref<64xi32, #tpu.memory_space<hbm>>
      %dma_wait3A_113 = arith.constant 0 : i32
      %dma_wait3A_114 = tpu.memref_slice %arg14[%dma_wait3A_113] : memref<80xi32, #tpu.memory_space<vmem>> -> memref<64xi32, #tpu.memory_space<vmem>>
      %dma_wait3A_115 = tpu.memref_slice %arg5[%mul3A_42] : memref<800768xi32, #tpu.memory_space<hbm>> -> memref<64xi32, #tpu.memory_space<hbm>>
      tpu.wait_dma2 semaphore(%run_scoped3A : memref<!tpu.dma_semaphore, #tpu.memory_space<semaphore_mem>>) src(%dma_wait3A_115 : memref<64xi32, #tpu.memory_space<hbm>>) dst(%dma_wait3A_114 : memref<64xi32, #tpu.memory_space<vmem>>)
      tpu.yield
    }) : () -> ()
    %dma_start3A = arith.constant 0 : i32
    %dma_start3A_43 = arith.constant 0 : i32
    %dma_start3A_44 = tpu.memref_slice %arg2[%dma_start3A, %dma_start3A_43] : memref<250000x128xf32, #tpu.memory_space<hbm>> -> memref<250000x128xf32, #tpu.memory_space<hbm>>
    tpu.enqueue_indirect_dma source(%dma_start3A_44 : memref<250000x128xf32, #tpu.memory_space<hbm>>) target(%arg16 : memref<64x128xf32, #tpu.memory_space<vmem>>) offsets(%arg12 : memref<64xi32, #tpu.memory_space<vmem>>) semaphore(%arg33 : memref<!tpu.dma_semaphore, #tpu.memory_space<semaphore_mem>>)
    %dma_start3A_45 = arith.constant 0 : i32
    %dma_start3A_46 = tpu.memref_slice %arg14[%dma_start3A_45] : memref<80xi32, #tpu.memory_space<vmem>> -> memref<64xi32, #tpu.memory_space<vmem>>
    %dma_start3A_47 = arith.constant 0 : i32
    %dma_start3A_48 = arith.constant 0 : i32
    %dma_start3A_49 = tpu.memref_slice %arg3[%dma_start3A_47, %dma_start3A_48] : memref<50008x128xf32, #tpu.memory_space<hbm>> -> memref<50008x128xf32, #tpu.memory_space<hbm>>
    tpu.enqueue_indirect_dma source(%dma_start3A_49 : memref<50008x128xf32, #tpu.memory_space<hbm>>) target(%arg18 : memref<64x128xf32, #tpu.memory_space<vmem>>) offsets(%dma_start3A_46 : memref<64xi32, #tpu.memory_space<vmem>>) semaphore(%arg33 : memref<!tpu.dma_semaphore, #tpu.memory_space<semaphore_mem>>)
    %add3A_50 = arith.constant 16 : i32
    %add3A_51 = arith.addi %arg1, %add3A_50 : i32
    %mul3A_52 = arith.constant 64 : i32
    %mul3A_53 = arith.muli %add3A_51, %mul3A_52 : i32
    "tpu.region"() ({
      %run_scoped3A = tpu.sem_alloc : memref<!tpu.dma_semaphore, #tpu.memory_space<semaphore_mem>>
      %dma_start3A_104 = tpu.memref_slice %arg4[%mul3A_53] : memref<800768xi32, #tpu.memory_space<hbm>> -> memref<64xi32, #tpu.memory_space<hbm>>
      %dma_start3A_105 = tpu.memref_slice %arg4[%mul3A_53] : memref<800768xi32, #tpu.memory_space<hbm>> -> memref<64xi32, #tpu.memory_space<hbm>>
      tpu.enqueue_dma source(%dma_start3A_105 : memref<64xi32, #tpu.memory_space<hbm>>) target(%arg13 : memref<64xi32, #tpu.memory_space<vmem>>) target_semaphore(%run_scoped3A : memref<!tpu.dma_semaphore, #tpu.memory_space<semaphore_mem>>)
      %dma_wait3A_106 = tpu.memref_slice %arg4[%mul3A_53] : memref<800768xi32, #tpu.memory_space<hbm>> -> memref<64xi32, #tpu.memory_space<hbm>>
      %dma_wait3A_107 = tpu.memref_slice %arg4[%mul3A_53] : memref<800768xi32, #tpu.memory_space<hbm>> -> memref<64xi32, #tpu.memory_space<hbm>>
      tpu.wait_dma2 semaphore(%run_scoped3A : memref<!tpu.dma_semaphore, #tpu.memory_space<semaphore_mem>>) src(%dma_wait3A_107 : memref<64xi32, #tpu.memory_space<hbm>>) dst(%arg13 : memref<64xi32, #tpu.memory_space<vmem>>)
      tpu.yield
    }) : () -> ()
    %mul3A_54 = arith.constant 64 : i32
    %mul3A_55 = arith.muli %add3A_51, %mul3A_54 : i32
    "tpu.region"() ({
      %run_scoped3A = tpu.sem_alloc : memref<!tpu.dma_semaphore, #tpu.memory_space<semaphore_mem>>
      %dma_start3A_104 = arith.constant 0 : i32
      %dma_start3A_105 = tpu.memref_slice %arg15[%dma_start3A_104] : memref<80xi32, #tpu.memory_space<vmem>> -> memref<64xi32, #tpu.memory_space<vmem>>
      %dma_start3A_106 = tpu.memref_slice %arg5[%mul3A_55] : memref<800768xi32, #tpu.memory_space<hbm>> -> memref<64xi32, #tpu.memory_space<hbm>>
      %dma_start3A_107 = arith.constant 0 : i32
      %dma_start3A_108 = tpu.memref_slice %arg15[%dma_start3A_107] : memref<80xi32, #tpu.memory_space<vmem>> -> memref<64xi32, #tpu.memory_space<vmem>>
      %dma_start3A_109 = tpu.memref_slice %arg5[%mul3A_55] : memref<800768xi32, #tpu.memory_space<hbm>> -> memref<64xi32, #tpu.memory_space<hbm>>
      tpu.enqueue_dma source(%dma_start3A_109 : memref<64xi32, #tpu.memory_space<hbm>>) target(%dma_start3A_108 : memref<64xi32, #tpu.memory_space<vmem>>) target_semaphore(%run_scoped3A : memref<!tpu.dma_semaphore, #tpu.memory_space<semaphore_mem>>)
      %dma_wait3A_110 = arith.constant 0 : i32
      %dma_wait3A_111 = tpu.memref_slice %arg15[%dma_wait3A_110] : memref<80xi32, #tpu.memory_space<vmem>> -> memref<64xi32, #tpu.memory_space<vmem>>
      %dma_wait3A_112 = tpu.memref_slice %arg5[%mul3A_55] : memref<800768xi32, #tpu.memory_space<hbm>> -> memref<64xi32, #tpu.memory_space<hbm>>
      %dma_wait3A_113 = arith.constant 0 : i32
      %dma_wait3A_114 = tpu.memref_slice %arg15[%dma_wait3A_113] : memref<80xi32, #tpu.memory_space<vmem>> -> memref<64xi32, #tpu.memory_space<vmem>>
      %dma_wait3A_115 = tpu.memref_slice %arg5[%mul3A_55] : memref<800768xi32, #tpu.memory_space<hbm>> -> memref<64xi32, #tpu.memory_space<hbm>>
      tpu.wait_dma2 semaphore(%run_scoped3A : memref<!tpu.dma_semaphore, #tpu.memory_space<semaphore_mem>>) src(%dma_wait3A_115 : memref<64xi32, #tpu.memory_space<hbm>>) dst(%dma_wait3A_114 : memref<64xi32, #tpu.memory_space<vmem>>)
      tpu.yield
    }) : () -> ()
    %dma_start3A_56 = arith.constant 0 : i32
    %dma_start3A_57 = arith.constant 0 : i32
    %dma_start3A_58 = tpu.memref_slice %arg2[%dma_start3A_56, %dma_start3A_57] : memref<250000x128xf32, #tpu.memory_space<hbm>> -> memref<250000x128xf32, #tpu.memory_space<hbm>>
    tpu.enqueue_indirect_dma source(%dma_start3A_58 : memref<250000x128xf32, #tpu.memory_space<hbm>>) target(%arg17 : memref<64x128xf32, #tpu.memory_space<vmem>>) offsets(%arg13 : memref<64xi32, #tpu.memory_space<vmem>>) semaphore(%arg34 : memref<!tpu.dma_semaphore, #tpu.memory_space<semaphore_mem>>)
    %dma_start3A_59 = arith.constant 0 : i32
    %dma_start3A_60 = tpu.memref_slice %arg15[%dma_start3A_59] : memref<80xi32, #tpu.memory_space<vmem>> -> memref<64xi32, #tpu.memory_space<vmem>>
    %dma_start3A_61 = arith.constant 0 : i32
    %dma_start3A_62 = arith.constant 0 : i32
    %dma_start3A_63 = tpu.memref_slice %arg3[%dma_start3A_61, %dma_start3A_62] : memref<50008x128xf32, #tpu.memory_space<hbm>> -> memref<50008x128xf32, #tpu.memory_space<hbm>>
    tpu.enqueue_indirect_dma source(%dma_start3A_63 : memref<50008x128xf32, #tpu.memory_space<hbm>>) target(%arg19 : memref<64x128xf32, #tpu.memory_space<vmem>>) offsets(%dma_start3A_60 : memref<64xi32, #tpu.memory_space<vmem>>) semaphore(%arg34 : memref<!tpu.dma_semaphore, #tpu.memory_space<semaphore_mem>>)
    %eq3A_64 = arith.constant 0 : i32
    %eq3A_65 = vector.broadcast %eq3A_64 : i32 to vector<16xi32>
    %eq3A_66 = arith.cmpi eq, %iota3A, %eq3A_65 : vector<16xi32>
    %broadcast_in_dim3A_67 = arith.constant 4168 : i32
    %broadcast_in_dim3A_68 = vector.broadcast %broadcast_in_dim3A_67 : i32 to vector<16xi32>
    %broadcast_in_dim3A_69 = arith.constant 261 : i32
    %broadcast_in_dim3A_70 = vector.broadcast %broadcast_in_dim3A_69 : i32 to vector<16xi32>
    %scan3A_71 = arith.constant 0 : i32
    %scan3A_72 = arith.constant 0 : i32
    %scan3A_73 = arith.constant 391 : i32
    %scan3A_74 = arith.addi %scan3A_72, %scan3A_73 : i32
    %scan3A_75 = arith.constant 1 : i32
    scf.for %scan3A_104 = %scan3A_72 to %scan3A_74 step %scan3A_75  : i32 {
      %mul3A_105 = arith.constant 2 : i32
      %mul3A_106 = arith.muli %mul3A_105, %scan3A_104 : i32
      %add3A_107 = arith.constant 0 : i32
      %add3A_108 = arith.addi %mul3A_106, %add3A_107 : i32
      %ge3A = arith.constant 1 : i32
      %ge3A_109 = arith.cmpi sge, %add3A_108, %ge3A : i32
      %convert_element_type3A_110 = arith.extui %ge3A_109 : i1 to i32
      %cond3A_111 = arith.constant 0 : i32
      %cond3A_112 = arith.cmpi ne, %convert_element_type3A_110, %cond3A_111 : i32
      scf.if %cond3A_112 {
        %dma_wait3A_285 = arith.constant 0 : i32
        %dma_wait3A_286 = arith.constant 0 : i32
        %dma_wait3A_287 = arith.constant 0 : i32
        %dma_wait3A_288 = tpu.memref_slice %arg31[%dma_wait3A_286, %dma_wait3A_287] : memref<64x128xf32, #tpu.memory_space<vmem>> -> memref<32x128xf32, #tpu.memory_space<vmem>>
        %dma_wait3A_289 = arith.constant 0 : i32
        %dma_wait3A_290 = tpu.memref_slice %arg21[%dma_wait3A_285, %dma_wait3A_289] : memref<2x32xi32, #tpu.memory_space<vmem>> -> memref<1x32xi32, #tpu.memory_space<vmem>>
        %dma_wait3A_291 = tpu.memref_squeeze %dma_wait3A_290 : memref<1x32xi32, #tpu.memory_space<vmem>> -> memref<32xi32, #tpu.memory_space<vmem>>
        %dma_wait3A_292 = arith.constant 0 : i32
        %dma_wait3A_293 = arith.constant 0 : i32
        %dma_wait3A_294 = tpu.memref_slice %arg10[%dma_wait3A_292, %dma_wait3A_293] : memref<4224x128xf32, #tpu.memory_space<vmem_shared>> -> memref<4224x128xf32, #tpu.memory_space<vmem_shared>>
        tpu.wait_indirect_dma semaphore(%arg35 : memref<!tpu.dma_semaphore, #tpu.memory_space<semaphore_mem>>) src(%dma_wait3A_288 : memref<32x128xf32, #tpu.memory_space<vmem>>) dst(%dma_wait3A_294 : memref<4224x128xf32, #tpu.memory_space<vmem_shared>>)
        %dma_wait3A_295 = arith.constant 0 : i32
        %dma_wait3A_296 = arith.constant 0 : i32
        %dma_wait3A_297 = arith.constant 0 : i32
        %dma_wait3A_298 = tpu.memref_slice %arg32[%dma_wait3A_296, %dma_wait3A_297] : memref<65x128xf32, #tpu.memory_space<vmem>> -> memref<32x128xf32, #tpu.memory_space<vmem>>
        %dma_wait3A_299 = arith.constant 0 : i32
        %dma_wait3A_300 = tpu.memref_slice %arg23[%dma_wait3A_295, %dma_wait3A_299] : memref<2x32xi32, #tpu.memory_space<vmem>> -> memref<1x32xi32, #tpu.memory_space<vmem>>
        %dma_wait3A_301 = tpu.memref_squeeze %dma_wait3A_300 : memref<1x32xi32, #tpu.memory_space<vmem>> -> memref<32xi32, #tpu.memory_space<vmem>>
        %dma_wait3A_302 = arith.constant 0 : i32
        %dma_wait3A_303 = arith.constant 0 : i32
        %dma_wait3A_304 = tpu.memref_slice %arg11[%dma_wait3A_302, %dma_wait3A_303] : memref<264x128xf32, #tpu.memory_space<vmem_shared>> -> memref<264x128xf32, #tpu.memory_space<vmem_shared>>
        tpu.wait_indirect_dma semaphore(%arg35 : memref<!tpu.dma_semaphore, #tpu.memory_space<semaphore_mem>>) src(%dma_wait3A_298 : memref<32x128xf32, #tpu.memory_space<vmem>>) dst(%dma_wait3A_304 : memref<264x128xf32, #tpu.memory_space<vmem_shared>>)
      } else {
      }
      %dma_wait3A_113 = arith.constant 0 : i32
      %dma_wait3A_114 = arith.constant 0 : i32
      %dma_wait3A_115 = tpu.memref_slice %arg2[%dma_wait3A_113, %dma_wait3A_114] : memref<250000x128xf32, #tpu.memory_space<hbm>> -> memref<250000x128xf32, #tpu.memory_space<hbm>>
      tpu.wait_indirect_dma semaphore(%arg33 : memref<!tpu.dma_semaphore, #tpu.memory_space<semaphore_mem>>) src(%dma_wait3A_115 : memref<250000x128xf32, #tpu.memory_space<hbm>>) dst(%arg16 : memref<64x128xf32, #tpu.memory_space<vmem>>)
      %dma_wait3A_116 = arith.constant 0 : i32
      %dma_wait3A_117 = tpu.memref_slice %arg14[%dma_wait3A_116] : memref<80xi32, #tpu.memory_space<vmem>> -> memref<64xi32, #tpu.memory_space<vmem>>
      %dma_wait3A_118 = arith.constant 0 : i32
      %dma_wait3A_119 = arith.constant 0 : i32
      %dma_wait3A_120 = tpu.memref_slice %arg3[%dma_wait3A_118, %dma_wait3A_119] : memref<50008x128xf32, #tpu.memory_space<hbm>> -> memref<50008x128xf32, #tpu.memory_space<hbm>>
      tpu.wait_indirect_dma semaphore(%arg33 : memref<!tpu.dma_semaphore, #tpu.memory_space<semaphore_mem>>) src(%dma_wait3A_120 : memref<50008x128xf32, #tpu.memory_space<hbm>>) dst(%arg18 : memref<64x128xf32, #tpu.memory_space<vmem>>)
      %swap3A = arith.constant 0 : i32
      %swap3A_121 = arith.index_cast %swap3A : i32 to index
      %swap3A_122 = arith.constant 0 : index
      %swap3A_123 = tpu.vector_load %arg20[%swap3A_121, %swap3A_122] {strides = array<i32>} : memref<2x32xi32, #tpu.memory_space<vmem>>, vector<16xi32>,
      tpu.vector_store %arg20[%swap3A_121, %swap3A_122], %broadcast_in_dim3A_68 {strides = array<i32>} : memref<2x32xi32, #tpu.memory_space<vmem>>, vector<16xi32>,
      %swap3A_124 = arith.constant 0 : i32
      %swap3A_125 = arith.index_cast %swap3A_124 : i32 to index
      %swap3A_126 = arith.constant 16 : index
      %swap3A_127 = tpu.vector_load %arg20[%swap3A_125, %swap3A_126] {strides = array<i32>} : memref<2x32xi32, #tpu.memory_space<vmem>>, vector<16xi32>,
      tpu.vector_store %arg20[%swap3A_125, %swap3A_126], %broadcast_in_dim3A_68 {strides = array<i32>} : memref<2x32xi32, #tpu.memory_space<vmem>>, vector<16xi32>,
      %swap3A_128 = arith.constant 0 : i32
      %swap3A_129 = arith.index_cast %swap3A_128 : i32 to index
      %swap3A_130 = arith.constant 0 : index
      %swap3A_131 = tpu.vector_load %arg22[%swap3A_129, %swap3A_130] {strides = array<i32>} : memref<2x32xi32, #tpu.memory_space<vmem>>, vector<16xi32>,
      tpu.vector_store %arg22[%swap3A_129, %swap3A_130], %broadcast_in_dim3A_70 {strides = array<i32>} : memref<2x32xi32, #tpu.memory_space<vmem>>, vector<16xi32>,
      %swap3A_132 = arith.constant 0 : i32
      %swap3A_133 = arith.index_cast %swap3A_132 : i32 to index
      %swap3A_134 = arith.constant 16 : index
      %swap3A_135 = tpu.vector_load %arg22[%swap3A_133, %swap3A_134] {strides = array<i32>} : memref<2x32xi32, #tpu.memory_space<vmem>>, vector<16xi32>,
      tpu.vector_store %arg22[%swap3A_133, %swap3A_134], %broadcast_in_dim3A_70 {strides = array<i32>} : memref<2x32xi32, #tpu.memory_space<vmem>>, vector<16xi32>,
      %swap3A_136 = arith.constant 1 : i32
      %swap3A_137 = arith.index_cast %swap3A_136 : i32 to index
      %swap3A_138 = arith.constant 0 : index
      %swap3A_139 = tpu.vector_load %arg20[%swap3A_137, %swap3A_138] {strides = array<i32>} : memref<2x32xi32, #tpu.memory_space<vmem>>, vector<16xi32>,
      tpu.vector_store %arg20[%swap3A_137, %swap3A_138], %broadcast_in_dim3A_68 {strides = array<i32>} : memref<2x32xi32, #tpu.memory_space<vmem>>, vector<16xi32>,
      %swap3A_140 = arith.constant 1 : i32
      %swap3A_141 = arith.index_cast %swap3A_140 : i32 to index
      %swap3A_142 = arith.constant 16 : index
      %swap3A_143 = tpu.vector_load %arg20[%swap3A_141, %swap3A_142] {strides = array<i32>} : memref<2x32xi32, #tpu.memory_space<vmem>>, vector<16xi32>,
      tpu.vector_store %arg20[%swap3A_141, %swap3A_142], %broadcast_in_dim3A_68 {strides = array<i32>} : memref<2x32xi32, #tpu.memory_space<vmem>>, vector<16xi32>,
      %swap3A_144 = arith.constant 1 : i32
      %swap3A_145 = arith.index_cast %swap3A_144 : i32 to index
      %swap3A_146 = arith.constant 0 : index
      %swap3A_147 = tpu.vector_load %arg22[%swap3A_145, %swap3A_146] {strides = array<i32>} : memref<2x32xi32, #tpu.memory_space<vmem>>, vector<16xi32>,
      tpu.vector_store %arg22[%swap3A_145, %swap3A_146], %broadcast_in_dim3A_70 {strides = array<i32>} : memref<2x32xi32, #tpu.memory_space<vmem>>, vector<16xi32>,
      %swap3A_148 = arith.constant 1 : i32
      %swap3A_149 = arith.index_cast %swap3A_148 : i32 to index
      %swap3A_150 = arith.constant 16 : index
      %swap3A_151 = tpu.vector_load %arg22[%swap3A_149, %swap3A_150] {strides = array<i32>} : memref<2x32xi32, #tpu.memory_space<vmem>>, vector<16xi32>,
      tpu.vector_store %arg22[%swap3A_149, %swap3A_150], %broadcast_in_dim3A_70 {strides = array<i32>} : memref<2x32xi32, #tpu.memory_space<vmem>>, vector<16xi32>,
      %scan3A_152 = arith.constant 0 : i32
      %scan3A_153 = arith.constant 0 : i32
      %scan3A_154 = arith.constant 4 : i32
      %scan3A_155 = arith.addi %scan3A_153, %scan3A_154 : i32
      %scan3A_156 = arith.constant 1 : i32
      scf.for %scan3A_285 = %scan3A_153 to %scan3A_155 step %scan3A_156  : i32 {
        %mul3A_286 = arith.constant 16 : i32
        %mul3A_287 = arith.muli %scan3A_285, %mul3A_286 : i32
        %get3A = arith.index_cast %mul3A_287 : i32 to index
        %get3A_288 = tpu.vector_load %arg14[%get3A] {strides = array<i32>} : memref<80xi32, #tpu.memory_space<vmem>>, vector<16xi32>,
        %sub3A = arith.constant 0 : i32
        %sub3A_289 = vector.broadcast %sub3A : i32 to vector<16xi32>
        %sub3A_290 = arith.subi %get3A_288, %sub3A_289 : vector<16xi32>
        %ge3A_291 = arith.constant 0 : i32
        %ge3A_292 = vector.broadcast %ge3A_291 : i32 to vector<16xi32>
        %ge3A_293 = arith.cmpi sge, %sub3A_290, %ge3A_292 : vector<16xi32>
        %lt3A_294 = arith.constant 16672 : i32
        %lt3A_295 = vector.broadcast %lt3A_294 : i32 to vector<16xi32>
        %lt3A_296 = arith.cmpi slt, %sub3A_290, %lt3A_295 : vector<16xi32>
        %and3A = arith.andi %ge3A_293, %lt3A_296 : vector<16xi1>
        %convert_element_type3A_297 = arith.extui %and3A : vector<16xi1> to vector<16xi32>
        %mul3A_298 = arith.constant 16 : i32
        %mul3A_299 = arith.muli %scan3A_285, %mul3A_298 : i32
        %swap3A_300 = arith.index_cast %mul3A_299 : i32 to index
        %swap3A_301 = tpu.vector_load %arg28[%swap3A_300] {strides = array<i32>} : memref<80xi32, #tpu.memory_space<vmem>>, vector<16xi32>,
        tpu.vector_store %arg28[%swap3A_300], %convert_element_type3A_297 {strides = array<i32>} : memref<80xi32, #tpu.memory_space<vmem>>, vector<16xi32>,
        %shift_right_arithmetic3A = arith.constant 2 : i32
        %shift_right_arithmetic3A_302 = vector.broadcast %shift_right_arithmetic3A : i32 to vector<16xi32>
        %shift_right_arithmetic3A_303 = arith.shrsi %sub3A_290, %shift_right_arithmetic3A_302 : vector<16xi32>
        %mul3A_304 = arith.constant 16 : i32
        %mul3A_305 = arith.muli %scan3A_285, %mul3A_304 : i32
        %swap3A_306 = arith.index_cast %mul3A_305 : i32 to index
        %swap3A_307 = tpu.vector_load %arg29[%swap3A_306] {strides = array<i32>} : memref<80xi32, #tpu.memory_space<vmem>>, vector<16xi32>,
        tpu.vector_store %arg29[%swap3A_306], %shift_right_arithmetic3A_303 {strides = array<i32>} : memref<80xi32, #tpu.memory_space<vmem>>, vector<16xi32>,
        %and3A_308 = arith.constant 3 : i32
        %and3A_309 = vector.broadcast %and3A_308 : i32 to vector<16xi32>
        %and3A_310 = arith.andi %sub3A_290, %and3A_309 : vector<16xi32>
        %mul3A_311 = arith.constant 32 : i32
        %mul3A_312 = vector.broadcast %mul3A_311 : i32 to vector<16xi32>
        %mul3A_313 = arith.muli %and3A_310, %mul3A_312 : vector<16xi32>
        %mul3A_314 = arith.constant 16 : i32
        %mul3A_315 = arith.muli %scan3A_285, %mul3A_314 : i32
        %swap3A_316 = arith.index_cast %mul3A_315 : i32 to index
        %swap3A_317 = tpu.vector_load %arg24[%swap3A_316] {strides = array<i32>} : memref<80xi32, #tpu.memory_space<vmem>>, vector<16xi32>,
        tpu.vector_store %arg24[%swap3A_316], %mul3A_313 {strides = array<i32>} : memref<80xi32, #tpu.memory_space<vmem>>, vector<16xi32>,
        %shift_right_arithmetic3A_318 = arith.constant 6 : i32
        %shift_right_arithmetic3A_319 = vector.broadcast %shift_right_arithmetic3A_318 : i32 to vector<16xi32>
        %shift_right_arithmetic3A_320 = arith.shrsi %sub3A_290, %shift_right_arithmetic3A_319 : vector<16xi32>
        %mul3A_321 = arith.constant 16 : i32
        %mul3A_322 = arith.muli %scan3A_285, %mul3A_321 : i32
        %swap3A_323 = arith.index_cast %mul3A_322 : i32 to index
        %swap3A_324 = tpu.vector_load %arg30[%swap3A_323] {strides = array<i32>} : memref<80xi32, #tpu.memory_space<vmem>>, vector<16xi32>,
        tpu.vector_store %arg30[%swap3A_323], %shift_right_arithmetic3A_320 {strides = array<i32>} : memref<80xi32, #tpu.memory_space<vmem>>, vector<16xi32>,
        %and3A_325 = arith.constant 63 : i32
        %and3A_326 = vector.broadcast %and3A_325 : i32 to vector<16xi32>
        %and3A_327 = arith.andi %sub3A_290, %and3A_326 : vector<16xi32>
        %mul3A_328 = arith.constant 2 : i32
        %mul3A_329 = vector.broadcast %mul3A_328 : i32 to vector<16xi32>
        %mul3A_330 = arith.muli %and3A_327, %mul3A_329 : vector<16xi32>
        %mul3A_331 = arith.constant 16 : i32
        %mul3A_332 = arith.muli %scan3A_285, %mul3A_331 : i32
        %swap3A_333 = arith.index_cast %mul3A_332 : i32 to index
        %swap3A_334 = tpu.vector_load %arg26[%swap3A_333] {strides = array<i32>} : memref<80xi32, #tpu.memory_space<vmem>>, vector<16xi32>,
        tpu.vector_store %arg26[%swap3A_333], %mul3A_330 {strides = array<i32>} : memref<80xi32, #tpu.memory_space<vmem>>, vector<16xi32>,
      }
      %scan3A_157 = arith.constant 4 : i32
      %scan3A_158 = arith.constant 0 : i32
      %scan3A_159 = arith.constant 0 : i32
      %scan3A_160 = arith.constant 64 : i32
      %scan3A_161 = arith.addi %scan3A_159, %scan3A_160 : i32
      %scan3A_162 = arith.constant 4 : i32
      %scan3A_163 = scf.for %scan3A_285 = %scan3A_159 to %scan3A_161 step %scan3A_162 iter_args(%scan3A_286 = %scan3A_158) -> (i32)  : i32 {
        %get3A = arith.index_cast %scan3A_285 : i32 to index
        %get3A_287 = tpu.vector_load %arg28[%get3A] {strides = array<i32>} : memref<80xi32, #tpu.memory_space<vmem>>, vector<16xi32>,
        %slice3A = vector.extract_strided_slice %get3A_287 {offsets = [0], sizes = [1], strides = [1]} : vector<16xi32> to vector<1xi32>
        %squeeze3A = vector.extract %slice3A[0] : i32 from vector<1xi32>
        %gt3A_288 = arith.constant 0 : i32
        %gt3A_289 = arith.cmpi sgt, %squeeze3A, %gt3A_288 : i32
        %convert_element_type3A_290 = arith.extui %gt3A_289 : i1 to i32
        %cond3A_291 = arith.constant 0 : i32
        %cond3A_292 = arith.cmpi ne, %convert_element_type3A_290, %cond3A_291 : i32
        scf.if %cond3A_292 {
          %get3A_330 = arith.index_cast %scan3A_286 : i32 to index
          %get3A_331 = tpu.vector_load %arg25[%get3A_330] {strides = array<i32>} : memref<80xi32, #tpu.memory_space<vmem>>, vector<16xi32>,
          %slice3A_332 = vector.extract_strided_slice %get3A_331 {offsets = [0], sizes = [1], strides = [1]} : vector<16xi32> to vector<1xi32>
          %squeeze3A_333 = vector.extract %slice3A_332[0] : i32 from vector<1xi32>
          %swap3A_334 = arith.index_cast %scan3A_286 : i32 to index
          %swap3A_335 = arith.index_cast %squeeze3A_333 : i32 to index
          %swap3A_336 = tpu.vector_load %arg31[%swap3A_334, %swap3A_335] {strides = array<i32>} : memref<64x128xf32, #tpu.memory_space<vmem>>, vector<16xf32>,
          tpu.vector_store %arg31[%swap3A_334, %swap3A_335], %broadcast_in_dim3A_3 {strides = array<i32>} : memref<64x128xf32, #tpu.memory_space<vmem>>, vector<16xf32>,
          %add3A_337 = arith.constant 16 : i32
          %add3A_338 = arith.addi %squeeze3A_333, %add3A_337 : i32
          %swap3A_339 = arith.index_cast %scan3A_286 : i32 to index
          %swap3A_340 = arith.index_cast %add3A_338 : i32 to index
          %swap3A_341 = tpu.vector_load %arg31[%swap3A_339, %swap3A_340] {strides = array<i32>} : memref<64x128xf32, #tpu.memory_space<vmem>>, vector<16xf32>,
          tpu.vector_store %arg31[%swap3A_339, %swap3A_340], %broadcast_in_dim3A_3 {strides = array<i32>} : memref<64x128xf32, #tpu.memory_space<vmem>>, vector<16xf32>,
          %get3A_342 = arith.index_cast %scan3A_286 : i32 to index
          %get3A_343 = tpu.vector_load %arg27[%get3A_342] {strides = array<i32>} : memref<80xi32, #tpu.memory_space<vmem>>, vector<16xi32>,
          %slice3A_344 = vector.extract_strided_slice %get3A_343 {offsets = [0], sizes = [1], strides = [1]} : vector<16xi32> to vector<1xi32>
          %squeeze3A_345 = vector.extract %slice3A_344[0] : i32 from vector<1xi32>
          %swap3A_346 = arith.index_cast %scan3A_286 : i32 to index
          %swap3A_347 = arith.index_cast %squeeze3A_345 : i32 to index
          %swap3A_348 = tpu.vector_load %arg32[%swap3A_346, %swap3A_347] {strides = array<i32>} : memref<65x128xf32, #tpu.memory_space<vmem>>, vector<16xf32>,
          tpu.vector_store %arg32[%swap3A_346, %swap3A_347], %broadcast_in_dim3A_3 {strides = array<i32>} : memref<65x128xf32, #tpu.memory_space<vmem>>, vector<16xf32>,
          %get3A_349 = arith.index_cast %scan3A_285 : i32 to index
          %get3A_350 = arith.index_cast %mul3A_35 : i32 to index
          %get3A_351 = tpu.vector_load %arg16[%get3A_349, %get3A_350] {strides = array<i32>} : memref<64x128xf32, #tpu.memory_space<vmem>>, vector<16xf32>,
          %add3A_352 = arith.constant 16 : i32
          %add3A_353 = arith.addi %mul3A_35, %add3A_352 : i32
          %get3A_354 = arith.index_cast %scan3A_285 : i32 to index
          %get3A_355 = arith.index_cast %add3A_353 : i32 to index
          %get3A_356 = tpu.vector_load %arg16[%get3A_354, %get3A_355] {strides = array<i32>} : memref<64x128xf32, #tpu.memory_space<vmem>>, vector<16xf32>,
          %add3A_357 = arith.constant 32 : i32
          %add3A_358 = arith.addi %mul3A_35, %add3A_357 : i32
          %get3A_359 = arith.index_cast %scan3A_285 : i32 to index
          %get3A_360 = arith.index_cast %add3A_358 : i32 to index
          %get3A_361 = tpu.vector_load %arg16[%get3A_359, %get3A_360] {strides = array<i32>} : memref<64x128xf32, #tpu.memory_space<vmem>>, vector<16xf32>,
          %add3A_362 = arith.constant 48 : i32
          %add3A_363 = arith.addi %mul3A_35, %add3A_362 : i32
          %get3A_364 = arith.index_cast %scan3A_285 : i32 to index
          %get3A_365 = arith.index_cast %add3A_363 : i32 to index
          %get3A_366 = tpu.vector_load %arg16[%get3A_364, %get3A_365] {strides = array<i32>} : memref<64x128xf32, #tpu.memory_space<vmem>>, vector<16xf32>,
          %get3A_367 = arith.index_cast %scan3A_285 : i32 to index
          %get3A_368 = arith.index_cast %mul3A_37 : i32 to index
          %get3A_369 = tpu.vector_load %arg18[%get3A_367, %get3A_368] {strides = array<i32>} : memref<64x128xf32, #tpu.memory_space<vmem>>, vector<16xf32>,
          %add3A_370 = arith.constant 16 : i32
          %add3A_371 = arith.addi %mul3A_37, %add3A_370 : i32
          %get3A_372 = arith.index_cast %scan3A_285 : i32 to index
          %get3A_373 = arith.index_cast %add3A_371 : i32 to index
          %get3A_374 = tpu.vector_load %arg18[%get3A_372, %get3A_373] {strides = array<i32>} : memref<64x128xf32, #tpu.memory_space<vmem>>, vector<16xf32>,
          %mul3A_375 = arith.mulf %get3A_351, %get3A_369 : vector<16xf32>
          %lt3A_376 = arith.constant 0 : i32
          %lt3A_377 = vector.broadcast %lt3A_376 : i32 to vector<16xi32>
          %lt3A_378 = arith.cmpi slt, %xor3A_24, %lt3A_377 : vector<16xi32>
          %add3A_379 = arith.constant 16 : i32
          %add3A_380 = vector.broadcast %add3A_379 : i32 to vector<16xi32>
          %add3A_381 = arith.addi %xor3A_24, %add3A_380 : vector<16xi32>
          %select_n3A = arith.select %lt3A_378, %add3A_381, %xor3A_24 : vector<16xi1>, vector<16xi32>
          %broadcast_in_dim3A_382 = vector.shape_cast %select_n3A : vector<16xi32> to vector<16x1xi32>
          %gather3A = vector.shape_cast %broadcast_in_dim3A_382 : vector<16x1xi32> to vector<16xi32>
          %gather3A_383 = tpu.dynamic_gather %mul3A_375[%gather3A] in [0] : vector<16xf32>, vector<16xi32> -> vector<16xf32>
          %add3A_384 = arith.addf %mul3A_375, %gather3A_383 : vector<16xf32>
          %lt3A_385 = arith.constant 0 : i32
          %lt3A_386 = vector.broadcast %lt3A_385 : i32 to vector<16xi32>
          %lt3A_387 = arith.cmpi slt, %xor3A_27, %lt3A_386 : vector<16xi32>
          %add3A_388 = arith.constant 16 : i32
          %add3A_389 = vector.broadcast %add3A_388 : i32 to vector<16xi32>
          %add3A_390 = arith.addi %xor3A_27, %add3A_389 : vector<16xi32>
          %select_n3A_391 = arith.select %lt3A_387, %add3A_390, %xor3A_27 : vector<16xi1>, vector<16xi32>
          %broadcast_in_dim3A_392 = vector.shape_cast %select_n3A_391 : vector<16xi32> to vector<16x1xi32>
          %gather3A_393 = vector.shape_cast %broadcast_in_dim3A_392 : vector<16x1xi32> to vector<16xi32>
          %gather3A_394 = tpu.dynamic_gather %add3A_384[%gather3A_393] in [0] : vector<16xf32>, vector<16xi32> -> vector<16xf32>
          %add3A_395 = arith.addf %add3A_384, %gather3A_394 : vector<16xf32>
          %lt3A_396 = arith.constant 0 : i32
          %lt3A_397 = vector.broadcast %lt3A_396 : i32 to vector<16xi32>
          %lt3A_398 = arith.cmpi slt, %xor3A_30, %lt3A_397 : vector<16xi32>
          %add3A_399 = arith.constant 16 : i32
          %add3A_400 = vector.broadcast %add3A_399 : i32 to vector<16xi32>
          %add3A_401 = arith.addi %xor3A_30, %add3A_400 : vector<16xi32>
          %select_n3A_402 = arith.select %lt3A_398, %add3A_401, %xor3A_30 : vector<16xi1>, vector<16xi32>
          %broadcast_in_dim3A_403 = vector.shape_cast %select_n3A_402 : vector<16xi32> to vector<16x1xi32>
          %gather3A_404 = vector.shape_cast %broadcast_in_dim3A_403 : vector<16x1xi32> to vector<16xi32>
          %gather3A_405 = tpu.dynamic_gather %add3A_395[%gather3A_404] in [0] : vector<16xf32>, vector<16xi32> -> vector<16xf32>
          %add3A_406 = arith.addf %add3A_395, %gather3A_405 : vector<16xf32>
          %lt3A_407 = arith.constant 0 : i32
          %lt3A_408 = vector.broadcast %lt3A_407 : i32 to vector<16xi32>
          %lt3A_409 = arith.cmpi slt, %xor3A_33, %lt3A_408 : vector<16xi32>
          %add3A_410 = arith.constant 16 : i32
          %add3A_411 = vector.broadcast %add3A_410 : i32 to vector<16xi32>
          %add3A_412 = arith.addi %xor3A_33, %add3A_411 : vector<16xi32>
          %select_n3A_413 = arith.select %lt3A_409, %add3A_412, %xor3A_33 : vector<16xi1>, vector<16xi32>
          %broadcast_in_dim3A_414 = vector.shape_cast %select_n3A_413 : vector<16xi32> to vector<16x1xi32>
          %gather3A_415 = vector.shape_cast %broadcast_in_dim3A_414 : vector<16x1xi32> to vector<16xi32>
          %gather3A_416 = tpu.dynamic_gather %add3A_406[%gather3A_415] in [0] : vector<16xf32>, vector<16xi32> -> vector<16xf32>
          %add3A_417 = arith.addf %add3A_406, %gather3A_416 : vector<16xf32>
          %exp3A = math.exp %add3A_417 : vector<16xf32>
          %mul3A_418 = arith.mulf %get3A_356, %get3A_374 : vector<16xf32>
          %lt3A_419 = arith.constant 0 : i32
          %lt3A_420 = vector.broadcast %lt3A_419 : i32 to vector<16xi32>
          %lt3A_421 = arith.cmpi slt, %xor3A_24, %lt3A_420 : vector<16xi32>
          %add3A_422 = arith.constant 16 : i32
          %add3A_423 = vector.broadcast %add3A_422 : i32 to vector<16xi32>
          %add3A_424 = arith.addi %xor3A_24, %add3A_423 : vector<16xi32>
          %select_n3A_425 = arith.select %lt3A_421, %add3A_424, %xor3A_24 : vector<16xi1>, vector<16xi32>
          %broadcast_in_dim3A_426 = vector.shape_cast %select_n3A_425 : vector<16xi32> to vector<16x1xi32>
          %gather3A_427 = vector.shape_cast %broadcast_in_dim3A_426 : vector<16x1xi32> to vector<16xi32>
          %gather3A_428 = tpu.dynamic_gather %mul3A_418[%gather3A_427] in [0] : vector<16xf32>, vector<16xi32> -> vector<16xf32>
          %add3A_429 = arith.addf %mul3A_418, %gather3A_428 : vector<16xf32>
          %lt3A_430 = arith.constant 0 : i32
          %lt3A_431 = vector.broadcast %lt3A_430 : i32 to vector<16xi32>
          %lt3A_432 = arith.cmpi slt, %xor3A_27, %lt3A_431 : vector<16xi32>
          %add3A_433 = arith.constant 16 : i32
          %add3A_434 = vector.broadcast %add3A_433 : i32 to vector<16xi32>
          %add3A_435 = arith.addi %xor3A_27, %add3A_434 : vector<16xi32>
          %select_n3A_436 = arith.select %lt3A_432, %add3A_435, %xor3A_27 : vector<16xi1>, vector<16xi32>
          %broadcast_in_dim3A_437 = vector.shape_cast %select_n3A_436 : vector<16xi32> to vector<16x1xi32>
          %gather3A_438 = vector.shape_cast %broadcast_in_dim3A_437 : vector<16x1xi32> to vector<16xi32>
          %gather3A_439 = tpu.dynamic_gather %add3A_429[%gather3A_438] in [0] : vector<16xf32>, vector<16xi32> -> vector<16xf32>
          %add3A_440 = arith.addf %add3A_429, %gather3A_439 : vector<16xf32>
          %lt3A_441 = arith.constant 0 : i32
          %lt3A_442 = vector.broadcast %lt3A_441 : i32 to vector<16xi32>
          %lt3A_443 = arith.cmpi slt, %xor3A_30, %lt3A_442 : vector<16xi32>
          %add3A_444 = arith.constant 16 : i32
          %add3A_445 = vector.broadcast %add3A_444 : i32 to vector<16xi32>
          %add3A_446 = arith.addi %xor3A_30, %add3A_445 : vector<16xi32>
          %select_n3A_447 = arith.select %lt3A_443, %add3A_446, %xor3A_30 : vector<16xi1>, vector<16xi32>
          %broadcast_in_dim3A_448 = vector.shape_cast %select_n3A_447 : vector<16xi32> to vector<16x1xi32>
          %gather3A_449 = vector.shape_cast %broadcast_in_dim3A_448 : vector<16x1xi32> to vector<16xi32>
          %gather3A_450 = tpu.dynamic_gather %add3A_440[%gather3A_449] in [0] : vector<16xf32>, vector<16xi32> -> vector<16xf32>
          %add3A_451 = arith.addf %add3A_440, %gather3A_450 : vector<16xf32>
          %lt3A_452 = arith.constant 0 : i32
          %lt3A_453 = vector.broadcast %lt3A_452 : i32 to vector<16xi32>
          %lt3A_454 = arith.cmpi slt, %xor3A_33, %lt3A_453 : vector<16xi32>
          %add3A_455 = arith.constant 16 : i32
          %add3A_456 = vector.broadcast %add3A_455 : i32 to vector<16xi32>
          %add3A_457 = arith.addi %xor3A_33, %add3A_456 : vector<16xi32>
          %select_n3A_458 = arith.select %lt3A_454, %add3A_457, %xor3A_33 : vector<16xi1>, vector<16xi32>
          %broadcast_in_dim3A_459 = vector.shape_cast %select_n3A_458 : vector<16xi32> to vector<16x1xi32>
          %gather3A_460 = vector.shape_cast %broadcast_in_dim3A_459 : vector<16x1xi32> to vector<16xi32>
          %gather3A_461 = tpu.dynamic_gather %add3A_451[%gather3A_460] in [0] : vector<16xf32>, vector<16xi32> -> vector<16xf32>
          %add3A_462 = arith.addf %add3A_451, %gather3A_461 : vector<16xf32>
          %exp3A_463 = math.exp %add3A_462 : vector<16xf32>
          %get3A_464 = arith.index_cast %scan3A_285 : i32 to index
          %get3A_465 = tpu.vector_load %arg24[%get3A_464] {strides = array<i32>} : memref<80xi32, #tpu.memory_space<vmem>>, vector<16xi32>,
          %slice3A_466 = vector.extract_strided_slice %get3A_465 {offsets = [0], sizes = [1], strides = [1]} : vector<16xi32> to vector<1xi32>
          %squeeze3A_467 = vector.extract %slice3A_466[0] : i32 from vector<1xi32>
          %mul3A_468 = arith.mulf %get3A_361, %exp3A : vector<16xf32>
          %swap3A_469 = arith.index_cast %scan3A_286 : i32 to index
          %swap3A_470 = arith.index_cast %squeeze3A_467 : i32 to index
          %swap3A_471 = tpu.vector_load %arg31[%swap3A_469, %swap3A_470] {strides = array<i32>} : memref<64x128xf32, #tpu.memory_space<vmem>>, vector<16xf32>,
          tpu.vector_store %arg31[%swap3A_469, %swap3A_470], %mul3A_468 {strides = array<i32>} : memref<64x128xf32, #tpu.memory_space<vmem>>, vector<16xf32>,
          %mul3A_472 = arith.mulf %get3A_366, %exp3A_463 : vector<16xf32>
          %add3A_473 = arith.constant 16 : i32
          %add3A_474 = arith.addi %squeeze3A_467, %add3A_473 : i32
          %swap3A_475 = arith.index_cast %scan3A_286 : i32 to index
          %swap3A_476 = arith.index_cast %add3A_474 : i32 to index
          %swap3A_477 = tpu.vector_load %arg31[%swap3A_475, %swap3A_476] {strides = array<i32>} : memref<64x128xf32, #tpu.memory_space<vmem>>, vector<16xf32>,
          tpu.vector_store %arg31[%swap3A_475, %swap3A_476], %mul3A_472 {strides = array<i32>} : memref<64x128xf32, #tpu.memory_space<vmem>>, vector<16xf32>,
          %eq3A_478 = arith.constant 0 : i32
          %eq3A_479 = vector.broadcast %eq3A_478 : i32 to vector<16xi32>
          %eq3A_480 = arith.cmpi eq, %iota3A, %eq3A_479 : vector<16xi32>
          %eq3A_481 = arith.constant 1 : i32
          %eq3A_482 = vector.broadcast %eq3A_481 : i32 to vector<16xi32>
          %eq3A_483 = arith.cmpi eq, %iota3A, %eq3A_482 : vector<16xi32>
          %jit3A = arith.constant 0.000000e+00 : f32
          %broadcast_in_dim3A_484 = vector.broadcast %jit3A : f32 to vector<16xf32>
          %select_n3A_485 = arith.select %eq3A_483, %exp3A_463, %broadcast_in_dim3A_484 : vector<16xi1>, vector<16xf32>
          %select_n3A_486 = arith.select %eq3A_480, %exp3A, %select_n3A_485 : vector<16xi1>, vector<16xf32>
          %get3A_487 = arith.index_cast %scan3A_285 : i32 to index
          %get3A_488 = tpu.vector_load %arg26[%get3A_487] {strides = array<i32>} : memref<80xi32, #tpu.memory_space<vmem>>, vector<16xi32>,
          %slice3A_489 = vector.extract_strided_slice %get3A_488 {offsets = [0], sizes = [1], strides = [1]} : vector<16xi32> to vector<1xi32>
          %squeeze3A_490 = vector.extract %slice3A_489[0] : i32 from vector<1xi32>
          %swap3A_491 = arith.index_cast %scan3A_286 : i32 to index
          %swap3A_492 = arith.index_cast %squeeze3A_490 : i32 to index
          %swap3A_493 = tpu.vector_load %arg32[%swap3A_491, %swap3A_492] {strides = array<i32>} : memref<65x128xf32, #tpu.memory_space<vmem>>, vector<16xf32>,
          tpu.vector_store %arg32[%swap3A_491, %swap3A_492], %select_n3A_486 {strides = array<i32>} : memref<65x128xf32, #tpu.memory_space<vmem>>, vector<16xf32>,
          %broadcast_in_dim3A_494 = vector.broadcast %scan3A_286 : i32 to vector<16xi32>
          %broadcast_in_dim3A_495 = vector.broadcast %squeeze3A_467 : i32 to vector<16xi32>
          tpu.vector_store_idx %arg25[%broadcast_in_dim3A_494], %broadcast_in_dim3A_495 masked %eq3A_66 : memref<80xi32, #tpu.memory_space<vmem>>[vector<16xi32>], vector<16xi32>, vector<16xi1>
          %broadcast_in_dim3A_496 = vector.broadcast %scan3A_286 : i32 to vector<16xi32>
          %broadcast_in_dim3A_497 = vector.broadcast %squeeze3A_490 : i32 to vector<16xi32>
          tpu.vector_store_idx %arg27[%broadcast_in_dim3A_496], %broadcast_in_dim3A_497 masked %eq3A_66 : memref<80xi32, #tpu.memory_space<vmem>>[vector<16xi32>], vector<16xi32>, vector<16xi1>
          %shift_right_arithmetic3A = arith.constant 5 : i32
          %shift_right_arithmetic3A_498 = arith.shrsi %scan3A_286, %shift_right_arithmetic3A : i32
          %broadcast_in_dim3A_499 = vector.broadcast %shift_right_arithmetic3A_498 : i32 to vector<16xi32>
          %and3A = arith.constant 31 : i32
          %and3A_500 = arith.andi %scan3A_286, %and3A : i32
          %broadcast_in_dim3A_501 = vector.broadcast %and3A_500 : i32 to vector<16xi32>
          %get3A_502 = arith.index_cast %scan3A_285 : i32 to index
          %get3A_503 = tpu.vector_load %arg29[%get3A_502] {strides = array<i32>} : memref<80xi32, #tpu.memory_space<vmem>>, vector<16xi32>,
          %slice3A_504 = vector.extract_strided_slice %get3A_503 {offsets = [0], sizes = [1], strides = [1]} : vector<16xi32> to vector<1xi32>
          %squeeze3A_505 = vector.extract %slice3A_504[0] : i32 from vector<1xi32>
          %broadcast_in_dim3A_506 = vector.broadcast %squeeze3A_505 : i32 to vector<16xi32>
          tpu.vector_store_idx %arg20[%broadcast_in_dim3A_499, %broadcast_in_dim3A_501], %broadcast_in_dim3A_506 masked %eq3A_66 : memref<2x32xi32, #tpu.memory_space<vmem>>[vector<16xi32>, vector<16xi32>], vector<16xi32>, vector<16xi1>
          %get3A_507 = arith.index_cast %scan3A_285 : i32 to index
          %get3A_508 = tpu.vector_load %arg30[%get3A_507] {strides = array<i32>} : memref<80xi32, #tpu.memory_space<vmem>>, vector<16xi32>,
          %slice3A_509 = vector.extract_strided_slice %get3A_508 {offsets = [0], sizes = [1], strides = [1]} : vector<16xi32> to vector<1xi32>
          %squeeze3A_510 = vector.extract %slice3A_509[0] : i32 from vector<1xi32>
          %broadcast_in_dim3A_511 = vector.broadcast %squeeze3A_510 : i32 to vector<16xi32>
          tpu.vector_store_idx %arg22[%broadcast_in_dim3A_499, %broadcast_in_dim3A_501], %broadcast_in_dim3A_511 masked %eq3A_66 : memref<2x32xi32, #tpu.memory_space<vmem>>[vector<16xi32>, vector<16xi32>], vector<16xi32>, vector<16xi1>
        } else {
        }
        %add3A_293 = arith.addi %scan3A_286, %squeeze3A : i32
        %scan3A_294 = arith.constant 1 : i32
        %scan3A_295 = arith.addi %scan3A_285, %scan3A_294 : i32
        %get3A_296 = arith.index_cast %scan3A_295 : i32 to index
        %get3A_297 = tpu.vector_load %arg28[%get3A_296] {strides = array<i32>} : memref<80xi32, #tpu.memory_space<vmem>>, vector<16xi32>,
        %slice3A_298 = vector.extract_strided_slice %get3A_297 {offsets = [0], sizes = [1], strides = [1]} : vector<16xi32> to vector<1xi32>
        %squeeze3A_299 = vector.extract %slice3A_298[0] : i32 from vector<1xi32>
        %gt3A_300 = arith.constant 0 : i32
        %gt3A_301 = arith.cmpi sgt, %squeeze3A_299, %gt3A_300 : i32
        %convert_element_type3A_302 = arith.extui %gt3A_301 : i1 to i32
        %cond3A_303 = arith.constant 0 : i32
        %cond3A_304 = arith.cmpi ne, %convert_element_type3A_302, %cond3A_303 : i32
        scf.if %cond3A_304 {
          %get3A_330 = arith.index_cast %add3A_293 : i32 to index
          %get3A_331 = tpu.vector_load %arg25[%get3A_330] {strides = array<i32>} : memref<80xi32, #tpu.memory_space<vmem>>, vector<16xi32>,
          %slice3A_332 = vector.extract_strided_slice %get3A_331 {offsets = [0], sizes = [1], strides = [1]} : vector<16xi32> to vector<1xi32>
          %squeeze3A_333 = vector.extract %slice3A_332[0] : i32 from vector<1xi32>
          %swap3A_334 = arith.index_cast %add3A_293 : i32 to index
          %swap3A_335 = arith.index_cast %squeeze3A_333 : i32 to index
          %swap3A_336 = tpu.vector_load %arg31[%swap3A_334, %swap3A_335] {strides = array<i32>} : memref<64x128xf32, #tpu.memory_space<vmem>>, vector<16xf32>,
          tpu.vector_store %arg31[%swap3A_334, %swap3A_335], %broadcast_in_dim3A_3 {strides = array<i32>} : memref<64x128xf32, #tpu.memory_space<vmem>>, vector<16xf32>,
          %add3A_337 = arith.constant 16 : i32
          %add3A_338 = arith.addi %squeeze3A_333, %add3A_337 : i32
          %swap3A_339 = arith.index_cast %add3A_293 : i32 to index
          %swap3A_340 = arith.index_cast %add3A_338 : i32 to index
          %swap3A_341 = tpu.vector_load %arg31[%swap3A_339, %swap3A_340] {strides = array<i32>} : memref<64x128xf32, #tpu.memory_space<vmem>>, vector<16xf32>,
          tpu.vector_store %arg31[%swap3A_339, %swap3A_340], %broadcast_in_dim3A_3 {strides = array<i32>} : memref<64x128xf32, #tpu.memory_space<vmem>>, vector<16xf32>,
          %get3A_342 = arith.index_cast %add3A_293 : i32 to index
          %get3A_343 = tpu.vector_load %arg27[%get3A_342] {strides = array<i32>} : memref<80xi32, #tpu.memory_space<vmem>>, vector<16xi32>,
          %slice3A_344 = vector.extract_strided_slice %get3A_343 {offsets = [0], sizes = [1], strides = [1]} : vector<16xi32> to vector<1xi32>
          %squeeze3A_345 = vector.extract %slice3A_344[0] : i32 from vector<1xi32>
          %swap3A_346 = arith.index_cast %add3A_293 : i32 to index
          %swap3A_347 = arith.index_cast %squeeze3A_345 : i32 to index
          %swap3A_348 = tpu.vector_load %arg32[%swap3A_346, %swap3A_347] {strides = array<i32>} : memref<65x128xf32, #tpu.memory_space<vmem>>, vector<16xf32>,
          tpu.vector_store %arg32[%swap3A_346, %swap3A_347], %broadcast_in_dim3A_3 {strides = array<i32>} : memref<65x128xf32, #tpu.memory_space<vmem>>, vector<16xf32>,
          %get3A_349 = arith.index_cast %scan3A_295 : i32 to index
          %get3A_350 = arith.index_cast %mul3A_35 : i32 to index
          %get3A_351 = tpu.vector_load %arg16[%get3A_349, %get3A_350] {strides = array<i32>} : memref<64x128xf32, #tpu.memory_space<vmem>>, vector<16xf32>,
          %add3A_352 = arith.constant 16 : i32
          %add3A_353 = arith.addi %mul3A_35, %add3A_352 : i32
          %get3A_354 = arith.index_cast %scan3A_295 : i32 to index
          %get3A_355 = arith.index_cast %add3A_353 : i32 to index
          %get3A_356 = tpu.vector_load %arg16[%get3A_354, %get3A_355] {strides = array<i32>} : memref<64x128xf32, #tpu.memory_space<vmem>>, vector<16xf32>,
          %add3A_357 = arith.constant 32 : i32
          %add3A_358 = arith.addi %mul3A_35, %add3A_357 : i32
          %get3A_359 = arith.index_cast %scan3A_295 : i32 to index
          %get3A_360 = arith.index_cast %add3A_358 : i32 to index
          %get3A_361 = tpu.vector_load %arg16[%get3A_359, %get3A_360] {strides = array<i32>} : memref<64x128xf32, #tpu.memory_space<vmem>>, vector<16xf32>,
          %add3A_362 = arith.constant 48 : i32
          %add3A_363 = arith.addi %mul3A_35, %add3A_362 : i32
          %get3A_364 = arith.index_cast %scan3A_295 : i32 to index
          %get3A_365 = arith.index_cast %add3A_363 : i32 to index
          %get3A_366 = tpu.vector_load %arg16[%get3A_364, %get3A_365] {strides = array<i32>} : memref<64x128xf32, #tpu.memory_space<vmem>>, vector<16xf32>,
          %get3A_367 = arith.index_cast %scan3A_295 : i32 to index
          %get3A_368 = arith.index_cast %mul3A_37 : i32 to index
          %get3A_369 = tpu.vector_load %arg18[%get3A_367, %get3A_368] {strides = array<i32>} : memref<64x128xf32, #tpu.memory_space<vmem>>, vector<16xf32>,
          %add3A_370 = arith.constant 16 : i32
          %add3A_371 = arith.addi %mul3A_37, %add3A_370 : i32
          %get3A_372 = arith.index_cast %scan3A_295 : i32 to index
          %get3A_373 = arith.index_cast %add3A_371 : i32 to index
          %get3A_374 = tpu.vector_load %arg18[%get3A_372, %get3A_373] {strides = array<i32>} : memref<64x128xf32, #tpu.memory_space<vmem>>, vector<16xf32>,
          %mul3A_375 = arith.mulf %get3A_351, %get3A_369 : vector<16xf32>
          %lt3A_376 = arith.constant 0 : i32
          %lt3A_377 = vector.broadcast %lt3A_376 : i32 to vector<16xi32>
          %lt3A_378 = arith.cmpi slt, %xor3A_24, %lt3A_377 : vector<16xi32>
          %add3A_379 = arith.constant 16 : i32
          %add3A_380 = vector.broadcast %add3A_379 : i32 to vector<16xi32>
          %add3A_381 = arith.addi %xor3A_24, %add3A_380 : vector<16xi32>
          %select_n3A = arith.select %lt3A_378, %add3A_381, %xor3A_24 : vector<16xi1>, vector<16xi32>
          %broadcast_in_dim3A_382 = vector.shape_cast %select_n3A : vector<16xi32> to vector<16x1xi32>
          %gather3A = vector.shape_cast %broadcast_in_dim3A_382 : vector<16x1xi32> to vector<16xi32>
          %gather3A_383 = tpu.dynamic_gather %mul3A_375[%gather3A] in [0] : vector<16xf32>, vector<16xi32> -> vector<16xf32>
          %add3A_384 = arith.addf %mul3A_375, %gather3A_383 : vector<16xf32>
          %lt3A_385 = arith.constant 0 : i32
          %lt3A_386 = vector.broadcast %lt3A_385 : i32 to vector<16xi32>
          %lt3A_387 = arith.cmpi slt, %xor3A_27, %lt3A_386 : vector<16xi32>
          %add3A_388 = arith.constant 16 : i32
          %add3A_389 = vector.broadcast %add3A_388 : i32 to vector<16xi32>
          %add3A_390 = arith.addi %xor3A_27, %add3A_389 : vector<16xi32>
          %select_n3A_391 = arith.select %lt3A_387, %add3A_390, %xor3A_27 : vector<16xi1>, vector<16xi32>
          %broadcast_in_dim3A_392 = vector.shape_cast %select_n3A_391 : vector<16xi32> to vector<16x1xi32>
          %gather3A_393 = vector.shape_cast %broadcast_in_dim3A_392 : vector<16x1xi32> to vector<16xi32>
          %gather3A_394 = tpu.dynamic_gather %add3A_384[%gather3A_393] in [0] : vector<16xf32>, vector<16xi32> -> vector<16xf32>
          %add3A_395 = arith.addf %add3A_384, %gather3A_394 : vector<16xf32>
          %lt3A_396 = arith.constant 0 : i32
          %lt3A_397 = vector.broadcast %lt3A_396 : i32 to vector<16xi32>
          %lt3A_398 = arith.cmpi slt, %xor3A_30, %lt3A_397 : vector<16xi32>
          %add3A_399 = arith.constant 16 : i32
          %add3A_400 = vector.broadcast %add3A_399 : i32 to vector<16xi32>
          %add3A_401 = arith.addi %xor3A_30, %add3A_400 : vector<16xi32>
          %select_n3A_402 = arith.select %lt3A_398, %add3A_401, %xor3A_30 : vector<16xi1>, vector<16xi32>
          %broadcast_in_dim3A_403 = vector.shape_cast %select_n3A_402 : vector<16xi32> to vector<16x1xi32>
          %gather3A_404 = vector.shape_cast %broadcast_in_dim3A_403 : vector<16x1xi32> to vector<16xi32>
          %gather3A_405 = tpu.dynamic_gather %add3A_395[%gather3A_404] in [0] : vector<16xf32>, vector<16xi32> -> vector<16xf32>
          %add3A_406 = arith.addf %add3A_395, %gather3A_405 : vector<16xf32>
          %lt3A_407 = arith.constant 0 : i32
          %lt3A_408 = vector.broadcast %lt3A_407 : i32 to vector<16xi32>
          %lt3A_409 = arith.cmpi slt, %xor3A_33, %lt3A_408 : vector<16xi32>
          %add3A_410 = arith.constant 16 : i32
          %add3A_411 = vector.broadcast %add3A_410 : i32 to vector<16xi32>
          %add3A_412 = arith.addi %xor3A_33, %add3A_411 : vector<16xi32>
          %select_n3A_413 = arith.select %lt3A_409, %add3A_412, %xor3A_33 : vector<16xi1>, vector<16xi32>
          %broadcast_in_dim3A_414 = vector.shape_cast %select_n3A_413 : vector<16xi32> to vector<16x1xi32>
          %gather3A_415 = vector.shape_cast %broadcast_in_dim3A_414 : vector<16x1xi32> to vector<16xi32>
          %gather3A_416 = tpu.dynamic_gather %add3A_406[%gather3A_415] in [0] : vector<16xf32>, vector<16xi32> -> vector<16xf32>
          %add3A_417 = arith.addf %add3A_406, %gather3A_416 : vector<16xf32>
          %exp3A = math.exp %add3A_417 : vector<16xf32>
          %mul3A_418 = arith.mulf %get3A_356, %get3A_374 : vector<16xf32>
          %lt3A_419 = arith.constant 0 : i32
          %lt3A_420 = vector.broadcast %lt3A_419 : i32 to vector<16xi32>
          %lt3A_421 = arith.cmpi slt, %xor3A_24, %lt3A_420 : vector<16xi32>
          %add3A_422 = arith.constant 16 : i32
          %add3A_423 = vector.broadcast %add3A_422 : i32 to vector<16xi32>
          %add3A_424 = arith.addi %xor3A_24, %add3A_423 : vector<16xi32>
          %select_n3A_425 = arith.select %lt3A_421, %add3A_424, %xor3A_24 : vector<16xi1>, vector<16xi32>
          %broadcast_in_dim3A_426 = vector.shape_cast %select_n3A_425 : vector<16xi32> to vector<16x1xi32>
          %gather3A_427 = vector.shape_cast %broadcast_in_dim3A_426 : vector<16x1xi32> to vector<16xi32>
          %gather3A_428 = tpu.dynamic_gather %mul3A_418[%gather3A_427] in [0] : vector<16xf32>, vector<16xi32> -> vector<16xf32>
          %add3A_429 = arith.addf %mul3A_418, %gather3A_428 : vector<16xf32>
          %lt3A_430 = arith.constant 0 : i32
          %lt3A_431 = vector.broadcast %lt3A_430 : i32 to vector<16xi32>
          %lt3A_432 = arith.cmpi slt, %xor3A_27, %lt3A_431 : vector<16xi32>
          %add3A_433 = arith.constant 16 : i32
          %add3A_434 = vector.broadcast %add3A_433 : i32 to vector<16xi32>
          %add3A_435 = arith.addi %xor3A_27, %add3A_434 : vector<16xi32>
          %select_n3A_436 = arith.select %lt3A_432, %add3A_435, %xor3A_27 : vector<16xi1>, vector<16xi32>
          %broadcast_in_dim3A_437 = vector.shape_cast %select_n3A_436 : vector<16xi32> to vector<16x1xi32>
          %gather3A_438 = vector.shape_cast %broadcast_in_dim3A_437 : vector<16x1xi32> to vector<16xi32>
          %gather3A_439 = tpu.dynamic_gather %add3A_429[%gather3A_438] in [0] : vector<16xf32>, vector<16xi32> -> vector<16xf32>
          %add3A_440 = arith.addf %add3A_429, %gather3A_439 : vector<16xf32>
          %lt3A_441 = arith.constant 0 : i32
          %lt3A_442 = vector.broadcast %lt3A_441 : i32 to vector<16xi32>
          %lt3A_443 = arith.cmpi slt, %xor3A_30, %lt3A_442 : vector<16xi32>
          %add3A_444 = arith.constant 16 : i32
          %add3A_445 = vector.broadcast %add3A_444 : i32 to vector<16xi32>
          %add3A_446 = arith.addi %xor3A_30, %add3A_445 : vector<16xi32>
          %select_n3A_447 = arith.select %lt3A_443, %add3A_446, %xor3A_30 : vector<16xi1>, vector<16xi32>
          %broadcast_in_dim3A_448 = vector.shape_cast %select_n3A_447 : vector<16xi32> to vector<16x1xi32>
          %gather3A_449 = vector.shape_cast %broadcast_in_dim3A_448 : vector<16x1xi32> to vector<16xi32>
          %gather3A_450 = tpu.dynamic_gather %add3A_440[%gather3A_449] in [0] : vector<16xf32>, vector<16xi32> -> vector<16xf32>
          %add3A_451 = arith.addf %add3A_440, %gather3A_450 : vector<16xf32>
          %lt3A_452 = arith.constant 0 : i32
          %lt3A_453 = vector.broadcast %lt3A_452 : i32 to vector<16xi32>
          %lt3A_454 = arith.cmpi slt, %xor3A_33, %lt3A_453 : vector<16xi32>
          %add3A_455 = arith.constant 16 : i32
          %add3A_456 = vector.broadcast %add3A_455 : i32 to vector<16xi32>
          %add3A_457 = arith.addi %xor3A_33, %add3A_456 : vector<16xi32>
          %select_n3A_458 = arith.select %lt3A_454, %add3A_457, %xor3A_33 : vector<16xi1>, vector<16xi32>
          %broadcast_in_dim3A_459 = vector.shape_cast %select_n3A_458 : vector<16xi32> to vector<16x1xi32>
          %gather3A_460 = vector.shape_cast %broadcast_in_dim3A_459 : vector<16x1xi32> to vector<16xi32>
          %gather3A_461 = tpu.dynamic_gather %add3A_451[%gather3A_460] in [0] : vector<16xf32>, vector<16xi32> -> vector<16xf32>
          %add3A_462 = arith.addf %add3A_451, %gather3A_461 : vector<16xf32>
          %exp3A_463 = math.exp %add3A_462 : vector<16xf32>
          %get3A_464 = arith.index_cast %scan3A_295 : i32 to index
          %get3A_465 = tpu.vector_load %arg24[%get3A_464] {strides = array<i32>} : memref<80xi32, #tpu.memory_space<vmem>>, vector<16xi32>,
          %slice3A_466 = vector.extract_strided_slice %get3A_465 {offsets = [0], sizes = [1], strides = [1]} : vector<16xi32> to vector<1xi32>
          %squeeze3A_467 = vector.extract %slice3A_466[0] : i32 from vector<1xi32>
          %mul3A_468 = arith.mulf %get3A_361, %exp3A : vector<16xf32>
          %swap3A_469 = arith.index_cast %add3A_293 : i32 to index
          %swap3A_470 = arith.index_cast %squeeze3A_467 : i32 to index
          %swap3A_471 = tpu.vector_load %arg31[%swap3A_469, %swap3A_470] {strides = array<i32>} : memref<64x128xf32, #tpu.memory_space<vmem>>, vector<16xf32>,
          tpu.vector_store %arg31[%swap3A_469, %swap3A_470], %mul3A_468 {strides = array<i32>} : memref<64x128xf32, #tpu.memory_space<vmem>>, vector<16xf32>,
          %mul3A_472 = arith.mulf %get3A_366, %exp3A_463 : vector<16xf32>
          %add3A_473 = arith.constant 16 : i32
          %add3A_474 = arith.addi %squeeze3A_467, %add3A_473 : i32
          %swap3A_475 = arith.index_cast %add3A_293 : i32 to index
          %swap3A_476 = arith.index_cast %add3A_474 : i32 to index
          %swap3A_477 = tpu.vector_load %arg31[%swap3A_475, %swap3A_476] {strides = array<i32>} : memref<64x128xf32, #tpu.memory_space<vmem>>, vector<16xf32>,
          tpu.vector_store %arg31[%swap3A_475, %swap3A_476], %mul3A_472 {strides = array<i32>} : memref<64x128xf32, #tpu.memory_space<vmem>>, vector<16xf32>,
          %eq3A_478 = arith.constant 0 : i32
          %eq3A_479 = vector.broadcast %eq3A_478 : i32 to vector<16xi32>
          %eq3A_480 = arith.cmpi eq, %iota3A, %eq3A_479 : vector<16xi32>
          %eq3A_481 = arith.constant 1 : i32
          %eq3A_482 = vector.broadcast %eq3A_481 : i32 to vector<16xi32>
          %eq3A_483 = arith.cmpi eq, %iota3A, %eq3A_482 : vector<16xi32>
          %jit3A = arith.constant 0.000000e+00 : f32
          %broadcast_in_dim3A_484 = vector.broadcast %jit3A : f32 to vector<16xf32>
          %select_n3A_485 = arith.select %eq3A_483, %exp3A_463, %broadcast_in_dim3A_484 : vector<16xi1>, vector<16xf32>
          %select_n3A_486 = arith.select %eq3A_480, %exp3A, %select_n3A_485 : vector<16xi1>, vector<16xf32>
          %get3A_487 = arith.index_cast %scan3A_295 : i32 to index
          %get3A_488 = tpu.vector_load %arg26[%get3A_487] {strides = array<i32>} : memref<80xi32, #tpu.memory_space<vmem>>, vector<16xi32>,
          %slice3A_489 = vector.extract_strided_slice %get3A_488 {offsets = [0], sizes = [1], strides = [1]} : vector<16xi32> to vector<1xi32>
          %squeeze3A_490 = vector.extract %slice3A_489[0] : i32 from vector<1xi32>
          %swap3A_491 = arith.index_cast %add3A_293 : i32 to index
          %swap3A_492 = arith.index_cast %squeeze3A_490 : i32 to index
          %swap3A_493 = tpu.vector_load %arg32[%swap3A_491, %swap3A_492] {strides = array<i32>} : memref<65x128xf32, #tpu.memory_space<vmem>>, vector<16xf32>,
          tpu.vector_store %arg32[%swap3A_491, %swap3A_492], %select_n3A_486 {strides = array<i32>} : memref<65x128xf32, #tpu.memory_space<vmem>>, vector<16xf32>,
          %broadcast_in_dim3A_494 = vector.broadcast %add3A_293 : i32 to vector<16xi32>
          %broadcast_in_dim3A_495 = vector.broadcast %squeeze3A_467 : i32 to vector<16xi32>
          tpu.vector_store_idx %arg25[%broadcast_in_dim3A_494], %broadcast_in_dim3A_495 masked %eq3A_66 : memref<80xi32, #tpu.memory_space<vmem>>[vector<16xi32>], vector<16xi32>, vector<16xi1>
          %broadcast_in_dim3A_496 = vector.broadcast %add3A_293 : i32 to vector<16xi32>
          %broadcast_in_dim3A_497 = vector.broadcast %squeeze3A_490 : i32 to vector<16xi32>
          tpu.vector_store_idx %arg27[%broadcast_in_dim3A_496], %broadcast_in_dim3A_497 masked %eq3A_66 : memref<80xi32, #tpu.memory_space<vmem>>[vector<16xi32>], vector<16xi32>, vector<16xi1>
          %shift_right_arithmetic3A = arith.constant 5 : i32
          %shift_right_arithmetic3A_498 = arith.shrsi %add3A_293, %shift_right_arithmetic3A : i32
          %broadcast_in_dim3A_499 = vector.broadcast %shift_right_arithmetic3A_498 : i32 to vector<16xi32>
          %and3A = arith.constant 31 : i32
          %and3A_500 = arith.andi %add3A_293, %and3A : i32
          %broadcast_in_dim3A_501 = vector.broadcast %and3A_500 : i32 to vector<16xi32>
          %get3A_502 = arith.index_cast %scan3A_295 : i32 to index
          %get3A_503 = tpu.vector_load %arg29[%get3A_502] {strides = array<i32>} : memref<80xi32, #tpu.memory_space<vmem>>, vector<16xi32>,
          %slice3A_504 = vector.extract_strided_slice %get3A_503 {offsets = [0], sizes = [1], strides = [1]} : vector<16xi32> to vector<1xi32>
          %squeeze3A_505 = vector.extract %slice3A_504[0] : i32 from vector<1xi32>
          %broadcast_in_dim3A_506 = vector.broadcast %squeeze3A_505 : i32 to vector<16xi32>
          tpu.vector_store_idx %arg20[%broadcast_in_dim3A_499, %broadcast_in_dim3A_501], %broadcast_in_dim3A_506 masked %eq3A_66 : memref<2x32xi32, #tpu.memory_space<vmem>>[vector<16xi32>, vector<16xi32>], vector<16xi32>, vector<16xi1>
          %get3A_507 = arith.index_cast %scan3A_295 : i32 to index
          %get3A_508 = tpu.vector_load %arg30[%get3A_507] {strides = array<i32>} : memref<80xi32, #tpu.memory_space<vmem>>, vector<16xi32>,
          %slice3A_509 = vector.extract_strided_slice %get3A_508 {offsets = [0], sizes = [1], strides = [1]} : vector<16xi32> to vector<1xi32>
          %squeeze3A_510 = vector.extract %slice3A_509[0] : i32 from vector<1xi32>
          %broadcast_in_dim3A_511 = vector.broadcast %squeeze3A_510 : i32 to vector<16xi32>
          tpu.vector_store_idx %arg22[%broadcast_in_dim3A_499, %broadcast_in_dim3A_501], %broadcast_in_dim3A_511 masked %eq3A_66 : memref<2x32xi32, #tpu.memory_space<vmem>>[vector<16xi32>, vector<16xi32>], vector<16xi32>, vector<16xi1>
        } else {
        }
        %add3A_305 = arith.addi %add3A_293, %squeeze3A_299 : i32
        %scan3A_306 = arith.constant 2 : i32
        %scan3A_307 = arith.addi %scan3A_285, %scan3A_306 : i32
        %get3A_308 = arith.index_cast %scan3A_307 : i32 to index
        %get3A_309 = tpu.vector_load %arg28[%get3A_308] {strides = array<i32>} : memref<80xi32, #tpu.memory_space<vmem>>, vector<16xi32>,
        %slice3A_310 = vector.extract_strided_slice %get3A_309 {offsets = [0], sizes = [1], strides = [1]} : vector<16xi32> to vector<1xi32>
        %squeeze3A_311 = vector.extract %slice3A_310[0] : i32 from vector<1xi32>
        %gt3A_312 = arith.constant 0 : i32
        %gt3A_313 = arith.cmpi sgt, %squeeze3A_311, %gt3A_312 : i32
        %convert_element_type3A_314 = arith.extui %gt3A_313 : i1 to i32
        %cond3A_315 = arith.constant 0 : i32
        %cond3A_316 = arith.cmpi ne, %convert_element_type3A_314, %cond3A_315 : i32
        scf.if %cond3A_316 {
          %get3A_330 = arith.index_cast %add3A_305 : i32 to index
          %get3A_331 = tpu.vector_load %arg25[%get3A_330] {strides = array<i32>} : memref<80xi32, #tpu.memory_space<vmem>>, vector<16xi32>,
          %slice3A_332 = vector.extract_strided_slice %get3A_331 {offsets = [0], sizes = [1], strides = [1]} : vector<16xi32> to vector<1xi32>
          %squeeze3A_333 = vector.extract %slice3A_332[0] : i32 from vector<1xi32>
          %swap3A_334 = arith.index_cast %add3A_305 : i32 to index
          %swap3A_335 = arith.index_cast %squeeze3A_333 : i32 to index
          %swap3A_336 = tpu.vector_load %arg31[%swap3A_334, %swap3A_335] {strides = array<i32>} : memref<64x128xf32, #tpu.memory_space<vmem>>, vector<16xf32>,
          tpu.vector_store %arg31[%swap3A_334, %swap3A_335], %broadcast_in_dim3A_3 {strides = array<i32>} : memref<64x128xf32, #tpu.memory_space<vmem>>, vector<16xf32>,
          %add3A_337 = arith.constant 16 : i32
          %add3A_338 = arith.addi %squeeze3A_333, %add3A_337 : i32
          %swap3A_339 = arith.index_cast %add3A_305 : i32 to index
          %swap3A_340 = arith.index_cast %add3A_338 : i32 to index
          %swap3A_341 = tpu.vector_load %arg31[%swap3A_339, %swap3A_340] {strides = array<i32>} : memref<64x128xf32, #tpu.memory_space<vmem>>, vector<16xf32>,
          tpu.vector_store %arg31[%swap3A_339, %swap3A_340], %broadcast_in_dim3A_3 {strides = array<i32>} : memref<64x128xf32, #tpu.memory_space<vmem>>, vector<16xf32>,
          %get3A_342 = arith.index_cast %add3A_305 : i32 to index
          %get3A_343 = tpu.vector_load %arg27[%get3A_342] {strides = array<i32>} : memref<80xi32, #tpu.memory_space<vmem>>, vector<16xi32>,
          %slice3A_344 = vector.extract_strided_slice %get3A_343 {offsets = [0], sizes = [1], strides = [1]} : vector<16xi32> to vector<1xi32>
          %squeeze3A_345 = vector.extract %slice3A_344[0] : i32 from vector<1xi32>
          %swap3A_346 = arith.index_cast %add3A_305 : i32 to index
          %swap3A_347 = arith.index_cast %squeeze3A_345 : i32 to index
          %swap3A_348 = tpu.vector_load %arg32[%swap3A_346, %swap3A_347] {strides = array<i32>} : memref<65x128xf32, #tpu.memory_space<vmem>>, vector<16xf32>,
          tpu.vector_store %arg32[%swap3A_346, %swap3A_347], %broadcast_in_dim3A_3 {strides = array<i32>} : memref<65x128xf32, #tpu.memory_space<vmem>>, vector<16xf32>,
          %get3A_349 = arith.index_cast %scan3A_307 : i32 to index
          %get3A_350 = arith.index_cast %mul3A_35 : i32 to index
          %get3A_351 = tpu.vector_load %arg16[%get3A_349, %get3A_350] {strides = array<i32>} : memref<64x128xf32, #tpu.memory_space<vmem>>, vector<16xf32>,
          %add3A_352 = arith.constant 16 : i32
          %add3A_353 = arith.addi %mul3A_35, %add3A_352 : i32
          %get3A_354 = arith.index_cast %scan3A_307 : i32 to index
          %get3A_355 = arith.index_cast %add3A_353 : i32 to index
          %get3A_356 = tpu.vector_load %arg16[%get3A_354, %get3A_355] {strides = array<i32>} : memref<64x128xf32, #tpu.memory_space<vmem>>, vector<16xf32>,
          %add3A_357 = arith.constant 32 : i32
          %add3A_358 = arith.addi %mul3A_35, %add3A_357 : i32
          %get3A_359 = arith.index_cast %scan3A_307 : i32 to index
          %get3A_360 = arith.index_cast %add3A_358 : i32 to index
          %get3A_361 = tpu.vector_load %arg16[%get3A_359, %get3A_360] {strides = array<i32>} : memref<64x128xf32, #tpu.memory_space<vmem>>, vector<16xf32>,
          %add3A_362 = arith.constant 48 : i32
          %add3A_363 = arith.addi %mul3A_35, %add3A_362 : i32
          %get3A_364 = arith.index_cast %scan3A_307 : i32 to index
          %get3A_365 = arith.index_cast %add3A_363 : i32 to index
          %get3A_366 = tpu.vector_load %arg16[%get3A_364, %get3A_365] {strides = array<i32>} : memref<64x128xf32, #tpu.memory_space<vmem>>, vector<16xf32>,
          %get3A_367 = arith.index_cast %scan3A_307 : i32 to index
          %get3A_368 = arith.index_cast %mul3A_37 : i32 to index
          %get3A_369 = tpu.vector_load %arg18[%get3A_367, %get3A_368] {strides = array<i32>} : memref<64x128xf32, #tpu.memory_space<vmem>>, vector<16xf32>,
          %add3A_370 = arith.constant 16 : i32
          %add3A_371 = arith.addi %mul3A_37, %add3A_370 : i32
          %get3A_372 = arith.index_cast %scan3A_307 : i32 to index
          %get3A_373 = arith.index_cast %add3A_371 : i32 to index
          %get3A_374 = tpu.vector_load %arg18[%get3A_372, %get3A_373] {strides = array<i32>} : memref<64x128xf32, #tpu.memory_space<vmem>>, vector<16xf32>,
          %mul3A_375 = arith.mulf %get3A_351, %get3A_369 : vector<16xf32>
          %lt3A_376 = arith.constant 0 : i32
          %lt3A_377 = vector.broadcast %lt3A_376 : i32 to vector<16xi32>
          %lt3A_378 = arith.cmpi slt, %xor3A_24, %lt3A_377 : vector<16xi32>
          %add3A_379 = arith.constant 16 : i32
          %add3A_380 = vector.broadcast %add3A_379 : i32 to vector<16xi32>
          %add3A_381 = arith.addi %xor3A_24, %add3A_380 : vector<16xi32>
          %select_n3A = arith.select %lt3A_378, %add3A_381, %xor3A_24 : vector<16xi1>, vector<16xi32>
          %broadcast_in_dim3A_382 = vector.shape_cast %select_n3A : vector<16xi32> to vector<16x1xi32>
          %gather3A = vector.shape_cast %broadcast_in_dim3A_382 : vector<16x1xi32> to vector<16xi32>
          %gather3A_383 = tpu.dynamic_gather %mul3A_375[%gather3A] in [0] : vector<16xf32>, vector<16xi32> -> vector<16xf32>
          %add3A_384 = arith.addf %mul3A_375, %gather3A_383 : vector<16xf32>
          %lt3A_385 = arith.constant 0 : i32
          %lt3A_386 = vector.broadcast %lt3A_385 : i32 to vector<16xi32>
          %lt3A_387 = arith.cmpi slt, %xor3A_27, %lt3A_386 : vector<16xi32>
          %add3A_388 = arith.constant 16 : i32
          %add3A_389 = vector.broadcast %add3A_388 : i32 to vector<16xi32>
          %add3A_390 = arith.addi %xor3A_27, %add3A_389 : vector<16xi32>
          %select_n3A_391 = arith.select %lt3A_387, %add3A_390, %xor3A_27 : vector<16xi1>, vector<16xi32>
          %broadcast_in_dim3A_392 = vector.shape_cast %select_n3A_391 : vector<16xi32> to vector<16x1xi32>
          %gather3A_393 = vector.shape_cast %broadcast_in_dim3A_392 : vector<16x1xi32> to vector<16xi32>
          %gather3A_394 = tpu.dynamic_gather %add3A_384[%gather3A_393] in [0] : vector<16xf32>, vector<16xi32> -> vector<16xf32>
          %add3A_395 = arith.addf %add3A_384, %gather3A_394 : vector<16xf32>
          %lt3A_396 = arith.constant 0 : i32
          %lt3A_397 = vector.broadcast %lt3A_396 : i32 to vector<16xi32>
          %lt3A_398 = arith.cmpi slt, %xor3A_30, %lt3A_397 : vector<16xi32>
          %add3A_399 = arith.constant 16 : i32
          %add3A_400 = vector.broadcast %add3A_399 : i32 to vector<16xi32>
          %add3A_401 = arith.addi %xor3A_30, %add3A_400 : vector<16xi32>
          %select_n3A_402 = arith.select %lt3A_398, %add3A_401, %xor3A_30 : vector<16xi1>, vector<16xi32>
          %broadcast_in_dim3A_403 = vector.shape_cast %select_n3A_402 : vector<16xi32> to vector<16x1xi32>
          %gather3A_404 = vector.shape_cast %broadcast_in_dim3A_403 : vector<16x1xi32> to vector<16xi32>
          %gather3A_405 = tpu.dynamic_gather %add3A_395[%gather3A_404] in [0] : vector<16xf32>, vector<16xi32> -> vector<16xf32>
          %add3A_406 = arith.addf %add3A_395, %gather3A_405 : vector<16xf32>
          %lt3A_407 = arith.constant 0 : i32
          %lt3A_408 = vector.broadcast %lt3A_407 : i32 to vector<16xi32>
          %lt3A_409 = arith.cmpi slt, %xor3A_33, %lt3A_408 : vector<16xi32>
          %add3A_410 = arith.constant 16 : i32
          %add3A_411 = vector.broadcast %add3A_410 : i32 to vector<16xi32>
          %add3A_412 = arith.addi %xor3A_33, %add3A_411 : vector<16xi32>
          %select_n3A_413 = arith.select %lt3A_409, %add3A_412, %xor3A_33 : vector<16xi1>, vector<16xi32>
          %broadcast_in_dim3A_414 = vector.shape_cast %select_n3A_413 : vector<16xi32> to vector<16x1xi32>
          %gather3A_415 = vector.shape_cast %broadcast_in_dim3A_414 : vector<16x1xi32> to vector<16xi32>
          %gather3A_416 = tpu.dynamic_gather %add3A_406[%gather3A_415] in [0] : vector<16xf32>, vector<16xi32> -> vector<16xf32>
          %add3A_417 = arith.addf %add3A_406, %gather3A_416 : vector<16xf32>
          %exp3A = math.exp %add3A_417 : vector<16xf32>
          %mul3A_418 = arith.mulf %get3A_356, %get3A_374 : vector<16xf32>
          %lt3A_419 = arith.constant 0 : i32
          %lt3A_420 = vector.broadcast %lt3A_419 : i32 to vector<16xi32>
          %lt3A_421 = arith.cmpi slt, %xor3A_24, %lt3A_420 : vector<16xi32>
          %add3A_422 = arith.constant 16 : i32
          %add3A_423 = vector.broadcast %add3A_422 : i32 to vector<16xi32>
          %add3A_424 = arith.addi %xor3A_24, %add3A_423 : vector<16xi32>
          %select_n3A_425 = arith.select %lt3A_421, %add3A_424, %xor3A_24 : vector<16xi1>, vector<16xi32>
          %broadcast_in_dim3A_426 = vector.shape_cast %select_n3A_425 : vector<16xi32> to vector<16x1xi32>
          %gather3A_427 = vector.shape_cast %broadcast_in_dim3A_426 : vector<16x1xi32> to vector<16xi32>
          %gather3A_428 = tpu.dynamic_gather %mul3A_418[%gather3A_427] in [0] : vector<16xf32>, vector<16xi32> -> vector<16xf32>
          %add3A_429 = arith.addf %mul3A_418, %gather3A_428 : vector<16xf32>
          %lt3A_430 = arith.constant 0 : i32
          %lt3A_431 = vector.broadcast %lt3A_430 : i32 to vector<16xi32>
          %lt3A_432 = arith.cmpi slt, %xor3A_27, %lt3A_431 : vector<16xi32>
          %add3A_433 = arith.constant 16 : i32
          %add3A_434 = vector.broadcast %add3A_433 : i32 to vector<16xi32>
          %add3A_435 = arith.addi %xor3A_27, %add3A_434 : vector<16xi32>
          %select_n3A_436 = arith.select %lt3A_432, %add3A_435, %xor3A_27 : vector<16xi1>, vector<16xi32>
          %broadcast_in_dim3A_437 = vector.shape_cast %select_n3A_436 : vector<16xi32> to vector<16x1xi32>
          %gather3A_438 = vector.shape_cast %broadcast_in_dim3A_437 : vector<16x1xi32> to vector<16xi32>
          %gather3A_439 = tpu.dynamic_gather %add3A_429[%gather3A_438] in [0] : vector<16xf32>, vector<16xi32> -> vector<16xf32>
          %add3A_440 = arith.addf %add3A_429, %gather3A_439 : vector<16xf32>
          %lt3A_441 = arith.constant 0 : i32
          %lt3A_442 = vector.broadcast %lt3A_441 : i32 to vector<16xi32>
          %lt3A_443 = arith.cmpi slt, %xor3A_30, %lt3A_442 : vector<16xi32>
          %add3A_444 = arith.constant 16 : i32
          %add3A_445 = vector.broadcast %add3A_444 : i32 to vector<16xi32>
          %add3A_446 = arith.addi %xor3A_30, %add3A_445 : vector<16xi32>
          %select_n3A_447 = arith.select %lt3A_443, %add3A_446, %xor3A_30 : vector<16xi1>, vector<16xi32>
          %broadcast_in_dim3A_448 = vector.shape_cast %select_n3A_447 : vector<16xi32> to vector<16x1xi32>
          %gather3A_449 = vector.shape_cast %broadcast_in_dim3A_448 : vector<16x1xi32> to vector<16xi32>
          %gather3A_450 = tpu.dynamic_gather %add3A_440[%gather3A_449] in [0] : vector<16xf32>, vector<16xi32> -> vector<16xf32>
          %add3A_451 = arith.addf %add3A_440, %gather3A_450 : vector<16xf32>
          %lt3A_452 = arith.constant 0 : i32
          %lt3A_453 = vector.broadcast %lt3A_452 : i32 to vector<16xi32>
          %lt3A_454 = arith.cmpi slt, %xor3A_33, %lt3A_453 : vector<16xi32>
          %add3A_455 = arith.constant 16 : i32
          %add3A_456 = vector.broadcast %add3A_455 : i32 to vector<16xi32>
          %add3A_457 = arith.addi %xor3A_33, %add3A_456 : vector<16xi32>
          %select_n3A_458 = arith.select %lt3A_454, %add3A_457, %xor3A_33 : vector<16xi1>, vector<16xi32>
          %broadcast_in_dim3A_459 = vector.shape_cast %select_n3A_458 : vector<16xi32> to vector<16x1xi32>
          %gather3A_460 = vector.shape_cast %broadcast_in_dim3A_459 : vector<16x1xi32> to vector<16xi32>
          %gather3A_461 = tpu.dynamic_gather %add3A_451[%gather3A_460] in [0] : vector<16xf32>, vector<16xi32> -> vector<16xf32>
          %add3A_462 = arith.addf %add3A_451, %gather3A_461 : vector<16xf32>
          %exp3A_463 = math.exp %add3A_462 : vector<16xf32>
          %get3A_464 = arith.index_cast %scan3A_307 : i32 to index
          %get3A_465 = tpu.vector_load %arg24[%get3A_464] {strides = array<i32>} : memref<80xi32, #tpu.memory_space<vmem>>, vector<16xi32>,
          %slice3A_466 = vector.extract_strided_slice %get3A_465 {offsets = [0], sizes = [1], strides = [1]} : vector<16xi32> to vector<1xi32>
          %squeeze3A_467 = vector.extract %slice3A_466[0] : i32 from vector<1xi32>
          %mul3A_468 = arith.mulf %get3A_361, %exp3A : vector<16xf32>
          %swap3A_469 = arith.index_cast %add3A_305 : i32 to index
          %swap3A_470 = arith.index_cast %squeeze3A_467 : i32 to index
          %swap3A_471 = tpu.vector_load %arg31[%swap3A_469, %swap3A_470] {strides = array<i32>} : memref<64x128xf32, #tpu.memory_space<vmem>>, vector<16xf32>,
          tpu.vector_store %arg31[%swap3A_469, %swap3A_470], %mul3A_468 {strides = array<i32>} : memref<64x128xf32, #tpu.memory_space<vmem>>, vector<16xf32>,
          %mul3A_472 = arith.mulf %get3A_366, %exp3A_463 : vector<16xf32>
          %add3A_473 = arith.constant 16 : i32
          %add3A_474 = arith.addi %squeeze3A_467, %add3A_473 : i32
          %swap3A_475 = arith.index_cast %add3A_305 : i32 to index
          %swap3A_476 = arith.index_cast %add3A_474 : i32 to index
          %swap3A_477 = tpu.vector_load %arg31[%swap3A_475, %swap3A_476] {strides = array<i32>} : memref<64x128xf32, #tpu.memory_space<vmem>>, vector<16xf32>,
          tpu.vector_store %arg31[%swap3A_475, %swap3A_476], %mul3A_472 {strides = array<i32>} : memref<64x128xf32, #tpu.memory_space<vmem>>, vector<16xf32>,
          %eq3A_478 = arith.constant 0 : i32
          %eq3A_479 = vector.broadcast %eq3A_478 : i32 to vector<16xi32>
          %eq3A_480 = arith.cmpi eq, %iota3A, %eq3A_479 : vector<16xi32>
          %eq3A_481 = arith.constant 1 : i32
          %eq3A_482 = vector.broadcast %eq3A_481 : i32 to vector<16xi32>
          %eq3A_483 = arith.cmpi eq, %iota3A, %eq3A_482 : vector<16xi32>
          %jit3A = arith.constant 0.000000e+00 : f32
          %broadcast_in_dim3A_484 = vector.broadcast %jit3A : f32 to vector<16xf32>
          %select_n3A_485 = arith.select %eq3A_483, %exp3A_463, %broadcast_in_dim3A_484 : vector<16xi1>, vector<16xf32>
          %select_n3A_486 = arith.select %eq3A_480, %exp3A, %select_n3A_485 : vector<16xi1>, vector<16xf32>
          %get3A_487 = arith.index_cast %scan3A_307 : i32 to index
          %get3A_488 = tpu.vector_load %arg26[%get3A_487] {strides = array<i32>} : memref<80xi32, #tpu.memory_space<vmem>>, vector<16xi32>,
          %slice3A_489 = vector.extract_strided_slice %get3A_488 {offsets = [0], sizes = [1], strides = [1]} : vector<16xi32> to vector<1xi32>
          %squeeze3A_490 = vector.extract %slice3A_489[0] : i32 from vector<1xi32>
          %swap3A_491 = arith.index_cast %add3A_305 : i32 to index
          %swap3A_492 = arith.index_cast %squeeze3A_490 : i32 to index
          %swap3A_493 = tpu.vector_load %arg32[%swap3A_491, %swap3A_492] {strides = array<i32>} : memref<65x128xf32, #tpu.memory_space<vmem>>, vector<16xf32>,
          tpu.vector_store %arg32[%swap3A_491, %swap3A_492], %select_n3A_486 {strides = array<i32>} : memref<65x128xf32, #tpu.memory_space<vmem>>, vector<16xf32>,
          %broadcast_in_dim3A_494 = vector.broadcast %add3A_305 : i32 to vector<16xi32>
          %broadcast_in_dim3A_495 = vector.broadcast %squeeze3A_467 : i32 to vector<16xi32>
          tpu.vector_store_idx %arg25[%broadcast_in_dim3A_494], %broadcast_in_dim3A_495 masked %eq3A_66 : memref<80xi32, #tpu.memory_space<vmem>>[vector<16xi32>], vector<16xi32>, vector<16xi1>
          %broadcast_in_dim3A_496 = vector.broadcast %add3A_305 : i32 to vector<16xi32>
          %broadcast_in_dim3A_497 = vector.broadcast %squeeze3A_490 : i32 to vector<16xi32>
          tpu.vector_store_idx %arg27[%broadcast_in_dim3A_496], %broadcast_in_dim3A_497 masked %eq3A_66 : memref<80xi32, #tpu.memory_space<vmem>>[vector<16xi32>], vector<16xi32>, vector<16xi1>
          %shift_right_arithmetic3A = arith.constant 5 : i32
          %shift_right_arithmetic3A_498 = arith.shrsi %add3A_305, %shift_right_arithmetic3A : i32
          %broadcast_in_dim3A_499 = vector.broadcast %shift_right_arithmetic3A_498 : i32 to vector<16xi32>
          %and3A = arith.constant 31 : i32
          %and3A_500 = arith.andi %add3A_305, %and3A : i32
          %broadcast_in_dim3A_501 = vector.broadcast %and3A_500 : i32 to vector<16xi32>
          %get3A_502 = arith.index_cast %scan3A_307 : i32 to index
          %get3A_503 = tpu.vector_load %arg29[%get3A_502] {strides = array<i32>} : memref<80xi32, #tpu.memory_space<vmem>>, vector<16xi32>,
          %slice3A_504 = vector.extract_strided_slice %get3A_503 {offsets = [0], sizes = [1], strides = [1]} : vector<16xi32> to vector<1xi32>
          %squeeze3A_505 = vector.extract %slice3A_504[0] : i32 from vector<1xi32>
          %broadcast_in_dim3A_506 = vector.broadcast %squeeze3A_505 : i32 to vector<16xi32>
          tpu.vector_store_idx %arg20[%broadcast_in_dim3A_499, %broadcast_in_dim3A_501], %broadcast_in_dim3A_506 masked %eq3A_66 : memref<2x32xi32, #tpu.memory_space<vmem>>[vector<16xi32>, vector<16xi32>], vector<16xi32>, vector<16xi1>
          %get3A_507 = arith.index_cast %scan3A_307 : i32 to index
          %get3A_508 = tpu.vector_load %arg30[%get3A_507] {strides = array<i32>} : memref<80xi32, #tpu.memory_space<vmem>>, vector<16xi32>,
          %slice3A_509 = vector.extract_strided_slice %get3A_508 {offsets = [0], sizes = [1], strides = [1]} : vector<16xi32> to vector<1xi32>
          %squeeze3A_510 = vector.extract %slice3A_509[0] : i32 from vector<1xi32>
          %broadcast_in_dim3A_511 = vector.broadcast %squeeze3A_510 : i32 to vector<16xi32>
          tpu.vector_store_idx %arg22[%broadcast_in_dim3A_499, %broadcast_in_dim3A_501], %broadcast_in_dim3A_511 masked %eq3A_66 : memref<2x32xi32, #tpu.memory_space<vmem>>[vector<16xi32>, vector<16xi32>], vector<16xi32>, vector<16xi1>
        } else {
        }
        %add3A_317 = arith.addi %add3A_305, %squeeze3A_311 : i32
        %scan3A_318 = arith.constant 3 : i32
        %scan3A_319 = arith.addi %scan3A_285, %scan3A_318 : i32
        %get3A_320 = arith.index_cast %scan3A_319 : i32 to index
        %get3A_321 = tpu.vector_load %arg28[%get3A_320] {strides = array<i32>} : memref<80xi32, #tpu.memory_space<vmem>>, vector<16xi32>,
        %slice3A_322 = vector.extract_strided_slice %get3A_321 {offsets = [0], sizes = [1], strides = [1]} : vector<16xi32> to vector<1xi32>
        %squeeze3A_323 = vector.extract %slice3A_322[0] : i32 from vector<1xi32>
        %gt3A_324 = arith.constant 0 : i32
        %gt3A_325 = arith.cmpi sgt, %squeeze3A_323, %gt3A_324 : i32
        %convert_element_type3A_326 = arith.extui %gt3A_325 : i1 to i32
        %cond3A_327 = arith.constant 0 : i32
        %cond3A_328 = arith.cmpi ne, %convert_element_type3A_326, %cond3A_327 : i32
        scf.if %cond3A_328 {
          %get3A_330 = arith.index_cast %add3A_317 : i32 to index
          %get3A_331 = tpu.vector_load %arg25[%get3A_330] {strides = array<i32>} : memref<80xi32, #tpu.memory_space<vmem>>, vector<16xi32>,
          %slice3A_332 = vector.extract_strided_slice %get3A_331 {offsets = [0], sizes = [1], strides = [1]} : vector<16xi32> to vector<1xi32>
          %squeeze3A_333 = vector.extract %slice3A_332[0] : i32 from vector<1xi32>
          %swap3A_334 = arith.index_cast %add3A_317 : i32 to index
          %swap3A_335 = arith.index_cast %squeeze3A_333 : i32 to index
          %swap3A_336 = tpu.vector_load %arg31[%swap3A_334, %swap3A_335] {strides = array<i32>} : memref<64x128xf32, #tpu.memory_space<vmem>>, vector<16xf32>,
          tpu.vector_store %arg31[%swap3A_334, %swap3A_335], %broadcast_in_dim3A_3 {strides = array<i32>} : memref<64x128xf32, #tpu.memory_space<vmem>>, vector<16xf32>,
          %add3A_337 = arith.constant 16 : i32
          %add3A_338 = arith.addi %squeeze3A_333, %add3A_337 : i32
          %swap3A_339 = arith.index_cast %add3A_317 : i32 to index
          %swap3A_340 = arith.index_cast %add3A_338 : i32 to index
          %swap3A_341 = tpu.vector_load %arg31[%swap3A_339, %swap3A_340] {strides = array<i32>} : memref<64x128xf32, #tpu.memory_space<vmem>>, vector<16xf32>,
          tpu.vector_store %arg31[%swap3A_339, %swap3A_340], %broadcast_in_dim3A_3 {strides = array<i32>} : memref<64x128xf32, #tpu.memory_space<vmem>>, vector<16xf32>,
          %get3A_342 = arith.index_cast %add3A_317 : i32 to index
          %get3A_343 = tpu.vector_load %arg27[%get3A_342] {strides = array<i32>} : memref<80xi32, #tpu.memory_space<vmem>>, vector<16xi32>,
          %slice3A_344 = vector.extract_strided_slice %get3A_343 {offsets = [0], sizes = [1], strides = [1]} : vector<16xi32> to vector<1xi32>
          %squeeze3A_345 = vector.extract %slice3A_344[0] : i32 from vector<1xi32>
          %swap3A_346 = arith.index_cast %add3A_317 : i32 to index
          %swap3A_347 = arith.index_cast %squeeze3A_345 : i32 to index
          %swap3A_348 = tpu.vector_load %arg32[%swap3A_346, %swap3A_347] {strides = array<i32>} : memref<65x128xf32, #tpu.memory_space<vmem>>, vector<16xf32>,
          tpu.vector_store %arg32[%swap3A_346, %swap3A_347], %broadcast_in_dim3A_3 {strides = array<i32>} : memref<65x128xf32, #tpu.memory_space<vmem>>, vector<16xf32>,
          %get3A_349 = arith.index_cast %scan3A_319 : i32 to index
          %get3A_350 = arith.index_cast %mul3A_35 : i32 to index
          %get3A_351 = tpu.vector_load %arg16[%get3A_349, %get3A_350] {strides = array<i32>} : memref<64x128xf32, #tpu.memory_space<vmem>>, vector<16xf32>,
          %add3A_352 = arith.constant 16 : i32
          %add3A_353 = arith.addi %mul3A_35, %add3A_352 : i32
          %get3A_354 = arith.index_cast %scan3A_319 : i32 to index
          %get3A_355 = arith.index_cast %add3A_353 : i32 to index
          %get3A_356 = tpu.vector_load %arg16[%get3A_354, %get3A_355] {strides = array<i32>} : memref<64x128xf32, #tpu.memory_space<vmem>>, vector<16xf32>,
          %add3A_357 = arith.constant 32 : i32
          %add3A_358 = arith.addi %mul3A_35, %add3A_357 : i32
          %get3A_359 = arith.index_cast %scan3A_319 : i32 to index
          %get3A_360 = arith.index_cast %add3A_358 : i32 to index
          %get3A_361 = tpu.vector_load %arg16[%get3A_359, %get3A_360] {strides = array<i32>} : memref<64x128xf32, #tpu.memory_space<vmem>>, vector<16xf32>,
          %add3A_362 = arith.constant 48 : i32
          %add3A_363 = arith.addi %mul3A_35, %add3A_362 : i32
          %get3A_364 = arith.index_cast %scan3A_319 : i32 to index
          %get3A_365 = arith.index_cast %add3A_363 : i32 to index
          %get3A_366 = tpu.vector_load %arg16[%get3A_364, %get3A_365] {strides = array<i32>} : memref<64x128xf32, #tpu.memory_space<vmem>>, vector<16xf32>,
          %get3A_367 = arith.index_cast %scan3A_319 : i32 to index
          %get3A_368 = arith.index_cast %mul3A_37 : i32 to index
          %get3A_369 = tpu.vector_load %arg18[%get3A_367, %get3A_368] {strides = array<i32>} : memref<64x128xf32, #tpu.memory_space<vmem>>, vector<16xf32>,
          %add3A_370 = arith.constant 16 : i32
          %add3A_371 = arith.addi %mul3A_37, %add3A_370 : i32
          %get3A_372 = arith.index_cast %scan3A_319 : i32 to index
          %get3A_373 = arith.index_cast %add3A_371 : i32 to index
          %get3A_374 = tpu.vector_load %arg18[%get3A_372, %get3A_373] {strides = array<i32>} : memref<64x128xf32, #tpu.memory_space<vmem>>, vector<16xf32>,
          %mul3A_375 = arith.mulf %get3A_351, %get3A_369 : vector<16xf32>
          %lt3A_376 = arith.constant 0 : i32
          %lt3A_377 = vector.broadcast %lt3A_376 : i32 to vector<16xi32>
          %lt3A_378 = arith.cmpi slt, %xor3A_24, %lt3A_377 : vector<16xi32>
          %add3A_379 = arith.constant 16 : i32
          %add3A_380 = vector.broadcast %add3A_379 : i32 to vector<16xi32>
          %add3A_381 = arith.addi %xor3A_24, %add3A_380 : vector<16xi32>
          %select_n3A = arith.select %lt3A_378, %add3A_381, %xor3A_24 : vector<16xi1>, vector<16xi32>
          %broadcast_in_dim3A_382 = vector.shape_cast %select_n3A : vector<16xi32> to vector<16x1xi32>
          %gather3A = vector.shape_cast %broadcast_in_dim3A_382 : vector<16x1xi32> to vector<16xi32>
          %gather3A_383 = tpu.dynamic_gather %mul3A_375[%gather3A] in [0] : vector<16xf32>, vector<16xi32> -> vector<16xf32>
          %add3A_384 = arith.addf %mul3A_375, %gather3A_383 : vector<16xf32>
          %lt3A_385 = arith.constant 0 : i32
          %lt3A_386 = vector.broadcast %lt3A_385 : i32 to vector<16xi32>
          %lt3A_387 = arith.cmpi slt, %xor3A_27, %lt3A_386 : vector<16xi32>
          %add3A_388 = arith.constant 16 : i32
          %add3A_389 = vector.broadcast %add3A_388 : i32 to vector<16xi32>
          %add3A_390 = arith.addi %xor3A_27, %add3A_389 : vector<16xi32>
          %select_n3A_391 = arith.select %lt3A_387, %add3A_390, %xor3A_27 : vector<16xi1>, vector<16xi32>
          %broadcast_in_dim3A_392 = vector.shape_cast %select_n3A_391 : vector<16xi32> to vector<16x1xi32>
          %gather3A_393 = vector.shape_cast %broadcast_in_dim3A_392 : vector<16x1xi32> to vector<16xi32>
          %gather3A_394 = tpu.dynamic_gather %add3A_384[%gather3A_393] in [0] : vector<16xf32>, vector<16xi32> -> vector<16xf32>
          %add3A_395 = arith.addf %add3A_384, %gather3A_394 : vector<16xf32>
          %lt3A_396 = arith.constant 0 : i32
          %lt3A_397 = vector.broadcast %lt3A_396 : i32 to vector<16xi32>
          %lt3A_398 = arith.cmpi slt, %xor3A_30, %lt3A_397 : vector<16xi32>
          %add3A_399 = arith.constant 16 : i32
          %add3A_400 = vector.broadcast %add3A_399 : i32 to vector<16xi32>
          %add3A_401 = arith.addi %xor3A_30, %add3A_400 : vector<16xi32>
          %select_n3A_402 = arith.select %lt3A_398, %add3A_401, %xor3A_30 : vector<16xi1>, vector<16xi32>
          %broadcast_in_dim3A_403 = vector.shape_cast %select_n3A_402 : vector<16xi32> to vector<16x1xi32>
          %gather3A_404 = vector.shape_cast %broadcast_in_dim3A_403 : vector<16x1xi32> to vector<16xi32>
          %gather3A_405 = tpu.dynamic_gather %add3A_395[%gather3A_404] in [0] : vector<16xf32>, vector<16xi32> -> vector<16xf32>
          %add3A_406 = arith.addf %add3A_395, %gather3A_405 : vector<16xf32>
          %lt3A_407 = arith.constant 0 : i32
          %lt3A_408 = vector.broadcast %lt3A_407 : i32 to vector<16xi32>
          %lt3A_409 = arith.cmpi slt, %xor3A_33, %lt3A_408 : vector<16xi32>
          %add3A_410 = arith.constant 16 : i32
          %add3A_411 = vector.broadcast %add3A_410 : i32 to vector<16xi32>
          %add3A_412 = arith.addi %xor3A_33, %add3A_411 : vector<16xi32>
          %select_n3A_413 = arith.select %lt3A_409, %add3A_412, %xor3A_33 : vector<16xi1>, vector<16xi32>
          %broadcast_in_dim3A_414 = vector.shape_cast %select_n3A_413 : vector<16xi32> to vector<16x1xi32>
          %gather3A_415 = vector.shape_cast %broadcast_in_dim3A_414 : vector<16x1xi32> to vector<16xi32>
          %gather3A_416 = tpu.dynamic_gather %add3A_406[%gather3A_415] in [0] : vector<16xf32>, vector<16xi32> -> vector<16xf32>
          %add3A_417 = arith.addf %add3A_406, %gather3A_416 : vector<16xf32>
          %exp3A = math.exp %add3A_417 : vector<16xf32>
          %mul3A_418 = arith.mulf %get3A_356, %get3A_374 : vector<16xf32>
          %lt3A_419 = arith.constant 0 : i32
          %lt3A_420 = vector.broadcast %lt3A_419 : i32 to vector<16xi32>
          %lt3A_421 = arith.cmpi slt, %xor3A_24, %lt3A_420 : vector<16xi32>
          %add3A_422 = arith.constant 16 : i32
          %add3A_423 = vector.broadcast %add3A_422 : i32 to vector<16xi32>
          %add3A_424 = arith.addi %xor3A_24, %add3A_423 : vector<16xi32>
          %select_n3A_425 = arith.select %lt3A_421, %add3A_424, %xor3A_24 : vector<16xi1>, vector<16xi32>
          %broadcast_in_dim3A_426 = vector.shape_cast %select_n3A_425 : vector<16xi32> to vector<16x1xi32>
          %gather3A_427 = vector.shape_cast %broadcast_in_dim3A_426 : vector<16x1xi32> to vector<16xi32>
          %gather3A_428 = tpu.dynamic_gather %mul3A_418[%gather3A_427] in [0] : vector<16xf32>, vector<16xi32> -> vector<16xf32>
          %add3A_429 = arith.addf %mul3A_418, %gather3A_428 : vector<16xf32>
          %lt3A_430 = arith.constant 0 : i32
          %lt3A_431 = vector.broadcast %lt3A_430 : i32 to vector<16xi32>
          %lt3A_432 = arith.cmpi slt, %xor3A_27, %lt3A_431 : vector<16xi32>
          %add3A_433 = arith.constant 16 : i32
          %add3A_434 = vector.broadcast %add3A_433 : i32 to vector<16xi32>
          %add3A_435 = arith.addi %xor3A_27, %add3A_434 : vector<16xi32>
          %select_n3A_436 = arith.select %lt3A_432, %add3A_435, %xor3A_27 : vector<16xi1>, vector<16xi32>
          %broadcast_in_dim3A_437 = vector.shape_cast %select_n3A_436 : vector<16xi32> to vector<16x1xi32>
          %gather3A_438 = vector.shape_cast %broadcast_in_dim3A_437 : vector<16x1xi32> to vector<16xi32>
          %gather3A_439 = tpu.dynamic_gather %add3A_429[%gather3A_438] in [0] : vector<16xf32>, vector<16xi32> -> vector<16xf32>
          %add3A_440 = arith.addf %add3A_429, %gather3A_439 : vector<16xf32>
          %lt3A_441 = arith.constant 0 : i32
          %lt3A_442 = vector.broadcast %lt3A_441 : i32 to vector<16xi32>
          %lt3A_443 = arith.cmpi slt, %xor3A_30, %lt3A_442 : vector<16xi32>
          %add3A_444 = arith.constant 16 : i32
          %add3A_445 = vector.broadcast %add3A_444 : i32 to vector<16xi32>
          %add3A_446 = arith.addi %xor3A_30, %add3A_445 : vector<16xi32>
          %select_n3A_447 = arith.select %lt3A_443, %add3A_446, %xor3A_30 : vector<16xi1>, vector<16xi32>
          %broadcast_in_dim3A_448 = vector.shape_cast %select_n3A_447 : vector<16xi32> to vector<16x1xi32>
          %gather3A_449 = vector.shape_cast %broadcast_in_dim3A_448 : vector<16x1xi32> to vector<16xi32>
          %gather3A_450 = tpu.dynamic_gather %add3A_440[%gather3A_449] in [0] : vector<16xf32>, vector<16xi32> -> vector<16xf32>
          %add3A_451 = arith.addf %add3A_440, %gather3A_450 : vector<16xf32>
          %lt3A_452 = arith.constant 0 : i32
          %lt3A_453 = vector.broadcast %lt3A_452 : i32 to vector<16xi32>
          %lt3A_454 = arith.cmpi slt, %xor3A_33, %lt3A_453 : vector<16xi32>
          %add3A_455 = arith.constant 16 : i32
          %add3A_456 = vector.broadcast %add3A_455 : i32 to vector<16xi32>
          %add3A_457 = arith.addi %xor3A_33, %add3A_456 : vector<16xi32>
          %select_n3A_458 = arith.select %lt3A_454, %add3A_457, %xor3A_33 : vector<16xi1>, vector<16xi32>
          %broadcast_in_dim3A_459 = vector.shape_cast %select_n3A_458 : vector<16xi32> to vector<16x1xi32>
          %gather3A_460 = vector.shape_cast %broadcast_in_dim3A_459 : vector<16x1xi32> to vector<16xi32>
          %gather3A_461 = tpu.dynamic_gather %add3A_451[%gather3A_460] in [0] : vector<16xf32>, vector<16xi32> -> vector<16xf32>
          %add3A_462 = arith.addf %add3A_451, %gather3A_461 : vector<16xf32>
          %exp3A_463 = math.exp %add3A_462 : vector<16xf32>
          %get3A_464 = arith.index_cast %scan3A_319 : i32 to index
          %get3A_465 = tpu.vector_load %arg24[%get3A_464] {strides = array<i32>} : memref<80xi32, #tpu.memory_space<vmem>>, vector<16xi32>,
          %slice3A_466 = vector.extract_strided_slice %get3A_465 {offsets = [0], sizes = [1], strides = [1]} : vector<16xi32> to vector<1xi32>
          %squeeze3A_467 = vector.extract %slice3A_466[0] : i32 from vector<1xi32>
          %mul3A_468 = arith.mulf %get3A_361, %exp3A : vector<16xf32>
          %swap3A_469 = arith.index_cast %add3A_317 : i32 to index
          %swap3A_470 = arith.index_cast %squeeze3A_467 : i32 to index
          %swap3A_471 = tpu.vector_load %arg31[%swap3A_469, %swap3A_470] {strides = array<i32>} : memref<64x128xf32, #tpu.memory_space<vmem>>, vector<16xf32>,
          tpu.vector_store %arg31[%swap3A_469, %swap3A_470], %mul3A_468 {strides = array<i32>} : memref<64x128xf32, #tpu.memory_space<vmem>>, vector<16xf32>,
          %mul3A_472 = arith.mulf %get3A_366, %exp3A_463 : vector<16xf32>
          %add3A_473 = arith.constant 16 : i32
          %add3A_474 = arith.addi %squeeze3A_467, %add3A_473 : i32
          %swap3A_475 = arith.index_cast %add3A_317 : i32 to index
          %swap3A_476 = arith.index_cast %add3A_474 : i32 to index
          %swap3A_477 = tpu.vector_load %arg31[%swap3A_475, %swap3A_476] {strides = array<i32>} : memref<64x128xf32, #tpu.memory_space<vmem>>, vector<16xf32>,
          tpu.vector_store %arg31[%swap3A_475, %swap3A_476], %mul3A_472 {strides = array<i32>} : memref<64x128xf32, #tpu.memory_space<vmem>>, vector<16xf32>,
          %eq3A_478 = arith.constant 0 : i32
          %eq3A_479 = vector.broadcast %eq3A_478 : i32 to vector<16xi32>
          %eq3A_480 = arith.cmpi eq, %iota3A, %eq3A_479 : vector<16xi32>
          %eq3A_481 = arith.constant 1 : i32
          %eq3A_482 = vector.broadcast %eq3A_481 : i32 to vector<16xi32>
          %eq3A_483 = arith.cmpi eq, %iota3A, %eq3A_482 : vector<16xi32>
          %jit3A = arith.constant 0.000000e+00 : f32
          %broadcast_in_dim3A_484 = vector.broadcast %jit3A : f32 to vector<16xf32>
          %select_n3A_485 = arith.select %eq3A_483, %exp3A_463, %broadcast_in_dim3A_484 : vector<16xi1>, vector<16xf32>
          %select_n3A_486 = arith.select %eq3A_480, %exp3A, %select_n3A_485 : vector<16xi1>, vector<16xf32>
          %get3A_487 = arith.index_cast %scan3A_319 : i32 to index
          %get3A_488 = tpu.vector_load %arg26[%get3A_487] {strides = array<i32>} : memref<80xi32, #tpu.memory_space<vmem>>, vector<16xi32>,
          %slice3A_489 = vector.extract_strided_slice %get3A_488 {offsets = [0], sizes = [1], strides = [1]} : vector<16xi32> to vector<1xi32>
          %squeeze3A_490 = vector.extract %slice3A_489[0] : i32 from vector<1xi32>
          %swap3A_491 = arith.index_cast %add3A_317 : i32 to index
          %swap3A_492 = arith.index_cast %squeeze3A_490 : i32 to index
          %swap3A_493 = tpu.vector_load %arg32[%swap3A_491, %swap3A_492] {strides = array<i32>} : memref<65x128xf32, #tpu.memory_space<vmem>>, vector<16xf32>,
          tpu.vector_store %arg32[%swap3A_491, %swap3A_492], %select_n3A_486 {strides = array<i32>} : memref<65x128xf32, #tpu.memory_space<vmem>>, vector<16xf32>,
          %broadcast_in_dim3A_494 = vector.broadcast %add3A_317 : i32 to vector<16xi32>
          %broadcast_in_dim3A_495 = vector.broadcast %squeeze3A_467 : i32 to vector<16xi32>
          tpu.vector_store_idx %arg25[%broadcast_in_dim3A_494], %broadcast_in_dim3A_495 masked %eq3A_66 : memref<80xi32, #tpu.memory_space<vmem>>[vector<16xi32>], vector<16xi32>, vector<16xi1>
          %broadcast_in_dim3A_496 = vector.broadcast %add3A_317 : i32 to vector<16xi32>
          %broadcast_in_dim3A_497 = vector.broadcast %squeeze3A_490 : i32 to vector<16xi32>
          tpu.vector_store_idx %arg27[%broadcast_in_dim3A_496], %broadcast_in_dim3A_497 masked %eq3A_66 : memref<80xi32, #tpu.memory_space<vmem>>[vector<16xi32>], vector<16xi32>, vector<16xi1>
          %shift_right_arithmetic3A = arith.constant 5 : i32
          %shift_right_arithmetic3A_498 = arith.shrsi %add3A_317, %shift_right_arithmetic3A : i32
          %broadcast_in_dim3A_499 = vector.broadcast %shift_right_arithmetic3A_498 : i32 to vector<16xi32>
          %and3A = arith.constant 31 : i32
          %and3A_500 = arith.andi %add3A_317, %and3A : i32
          %broadcast_in_dim3A_501 = vector.broadcast %and3A_500 : i32 to vector<16xi32>
          %get3A_502 = arith.index_cast %scan3A_319 : i32 to index
          %get3A_503 = tpu.vector_load %arg29[%get3A_502] {strides = array<i32>} : memref<80xi32, #tpu.memory_space<vmem>>, vector<16xi32>,
          %slice3A_504 = vector.extract_strided_slice %get3A_503 {offsets = [0], sizes = [1], strides = [1]} : vector<16xi32> to vector<1xi32>
          %squeeze3A_505 = vector.extract %slice3A_504[0] : i32 from vector<1xi32>
          %broadcast_in_dim3A_506 = vector.broadcast %squeeze3A_505 : i32 to vector<16xi32>
          tpu.vector_store_idx %arg20[%broadcast_in_dim3A_499, %broadcast_in_dim3A_501], %broadcast_in_dim3A_506 masked %eq3A_66 : memref<2x32xi32, #tpu.memory_space<vmem>>[vector<16xi32>, vector<16xi32>], vector<16xi32>, vector<16xi1>
          %get3A_507 = arith.index_cast %scan3A_319 : i32 to index
          %get3A_508 = tpu.vector_load %arg30[%get3A_507] {strides = array<i32>} : memref<80xi32, #tpu.memory_space<vmem>>, vector<16xi32>,
          %slice3A_509 = vector.extract_strided_slice %get3A_508 {offsets = [0], sizes = [1], strides = [1]} : vector<16xi32> to vector<1xi32>
          %squeeze3A_510 = vector.extract %slice3A_509[0] : i32 from vector<1xi32>
          %broadcast_in_dim3A_511 = vector.broadcast %squeeze3A_510 : i32 to vector<16xi32>
          tpu.vector_store_idx %arg22[%broadcast_in_dim3A_499, %broadcast_in_dim3A_501], %broadcast_in_dim3A_511 masked %eq3A_66 : memref<2x32xi32, #tpu.memory_space<vmem>>[vector<16xi32>, vector<16xi32>], vector<16xi32>, vector<16xi1>
        } else {
        }
        %add3A_329 = arith.addi %add3A_317, %squeeze3A_323 : i32
        scf.yield %add3A_329 : i32
      }
      %scan3A_164 = arith.constant 64 : i32
      %dma_start3A_165 = arith.constant 0 : i32
      %dma_start3A_166 = arith.constant 0 : i32
      %dma_start3A_167 = arith.constant 0 : i32
      %dma_start3A_168 = tpu.memref_slice %arg31[%dma_start3A_166, %dma_start3A_167] : memref<64x128xf32, #tpu.memory_space<vmem>> -> memref<32x128xf32, #tpu.memory_space<vmem>>
      %dma_start3A_169 = arith.constant 0 : i32
      %dma_start3A_170 = tpu.memref_slice %arg20[%dma_start3A_165, %dma_start3A_169] : memref<2x32xi32, #tpu.memory_space<vmem>> -> memref<1x32xi32, #tpu.memory_space<vmem>>
      %dma_start3A_171 = tpu.memref_squeeze %dma_start3A_170 : memref<1x32xi32, #tpu.memory_space<vmem>> -> memref<32xi32, #tpu.memory_space<vmem>>
      %dma_start3A_172 = arith.constant 0 : i32
      %dma_start3A_173 = arith.constant 0 : i32
      %dma_start3A_174 = tpu.memref_slice %arg10[%dma_start3A_172, %dma_start3A_173] : memref<4224x128xf32, #tpu.memory_space<vmem_shared>> -> memref<4224x128xf32, #tpu.memory_space<vmem_shared>>
      tpu.enqueue_indirect_dma source(%dma_start3A_168 : memref<32x128xf32, #tpu.memory_space<vmem>>) target(%dma_start3A_174 : memref<4224x128xf32, #tpu.memory_space<vmem_shared>>) offsets(%dma_start3A_171 : memref<32xi32, #tpu.memory_space<vmem>>) semaphore(%arg35 : memref<!tpu.dma_semaphore, #tpu.memory_space<semaphore_mem>>) {add = true}
      %dma_start3A_175 = arith.constant 0 : i32
      %dma_start3A_176 = arith.constant 0 : i32
      %dma_start3A_177 = arith.constant 0 : i32
      %dma_start3A_178 = tpu.memref_slice %arg32[%dma_start3A_176, %dma_start3A_177] : memref<65x128xf32, #tpu.memory_space<vmem>> -> memref<32x128xf32, #tpu.memory_space<vmem>>
      %dma_start3A_179 = arith.constant 0 : i32
      %dma_start3A_180 = tpu.memref_slice %arg22[%dma_start3A_175, %dma_start3A_179] : memref<2x32xi32, #tpu.memory_space<vmem>> -> memref<1x32xi32, #tpu.memory_space<vmem>>
      %dma_start3A_181 = tpu.memref_squeeze %dma_start3A_180 : memref<1x32xi32, #tpu.memory_space<vmem>> -> memref<32xi32, #tpu.memory_space<vmem>>
      %dma_start3A_182 = arith.constant 0 : i32
      %dma_start3A_183 = arith.constant 0 : i32
      %dma_start3A_184 = tpu.memref_slice %arg11[%dma_start3A_182, %dma_start3A_183] : memref<264x128xf32, #tpu.memory_space<vmem_shared>> -> memref<264x128xf32, #tpu.memory_space<vmem_shared>>
      tpu.enqueue_indirect_dma source(%dma_start3A_178 : memref<32x128xf32, #tpu.memory_space<vmem>>) target(%dma_start3A_184 : memref<264x128xf32, #tpu.memory_space<vmem_shared>>) offsets(%dma_start3A_181 : memref<32xi32, #tpu.memory_space<vmem>>) semaphore(%arg35 : memref<!tpu.dma_semaphore, #tpu.memory_space<semaphore_mem>>) {add = true}
      %gt3A = arith.constant 32 : i32
      %gt3A_185 = arith.cmpi sgt, %scan3A_163, %gt3A : i32
      %convert_element_type3A_186 = arith.extui %gt3A_185 : i1 to i32
      %cond3A_187 = arith.constant 0 : i32
      %cond3A_188 = arith.cmpi ne, %convert_element_type3A_186, %cond3A_187 : i32
      scf.if %cond3A_188 {
        %run_scoped3A = arith.constant 1 : i32
        "tpu.region"() ({
          %run_scoped3A_286 = tpu.sem_alloc : memref<!tpu.dma_semaphore, #tpu.memory_space<semaphore_mem>>
          %dma_start3A_287 = arith.constant 32 : i32
          %dma_start3A_288 = arith.constant 0 : i32
          %dma_start3A_289 = tpu.memref_slice %arg31[%dma_start3A_287, %dma_start3A_288] : memref<64x128xf32, #tpu.memory_space<vmem>> -> memref<32x128xf32, #tpu.memory_space<vmem>>
          %dma_start3A_290 = arith.constant 0 : i32
          %dma_start3A_291 = tpu.memref_slice %arg20[%run_scoped3A, %dma_start3A_290] : memref<2x32xi32, #tpu.memory_space<vmem>> -> memref<1x32xi32, #tpu.memory_space<vmem>>
          %dma_start3A_292 = tpu.memref_squeeze %dma_start3A_291 : memref<1x32xi32, #tpu.memory_space<vmem>> -> memref<32xi32, #tpu.memory_space<vmem>>
          %dma_start3A_293 = arith.constant 0 : i32
          %dma_start3A_294 = arith.constant 0 : i32
          %dma_start3A_295 = tpu.memref_slice %arg10[%dma_start3A_293, %dma_start3A_294] : memref<4224x128xf32, #tpu.memory_space<vmem_shared>> -> memref<4224x128xf32, #tpu.memory_space<vmem_shared>>
          tpu.enqueue_indirect_dma source(%dma_start3A_289 : memref<32x128xf32, #tpu.memory_space<vmem>>) target(%dma_start3A_295 : memref<4224x128xf32, #tpu.memory_space<vmem_shared>>) offsets(%dma_start3A_292 : memref<32xi32, #tpu.memory_space<vmem>>) semaphore(%run_scoped3A_286 : memref<!tpu.dma_semaphore, #tpu.memory_space<semaphore_mem>>) {add = true}
          %dma_wait3A_296 = arith.constant 32 : i32
          %dma_wait3A_297 = arith.constant 0 : i32
          %dma_wait3A_298 = tpu.memref_slice %arg31[%dma_wait3A_296, %dma_wait3A_297] : memref<64x128xf32, #tpu.memory_space<vmem>> -> memref<32x128xf32, #tpu.memory_space<vmem>>
          %dma_wait3A_299 = arith.constant 0 : i32
          %dma_wait3A_300 = tpu.memref_slice %arg20[%run_scoped3A, %dma_wait3A_299] : memref<2x32xi32, #tpu.memory_space<vmem>> -> memref<1x32xi32, #tpu.memory_space<vmem>>
          %dma_wait3A_301 = tpu.memref_squeeze %dma_wait3A_300 : memref<1x32xi32, #tpu.memory_space<vmem>> -> memref<32xi32, #tpu.memory_space<vmem>>
          %dma_wait3A_302 = arith.constant 0 : i32
          %dma_wait3A_303 = arith.constant 0 : i32
          %dma_wait3A_304 = tpu.memref_slice %arg10[%dma_wait3A_302, %dma_wait3A_303] : memref<4224x128xf32, #tpu.memory_space<vmem_shared>> -> memref<4224x128xf32, #tpu.memory_space<vmem_shared>>
          tpu.wait_indirect_dma semaphore(%run_scoped3A_286 : memref<!tpu.dma_semaphore, #tpu.memory_space<semaphore_mem>>) src(%dma_wait3A_298 : memref<32x128xf32, #tpu.memory_space<vmem>>) dst(%dma_wait3A_304 : memref<4224x128xf32, #tpu.memory_space<vmem_shared>>)
          tpu.yield
        }) : () -> ()
        %run_scoped3A_285 = arith.constant 1 : i32
        "tpu.region"() ({
          %run_scoped3A_286 = tpu.sem_alloc : memref<!tpu.dma_semaphore, #tpu.memory_space<semaphore_mem>>
          %dma_start3A_287 = arith.constant 32 : i32
          %dma_start3A_288 = arith.constant 0 : i32
          %dma_start3A_289 = tpu.memref_slice %arg32[%dma_start3A_287, %dma_start3A_288] : memref<65x128xf32, #tpu.memory_space<vmem>> -> memref<32x128xf32, #tpu.memory_space<vmem>>
          %dma_start3A_290 = arith.constant 0 : i32
          %dma_start3A_291 = tpu.memref_slice %arg22[%run_scoped3A_285, %dma_start3A_290] : memref<2x32xi32, #tpu.memory_space<vmem>> -> memref<1x32xi32, #tpu.memory_space<vmem>>
          %dma_start3A_292 = tpu.memref_squeeze %dma_start3A_291 : memref<1x32xi32, #tpu.memory_space<vmem>> -> memref<32xi32, #tpu.memory_space<vmem>>
          %dma_start3A_293 = arith.constant 0 : i32
          %dma_start3A_294 = arith.constant 0 : i32
          %dma_start3A_295 = tpu.memref_slice %arg11[%dma_start3A_293, %dma_start3A_294] : memref<264x128xf32, #tpu.memory_space<vmem_shared>> -> memref<264x128xf32, #tpu.memory_space<vmem_shared>>
          tpu.enqueue_indirect_dma source(%dma_start3A_289 : memref<32x128xf32, #tpu.memory_space<vmem>>) target(%dma_start3A_295 : memref<264x128xf32, #tpu.memory_space<vmem_shared>>) offsets(%dma_start3A_292 : memref<32xi32, #tpu.memory_space<vmem>>) semaphore(%run_scoped3A_286 : memref<!tpu.dma_semaphore, #tpu.memory_space<semaphore_mem>>) {add = true}
          %dma_wait3A_296 = arith.constant 32 : i32
          %dma_wait3A_297 = arith.constant 0 : i32
          %dma_wait3A_298 = tpu.memref_slice %arg32[%dma_wait3A_296, %dma_wait3A_297] : memref<65x128xf32, #tpu.memory_space<vmem>> -> memref<32x128xf32, #tpu.memory_space<vmem>>
          %dma_wait3A_299 = arith.constant 0 : i32
          %dma_wait3A_300 = tpu.memref_slice %arg22[%run_scoped3A_285, %dma_wait3A_299] : memref<2x32xi32, #tpu.memory_space<vmem>> -> memref<1x32xi32, #tpu.memory_space<vmem>>
          %dma_wait3A_301 = tpu.memref_squeeze %dma_wait3A_300 : memref<1x32xi32, #tpu.memory_space<vmem>> -> memref<32xi32, #tpu.memory_space<vmem>>
          %dma_wait3A_302 = arith.constant 0 : i32
          %dma_wait3A_303 = arith.constant 0 : i32
          %dma_wait3A_304 = tpu.memref_slice %arg11[%dma_wait3A_302, %dma_wait3A_303] : memref<264x128xf32, #tpu.memory_space<vmem_shared>> -> memref<264x128xf32, #tpu.memory_space<vmem_shared>>
          tpu.wait_indirect_dma semaphore(%run_scoped3A_286 : memref<!tpu.dma_semaphore, #tpu.memory_space<semaphore_mem>>) src(%dma_wait3A_298 : memref<32x128xf32, #tpu.memory_space<vmem>>) dst(%dma_wait3A_304 : memref<264x128xf32, #tpu.memory_space<vmem_shared>>)
          tpu.yield
        }) : () -> ()
      } else {
      }
      %lt3A = arith.constant 390 : i32
      %lt3A_189 = arith.cmpi slt, %scan3A_104, %lt3A : i32
      %convert_element_type3A_190 = arith.extui %lt3A_189 : i1 to i32
      %cond3A_191 = arith.constant 0 : i32
      %cond3A_192 = arith.cmpi ne, %convert_element_type3A_190, %cond3A_191 : i32
      scf.if %cond3A_192 {
        %add3A_285 = arith.constant 2 : i32
        %add3A_286 = arith.addi %add3A_108, %add3A_285 : i32
        %mul3A_287 = arith.constant 16 : i32
        %mul3A_288 = arith.muli %add3A_286, %mul3A_287 : i32
        %add3A_289 = arith.addi %arg1, %mul3A_288 : i32
        %mul3A_290 = arith.constant 64 : i32
        %mul3A_291 = arith.muli %add3A_289, %mul3A_290 : i32
        "tpu.region"() ({
          %run_scoped3A = tpu.sem_alloc : memref<!tpu.dma_semaphore, #tpu.memory_space<semaphore_mem>>
          %dma_start3A_302 = tpu.memref_slice %arg4[%mul3A_291] : memref<800768xi32, #tpu.memory_space<hbm>> -> memref<64xi32, #tpu.memory_space<hbm>>
          %dma_start3A_303 = tpu.memref_slice %arg4[%mul3A_291] : memref<800768xi32, #tpu.memory_space<hbm>> -> memref<64xi32, #tpu.memory_space<hbm>>
          tpu.enqueue_dma source(%dma_start3A_303 : memref<64xi32, #tpu.memory_space<hbm>>) target(%arg12 : memref<64xi32, #tpu.memory_space<vmem>>) target_semaphore(%run_scoped3A : memref<!tpu.dma_semaphore, #tpu.memory_space<semaphore_mem>>)
          %dma_wait3A_304 = tpu.memref_slice %arg4[%mul3A_291] : memref<800768xi32, #tpu.memory_space<hbm>> -> memref<64xi32, #tpu.memory_space<hbm>>
          %dma_wait3A_305 = tpu.memref_slice %arg4[%mul3A_291] : memref<800768xi32, #tpu.memory_space<hbm>> -> memref<64xi32, #tpu.memory_space<hbm>>
          tpu.wait_dma2 semaphore(%run_scoped3A : memref<!tpu.dma_semaphore, #tpu.memory_space<semaphore_mem>>) src(%dma_wait3A_305 : memref<64xi32, #tpu.memory_space<hbm>>) dst(%arg12 : memref<64xi32, #tpu.memory_space<vmem>>)
          tpu.yield
        }) : () -> ()
        %mul3A_292 = arith.constant 64 : i32
        %mul3A_293 = arith.muli %add3A_289, %mul3A_292 : i32
        "tpu.region"() ({
          %run_scoped3A = tpu.sem_alloc : memref<!tpu.dma_semaphore, #tpu.memory_space<semaphore_mem>>
          %dma_start3A_302 = arith.constant 0 : i32
          %dma_start3A_303 = tpu.memref_slice %arg14[%dma_start3A_302] : memref<80xi32, #tpu.memory_space<vmem>> -> memref<64xi32, #tpu.memory_space<vmem>>
          %dma_start3A_304 = tpu.memref_slice %arg5[%mul3A_293] : memref<800768xi32, #tpu.memory_space<hbm>> -> memref<64xi32, #tpu.memory_space<hbm>>
          %dma_start3A_305 = arith.constant 0 : i32
          %dma_start3A_306 = tpu.memref_slice %arg14[%dma_start3A_305] : memref<80xi32, #tpu.memory_space<vmem>> -> memref<64xi32, #tpu.memory_space<vmem>>
          %dma_start3A_307 = tpu.memref_slice %arg5[%mul3A_293] : memref<800768xi32, #tpu.memory_space<hbm>> -> memref<64xi32, #tpu.memory_space<hbm>>
          tpu.enqueue_dma source(%dma_start3A_307 : memref<64xi32, #tpu.memory_space<hbm>>) target(%dma_start3A_306 : memref<64xi32, #tpu.memory_space<vmem>>) target_semaphore(%run_scoped3A : memref<!tpu.dma_semaphore, #tpu.memory_space<semaphore_mem>>)
          %dma_wait3A_308 = arith.constant 0 : i32
          %dma_wait3A_309 = tpu.memref_slice %arg14[%dma_wait3A_308] : memref<80xi32, #tpu.memory_space<vmem>> -> memref<64xi32, #tpu.memory_space<vmem>>
          %dma_wait3A_310 = tpu.memref_slice %arg5[%mul3A_293] : memref<800768xi32, #tpu.memory_space<hbm>> -> memref<64xi32, #tpu.memory_space<hbm>>
          %dma_wait3A_311 = arith.constant 0 : i32
          %dma_wait3A_312 = tpu.memref_slice %arg14[%dma_wait3A_311] : memref<80xi32, #tpu.memory_space<vmem>> -> memref<64xi32, #tpu.memory_space<vmem>>
          %dma_wait3A_313 = tpu.memref_slice %arg5[%mul3A_293] : memref<800768xi32, #tpu.memory_space<hbm>> -> memref<64xi32, #tpu.memory_space<hbm>>
          tpu.wait_dma2 semaphore(%run_scoped3A : memref<!tpu.dma_semaphore, #tpu.memory_space<semaphore_mem>>) src(%dma_wait3A_313 : memref<64xi32, #tpu.memory_space<hbm>>) dst(%dma_wait3A_312 : memref<64xi32, #tpu.memory_space<vmem>>)
          tpu.yield
        }) : () -> ()
        %dma_start3A_294 = arith.constant 0 : i32
        %dma_start3A_295 = arith.constant 0 : i32
        %dma_start3A_296 = tpu.memref_slice %arg2[%dma_start3A_294, %dma_start3A_295] : memref<250000x128xf32, #tpu.memory_space<hbm>> -> memref<250000x128xf32, #tpu.memory_space<hbm>>
        tpu.enqueue_indirect_dma source(%dma_start3A_296 : memref<250000x128xf32, #tpu.memory_space<hbm>>) target(%arg16 : memref<64x128xf32, #tpu.memory_space<vmem>>) offsets(%arg12 : memref<64xi32, #tpu.memory_space<vmem>>) semaphore(%arg33 : memref<!tpu.dma_semaphore, #tpu.memory_space<semaphore_mem>>)
        %dma_start3A_297 = arith.constant 0 : i32
        %dma_start3A_298 = tpu.memref_slice %arg14[%dma_start3A_297] : memref<80xi32, #tpu.memory_space<vmem>> -> memref<64xi32, #tpu.memory_space<vmem>>
        %dma_start3A_299 = arith.constant 0 : i32
        %dma_start3A_300 = arith.constant 0 : i32
        %dma_start3A_301 = tpu.memref_slice %arg3[%dma_start3A_299, %dma_start3A_300] : memref<50008x128xf32, #tpu.memory_space<hbm>> -> memref<50008x128xf32, #tpu.memory_space<hbm>>
        tpu.enqueue_indirect_dma source(%dma_start3A_301 : memref<50008x128xf32, #tpu.memory_space<hbm>>) target(%arg18 : memref<64x128xf32, #tpu.memory_space<vmem>>) offsets(%dma_start3A_298 : memref<64xi32, #tpu.memory_space<vmem>>) semaphore(%arg33 : memref<!tpu.dma_semaphore, #tpu.memory_space<semaphore_mem>>)
      } else {
      }
      %mul3A_193 = arith.constant 2 : i32
      %mul3A_194 = arith.muli %mul3A_193, %scan3A_104 : i32
      %add3A_195 = arith.constant 1 : i32
      %add3A_196 = arith.addi %mul3A_194, %add3A_195 : i32
      %ge3A_197 = arith.constant 1 : i32
      %ge3A_198 = arith.cmpi sge, %add3A_196, %ge3A_197 : i32
      %convert_element_type3A_199 = arith.extui %ge3A_198 : i1 to i32
      %cond3A_200 = arith.constant 0 : i32
      %cond3A_201 = arith.cmpi ne, %convert_element_type3A_199, %cond3A_200 : i32
      scf.if %cond3A_201 {
        %dma_wait3A_285 = arith.constant 0 : i32
        %dma_wait3A_286 = arith.constant 0 : i32
        %dma_wait3A_287 = arith.constant 0 : i32
        %dma_wait3A_288 = tpu.memref_slice %arg31[%dma_wait3A_286, %dma_wait3A_287] : memref<64x128xf32, #tpu.memory_space<vmem>> -> memref<32x128xf32, #tpu.memory_space<vmem>>
        %dma_wait3A_289 = arith.constant 0 : i32
        %dma_wait3A_290 = tpu.memref_slice %arg20[%dma_wait3A_285, %dma_wait3A_289] : memref<2x32xi32, #tpu.memory_space<vmem>> -> memref<1x32xi32, #tpu.memory_space<vmem>>
        %dma_wait3A_291 = tpu.memref_squeeze %dma_wait3A_290 : memref<1x32xi32, #tpu.memory_space<vmem>> -> memref<32xi32, #tpu.memory_space<vmem>>
        %dma_wait3A_292 = arith.constant 0 : i32
        %dma_wait3A_293 = arith.constant 0 : i32
        %dma_wait3A_294 = tpu.memref_slice %arg10[%dma_wait3A_292, %dma_wait3A_293] : memref<4224x128xf32, #tpu.memory_space<vmem_shared>> -> memref<4224x128xf32, #tpu.memory_space<vmem_shared>>
        tpu.wait_indirect_dma semaphore(%arg35 : memref<!tpu.dma_semaphore, #tpu.memory_space<semaphore_mem>>) src(%dma_wait3A_288 : memref<32x128xf32, #tpu.memory_space<vmem>>) dst(%dma_wait3A_294 : memref<4224x128xf32, #tpu.memory_space<vmem_shared>>)
        %dma_wait3A_295 = arith.constant 0 : i32
        %dma_wait3A_296 = arith.constant 0 : i32
        %dma_wait3A_297 = arith.constant 0 : i32
        %dma_wait3A_298 = tpu.memref_slice %arg32[%dma_wait3A_296, %dma_wait3A_297] : memref<65x128xf32, #tpu.memory_space<vmem>> -> memref<32x128xf32, #tpu.memory_space<vmem>>
        %dma_wait3A_299 = arith.constant 0 : i32
        %dma_wait3A_300 = tpu.memref_slice %arg22[%dma_wait3A_295, %dma_wait3A_299] : memref<2x32xi32, #tpu.memory_space<vmem>> -> memref<1x32xi32, #tpu.memory_space<vmem>>
        %dma_wait3A_301 = tpu.memref_squeeze %dma_wait3A_300 : memref<1x32xi32, #tpu.memory_space<vmem>> -> memref<32xi32, #tpu.memory_space<vmem>>
        %dma_wait3A_302 = arith.constant 0 : i32
        %dma_wait3A_303 = arith.constant 0 : i32
        %dma_wait3A_304 = tpu.memref_slice %arg11[%dma_wait3A_302, %dma_wait3A_303] : memref<264x128xf32, #tpu.memory_space<vmem_shared>> -> memref<264x128xf32, #tpu.memory_space<vmem_shared>>
        tpu.wait_indirect_dma semaphore(%arg35 : memref<!tpu.dma_semaphore, #tpu.memory_space<semaphore_mem>>) src(%dma_wait3A_298 : memref<32x128xf32, #tpu.memory_space<vmem>>) dst(%dma_wait3A_304 : memref<264x128xf32, #tpu.memory_space<vmem_shared>>)
      } else {
      }
      %dma_wait3A_202 = arith.constant 0 : i32
      %dma_wait3A_203 = arith.constant 0 : i32
      %dma_wait3A_204 = tpu.memref_slice %arg2[%dma_wait3A_202, %dma_wait3A_203] : memref<250000x128xf32, #tpu.memory_space<hbm>> -> memref<250000x128xf32, #tpu.memory_space<hbm>>
      tpu.wait_indirect_dma semaphore(%arg34 : memref<!tpu.dma_semaphore, #tpu.memory_space<semaphore_mem>>) src(%dma_wait3A_204 : memref<250000x128xf32, #tpu.memory_space<hbm>>) dst(%arg17 : memref<64x128xf32, #tpu.memory_space<vmem>>)
      %dma_wait3A_205 = arith.constant 0 : i32
      %dma_wait3A_206 = tpu.memref_slice %arg15[%dma_wait3A_205] : memref<80xi32, #tpu.memory_space<vmem>> -> memref<64xi32, #tpu.memory_space<vmem>>
      %dma_wait3A_207 = arith.constant 0 : i32
      %dma_wait3A_208 = arith.constant 0 : i32
      %dma_wait3A_209 = tpu.memref_slice %arg3[%dma_wait3A_207, %dma_wait3A_208] : memref<50008x128xf32, #tpu.memory_space<hbm>> -> memref<50008x128xf32, #tpu.memory_space<hbm>>
      tpu.wait_indirect_dma semaphore(%arg34 : memref<!tpu.dma_semaphore, #tpu.memory_space<semaphore_mem>>) src(%dma_wait3A_209 : memref<50008x128xf32, #tpu.memory_space<hbm>>) dst(%arg19 : memref<64x128xf32, #tpu.memory_space<vmem>>)
      %swap3A_210 = arith.constant 0 : i32
      %swap3A_211 = arith.index_cast %swap3A_210 : i32 to index
      %swap3A_212 = arith.constant 0 : index
      %swap3A_213 = tpu.vector_load %arg21[%swap3A_211, %swap3A_212] {strides = array<i32>} : memref<2x32xi32, #tpu.memory_space<vmem>>, vector<16xi32>,
      tpu.vector_store %arg21[%swap3A_211, %swap3A_212], %broadcast_in_dim3A_68 {strides = array<i32>} : memref<2x32xi32, #tpu.memory_space<vmem>>, vector<16xi32>,
      %swap3A_214 = arith.constant 0 : i32
      %swap3A_215 = arith.index_cast %swap3A_214 : i32 to index
      %swap3A_216 = arith.constant 16 : index
      %swap3A_217 = tpu.vector_load %arg21[%swap3A_215, %swap3A_216] {strides = array<i32>} : memref<2x32xi32, #tpu.memory_space<vmem>>, vector<16xi32>,
      tpu.vector_store %arg21[%swap3A_215, %swap3A_216], %broadcast_in_dim3A_68 {strides = array<i32>} : memref<2x32xi32, #tpu.memory_space<vmem>>, vector<16xi32>,
      %swap3A_218 = arith.constant 0 : i32
      %swap3A_219 = arith.index_cast %swap3A_218 : i32 to index
      %swap3A_220 = arith.constant 0 : index
      %swap3A_221 = tpu.vector_load %arg23[%swap3A_219, %swap3A_220] {strides = array<i32>} : memref<2x32xi32, #tpu.memory_space<vmem>>, vector<16xi32>,
      tpu.vector_store %arg23[%swap3A_219, %swap3A_220], %broadcast_in_dim3A_70 {strides = array<i32>} : memref<2x32xi32, #tpu.memory_space<vmem>>, vector<16xi32>,
      %swap3A_222 = arith.constant 0 : i32
      %swap3A_223 = arith.index_cast %swap3A_222 : i32 to index
      %swap3A_224 = arith.constant 16 : index
      %swap3A_225 = tpu.vector_load %arg23[%swap3A_223, %swap3A_224] {strides = array<i32>} : memref<2x32xi32, #tpu.memory_space<vmem>>, vector<16xi32>,
      tpu.vector_store %arg23[%swap3A_223, %swap3A_224], %broadcast_in_dim3A_70 {strides = array<i32>} : memref<2x32xi32, #tpu.memory_space<vmem>>, vector<16xi32>,
      %swap3A_226 = arith.constant 1 : i32
      %swap3A_227 = arith.index_cast %swap3A_226 : i32 to index
      %swap3A_228 = arith.constant 0 : index
      %swap3A_229 = tpu.vector_load %arg21[%swap3A_227, %swap3A_228] {strides = array<i32>} : memref<2x32xi32, #tpu.memory_space<vmem>>, vector<16xi32>,
      tpu.vector_store %arg21[%swap3A_227, %swap3A_228], %broadcast_in_dim3A_68 {strides = array<i32>} : memref<2x32xi32, #tpu.memory_space<vmem>>, vector<16xi32>,
      %swap3A_230 = arith.constant 1 : i32
      %swap3A_231 = arith.index_cast %swap3A_230 : i32 to index
      %swap3A_232 = arith.constant 16 : index
      %swap3A_233 = tpu.vector_load %arg21[%swap3A_231, %swap3A_232] {strides = array<i32>} : memref<2x32xi32, #tpu.memory_space<vmem>>, vector<16xi32>,
      tpu.vector_store %arg21[%swap3A_231, %swap3A_232], %broadcast_in_dim3A_68 {strides = array<i32>} : memref<2x32xi32, #tpu.memory_space<vmem>>, vector<16xi32>,
      %swap3A_234 = arith.constant 1 : i32
      %swap3A_235 = arith.index_cast %swap3A_234 : i32 to index
      %swap3A_236 = arith.constant 0 : index
      %swap3A_237 = tpu.vector_load %arg23[%swap3A_235, %swap3A_236] {strides = array<i32>} : memref<2x32xi32, #tpu.memory_space<vmem>>, vector<16xi32>,
      tpu.vector_store %arg23[%swap3A_235, %swap3A_236], %broadcast_in_dim3A_70 {strides = array<i32>} : memref<2x32xi32, #tpu.memory_space<vmem>>, vector<16xi32>,
      %swap3A_238 = arith.constant 1 : i32
      %swap3A_239 = arith.index_cast %swap3A_238 : i32 to index
      %swap3A_240 = arith.constant 16 : index
      %swap3A_241 = tpu.vector_load %arg23[%swap3A_239, %swap3A_240] {strides = array<i32>} : memref<2x32xi32, #tpu.memory_space<vmem>>, vector<16xi32>,
      tpu.vector_store %arg23[%swap3A_239, %swap3A_240], %broadcast_in_dim3A_70 {strides = array<i32>} : memref<2x32xi32, #tpu.memory_space<vmem>>, vector<16xi32>,
      %scan3A_242 = arith.constant 0 : i32
      %scan3A_243 = arith.constant 0 : i32
      %scan3A_244 = arith.constant 4 : i32
      %scan3A_245 = arith.addi %scan3A_243, %scan3A_244 : i32
      %scan3A_246 = arith.constant 1 : i32
      scf.for %scan3A_285 = %scan3A_243 to %scan3A_245 step %scan3A_246  : i32 {
        %mul3A_286 = arith.constant 16 : i32
        %mul3A_287 = arith.muli %scan3A_285, %mul3A_286 : i32
        %get3A = arith.index_cast %mul3A_287 : i32 to index
        %get3A_288 = tpu.vector_load %arg15[%get3A] {strides = array<i32>} : memref<80xi32, #tpu.memory_space<vmem>>, vector<16xi32>,
        %sub3A = arith.constant 0 : i32
        %sub3A_289 = vector.broadcast %sub3A : i32 to vector<16xi32>
        %sub3A_290 = arith.subi %get3A_288, %sub3A_289 : vector<16xi32>
        %ge3A_291 = arith.constant 0 : i32
        %ge3A_292 = vector.broadcast %ge3A_291 : i32 to vector<16xi32>
        %ge3A_293 = arith.cmpi sge, %sub3A_290, %ge3A_292 : vector<16xi32>
        %lt3A_294 = arith.constant 16672 : i32
        %lt3A_295 = vector.broadcast %lt3A_294 : i32 to vector<16xi32>
        %lt3A_296 = arith.cmpi slt, %sub3A_290, %lt3A_295 : vector<16xi32>
        %and3A = arith.andi %ge3A_293, %lt3A_296 : vector<16xi1>
        %convert_element_type3A_297 = arith.extui %and3A : vector<16xi1> to vector<16xi32>
        %mul3A_298 = arith.constant 16 : i32
        %mul3A_299 = arith.muli %scan3A_285, %mul3A_298 : i32
        %swap3A_300 = arith.index_cast %mul3A_299 : i32 to index
        %swap3A_301 = tpu.vector_load %arg28[%swap3A_300] {strides = array<i32>} : memref<80xi32, #tpu.memory_space<vmem>>, vector<16xi32>,
        tpu.vector_store %arg28[%swap3A_300], %convert_element_type3A_297 {strides = array<i32>} : memref<80xi32, #tpu.memory_space<vmem>>, vector<16xi32>,
        %shift_right_arithmetic3A = arith.constant 2 : i32
        %shift_right_arithmetic3A_302 = vector.broadcast %shift_right_arithmetic3A : i32 to vector<16xi32>
        %shift_right_arithmetic3A_303 = arith.shrsi %sub3A_290, %shift_right_arithmetic3A_302 : vector<16xi32>
        %mul3A_304 = arith.constant 16 : i32
        %mul3A_305 = arith.muli %scan3A_285, %mul3A_304 : i32
        %swap3A_306 = arith.index_cast %mul3A_305 : i32 to index
        %swap3A_307 = tpu.vector_load %arg29[%swap3A_306] {strides = array<i32>} : memref<80xi32, #tpu.memory_space<vmem>>, vector<16xi32>,
        tpu.vector_store %arg29[%swap3A_306], %shift_right_arithmetic3A_303 {strides = array<i32>} : memref<80xi32, #tpu.memory_space<vmem>>, vector<16xi32>,
        %and3A_308 = arith.constant 3 : i32
        %and3A_309 = vector.broadcast %and3A_308 : i32 to vector<16xi32>
        %and3A_310 = arith.andi %sub3A_290, %and3A_309 : vector<16xi32>
        %mul3A_311 = arith.constant 32 : i32
        %mul3A_312 = vector.broadcast %mul3A_311 : i32 to vector<16xi32>
        %mul3A_313 = arith.muli %and3A_310, %mul3A_312 : vector<16xi32>
        %mul3A_314 = arith.constant 16 : i32
        %mul3A_315 = arith.muli %scan3A_285, %mul3A_314 : i32
        %swap3A_316 = arith.index_cast %mul3A_315 : i32 to index
        %swap3A_317 = tpu.vector_load %arg24[%swap3A_316] {strides = array<i32>} : memref<80xi32, #tpu.memory_space<vmem>>, vector<16xi32>,
        tpu.vector_store %arg24[%swap3A_316], %mul3A_313 {strides = array<i32>} : memref<80xi32, #tpu.memory_space<vmem>>, vector<16xi32>,
        %shift_right_arithmetic3A_318 = arith.constant 6 : i32
        %shift_right_arithmetic3A_319 = vector.broadcast %shift_right_arithmetic3A_318 : i32 to vector<16xi32>
        %shift_right_arithmetic3A_320 = arith.shrsi %sub3A_290, %shift_right_arithmetic3A_319 : vector<16xi32>
        %mul3A_321 = arith.constant 16 : i32
        %mul3A_322 = arith.muli %scan3A_285, %mul3A_321 : i32
        %swap3A_323 = arith.index_cast %mul3A_322 : i32 to index
        %swap3A_324 = tpu.vector_load %arg30[%swap3A_323] {strides = array<i32>} : memref<80xi32, #tpu.memory_space<vmem>>, vector<16xi32>,
        tpu.vector_store %arg30[%swap3A_323], %shift_right_arithmetic3A_320 {strides = array<i32>} : memref<80xi32, #tpu.memory_space<vmem>>, vector<16xi32>,
        %and3A_325 = arith.constant 63 : i32
        %and3A_326 = vector.broadcast %and3A_325 : i32 to vector<16xi32>
        %and3A_327 = arith.andi %sub3A_290, %and3A_326 : vector<16xi32>
        %mul3A_328 = arith.constant 2 : i32
        %mul3A_329 = vector.broadcast %mul3A_328 : i32 to vector<16xi32>
        %mul3A_330 = arith.muli %and3A_327, %mul3A_329 : vector<16xi32>
        %mul3A_331 = arith.constant 16 : i32
        %mul3A_332 = arith.muli %scan3A_285, %mul3A_331 : i32
        %swap3A_333 = arith.index_cast %mul3A_332 : i32 to index
        %swap3A_334 = tpu.vector_load %arg26[%swap3A_333] {strides = array<i32>} : memref<80xi32, #tpu.memory_space<vmem>>, vector<16xi32>,
        tpu.vector_store %arg26[%swap3A_333], %mul3A_330 {strides = array<i32>} : memref<80xi32, #tpu.memory_space<vmem>>, vector<16xi32>,
      }
      %scan3A_247 = arith.constant 4 : i32
      %scan3A_248 = arith.constant 0 : i32
      %scan3A_249 = arith.constant 0 : i32
      %scan3A_250 = arith.constant 64 : i32
      %scan3A_251 = arith.addi %scan3A_249, %scan3A_250 : i32
      %scan3A_252 = arith.constant 4 : i32
      %scan3A_253 = scf.for %scan3A_285 = %scan3A_249 to %scan3A_251 step %scan3A_252 iter_args(%scan3A_286 = %scan3A_248) -> (i32)  : i32 {
        %get3A = arith.index_cast %scan3A_285 : i32 to index
        %get3A_287 = tpu.vector_load %arg28[%get3A] {strides = array<i32>} : memref<80xi32, #tpu.memory_space<vmem>>, vector<16xi32>,
        %slice3A = vector.extract_strided_slice %get3A_287 {offsets = [0], sizes = [1], strides = [1]} : vector<16xi32> to vector<1xi32>
        %squeeze3A = vector.extract %slice3A[0] : i32 from vector<1xi32>
        %gt3A_288 = arith.constant 0 : i32
        %gt3A_289 = arith.cmpi sgt, %squeeze3A, %gt3A_288 : i32
        %convert_element_type3A_290 = arith.extui %gt3A_289 : i1 to i32
        %cond3A_291 = arith.constant 0 : i32
        %cond3A_292 = arith.cmpi ne, %convert_element_type3A_290, %cond3A_291 : i32
        scf.if %cond3A_292 {
          %get3A_330 = arith.index_cast %scan3A_286 : i32 to index
          %get3A_331 = tpu.vector_load %arg25[%get3A_330] {strides = array<i32>} : memref<80xi32, #tpu.memory_space<vmem>>, vector<16xi32>,
          %slice3A_332 = vector.extract_strided_slice %get3A_331 {offsets = [0], sizes = [1], strides = [1]} : vector<16xi32> to vector<1xi32>
          %squeeze3A_333 = vector.extract %slice3A_332[0] : i32 from vector<1xi32>
          %swap3A_334 = arith.index_cast %scan3A_286 : i32 to index
          %swap3A_335 = arith.index_cast %squeeze3A_333 : i32 to index
          %swap3A_336 = tpu.vector_load %arg31[%swap3A_334, %swap3A_335] {strides = array<i32>} : memref<64x128xf32, #tpu.memory_space<vmem>>, vector<16xf32>,
          tpu.vector_store %arg31[%swap3A_334, %swap3A_335], %broadcast_in_dim3A_3 {strides = array<i32>} : memref<64x128xf32, #tpu.memory_space<vmem>>, vector<16xf32>,
          %add3A_337 = arith.constant 16 : i32
          %add3A_338 = arith.addi %squeeze3A_333, %add3A_337 : i32
          %swap3A_339 = arith.index_cast %scan3A_286 : i32 to index
          %swap3A_340 = arith.index_cast %add3A_338 : i32 to index
          %swap3A_341 = tpu.vector_load %arg31[%swap3A_339, %swap3A_340] {strides = array<i32>} : memref<64x128xf32, #tpu.memory_space<vmem>>, vector<16xf32>,
          tpu.vector_store %arg31[%swap3A_339, %swap3A_340], %broadcast_in_dim3A_3 {strides = array<i32>} : memref<64x128xf32, #tpu.memory_space<vmem>>, vector<16xf32>,
          %get3A_342 = arith.index_cast %scan3A_286 : i32 to index
          %get3A_343 = tpu.vector_load %arg27[%get3A_342] {strides = array<i32>} : memref<80xi32, #tpu.memory_space<vmem>>, vector<16xi32>,
          %slice3A_344 = vector.extract_strided_slice %get3A_343 {offsets = [0], sizes = [1], strides = [1]} : vector<16xi32> to vector<1xi32>
          %squeeze3A_345 = vector.extract %slice3A_344[0] : i32 from vector<1xi32>
          %swap3A_346 = arith.index_cast %scan3A_286 : i32 to index
          %swap3A_347 = arith.index_cast %squeeze3A_345 : i32 to index
          %swap3A_348 = tpu.vector_load %arg32[%swap3A_346, %swap3A_347] {strides = array<i32>} : memref<65x128xf32, #tpu.memory_space<vmem>>, vector<16xf32>,
          tpu.vector_store %arg32[%swap3A_346, %swap3A_347], %broadcast_in_dim3A_3 {strides = array<i32>} : memref<65x128xf32, #tpu.memory_space<vmem>>, vector<16xf32>,
          %get3A_349 = arith.index_cast %scan3A_285 : i32 to index
          %get3A_350 = arith.index_cast %mul3A_35 : i32 to index
          %get3A_351 = tpu.vector_load %arg17[%get3A_349, %get3A_350] {strides = array<i32>} : memref<64x128xf32, #tpu.memory_space<vmem>>, vector<16xf32>,
          %add3A_352 = arith.constant 16 : i32
          %add3A_353 = arith.addi %mul3A_35, %add3A_352 : i32
          %get3A_354 = arith.index_cast %scan3A_285 : i32 to index
          %get3A_355 = arith.index_cast %add3A_353 : i32 to index
          %get3A_356 = tpu.vector_load %arg17[%get3A_354, %get3A_355] {strides = array<i32>} : memref<64x128xf32, #tpu.memory_space<vmem>>, vector<16xf32>,
          %add3A_357 = arith.constant 32 : i32
          %add3A_358 = arith.addi %mul3A_35, %add3A_357 : i32
          %get3A_359 = arith.index_cast %scan3A_285 : i32 to index
          %get3A_360 = arith.index_cast %add3A_358 : i32 to index
          %get3A_361 = tpu.vector_load %arg17[%get3A_359, %get3A_360] {strides = array<i32>} : memref<64x128xf32, #tpu.memory_space<vmem>>, vector<16xf32>,
          %add3A_362 = arith.constant 48 : i32
          %add3A_363 = arith.addi %mul3A_35, %add3A_362 : i32
          %get3A_364 = arith.index_cast %scan3A_285 : i32 to index
          %get3A_365 = arith.index_cast %add3A_363 : i32 to index
          %get3A_366 = tpu.vector_load %arg17[%get3A_364, %get3A_365] {strides = array<i32>} : memref<64x128xf32, #tpu.memory_space<vmem>>, vector<16xf32>,
          %get3A_367 = arith.index_cast %scan3A_285 : i32 to index
          %get3A_368 = arith.index_cast %mul3A_37 : i32 to index
          %get3A_369 = tpu.vector_load %arg19[%get3A_367, %get3A_368] {strides = array<i32>} : memref<64x128xf32, #tpu.memory_space<vmem>>, vector<16xf32>,
          %add3A_370 = arith.constant 16 : i32
          %add3A_371 = arith.addi %mul3A_37, %add3A_370 : i32
          %get3A_372 = arith.index_cast %scan3A_285 : i32 to index
          %get3A_373 = arith.index_cast %add3A_371 : i32 to index
          %get3A_374 = tpu.vector_load %arg19[%get3A_372, %get3A_373] {strides = array<i32>} : memref<64x128xf32, #tpu.memory_space<vmem>>, vector<16xf32>,
          %mul3A_375 = arith.mulf %get3A_351, %get3A_369 : vector<16xf32>
          %lt3A_376 = arith.constant 0 : i32
          %lt3A_377 = vector.broadcast %lt3A_376 : i32 to vector<16xi32>
          %lt3A_378 = arith.cmpi slt, %xor3A_24, %lt3A_377 : vector<16xi32>
          %add3A_379 = arith.constant 16 : i32
          %add3A_380 = vector.broadcast %add3A_379 : i32 to vector<16xi32>
          %add3A_381 = arith.addi %xor3A_24, %add3A_380 : vector<16xi32>
          %select_n3A = arith.select %lt3A_378, %add3A_381, %xor3A_24 : vector<16xi1>, vector<16xi32>
          %broadcast_in_dim3A_382 = vector.shape_cast %select_n3A : vector<16xi32> to vector<16x1xi32>
          %gather3A = vector.shape_cast %broadcast_in_dim3A_382 : vector<16x1xi32> to vector<16xi32>
          %gather3A_383 = tpu.dynamic_gather %mul3A_375[%gather3A] in [0] : vector<16xf32>, vector<16xi32> -> vector<16xf32>
          %add3A_384 = arith.addf %mul3A_375, %gather3A_383 : vector<16xf32>
          %lt3A_385 = arith.constant 0 : i32
          %lt3A_386 = vector.broadcast %lt3A_385 : i32 to vector<16xi32>
          %lt3A_387 = arith.cmpi slt, %xor3A_27, %lt3A_386 : vector<16xi32>
          %add3A_388 = arith.constant 16 : i32
          %add3A_389 = vector.broadcast %add3A_388 : i32 to vector<16xi32>
          %add3A_390 = arith.addi %xor3A_27, %add3A_389 : vector<16xi32>
          %select_n3A_391 = arith.select %lt3A_387, %add3A_390, %xor3A_27 : vector<16xi1>, vector<16xi32>
          %broadcast_in_dim3A_392 = vector.shape_cast %select_n3A_391 : vector<16xi32> to vector<16x1xi32>
          %gather3A_393 = vector.shape_cast %broadcast_in_dim3A_392 : vector<16x1xi32> to vector<16xi32>
          %gather3A_394 = tpu.dynamic_gather %add3A_384[%gather3A_393] in [0] : vector<16xf32>, vector<16xi32> -> vector<16xf32>
          %add3A_395 = arith.addf %add3A_384, %gather3A_394 : vector<16xf32>
          %lt3A_396 = arith.constant 0 : i32
          %lt3A_397 = vector.broadcast %lt3A_396 : i32 to vector<16xi32>
          %lt3A_398 = arith.cmpi slt, %xor3A_30, %lt3A_397 : vector<16xi32>
          %add3A_399 = arith.constant 16 : i32
          %add3A_400 = vector.broadcast %add3A_399 : i32 to vector<16xi32>
          %add3A_401 = arith.addi %xor3A_30, %add3A_400 : vector<16xi32>
          %select_n3A_402 = arith.select %lt3A_398, %add3A_401, %xor3A_30 : vector<16xi1>, vector<16xi32>
          %broadcast_in_dim3A_403 = vector.shape_cast %select_n3A_402 : vector<16xi32> to vector<16x1xi32>
          %gather3A_404 = vector.shape_cast %broadcast_in_dim3A_403 : vector<16x1xi32> to vector<16xi32>
          %gather3A_405 = tpu.dynamic_gather %add3A_395[%gather3A_404] in [0] : vector<16xf32>, vector<16xi32> -> vector<16xf32>
          %add3A_406 = arith.addf %add3A_395, %gather3A_405 : vector<16xf32>
          %lt3A_407 = arith.constant 0 : i32
          %lt3A_408 = vector.broadcast %lt3A_407 : i32 to vector<16xi32>
          %lt3A_409 = arith.cmpi slt, %xor3A_33, %lt3A_408 : vector<16xi32>
          %add3A_410 = arith.constant 16 : i32
          %add3A_411 = vector.broadcast %add3A_410 : i32 to vector<16xi32>
          %add3A_412 = arith.addi %xor3A_33, %add3A_411 : vector<16xi32>
          %select_n3A_413 = arith.select %lt3A_409, %add3A_412, %xor3A_33 : vector<16xi1>, vector<16xi32>
          %broadcast_in_dim3A_414 = vector.shape_cast %select_n3A_413 : vector<16xi32> to vector<16x1xi32>
          %gather3A_415 = vector.shape_cast %broadcast_in_dim3A_414 : vector<16x1xi32> to vector<16xi32>
          %gather3A_416 = tpu.dynamic_gather %add3A_406[%gather3A_415] in [0] : vector<16xf32>, vector<16xi32> -> vector<16xf32>
          %add3A_417 = arith.addf %add3A_406, %gather3A_416 : vector<16xf32>
          %exp3A = math.exp %add3A_417 : vector<16xf32>
          %mul3A_418 = arith.mulf %get3A_356, %get3A_374 : vector<16xf32>
          %lt3A_419 = arith.constant 0 : i32
          %lt3A_420 = vector.broadcast %lt3A_419 : i32 to vector<16xi32>
          %lt3A_421 = arith.cmpi slt, %xor3A_24, %lt3A_420 : vector<16xi32>
          %add3A_422 = arith.constant 16 : i32
          %add3A_423 = vector.broadcast %add3A_422 : i32 to vector<16xi32>
          %add3A_424 = arith.addi %xor3A_24, %add3A_423 : vector<16xi32>
          %select_n3A_425 = arith.select %lt3A_421, %add3A_424, %xor3A_24 : vector<16xi1>, vector<16xi32>
          %broadcast_in_dim3A_426 = vector.shape_cast %select_n3A_425 : vector<16xi32> to vector<16x1xi32>
          %gather3A_427 = vector.shape_cast %broadcast_in_dim3A_426 : vector<16x1xi32> to vector<16xi32>
          %gather3A_428 = tpu.dynamic_gather %mul3A_418[%gather3A_427] in [0] : vector<16xf32>, vector<16xi32> -> vector<16xf32>
          %add3A_429 = arith.addf %mul3A_418, %gather3A_428 : vector<16xf32>
          %lt3A_430 = arith.constant 0 : i32
          %lt3A_431 = vector.broadcast %lt3A_430 : i32 to vector<16xi32>
          %lt3A_432 = arith.cmpi slt, %xor3A_27, %lt3A_431 : vector<16xi32>
          %add3A_433 = arith.constant 16 : i32
          %add3A_434 = vector.broadcast %add3A_433 : i32 to vector<16xi32>
          %add3A_435 = arith.addi %xor3A_27, %add3A_434 : vector<16xi32>
          %select_n3A_436 = arith.select %lt3A_432, %add3A_435, %xor3A_27 : vector<16xi1>, vector<16xi32>
          %broadcast_in_dim3A_437 = vector.shape_cast %select_n3A_436 : vector<16xi32> to vector<16x1xi32>
          %gather3A_438 = vector.shape_cast %broadcast_in_dim3A_437 : vector<16x1xi32> to vector<16xi32>
          %gather3A_439 = tpu.dynamic_gather %add3A_429[%gather3A_438] in [0] : vector<16xf32>, vector<16xi32> -> vector<16xf32>
          %add3A_440 = arith.addf %add3A_429, %gather3A_439 : vector<16xf32>
          %lt3A_441 = arith.constant 0 : i32
          %lt3A_442 = vector.broadcast %lt3A_441 : i32 to vector<16xi32>
          %lt3A_443 = arith.cmpi slt, %xor3A_30, %lt3A_442 : vector<16xi32>
          %add3A_444 = arith.constant 16 : i32
          %add3A_445 = vector.broadcast %add3A_444 : i32 to vector<16xi32>
          %add3A_446 = arith.addi %xor3A_30, %add3A_445 : vector<16xi32>
          %select_n3A_447 = arith.select %lt3A_443, %add3A_446, %xor3A_30 : vector<16xi1>, vector<16xi32>
          %broadcast_in_dim3A_448 = vector.shape_cast %select_n3A_447 : vector<16xi32> to vector<16x1xi32>
          %gather3A_449 = vector.shape_cast %broadcast_in_dim3A_448 : vector<16x1xi32> to vector<16xi32>
          %gather3A_450 = tpu.dynamic_gather %add3A_440[%gather3A_449] in [0] : vector<16xf32>, vector<16xi32> -> vector<16xf32>
          %add3A_451 = arith.addf %add3A_440, %gather3A_450 : vector<16xf32>
          %lt3A_452 = arith.constant 0 : i32
          %lt3A_453 = vector.broadcast %lt3A_452 : i32 to vector<16xi32>
          %lt3A_454 = arith.cmpi slt, %xor3A_33, %lt3A_453 : vector<16xi32>
          %add3A_455 = arith.constant 16 : i32
          %add3A_456 = vector.broadcast %add3A_455 : i32 to vector<16xi32>
          %add3A_457 = arith.addi %xor3A_33, %add3A_456 : vector<16xi32>
          %select_n3A_458 = arith.select %lt3A_454, %add3A_457, %xor3A_33 : vector<16xi1>, vector<16xi32>
          %broadcast_in_dim3A_459 = vector.shape_cast %select_n3A_458 : vector<16xi32> to vector<16x1xi32>
          %gather3A_460 = vector.shape_cast %broadcast_in_dim3A_459 : vector<16x1xi32> to vector<16xi32>
          %gather3A_461 = tpu.dynamic_gather %add3A_451[%gather3A_460] in [0] : vector<16xf32>, vector<16xi32> -> vector<16xf32>
          %add3A_462 = arith.addf %add3A_451, %gather3A_461 : vector<16xf32>
          %exp3A_463 = math.exp %add3A_462 : vector<16xf32>
          %get3A_464 = arith.index_cast %scan3A_285 : i32 to index
          %get3A_465 = tpu.vector_load %arg24[%get3A_464] {strides = array<i32>} : memref<80xi32, #tpu.memory_space<vmem>>, vector<16xi32>,
          %slice3A_466 = vector.extract_strided_slice %get3A_465 {offsets = [0], sizes = [1], strides = [1]} : vector<16xi32> to vector<1xi32>
          %squeeze3A_467 = vector.extract %slice3A_466[0] : i32 from vector<1xi32>
          %mul3A_468 = arith.mulf %get3A_361, %exp3A : vector<16xf32>
          %swap3A_469 = arith.index_cast %scan3A_286 : i32 to index
          %swap3A_470 = arith.index_cast %squeeze3A_467 : i32 to index
          %swap3A_471 = tpu.vector_load %arg31[%swap3A_469, %swap3A_470] {strides = array<i32>} : memref<64x128xf32, #tpu.memory_space<vmem>>, vector<16xf32>,
          tpu.vector_store %arg31[%swap3A_469, %swap3A_470], %mul3A_468 {strides = array<i32>} : memref<64x128xf32, #tpu.memory_space<vmem>>, vector<16xf32>,
          %mul3A_472 = arith.mulf %get3A_366, %exp3A_463 : vector<16xf32>
          %add3A_473 = arith.constant 16 : i32
          %add3A_474 = arith.addi %squeeze3A_467, %add3A_473 : i32
          %swap3A_475 = arith.index_cast %scan3A_286 : i32 to index
          %swap3A_476 = arith.index_cast %add3A_474 : i32 to index
          %swap3A_477 = tpu.vector_load %arg31[%swap3A_475, %swap3A_476] {strides = array<i32>} : memref<64x128xf32, #tpu.memory_space<vmem>>, vector<16xf32>,
          tpu.vector_store %arg31[%swap3A_475, %swap3A_476], %mul3A_472 {strides = array<i32>} : memref<64x128xf32, #tpu.memory_space<vmem>>, vector<16xf32>,
          %eq3A_478 = arith.constant 0 : i32
          %eq3A_479 = vector.broadcast %eq3A_478 : i32 to vector<16xi32>
          %eq3A_480 = arith.cmpi eq, %iota3A, %eq3A_479 : vector<16xi32>
          %eq3A_481 = arith.constant 1 : i32
          %eq3A_482 = vector.broadcast %eq3A_481 : i32 to vector<16xi32>
          %eq3A_483 = arith.cmpi eq, %iota3A, %eq3A_482 : vector<16xi32>
          %jit3A = arith.constant 0.000000e+00 : f32
          %broadcast_in_dim3A_484 = vector.broadcast %jit3A : f32 to vector<16xf32>
          %select_n3A_485 = arith.select %eq3A_483, %exp3A_463, %broadcast_in_dim3A_484 : vector<16xi1>, vector<16xf32>
          %select_n3A_486 = arith.select %eq3A_480, %exp3A, %select_n3A_485 : vector<16xi1>, vector<16xf32>
          %get3A_487 = arith.index_cast %scan3A_285 : i32 to index
          %get3A_488 = tpu.vector_load %arg26[%get3A_487] {strides = array<i32>} : memref<80xi32, #tpu.memory_space<vmem>>, vector<16xi32>,
          %slice3A_489 = vector.extract_strided_slice %get3A_488 {offsets = [0], sizes = [1], strides = [1]} : vector<16xi32> to vector<1xi32>
          %squeeze3A_490 = vector.extract %slice3A_489[0] : i32 from vector<1xi32>
          %swap3A_491 = arith.index_cast %scan3A_286 : i32 to index
          %swap3A_492 = arith.index_cast %squeeze3A_490 : i32 to index
          %swap3A_493 = tpu.vector_load %arg32[%swap3A_491, %swap3A_492] {strides = array<i32>} : memref<65x128xf32, #tpu.memory_space<vmem>>, vector<16xf32>,
          tpu.vector_store %arg32[%swap3A_491, %swap3A_492], %select_n3A_486 {strides = array<i32>} : memref<65x128xf32, #tpu.memory_space<vmem>>, vector<16xf32>,
          %broadcast_in_dim3A_494 = vector.broadcast %scan3A_286 : i32 to vector<16xi32>
          %broadcast_in_dim3A_495 = vector.broadcast %squeeze3A_467 : i32 to vector<16xi32>
          tpu.vector_store_idx %arg25[%broadcast_in_dim3A_494], %broadcast_in_dim3A_495 masked %eq3A_66 : memref<80xi32, #tpu.memory_space<vmem>>[vector<16xi32>], vector<16xi32>, vector<16xi1>
          %broadcast_in_dim3A_496 = vector.broadcast %scan3A_286 : i32 to vector<16xi32>
          %broadcast_in_dim3A_497 = vector.broadcast %squeeze3A_490 : i32 to vector<16xi32>
          tpu.vector_store_idx %arg27[%broadcast_in_dim3A_496], %broadcast_in_dim3A_497 masked %eq3A_66 : memref<80xi32, #tpu.memory_space<vmem>>[vector<16xi32>], vector<16xi32>, vector<16xi1>
          %shift_right_arithmetic3A = arith.constant 5 : i32
          %shift_right_arithmetic3A_498 = arith.shrsi %scan3A_286, %shift_right_arithmetic3A : i32
          %broadcast_in_dim3A_499 = vector.broadcast %shift_right_arithmetic3A_498 : i32 to vector<16xi32>
          %and3A = arith.constant 31 : i32
          %and3A_500 = arith.andi %scan3A_286, %and3A : i32
          %broadcast_in_dim3A_501 = vector.broadcast %and3A_500 : i32 to vector<16xi32>
          %get3A_502 = arith.index_cast %scan3A_285 : i32 to index
          %get3A_503 = tpu.vector_load %arg29[%get3A_502] {strides = array<i32>} : memref<80xi32, #tpu.memory_space<vmem>>, vector<16xi32>,
          %slice3A_504 = vector.extract_strided_slice %get3A_503 {offsets = [0], sizes = [1], strides = [1]} : vector<16xi32> to vector<1xi32>
          %squeeze3A_505 = vector.extract %slice3A_504[0] : i32 from vector<1xi32>
          %broadcast_in_dim3A_506 = vector.broadcast %squeeze3A_505 : i32 to vector<16xi32>
          tpu.vector_store_idx %arg21[%broadcast_in_dim3A_499, %broadcast_in_dim3A_501], %broadcast_in_dim3A_506 masked %eq3A_66 : memref<2x32xi32, #tpu.memory_space<vmem>>[vector<16xi32>, vector<16xi32>], vector<16xi32>, vector<16xi1>
          %get3A_507 = arith.index_cast %scan3A_285 : i32 to index
          %get3A_508 = tpu.vector_load %arg30[%get3A_507] {strides = array<i32>} : memref<80xi32, #tpu.memory_space<vmem>>, vector<16xi32>,
          %slice3A_509 = vector.extract_strided_slice %get3A_508 {offsets = [0], sizes = [1], strides = [1]} : vector<16xi32> to vector<1xi32>
          %squeeze3A_510 = vector.extract %slice3A_509[0] : i32 from vector<1xi32>
          %broadcast_in_dim3A_511 = vector.broadcast %squeeze3A_510 : i32 to vector<16xi32>
          tpu.vector_store_idx %arg23[%broadcast_in_dim3A_499, %broadcast_in_dim3A_501], %broadcast_in_dim3A_511 masked %eq3A_66 : memref<2x32xi32, #tpu.memory_space<vmem>>[vector<16xi32>, vector<16xi32>], vector<16xi32>, vector<16xi1>
        } else {
        }
        %add3A_293 = arith.addi %scan3A_286, %squeeze3A : i32
        %scan3A_294 = arith.constant 1 : i32
        %scan3A_295 = arith.addi %scan3A_285, %scan3A_294 : i32
        %get3A_296 = arith.index_cast %scan3A_295 : i32 to index
        %get3A_297 = tpu.vector_load %arg28[%get3A_296] {strides = array<i32>} : memref<80xi32, #tpu.memory_space<vmem>>, vector<16xi32>,
        %slice3A_298 = vector.extract_strided_slice %get3A_297 {offsets = [0], sizes = [1], strides = [1]} : vector<16xi32> to vector<1xi32>
        %squeeze3A_299 = vector.extract %slice3A_298[0] : i32 from vector<1xi32>
        %gt3A_300 = arith.constant 0 : i32
        %gt3A_301 = arith.cmpi sgt, %squeeze3A_299, %gt3A_300 : i32
        %convert_element_type3A_302 = arith.extui %gt3A_301 : i1 to i32
        %cond3A_303 = arith.constant 0 : i32
        %cond3A_304 = arith.cmpi ne, %convert_element_type3A_302, %cond3A_303 : i32
        scf.if %cond3A_304 {
          %get3A_330 = arith.index_cast %add3A_293 : i32 to index
          %get3A_331 = tpu.vector_load %arg25[%get3A_330] {strides = array<i32>} : memref<80xi32, #tpu.memory_space<vmem>>, vector<16xi32>,
          %slice3A_332 = vector.extract_strided_slice %get3A_331 {offsets = [0], sizes = [1], strides = [1]} : vector<16xi32> to vector<1xi32>
          %squeeze3A_333 = vector.extract %slice3A_332[0] : i32 from vector<1xi32>
          %swap3A_334 = arith.index_cast %add3A_293 : i32 to index
          %swap3A_335 = arith.index_cast %squeeze3A_333 : i32 to index
          %swap3A_336 = tpu.vector_load %arg31[%swap3A_334, %swap3A_335] {strides = array<i32>} : memref<64x128xf32, #tpu.memory_space<vmem>>, vector<16xf32>,
          tpu.vector_store %arg31[%swap3A_334, %swap3A_335], %broadcast_in_dim3A_3 {strides = array<i32>} : memref<64x128xf32, #tpu.memory_space<vmem>>, vector<16xf32>,
          %add3A_337 = arith.constant 16 : i32
          %add3A_338 = arith.addi %squeeze3A_333, %add3A_337 : i32
          %swap3A_339 = arith.index_cast %add3A_293 : i32 to index
          %swap3A_340 = arith.index_cast %add3A_338 : i32 to index
          %swap3A_341 = tpu.vector_load %arg31[%swap3A_339, %swap3A_340] {strides = array<i32>} : memref<64x128xf32, #tpu.memory_space<vmem>>, vector<16xf32>,
          tpu.vector_store %arg31[%swap3A_339, %swap3A_340], %broadcast_in_dim3A_3 {strides = array<i32>} : memref<64x128xf32, #tpu.memory_space<vmem>>, vector<16xf32>,
          %get3A_342 = arith.index_cast %add3A_293 : i32 to index
          %get3A_343 = tpu.vector_load %arg27[%get3A_342] {strides = array<i32>} : memref<80xi32, #tpu.memory_space<vmem>>, vector<16xi32>,
          %slice3A_344 = vector.extract_strided_slice %get3A_343 {offsets = [0], sizes = [1], strides = [1]} : vector<16xi32> to vector<1xi32>
          %squeeze3A_345 = vector.extract %slice3A_344[0] : i32 from vector<1xi32>
          %swap3A_346 = arith.index_cast %add3A_293 : i32 to index
          %swap3A_347 = arith.index_cast %squeeze3A_345 : i32 to index
          %swap3A_348 = tpu.vector_load %arg32[%swap3A_346, %swap3A_347] {strides = array<i32>} : memref<65x128xf32, #tpu.memory_space<vmem>>, vector<16xf32>,
          tpu.vector_store %arg32[%swap3A_346, %swap3A_347], %broadcast_in_dim3A_3 {strides = array<i32>} : memref<65x128xf32, #tpu.memory_space<vmem>>, vector<16xf32>,
          %get3A_349 = arith.index_cast %scan3A_295 : i32 to index
          %get3A_350 = arith.index_cast %mul3A_35 : i32 to index
          %get3A_351 = tpu.vector_load %arg17[%get3A_349, %get3A_350] {strides = array<i32>} : memref<64x128xf32, #tpu.memory_space<vmem>>, vector<16xf32>,
          %add3A_352 = arith.constant 16 : i32
          %add3A_353 = arith.addi %mul3A_35, %add3A_352 : i32
          %get3A_354 = arith.index_cast %scan3A_295 : i32 to index
          %get3A_355 = arith.index_cast %add3A_353 : i32 to index
          %get3A_356 = tpu.vector_load %arg17[%get3A_354, %get3A_355] {strides = array<i32>} : memref<64x128xf32, #tpu.memory_space<vmem>>, vector<16xf32>,
          %add3A_357 = arith.constant 32 : i32
          %add3A_358 = arith.addi %mul3A_35, %add3A_357 : i32
          %get3A_359 = arith.index_cast %scan3A_295 : i32 to index
          %get3A_360 = arith.index_cast %add3A_358 : i32 to index
          %get3A_361 = tpu.vector_load %arg17[%get3A_359, %get3A_360] {strides = array<i32>} : memref<64x128xf32, #tpu.memory_space<vmem>>, vector<16xf32>,
          %add3A_362 = arith.constant 48 : i32
          %add3A_363 = arith.addi %mul3A_35, %add3A_362 : i32
          %get3A_364 = arith.index_cast %scan3A_295 : i32 to index
          %get3A_365 = arith.index_cast %add3A_363 : i32 to index
          %get3A_366 = tpu.vector_load %arg17[%get3A_364, %get3A_365] {strides = array<i32>} : memref<64x128xf32, #tpu.memory_space<vmem>>, vector<16xf32>,
          %get3A_367 = arith.index_cast %scan3A_295 : i32 to index
          %get3A_368 = arith.index_cast %mul3A_37 : i32 to index
          %get3A_369 = tpu.vector_load %arg19[%get3A_367, %get3A_368] {strides = array<i32>} : memref<64x128xf32, #tpu.memory_space<vmem>>, vector<16xf32>,
          %add3A_370 = arith.constant 16 : i32
          %add3A_371 = arith.addi %mul3A_37, %add3A_370 : i32
          %get3A_372 = arith.index_cast %scan3A_295 : i32 to index
          %get3A_373 = arith.index_cast %add3A_371 : i32 to index
          %get3A_374 = tpu.vector_load %arg19[%get3A_372, %get3A_373] {strides = array<i32>} : memref<64x128xf32, #tpu.memory_space<vmem>>, vector<16xf32>,
          %mul3A_375 = arith.mulf %get3A_351, %get3A_369 : vector<16xf32>
          %lt3A_376 = arith.constant 0 : i32
          %lt3A_377 = vector.broadcast %lt3A_376 : i32 to vector<16xi32>
          %lt3A_378 = arith.cmpi slt, %xor3A_24, %lt3A_377 : vector<16xi32>
          %add3A_379 = arith.constant 16 : i32
          %add3A_380 = vector.broadcast %add3A_379 : i32 to vector<16xi32>
          %add3A_381 = arith.addi %xor3A_24, %add3A_380 : vector<16xi32>
          %select_n3A = arith.select %lt3A_378, %add3A_381, %xor3A_24 : vector<16xi1>, vector<16xi32>
          %broadcast_in_dim3A_382 = vector.shape_cast %select_n3A : vector<16xi32> to vector<16x1xi32>
          %gather3A = vector.shape_cast %broadcast_in_dim3A_382 : vector<16x1xi32> to vector<16xi32>
          %gather3A_383 = tpu.dynamic_gather %mul3A_375[%gather3A] in [0] : vector<16xf32>, vector<16xi32> -> vector<16xf32>
          %add3A_384 = arith.addf %mul3A_375, %gather3A_383 : vector<16xf32>
          %lt3A_385 = arith.constant 0 : i32
          %lt3A_386 = vector.broadcast %lt3A_385 : i32 to vector<16xi32>
          %lt3A_387 = arith.cmpi slt, %xor3A_27, %lt3A_386 : vector<16xi32>
          %add3A_388 = arith.constant 16 : i32
          %add3A_389 = vector.broadcast %add3A_388 : i32 to vector<16xi32>
          %add3A_390 = arith.addi %xor3A_27, %add3A_389 : vector<16xi32>
          %select_n3A_391 = arith.select %lt3A_387, %add3A_390, %xor3A_27 : vector<16xi1>, vector<16xi32>
          %broadcast_in_dim3A_392 = vector.shape_cast %select_n3A_391 : vector<16xi32> to vector<16x1xi32>
          %gather3A_393 = vector.shape_cast %broadcast_in_dim3A_392 : vector<16x1xi32> to vector<16xi32>
          %gather3A_394 = tpu.dynamic_gather %add3A_384[%gather3A_393] in [0] : vector<16xf32>, vector<16xi32> -> vector<16xf32>
          %add3A_395 = arith.addf %add3A_384, %gather3A_394 : vector<16xf32>
          %lt3A_396 = arith.constant 0 : i32
          %lt3A_397 = vector.broadcast %lt3A_396 : i32 to vector<16xi32>
          %lt3A_398 = arith.cmpi slt, %xor3A_30, %lt3A_397 : vector<16xi32>
          %add3A_399 = arith.constant 16 : i32
          %add3A_400 = vector.broadcast %add3A_399 : i32 to vector<16xi32>
          %add3A_401 = arith.addi %xor3A_30, %add3A_400 : vector<16xi32>
          %select_n3A_402 = arith.select %lt3A_398, %add3A_401, %xor3A_30 : vector<16xi1>, vector<16xi32>
          %broadcast_in_dim3A_403 = vector.shape_cast %select_n3A_402 : vector<16xi32> to vector<16x1xi32>
          %gather3A_404 = vector.shape_cast %broadcast_in_dim3A_403 : vector<16x1xi32> to vector<16xi32>
          %gather3A_405 = tpu.dynamic_gather %add3A_395[%gather3A_404] in [0] : vector<16xf32>, vector<16xi32> -> vector<16xf32>
          %add3A_406 = arith.addf %add3A_395, %gather3A_405 : vector<16xf32>
          %lt3A_407 = arith.constant 0 : i32
          %lt3A_408 = vector.broadcast %lt3A_407 : i32 to vector<16xi32>
          %lt3A_409 = arith.cmpi slt, %xor3A_33, %lt3A_408 : vector<16xi32>
          %add3A_410 = arith.constant 16 : i32
          %add3A_411 = vector.broadcast %add3A_410 : i32 to vector<16xi32>
          %add3A_412 = arith.addi %xor3A_33, %add3A_411 : vector<16xi32>
          %select_n3A_413 = arith.select %lt3A_409, %add3A_412, %xor3A_33 : vector<16xi1>, vector<16xi32>
          %broadcast_in_dim3A_414 = vector.shape_cast %select_n3A_413 : vector<16xi32> to vector<16x1xi32>
          %gather3A_415 = vector.shape_cast %broadcast_in_dim3A_414 : vector<16x1xi32> to vector<16xi32>
          %gather3A_416 = tpu.dynamic_gather %add3A_406[%gather3A_415] in [0] : vector<16xf32>, vector<16xi32> -> vector<16xf32>
          %add3A_417 = arith.addf %add3A_406, %gather3A_416 : vector<16xf32>
          %exp3A = math.exp %add3A_417 : vector<16xf32>
          %mul3A_418 = arith.mulf %get3A_356, %get3A_374 : vector<16xf32>
          %lt3A_419 = arith.constant 0 : i32
          %lt3A_420 = vector.broadcast %lt3A_419 : i32 to vector<16xi32>
          %lt3A_421 = arith.cmpi slt, %xor3A_24, %lt3A_420 : vector<16xi32>
          %add3A_422 = arith.constant 16 : i32
          %add3A_423 = vector.broadcast %add3A_422 : i32 to vector<16xi32>
          %add3A_424 = arith.addi %xor3A_24, %add3A_423 : vector<16xi32>
          %select_n3A_425 = arith.select %lt3A_421, %add3A_424, %xor3A_24 : vector<16xi1>, vector<16xi32>
          %broadcast_in_dim3A_426 = vector.shape_cast %select_n3A_425 : vector<16xi32> to vector<16x1xi32>
          %gather3A_427 = vector.shape_cast %broadcast_in_dim3A_426 : vector<16x1xi32> to vector<16xi32>
          %gather3A_428 = tpu.dynamic_gather %mul3A_418[%gather3A_427] in [0] : vector<16xf32>, vector<16xi32> -> vector<16xf32>
          %add3A_429 = arith.addf %mul3A_418, %gather3A_428 : vector<16xf32>
          %lt3A_430 = arith.constant 0 : i32
          %lt3A_431 = vector.broadcast %lt3A_430 : i32 to vector<16xi32>
          %lt3A_432 = arith.cmpi slt, %xor3A_27, %lt3A_431 : vector<16xi32>
          %add3A_433 = arith.constant 16 : i32
          %add3A_434 = vector.broadcast %add3A_433 : i32 to vector<16xi32>
          %add3A_435 = arith.addi %xor3A_27, %add3A_434 : vector<16xi32>
          %select_n3A_436 = arith.select %lt3A_432, %add3A_435, %xor3A_27 : vector<16xi1>, vector<16xi32>
          %broadcast_in_dim3A_437 = vector.shape_cast %select_n3A_436 : vector<16xi32> to vector<16x1xi32>
          %gather3A_438 = vector.shape_cast %broadcast_in_dim3A_437 : vector<16x1xi32> to vector<16xi32>
          %gather3A_439 = tpu.dynamic_gather %add3A_429[%gather3A_438] in [0] : vector<16xf32>, vector<16xi32> -> vector<16xf32>
          %add3A_440 = arith.addf %add3A_429, %gather3A_439 : vector<16xf32>
          %lt3A_441 = arith.constant 0 : i32
          %lt3A_442 = vector.broadcast %lt3A_441 : i32 to vector<16xi32>
          %lt3A_443 = arith.cmpi slt, %xor3A_30, %lt3A_442 : vector<16xi32>
          %add3A_444 = arith.constant 16 : i32
          %add3A_445 = vector.broadcast %add3A_444 : i32 to vector<16xi32>
          %add3A_446 = arith.addi %xor3A_30, %add3A_445 : vector<16xi32>
          %select_n3A_447 = arith.select %lt3A_443, %add3A_446, %xor3A_30 : vector<16xi1>, vector<16xi32>
          %broadcast_in_dim3A_448 = vector.shape_cast %select_n3A_447 : vector<16xi32> to vector<16x1xi32>
          %gather3A_449 = vector.shape_cast %broadcast_in_dim3A_448 : vector<16x1xi32> to vector<16xi32>
          %gather3A_450 = tpu.dynamic_gather %add3A_440[%gather3A_449] in [0] : vector<16xf32>, vector<16xi32> -> vector<16xf32>
          %add3A_451 = arith.addf %add3A_440, %gather3A_450 : vector<16xf32>
          %lt3A_452 = arith.constant 0 : i32
          %lt3A_453 = vector.broadcast %lt3A_452 : i32 to vector<16xi32>
          %lt3A_454 = arith.cmpi slt, %xor3A_33, %lt3A_453 : vector<16xi32>
          %add3A_455 = arith.constant 16 : i32
          %add3A_456 = vector.broadcast %add3A_455 : i32 to vector<16xi32>
          %add3A_457 = arith.addi %xor3A_33, %add3A_456 : vector<16xi32>
          %select_n3A_458 = arith.select %lt3A_454, %add3A_457, %xor3A_33 : vector<16xi1>, vector<16xi32>
          %broadcast_in_dim3A_459 = vector.shape_cast %select_n3A_458 : vector<16xi32> to vector<16x1xi32>
          %gather3A_460 = vector.shape_cast %broadcast_in_dim3A_459 : vector<16x1xi32> to vector<16xi32>
          %gather3A_461 = tpu.dynamic_gather %add3A_451[%gather3A_460] in [0] : vector<16xf32>, vector<16xi32> -> vector<16xf32>
          %add3A_462 = arith.addf %add3A_451, %gather3A_461 : vector<16xf32>
          %exp3A_463 = math.exp %add3A_462 : vector<16xf32>
          %get3A_464 = arith.index_cast %scan3A_295 : i32 to index
          %get3A_465 = tpu.vector_load %arg24[%get3A_464] {strides = array<i32>} : memref<80xi32, #tpu.memory_space<vmem>>, vector<16xi32>,
          %slice3A_466 = vector.extract_strided_slice %get3A_465 {offsets = [0], sizes = [1], strides = [1]} : vector<16xi32> to vector<1xi32>
          %squeeze3A_467 = vector.extract %slice3A_466[0] : i32 from vector<1xi32>
          %mul3A_468 = arith.mulf %get3A_361, %exp3A : vector<16xf32>
          %swap3A_469 = arith.index_cast %add3A_293 : i32 to index
          %swap3A_470 = arith.index_cast %squeeze3A_467 : i32 to index
          %swap3A_471 = tpu.vector_load %arg31[%swap3A_469, %swap3A_470] {strides = array<i32>} : memref<64x128xf32, #tpu.memory_space<vmem>>, vector<16xf32>,
          tpu.vector_store %arg31[%swap3A_469, %swap3A_470], %mul3A_468 {strides = array<i32>} : memref<64x128xf32, #tpu.memory_space<vmem>>, vector<16xf32>,
          %mul3A_472 = arith.mulf %get3A_366, %exp3A_463 : vector<16xf32>
          %add3A_473 = arith.constant 16 : i32
          %add3A_474 = arith.addi %squeeze3A_467, %add3A_473 : i32
          %swap3A_475 = arith.index_cast %add3A_293 : i32 to index
          %swap3A_476 = arith.index_cast %add3A_474 : i32 to index
          %swap3A_477 = tpu.vector_load %arg31[%swap3A_475, %swap3A_476] {strides = array<i32>} : memref<64x128xf32, #tpu.memory_space<vmem>>, vector<16xf32>,
          tpu.vector_store %arg31[%swap3A_475, %swap3A_476], %mul3A_472 {strides = array<i32>} : memref<64x128xf32, #tpu.memory_space<vmem>>, vector<16xf32>,
          %eq3A_478 = arith.constant 0 : i32
          %eq3A_479 = vector.broadcast %eq3A_478 : i32 to vector<16xi32>
          %eq3A_480 = arith.cmpi eq, %iota3A, %eq3A_479 : vector<16xi32>
          %eq3A_481 = arith.constant 1 : i32
          %eq3A_482 = vector.broadcast %eq3A_481 : i32 to vector<16xi32>
          %eq3A_483 = arith.cmpi eq, %iota3A, %eq3A_482 : vector<16xi32>
          %jit3A = arith.constant 0.000000e+00 : f32
          %broadcast_in_dim3A_484 = vector.broadcast %jit3A : f32 to vector<16xf32>
          %select_n3A_485 = arith.select %eq3A_483, %exp3A_463, %broadcast_in_dim3A_484 : vector<16xi1>, vector<16xf32>
          %select_n3A_486 = arith.select %eq3A_480, %exp3A, %select_n3A_485 : vector<16xi1>, vector<16xf32>
          %get3A_487 = arith.index_cast %scan3A_295 : i32 to index
          %get3A_488 = tpu.vector_load %arg26[%get3A_487] {strides = array<i32>} : memref<80xi32, #tpu.memory_space<vmem>>, vector<16xi32>,
          %slice3A_489 = vector.extract_strided_slice %get3A_488 {offsets = [0], sizes = [1], strides = [1]} : vector<16xi32> to vector<1xi32>
          %squeeze3A_490 = vector.extract %slice3A_489[0] : i32 from vector<1xi32>
          %swap3A_491 = arith.index_cast %add3A_293 : i32 to index
          %swap3A_492 = arith.index_cast %squeeze3A_490 : i32 to index
          %swap3A_493 = tpu.vector_load %arg32[%swap3A_491, %swap3A_492] {strides = array<i32>} : memref<65x128xf32, #tpu.memory_space<vmem>>, vector<16xf32>,
          tpu.vector_store %arg32[%swap3A_491, %swap3A_492], %select_n3A_486 {strides = array<i32>} : memref<65x128xf32, #tpu.memory_space<vmem>>, vector<16xf32>,
          %broadcast_in_dim3A_494 = vector.broadcast %add3A_293 : i32 to vector<16xi32>
          %broadcast_in_dim3A_495 = vector.broadcast %squeeze3A_467 : i32 to vector<16xi32>
          tpu.vector_store_idx %arg25[%broadcast_in_dim3A_494], %broadcast_in_dim3A_495 masked %eq3A_66 : memref<80xi32, #tpu.memory_space<vmem>>[vector<16xi32>], vector<16xi32>, vector<16xi1>
          %broadcast_in_dim3A_496 = vector.broadcast %add3A_293 : i32 to vector<16xi32>
          %broadcast_in_dim3A_497 = vector.broadcast %squeeze3A_490 : i32 to vector<16xi32>
          tpu.vector_store_idx %arg27[%broadcast_in_dim3A_496], %broadcast_in_dim3A_497 masked %eq3A_66 : memref<80xi32, #tpu.memory_space<vmem>>[vector<16xi32>], vector<16xi32>, vector<16xi1>
          %shift_right_arithmetic3A = arith.constant 5 : i32
          %shift_right_arithmetic3A_498 = arith.shrsi %add3A_293, %shift_right_arithmetic3A : i32
          %broadcast_in_dim3A_499 = vector.broadcast %shift_right_arithmetic3A_498 : i32 to vector<16xi32>
          %and3A = arith.constant 31 : i32
          %and3A_500 = arith.andi %add3A_293, %and3A : i32
          %broadcast_in_dim3A_501 = vector.broadcast %and3A_500 : i32 to vector<16xi32>
          %get3A_502 = arith.index_cast %scan3A_295 : i32 to index
          %get3A_503 = tpu.vector_load %arg29[%get3A_502] {strides = array<i32>} : memref<80xi32, #tpu.memory_space<vmem>>, vector<16xi32>,
          %slice3A_504 = vector.extract_strided_slice %get3A_503 {offsets = [0], sizes = [1], strides = [1]} : vector<16xi32> to vector<1xi32>
          %squeeze3A_505 = vector.extract %slice3A_504[0] : i32 from vector<1xi32>
          %broadcast_in_dim3A_506 = vector.broadcast %squeeze3A_505 : i32 to vector<16xi32>
          tpu.vector_store_idx %arg21[%broadcast_in_dim3A_499, %broadcast_in_dim3A_501], %broadcast_in_dim3A_506 masked %eq3A_66 : memref<2x32xi32, #tpu.memory_space<vmem>>[vector<16xi32>, vector<16xi32>], vector<16xi32>, vector<16xi1>
          %get3A_507 = arith.index_cast %scan3A_295 : i32 to index
          %get3A_508 = tpu.vector_load %arg30[%get3A_507] {strides = array<i32>} : memref<80xi32, #tpu.memory_space<vmem>>, vector<16xi32>,
          %slice3A_509 = vector.extract_strided_slice %get3A_508 {offsets = [0], sizes = [1], strides = [1]} : vector<16xi32> to vector<1xi32>
          %squeeze3A_510 = vector.extract %slice3A_509[0] : i32 from vector<1xi32>
          %broadcast_in_dim3A_511 = vector.broadcast %squeeze3A_510 : i32 to vector<16xi32>
          tpu.vector_store_idx %arg23[%broadcast_in_dim3A_499, %broadcast_in_dim3A_501], %broadcast_in_dim3A_511 masked %eq3A_66 : memref<2x32xi32, #tpu.memory_space<vmem>>[vector<16xi32>, vector<16xi32>], vector<16xi32>, vector<16xi1>
        } else {
        }
        %add3A_305 = arith.addi %add3A_293, %squeeze3A_299 : i32
        %scan3A_306 = arith.constant 2 : i32
        %scan3A_307 = arith.addi %scan3A_285, %scan3A_306 : i32
        %get3A_308 = arith.index_cast %scan3A_307 : i32 to index
        %get3A_309 = tpu.vector_load %arg28[%get3A_308] {strides = array<i32>} : memref<80xi32, #tpu.memory_space<vmem>>, vector<16xi32>,
        %slice3A_310 = vector.extract_strided_slice %get3A_309 {offsets = [0], sizes = [1], strides = [1]} : vector<16xi32> to vector<1xi32>
        %squeeze3A_311 = vector.extract %slice3A_310[0] : i32 from vector<1xi32>
        %gt3A_312 = arith.constant 0 : i32
        %gt3A_313 = arith.cmpi sgt, %squeeze3A_311, %gt3A_312 : i32
        %convert_element_type3A_314 = arith.extui %gt3A_313 : i1 to i32
        %cond3A_315 = arith.constant 0 : i32
        %cond3A_316 = arith.cmpi ne, %convert_element_type3A_314, %cond3A_315 : i32
        scf.if %cond3A_316 {
          %get3A_330 = arith.index_cast %add3A_305 : i32 to index
          %get3A_331 = tpu.vector_load %arg25[%get3A_330] {strides = array<i32>} : memref<80xi32, #tpu.memory_space<vmem>>, vector<16xi32>,
          %slice3A_332 = vector.extract_strided_slice %get3A_331 {offsets = [0], sizes = [1], strides = [1]} : vector<16xi32> to vector<1xi32>
          %squeeze3A_333 = vector.extract %slice3A_332[0] : i32 from vector<1xi32>
          %swap3A_334 = arith.index_cast %add3A_305 : i32 to index
          %swap3A_335 = arith.index_cast %squeeze3A_333 : i32 to index
          %swap3A_336 = tpu.vector_load %arg31[%swap3A_334, %swap3A_335] {strides = array<i32>} : memref<64x128xf32, #tpu.memory_space<vmem>>, vector<16xf32>,
          tpu.vector_store %arg31[%swap3A_334, %swap3A_335], %broadcast_in_dim3A_3 {strides = array<i32>} : memref<64x128xf32, #tpu.memory_space<vmem>>, vector<16xf32>,
          %add3A_337 = arith.constant 16 : i32
          %add3A_338 = arith.addi %squeeze3A_333, %add3A_337 : i32
          %swap3A_339 = arith.index_cast %add3A_305 : i32 to index
          %swap3A_340 = arith.index_cast %add3A_338 : i32 to index
          %swap3A_341 = tpu.vector_load %arg31[%swap3A_339, %swap3A_340] {strides = array<i32>} : memref<64x128xf32, #tpu.memory_space<vmem>>, vector<16xf32>,
          tpu.vector_store %arg31[%swap3A_339, %swap3A_340], %broadcast_in_dim3A_3 {strides = array<i32>} : memref<64x128xf32, #tpu.memory_space<vmem>>, vector<16xf32>,
          %get3A_342 = arith.index_cast %add3A_305 : i32 to index
          %get3A_343 = tpu.vector_load %arg27[%get3A_342] {strides = array<i32>} : memref<80xi32, #tpu.memory_space<vmem>>, vector<16xi32>,
          %slice3A_344 = vector.extract_strided_slice %get3A_343 {offsets = [0], sizes = [1], strides = [1]} : vector<16xi32> to vector<1xi32>
          %squeeze3A_345 = vector.extract %slice3A_344[0] : i32 from vector<1xi32>
          %swap3A_346 = arith.index_cast %add3A_305 : i32 to index
          %swap3A_347 = arith.index_cast %squeeze3A_345 : i32 to index
          %swap3A_348 = tpu.vector_load %arg32[%swap3A_346, %swap3A_347] {strides = array<i32>} : memref<65x128xf32, #tpu.memory_space<vmem>>, vector<16xf32>,
          tpu.vector_store %arg32[%swap3A_346, %swap3A_347], %broadcast_in_dim3A_3 {strides = array<i32>} : memref<65x128xf32, #tpu.memory_space<vmem>>, vector<16xf32>,
          %get3A_349 = arith.index_cast %scan3A_307 : i32 to index
          %get3A_350 = arith.index_cast %mul3A_35 : i32 to index
          %get3A_351 = tpu.vector_load %arg17[%get3A_349, %get3A_350] {strides = array<i32>} : memref<64x128xf32, #tpu.memory_space<vmem>>, vector<16xf32>,
          %add3A_352 = arith.constant 16 : i32
          %add3A_353 = arith.addi %mul3A_35, %add3A_352 : i32
          %get3A_354 = arith.index_cast %scan3A_307 : i32 to index
          %get3A_355 = arith.index_cast %add3A_353 : i32 to index
          %get3A_356 = tpu.vector_load %arg17[%get3A_354, %get3A_355] {strides = array<i32>} : memref<64x128xf32, #tpu.memory_space<vmem>>, vector<16xf32>,
          %add3A_357 = arith.constant 32 : i32
          %add3A_358 = arith.addi %mul3A_35, %add3A_357 : i32
          %get3A_359 = arith.index_cast %scan3A_307 : i32 to index
          %get3A_360 = arith.index_cast %add3A_358 : i32 to index
          %get3A_361 = tpu.vector_load %arg17[%get3A_359, %get3A_360] {strides = array<i32>} : memref<64x128xf32, #tpu.memory_space<vmem>>, vector<16xf32>,
          %add3A_362 = arith.constant 48 : i32
          %add3A_363 = arith.addi %mul3A_35, %add3A_362 : i32
          %get3A_364 = arith.index_cast %scan3A_307 : i32 to index
          %get3A_365 = arith.index_cast %add3A_363 : i32 to index
          %get3A_366 = tpu.vector_load %arg17[%get3A_364, %get3A_365] {strides = array<i32>} : memref<64x128xf32, #tpu.memory_space<vmem>>, vector<16xf32>,
          %get3A_367 = arith.index_cast %scan3A_307 : i32 to index
          %get3A_368 = arith.index_cast %mul3A_37 : i32 to index
          %get3A_369 = tpu.vector_load %arg19[%get3A_367, %get3A_368] {strides = array<i32>} : memref<64x128xf32, #tpu.memory_space<vmem>>, vector<16xf32>,
          %add3A_370 = arith.constant 16 : i32
          %add3A_371 = arith.addi %mul3A_37, %add3A_370 : i32
          %get3A_372 = arith.index_cast %scan3A_307 : i32 to index
          %get3A_373 = arith.index_cast %add3A_371 : i32 to index
          %get3A_374 = tpu.vector_load %arg19[%get3A_372, %get3A_373] {strides = array<i32>} : memref<64x128xf32, #tpu.memory_space<vmem>>, vector<16xf32>,
          %mul3A_375 = arith.mulf %get3A_351, %get3A_369 : vector<16xf32>
          %lt3A_376 = arith.constant 0 : i32
          %lt3A_377 = vector.broadcast %lt3A_376 : i32 to vector<16xi32>
          %lt3A_378 = arith.cmpi slt, %xor3A_24, %lt3A_377 : vector<16xi32>
          %add3A_379 = arith.constant 16 : i32
          %add3A_380 = vector.broadcast %add3A_379 : i32 to vector<16xi32>
          %add3A_381 = arith.addi %xor3A_24, %add3A_380 : vector<16xi32>
          %select_n3A = arith.select %lt3A_378, %add3A_381, %xor3A_24 : vector<16xi1>, vector<16xi32>
          %broadcast_in_dim3A_382 = vector.shape_cast %select_n3A : vector<16xi32> to vector<16x1xi32>
          %gather3A = vector.shape_cast %broadcast_in_dim3A_382 : vector<16x1xi32> to vector<16xi32>
          %gather3A_383 = tpu.dynamic_gather %mul3A_375[%gather3A] in [0] : vector<16xf32>, vector<16xi32> -> vector<16xf32>
          %add3A_384 = arith.addf %mul3A_375, %gather3A_383 : vector<16xf32>
          %lt3A_385 = arith.constant 0 : i32
          %lt3A_386 = vector.broadcast %lt3A_385 : i32 to vector<16xi32>
          %lt3A_387 = arith.cmpi slt, %xor3A_27, %lt3A_386 : vector<16xi32>
          %add3A_388 = arith.constant 16 : i32
          %add3A_389 = vector.broadcast %add3A_388 : i32 to vector<16xi32>
          %add3A_390 = arith.addi %xor3A_27, %add3A_389 : vector<16xi32>
          %select_n3A_391 = arith.select %lt3A_387, %add3A_390, %xor3A_27 : vector<16xi1>, vector<16xi32>
          %broadcast_in_dim3A_392 = vector.shape_cast %select_n3A_391 : vector<16xi32> to vector<16x1xi32>
          %gather3A_393 = vector.shape_cast %broadcast_in_dim3A_392 : vector<16x1xi32> to vector<16xi32>
          %gather3A_394 = tpu.dynamic_gather %add3A_384[%gather3A_393] in [0] : vector<16xf32>, vector<16xi32> -> vector<16xf32>
          %add3A_395 = arith.addf %add3A_384, %gather3A_394 : vector<16xf32>
          %lt3A_396 = arith.constant 0 : i32
          %lt3A_397 = vector.broadcast %lt3A_396 : i32 to vector<16xi32>
          %lt3A_398 = arith.cmpi slt, %xor3A_30, %lt3A_397 : vector<16xi32>
          %add3A_399 = arith.constant 16 : i32
          %add3A_400 = vector.broadcast %add3A_399 : i32 to vector<16xi32>
          %add3A_401 = arith.addi %xor3A_30, %add3A_400 : vector<16xi32>
          %select_n3A_402 = arith.select %lt3A_398, %add3A_401, %xor3A_30 : vector<16xi1>, vector<16xi32>
          %broadcast_in_dim3A_403 = vector.shape_cast %select_n3A_402 : vector<16xi32> to vector<16x1xi32>
          %gather3A_404 = vector.shape_cast %broadcast_in_dim3A_403 : vector<16x1xi32> to vector<16xi32>
          %gather3A_405 = tpu.dynamic_gather %add3A_395[%gather3A_404] in [0] : vector<16xf32>, vector<16xi32> -> vector<16xf32>
          %add3A_406 = arith.addf %add3A_395, %gather3A_405 : vector<16xf32>
          %lt3A_407 = arith.constant 0 : i32
          %lt3A_408 = vector.broadcast %lt3A_407 : i32 to vector<16xi32>
          %lt3A_409 = arith.cmpi slt, %xor3A_33, %lt3A_408 : vector<16xi32>
          %add3A_410 = arith.constant 16 : i32
          %add3A_411 = vector.broadcast %add3A_410 : i32 to vector<16xi32>
          %add3A_412 = arith.addi %xor3A_33, %add3A_411 : vector<16xi32>
          %select_n3A_413 = arith.select %lt3A_409, %add3A_412, %xor3A_33 : vector<16xi1>, vector<16xi32>
          %broadcast_in_dim3A_414 = vector.shape_cast %select_n3A_413 : vector<16xi32> to vector<16x1xi32>
          %gather3A_415 = vector.shape_cast %broadcast_in_dim3A_414 : vector<16x1xi32> to vector<16xi32>
          %gather3A_416 = tpu.dynamic_gather %add3A_406[%gather3A_415] in [0] : vector<16xf32>, vector<16xi32> -> vector<16xf32>
          %add3A_417 = arith.addf %add3A_406, %gather3A_416 : vector<16xf32>
          %exp3A = math.exp %add3A_417 : vector<16xf32>
          %mul3A_418 = arith.mulf %get3A_356, %get3A_374 : vector<16xf32>
          %lt3A_419 = arith.constant 0 : i32
          %lt3A_420 = vector.broadcast %lt3A_419 : i32 to vector<16xi32>
          %lt3A_421 = arith.cmpi slt, %xor3A_24, %lt3A_420 : vector<16xi32>
          %add3A_422 = arith.constant 16 : i32
          %add3A_423 = vector.broadcast %add3A_422 : i32 to vector<16xi32>
          %add3A_424 = arith.addi %xor3A_24, %add3A_423 : vector<16xi32>
          %select_n3A_425 = arith.select %lt3A_421, %add3A_424, %xor3A_24 : vector<16xi1>, vector<16xi32>
          %broadcast_in_dim3A_426 = vector.shape_cast %select_n3A_425 : vector<16xi32> to vector<16x1xi32>
          %gather3A_427 = vector.shape_cast %broadcast_in_dim3A_426 : vector<16x1xi32> to vector<16xi32>
          %gather3A_428 = tpu.dynamic_gather %mul3A_418[%gather3A_427] in [0] : vector<16xf32>, vector<16xi32> -> vector<16xf32>
          %add3A_429 = arith.addf %mul3A_418, %gather3A_428 : vector<16xf32>
          %lt3A_430 = arith.constant 0 : i32
          %lt3A_431 = vector.broadcast %lt3A_430 : i32 to vector<16xi32>
          %lt3A_432 = arith.cmpi slt, %xor3A_27, %lt3A_431 : vector<16xi32>
          %add3A_433 = arith.constant 16 : i32
          %add3A_434 = vector.broadcast %add3A_433 : i32 to vector<16xi32>
          %add3A_435 = arith.addi %xor3A_27, %add3A_434 : vector<16xi32>
          %select_n3A_436 = arith.select %lt3A_432, %add3A_435, %xor3A_27 : vector<16xi1>, vector<16xi32>
          %broadcast_in_dim3A_437 = vector.shape_cast %select_n3A_436 : vector<16xi32> to vector<16x1xi32>
          %gather3A_438 = vector.shape_cast %broadcast_in_dim3A_437 : vector<16x1xi32> to vector<16xi32>
          %gather3A_439 = tpu.dynamic_gather %add3A_429[%gather3A_438] in [0] : vector<16xf32>, vector<16xi32> -> vector<16xf32>
          %add3A_440 = arith.addf %add3A_429, %gather3A_439 : vector<16xf32>
          %lt3A_441 = arith.constant 0 : i32
          %lt3A_442 = vector.broadcast %lt3A_441 : i32 to vector<16xi32>
          %lt3A_443 = arith.cmpi slt, %xor3A_30, %lt3A_442 : vector<16xi32>
          %add3A_444 = arith.constant 16 : i32
          %add3A_445 = vector.broadcast %add3A_444 : i32 to vector<16xi32>
          %add3A_446 = arith.addi %xor3A_30, %add3A_445 : vector<16xi32>
          %select_n3A_447 = arith.select %lt3A_443, %add3A_446, %xor3A_30 : vector<16xi1>, vector<16xi32>
          %broadcast_in_dim3A_448 = vector.shape_cast %select_n3A_447 : vector<16xi32> to vector<16x1xi32>
          %gather3A_449 = vector.shape_cast %broadcast_in_dim3A_448 : vector<16x1xi32> to vector<16xi32>
          %gather3A_450 = tpu.dynamic_gather %add3A_440[%gather3A_449] in [0] : vector<16xf32>, vector<16xi32> -> vector<16xf32>
          %add3A_451 = arith.addf %add3A_440, %gather3A_450 : vector<16xf32>
          %lt3A_452 = arith.constant 0 : i32
          %lt3A_453 = vector.broadcast %lt3A_452 : i32 to vector<16xi32>
          %lt3A_454 = arith.cmpi slt, %xor3A_33, %lt3A_453 : vector<16xi32>
          %add3A_455 = arith.constant 16 : i32
          %add3A_456 = vector.broadcast %add3A_455 : i32 to vector<16xi32>
          %add3A_457 = arith.addi %xor3A_33, %add3A_456 : vector<16xi32>
          %select_n3A_458 = arith.select %lt3A_454, %add3A_457, %xor3A_33 : vector<16xi1>, vector<16xi32>
          %broadcast_in_dim3A_459 = vector.shape_cast %select_n3A_458 : vector<16xi32> to vector<16x1xi32>
          %gather3A_460 = vector.shape_cast %broadcast_in_dim3A_459 : vector<16x1xi32> to vector<16xi32>
          %gather3A_461 = tpu.dynamic_gather %add3A_451[%gather3A_460] in [0] : vector<16xf32>, vector<16xi32> -> vector<16xf32>
          %add3A_462 = arith.addf %add3A_451, %gather3A_461 : vector<16xf32>
          %exp3A_463 = math.exp %add3A_462 : vector<16xf32>
          %get3A_464 = arith.index_cast %scan3A_307 : i32 to index
          %get3A_465 = tpu.vector_load %arg24[%get3A_464] {strides = array<i32>} : memref<80xi32, #tpu.memory_space<vmem>>, vector<16xi32>,
          %slice3A_466 = vector.extract_strided_slice %get3A_465 {offsets = [0], sizes = [1], strides = [1]} : vector<16xi32> to vector<1xi32>
          %squeeze3A_467 = vector.extract %slice3A_466[0] : i32 from vector<1xi32>
          %mul3A_468 = arith.mulf %get3A_361, %exp3A : vector<16xf32>
          %swap3A_469 = arith.index_cast %add3A_305 : i32 to index
          %swap3A_470 = arith.index_cast %squeeze3A_467 : i32 to index
          %swap3A_471 = tpu.vector_load %arg31[%swap3A_469, %swap3A_470] {strides = array<i32>} : memref<64x128xf32, #tpu.memory_space<vmem>>, vector<16xf32>,
          tpu.vector_store %arg31[%swap3A_469, %swap3A_470], %mul3A_468 {strides = array<i32>} : memref<64x128xf32, #tpu.memory_space<vmem>>, vector<16xf32>,
          %mul3A_472 = arith.mulf %get3A_366, %exp3A_463 : vector<16xf32>
          %add3A_473 = arith.constant 16 : i32
          %add3A_474 = arith.addi %squeeze3A_467, %add3A_473 : i32
          %swap3A_475 = arith.index_cast %add3A_305 : i32 to index
          %swap3A_476 = arith.index_cast %add3A_474 : i32 to index
          %swap3A_477 = tpu.vector_load %arg31[%swap3A_475, %swap3A_476] {strides = array<i32>} : memref<64x128xf32, #tpu.memory_space<vmem>>, vector<16xf32>,
          tpu.vector_store %arg31[%swap3A_475, %swap3A_476], %mul3A_472 {strides = array<i32>} : memref<64x128xf32, #tpu.memory_space<vmem>>, vector<16xf32>,
          %eq3A_478 = arith.constant 0 : i32
          %eq3A_479 = vector.broadcast %eq3A_478 : i32 to vector<16xi32>
          %eq3A_480 = arith.cmpi eq, %iota3A, %eq3A_479 : vector<16xi32>
          %eq3A_481 = arith.constant 1 : i32
          %eq3A_482 = vector.broadcast %eq3A_481 : i32 to vector<16xi32>
          %eq3A_483 = arith.cmpi eq, %iota3A, %eq3A_482 : vector<16xi32>
          %jit3A = arith.constant 0.000000e+00 : f32
          %broadcast_in_dim3A_484 = vector.broadcast %jit3A : f32 to vector<16xf32>
          %select_n3A_485 = arith.select %eq3A_483, %exp3A_463, %broadcast_in_dim3A_484 : vector<16xi1>, vector<16xf32>
          %select_n3A_486 = arith.select %eq3A_480, %exp3A, %select_n3A_485 : vector<16xi1>, vector<16xf32>
          %get3A_487 = arith.index_cast %scan3A_307 : i32 to index
          %get3A_488 = tpu.vector_load %arg26[%get3A_487] {strides = array<i32>} : memref<80xi32, #tpu.memory_space<vmem>>, vector<16xi32>,
          %slice3A_489 = vector.extract_strided_slice %get3A_488 {offsets = [0], sizes = [1], strides = [1]} : vector<16xi32> to vector<1xi32>
          %squeeze3A_490 = vector.extract %slice3A_489[0] : i32 from vector<1xi32>
          %swap3A_491 = arith.index_cast %add3A_305 : i32 to index
          %swap3A_492 = arith.index_cast %squeeze3A_490 : i32 to index
          %swap3A_493 = tpu.vector_load %arg32[%swap3A_491, %swap3A_492] {strides = array<i32>} : memref<65x128xf32, #tpu.memory_space<vmem>>, vector<16xf32>,
          tpu.vector_store %arg32[%swap3A_491, %swap3A_492], %select_n3A_486 {strides = array<i32>} : memref<65x128xf32, #tpu.memory_space<vmem>>, vector<16xf32>,
          %broadcast_in_dim3A_494 = vector.broadcast %add3A_305 : i32 to vector<16xi32>
          %broadcast_in_dim3A_495 = vector.broadcast %squeeze3A_467 : i32 to vector<16xi32>
          tpu.vector_store_idx %arg25[%broadcast_in_dim3A_494], %broadcast_in_dim3A_495 masked %eq3A_66 : memref<80xi32, #tpu.memory_space<vmem>>[vector<16xi32>], vector<16xi32>, vector<16xi1>
          %broadcast_in_dim3A_496 = vector.broadcast %add3A_305 : i32 to vector<16xi32>
          %broadcast_in_dim3A_497 = vector.broadcast %squeeze3A_490 : i32 to vector<16xi32>
          tpu.vector_store_idx %arg27[%broadcast_in_dim3A_496], %broadcast_in_dim3A_497 masked %eq3A_66 : memref<80xi32, #tpu.memory_space<vmem>>[vector<16xi32>], vector<16xi32>, vector<16xi1>
          %shift_right_arithmetic3A = arith.constant 5 : i32
          %shift_right_arithmetic3A_498 = arith.shrsi %add3A_305, %shift_right_arithmetic3A : i32
          %broadcast_in_dim3A_499 = vector.broadcast %shift_right_arithmetic3A_498 : i32 to vector<16xi32>
          %and3A = arith.constant 31 : i32
          %and3A_500 = arith.andi %add3A_305, %and3A : i32
          %broadcast_in_dim3A_501 = vector.broadcast %and3A_500 : i32 to vector<16xi32>
          %get3A_502 = arith.index_cast %scan3A_307 : i32 to index
          %get3A_503 = tpu.vector_load %arg29[%get3A_502] {strides = array<i32>} : memref<80xi32, #tpu.memory_space<vmem>>, vector<16xi32>,
          %slice3A_504 = vector.extract_strided_slice %get3A_503 {offsets = [0], sizes = [1], strides = [1]} : vector<16xi32> to vector<1xi32>
          %squeeze3A_505 = vector.extract %slice3A_504[0] : i32 from vector<1xi32>
          %broadcast_in_dim3A_506 = vector.broadcast %squeeze3A_505 : i32 to vector<16xi32>
          tpu.vector_store_idx %arg21[%broadcast_in_dim3A_499, %broadcast_in_dim3A_501], %broadcast_in_dim3A_506 masked %eq3A_66 : memref<2x32xi32, #tpu.memory_space<vmem>>[vector<16xi32>, vector<16xi32>], vector<16xi32>, vector<16xi1>
          %get3A_507 = arith.index_cast %scan3A_307 : i32 to index
          %get3A_508 = tpu.vector_load %arg30[%get3A_507] {strides = array<i32>} : memref<80xi32, #tpu.memory_space<vmem>>, vector<16xi32>,
          %slice3A_509 = vector.extract_strided_slice %get3A_508 {offsets = [0], sizes = [1], strides = [1]} : vector<16xi32> to vector<1xi32>
          %squeeze3A_510 = vector.extract %slice3A_509[0] : i32 from vector<1xi32>
          %broadcast_in_dim3A_511 = vector.broadcast %squeeze3A_510 : i32 to vector<16xi32>
          tpu.vector_store_idx %arg23[%broadcast_in_dim3A_499, %broadcast_in_dim3A_501], %broadcast_in_dim3A_511 masked %eq3A_66 : memref<2x32xi32, #tpu.memory_space<vmem>>[vector<16xi32>, vector<16xi32>], vector<16xi32>, vector<16xi1>
        } else {
        }
        %add3A_317 = arith.addi %add3A_305, %squeeze3A_311 : i32
        %scan3A_318 = arith.constant 3 : i32
        %scan3A_319 = arith.addi %scan3A_285, %scan3A_318 : i32
        %get3A_320 = arith.index_cast %scan3A_319 : i32 to index
        %get3A_321 = tpu.vector_load %arg28[%get3A_320] {strides = array<i32>} : memref<80xi32, #tpu.memory_space<vmem>>, vector<16xi32>,
        %slice3A_322 = vector.extract_strided_slice %get3A_321 {offsets = [0], sizes = [1], strides = [1]} : vector<16xi32> to vector<1xi32>
        %squeeze3A_323 = vector.extract %slice3A_322[0] : i32 from vector<1xi32>
        %gt3A_324 = arith.constant 0 : i32
        %gt3A_325 = arith.cmpi sgt, %squeeze3A_323, %gt3A_324 : i32
        %convert_element_type3A_326 = arith.extui %gt3A_325 : i1 to i32
        %cond3A_327 = arith.constant 0 : i32
        %cond3A_328 = arith.cmpi ne, %convert_element_type3A_326, %cond3A_327 : i32
        scf.if %cond3A_328 {
          %get3A_330 = arith.index_cast %add3A_317 : i32 to index
          %get3A_331 = tpu.vector_load %arg25[%get3A_330] {strides = array<i32>} : memref<80xi32, #tpu.memory_space<vmem>>, vector<16xi32>,
          %slice3A_332 = vector.extract_strided_slice %get3A_331 {offsets = [0], sizes = [1], strides = [1]} : vector<16xi32> to vector<1xi32>
          %squeeze3A_333 = vector.extract %slice3A_332[0] : i32 from vector<1xi32>
          %swap3A_334 = arith.index_cast %add3A_317 : i32 to index
          %swap3A_335 = arith.index_cast %squeeze3A_333 : i32 to index
          %swap3A_336 = tpu.vector_load %arg31[%swap3A_334, %swap3A_335] {strides = array<i32>} : memref<64x128xf32, #tpu.memory_space<vmem>>, vector<16xf32>,
          tpu.vector_store %arg31[%swap3A_334, %swap3A_335], %broadcast_in_dim3A_3 {strides = array<i32>} : memref<64x128xf32, #tpu.memory_space<vmem>>, vector<16xf32>,
          %add3A_337 = arith.constant 16 : i32
          %add3A_338 = arith.addi %squeeze3A_333, %add3A_337 : i32
          %swap3A_339 = arith.index_cast %add3A_317 : i32 to index
          %swap3A_340 = arith.index_cast %add3A_338 : i32 to index
          %swap3A_341 = tpu.vector_load %arg31[%swap3A_339, %swap3A_340] {strides = array<i32>} : memref<64x128xf32, #tpu.memory_space<vmem>>, vector<16xf32>,
          tpu.vector_store %arg31[%swap3A_339, %swap3A_340], %broadcast_in_dim3A_3 {strides = array<i32>} : memref<64x128xf32, #tpu.memory_space<vmem>>, vector<16xf32>,
          %get3A_342 = arith.index_cast %add3A_317 : i32 to index
          %get3A_343 = tpu.vector_load %arg27[%get3A_342] {strides = array<i32>} : memref<80xi32, #tpu.memory_space<vmem>>, vector<16xi32>,
          %slice3A_344 = vector.extract_strided_slice %get3A_343 {offsets = [0], sizes = [1], strides = [1]} : vector<16xi32> to vector<1xi32>
          %squeeze3A_345 = vector.extract %slice3A_344[0] : i32 from vector<1xi32>
          %swap3A_346 = arith.index_cast %add3A_317 : i32 to index
          %swap3A_347 = arith.index_cast %squeeze3A_345 : i32 to index
          %swap3A_348 = tpu.vector_load %arg32[%swap3A_346, %swap3A_347] {strides = array<i32>} : memref<65x128xf32, #tpu.memory_space<vmem>>, vector<16xf32>,
          tpu.vector_store %arg32[%swap3A_346, %swap3A_347], %broadcast_in_dim3A_3 {strides = array<i32>} : memref<65x128xf32, #tpu.memory_space<vmem>>, vector<16xf32>,
          %get3A_349 = arith.index_cast %scan3A_319 : i32 to index
          %get3A_350 = arith.index_cast %mul3A_35 : i32 to index
          %get3A_351 = tpu.vector_load %arg17[%get3A_349, %get3A_350] {strides = array<i32>} : memref<64x128xf32, #tpu.memory_space<vmem>>, vector<16xf32>,
          %add3A_352 = arith.constant 16 : i32
          %add3A_353 = arith.addi %mul3A_35, %add3A_352 : i32
          %get3A_354 = arith.index_cast %scan3A_319 : i32 to index
          %get3A_355 = arith.index_cast %add3A_353 : i32 to index
          %get3A_356 = tpu.vector_load %arg17[%get3A_354, %get3A_355] {strides = array<i32>} : memref<64x128xf32, #tpu.memory_space<vmem>>, vector<16xf32>,
          %add3A_357 = arith.constant 32 : i32
          %add3A_358 = arith.addi %mul3A_35, %add3A_357 : i32
          %get3A_359 = arith.index_cast %scan3A_319 : i32 to index
          %get3A_360 = arith.index_cast %add3A_358 : i32 to index
          %get3A_361 = tpu.vector_load %arg17[%get3A_359, %get3A_360] {strides = array<i32>} : memref<64x128xf32, #tpu.memory_space<vmem>>, vector<16xf32>,
          %add3A_362 = arith.constant 48 : i32
          %add3A_363 = arith.addi %mul3A_35, %add3A_362 : i32
          %get3A_364 = arith.index_cast %scan3A_319 : i32 to index
          %get3A_365 = arith.index_cast %add3A_363 : i32 to index
          %get3A_366 = tpu.vector_load %arg17[%get3A_364, %get3A_365] {strides = array<i32>} : memref<64x128xf32, #tpu.memory_space<vmem>>, vector<16xf32>,
          %get3A_367 = arith.index_cast %scan3A_319 : i32 to index
          %get3A_368 = arith.index_cast %mul3A_37 : i32 to index
          %get3A_369 = tpu.vector_load %arg19[%get3A_367, %get3A_368] {strides = array<i32>} : memref<64x128xf32, #tpu.memory_space<vmem>>, vector<16xf32>,
          %add3A_370 = arith.constant 16 : i32
          %add3A_371 = arith.addi %mul3A_37, %add3A_370 : i32
          %get3A_372 = arith.index_cast %scan3A_319 : i32 to index
          %get3A_373 = arith.index_cast %add3A_371 : i32 to index
          %get3A_374 = tpu.vector_load %arg19[%get3A_372, %get3A_373] {strides = array<i32>} : memref<64x128xf32, #tpu.memory_space<vmem>>, vector<16xf32>,
          %mul3A_375 = arith.mulf %get3A_351, %get3A_369 : vector<16xf32>
          %lt3A_376 = arith.constant 0 : i32
          %lt3A_377 = vector.broadcast %lt3A_376 : i32 to vector<16xi32>
          %lt3A_378 = arith.cmpi slt, %xor3A_24, %lt3A_377 : vector<16xi32>
          %add3A_379 = arith.constant 16 : i32
          %add3A_380 = vector.broadcast %add3A_379 : i32 to vector<16xi32>
          %add3A_381 = arith.addi %xor3A_24, %add3A_380 : vector<16xi32>
          %select_n3A = arith.select %lt3A_378, %add3A_381, %xor3A_24 : vector<16xi1>, vector<16xi32>
          %broadcast_in_dim3A_382 = vector.shape_cast %select_n3A : vector<16xi32> to vector<16x1xi32>
          %gather3A = vector.shape_cast %broadcast_in_dim3A_382 : vector<16x1xi32> to vector<16xi32>
          %gather3A_383 = tpu.dynamic_gather %mul3A_375[%gather3A] in [0] : vector<16xf32>, vector<16xi32> -> vector<16xf32>
          %add3A_384 = arith.addf %mul3A_375, %gather3A_383 : vector<16xf32>
          %lt3A_385 = arith.constant 0 : i32
          %lt3A_386 = vector.broadcast %lt3A_385 : i32 to vector<16xi32>
          %lt3A_387 = arith.cmpi slt, %xor3A_27, %lt3A_386 : vector<16xi32>
          %add3A_388 = arith.constant 16 : i32
          %add3A_389 = vector.broadcast %add3A_388 : i32 to vector<16xi32>
          %add3A_390 = arith.addi %xor3A_27, %add3A_389 : vector<16xi32>
          %select_n3A_391 = arith.select %lt3A_387, %add3A_390, %xor3A_27 : vector<16xi1>, vector<16xi32>
          %broadcast_in_dim3A_392 = vector.shape_cast %select_n3A_391 : vector<16xi32> to vector<16x1xi32>
          %gather3A_393 = vector.shape_cast %broadcast_in_dim3A_392 : vector<16x1xi32> to vector<16xi32>
          %gather3A_394 = tpu.dynamic_gather %add3A_384[%gather3A_393] in [0] : vector<16xf32>, vector<16xi32> -> vector<16xf32>
          %add3A_395 = arith.addf %add3A_384, %gather3A_394 : vector<16xf32>
          %lt3A_396 = arith.constant 0 : i32
          %lt3A_397 = vector.broadcast %lt3A_396 : i32 to vector<16xi32>
          %lt3A_398 = arith.cmpi slt, %xor3A_30, %lt3A_397 : vector<16xi32>
          %add3A_399 = arith.constant 16 : i32
          %add3A_400 = vector.broadcast %add3A_399 : i32 to vector<16xi32>
          %add3A_401 = arith.addi %xor3A_30, %add3A_400 : vector<16xi32>
          %select_n3A_402 = arith.select %lt3A_398, %add3A_401, %xor3A_30 : vector<16xi1>, vector<16xi32>
          %broadcast_in_dim3A_403 = vector.shape_cast %select_n3A_402 : vector<16xi32> to vector<16x1xi32>
          %gather3A_404 = vector.shape_cast %broadcast_in_dim3A_403 : vector<16x1xi32> to vector<16xi32>
          %gather3A_405 = tpu.dynamic_gather %add3A_395[%gather3A_404] in [0] : vector<16xf32>, vector<16xi32> -> vector<16xf32>
          %add3A_406 = arith.addf %add3A_395, %gather3A_405 : vector<16xf32>
          %lt3A_407 = arith.constant 0 : i32
          %lt3A_408 = vector.broadcast %lt3A_407 : i32 to vector<16xi32>
          %lt3A_409 = arith.cmpi slt, %xor3A_33, %lt3A_408 : vector<16xi32>
          %add3A_410 = arith.constant 16 : i32
          %add3A_411 = vector.broadcast %add3A_410 : i32 to vector<16xi32>
          %add3A_412 = arith.addi %xor3A_33, %add3A_411 : vector<16xi32>
          %select_n3A_413 = arith.select %lt3A_409, %add3A_412, %xor3A_33 : vector<16xi1>, vector<16xi32>
          %broadcast_in_dim3A_414 = vector.shape_cast %select_n3A_413 : vector<16xi32> to vector<16x1xi32>
          %gather3A_415 = vector.shape_cast %broadcast_in_dim3A_414 : vector<16x1xi32> to vector<16xi32>
          %gather3A_416 = tpu.dynamic_gather %add3A_406[%gather3A_415] in [0] : vector<16xf32>, vector<16xi32> -> vector<16xf32>
          %add3A_417 = arith.addf %add3A_406, %gather3A_416 : vector<16xf32>
          %exp3A = math.exp %add3A_417 : vector<16xf32>
          %mul3A_418 = arith.mulf %get3A_356, %get3A_374 : vector<16xf32>
          %lt3A_419 = arith.constant 0 : i32
          %lt3A_420 = vector.broadcast %lt3A_419 : i32 to vector<16xi32>
          %lt3A_421 = arith.cmpi slt, %xor3A_24, %lt3A_420 : vector<16xi32>
          %add3A_422 = arith.constant 16 : i32
          %add3A_423 = vector.broadcast %add3A_422 : i32 to vector<16xi32>
          %add3A_424 = arith.addi %xor3A_24, %add3A_423 : vector<16xi32>
          %select_n3A_425 = arith.select %lt3A_421, %add3A_424, %xor3A_24 : vector<16xi1>, vector<16xi32>
          %broadcast_in_dim3A_426 = vector.shape_cast %select_n3A_425 : vector<16xi32> to vector<16x1xi32>
          %gather3A_427 = vector.shape_cast %broadcast_in_dim3A_426 : vector<16x1xi32> to vector<16xi32>
          %gather3A_428 = tpu.dynamic_gather %mul3A_418[%gather3A_427] in [0] : vector<16xf32>, vector<16xi32> -> vector<16xf32>
          %add3A_429 = arith.addf %mul3A_418, %gather3A_428 : vector<16xf32>
          %lt3A_430 = arith.constant 0 : i32
          %lt3A_431 = vector.broadcast %lt3A_430 : i32 to vector<16xi32>
          %lt3A_432 = arith.cmpi slt, %xor3A_27, %lt3A_431 : vector<16xi32>
          %add3A_433 = arith.constant 16 : i32
          %add3A_434 = vector.broadcast %add3A_433 : i32 to vector<16xi32>
          %add3A_435 = arith.addi %xor3A_27, %add3A_434 : vector<16xi32>
          %select_n3A_436 = arith.select %lt3A_432, %add3A_435, %xor3A_27 : vector<16xi1>, vector<16xi32>
          %broadcast_in_dim3A_437 = vector.shape_cast %select_n3A_436 : vector<16xi32> to vector<16x1xi32>
          %gather3A_438 = vector.shape_cast %broadcast_in_dim3A_437 : vector<16x1xi32> to vector<16xi32>
          %gather3A_439 = tpu.dynamic_gather %add3A_429[%gather3A_438] in [0] : vector<16xf32>, vector<16xi32> -> vector<16xf32>
          %add3A_440 = arith.addf %add3A_429, %gather3A_439 : vector<16xf32>
          %lt3A_441 = arith.constant 0 : i32
          %lt3A_442 = vector.broadcast %lt3A_441 : i32 to vector<16xi32>
          %lt3A_443 = arith.cmpi slt, %xor3A_30, %lt3A_442 : vector<16xi32>
          %add3A_444 = arith.constant 16 : i32
          %add3A_445 = vector.broadcast %add3A_444 : i32 to vector<16xi32>
          %add3A_446 = arith.addi %xor3A_30, %add3A_445 : vector<16xi32>
          %select_n3A_447 = arith.select %lt3A_443, %add3A_446, %xor3A_30 : vector<16xi1>, vector<16xi32>
          %broadcast_in_dim3A_448 = vector.shape_cast %select_n3A_447 : vector<16xi32> to vector<16x1xi32>
          %gather3A_449 = vector.shape_cast %broadcast_in_dim3A_448 : vector<16x1xi32> to vector<16xi32>
          %gather3A_450 = tpu.dynamic_gather %add3A_440[%gather3A_449] in [0] : vector<16xf32>, vector<16xi32> -> vector<16xf32>
          %add3A_451 = arith.addf %add3A_440, %gather3A_450 : vector<16xf32>
          %lt3A_452 = arith.constant 0 : i32
          %lt3A_453 = vector.broadcast %lt3A_452 : i32 to vector<16xi32>
          %lt3A_454 = arith.cmpi slt, %xor3A_33, %lt3A_453 : vector<16xi32>
          %add3A_455 = arith.constant 16 : i32
          %add3A_456 = vector.broadcast %add3A_455 : i32 to vector<16xi32>
          %add3A_457 = arith.addi %xor3A_33, %add3A_456 : vector<16xi32>
          %select_n3A_458 = arith.select %lt3A_454, %add3A_457, %xor3A_33 : vector<16xi1>, vector<16xi32>
          %broadcast_in_dim3A_459 = vector.shape_cast %select_n3A_458 : vector<16xi32> to vector<16x1xi32>
          %gather3A_460 = vector.shape_cast %broadcast_in_dim3A_459 : vector<16x1xi32> to vector<16xi32>
          %gather3A_461 = tpu.dynamic_gather %add3A_451[%gather3A_460] in [0] : vector<16xf32>, vector<16xi32> -> vector<16xf32>
          %add3A_462 = arith.addf %add3A_451, %gather3A_461 : vector<16xf32>
          %exp3A_463 = math.exp %add3A_462 : vector<16xf32>
          %get3A_464 = arith.index_cast %scan3A_319 : i32 to index
          %get3A_465 = tpu.vector_load %arg24[%get3A_464] {strides = array<i32>} : memref<80xi32, #tpu.memory_space<vmem>>, vector<16xi32>,
          %slice3A_466 = vector.extract_strided_slice %get3A_465 {offsets = [0], sizes = [1], strides = [1]} : vector<16xi32> to vector<1xi32>
          %squeeze3A_467 = vector.extract %slice3A_466[0] : i32 from vector<1xi32>
          %mul3A_468 = arith.mulf %get3A_361, %exp3A : vector<16xf32>
          %swap3A_469 = arith.index_cast %add3A_317 : i32 to index
          %swap3A_470 = arith.index_cast %squeeze3A_467 : i32 to index
          %swap3A_471 = tpu.vector_load %arg31[%swap3A_469, %swap3A_470] {strides = array<i32>} : memref<64x128xf32, #tpu.memory_space<vmem>>, vector<16xf32>,
          tpu.vector_store %arg31[%swap3A_469, %swap3A_470], %mul3A_468 {strides = array<i32>} : memref<64x128xf32, #tpu.memory_space<vmem>>, vector<16xf32>,
          %mul3A_472 = arith.mulf %get3A_366, %exp3A_463 : vector<16xf32>
          %add3A_473 = arith.constant 16 : i32
          %add3A_474 = arith.addi %squeeze3A_467, %add3A_473 : i32
          %swap3A_475 = arith.index_cast %add3A_317 : i32 to index
          %swap3A_476 = arith.index_cast %add3A_474 : i32 to index
          %swap3A_477 = tpu.vector_load %arg31[%swap3A_475, %swap3A_476] {strides = array<i32>} : memref<64x128xf32, #tpu.memory_space<vmem>>, vector<16xf32>,
          tpu.vector_store %arg31[%swap3A_475, %swap3A_476], %mul3A_472 {strides = array<i32>} : memref<64x128xf32, #tpu.memory_space<vmem>>, vector<16xf32>,
          %eq3A_478 = arith.constant 0 : i32
          %eq3A_479 = vector.broadcast %eq3A_478 : i32 to vector<16xi32>
          %eq3A_480 = arith.cmpi eq, %iota3A, %eq3A_479 : vector<16xi32>
          %eq3A_481 = arith.constant 1 : i32
          %eq3A_482 = vector.broadcast %eq3A_481 : i32 to vector<16xi32>
          %eq3A_483 = arith.cmpi eq, %iota3A, %eq3A_482 : vector<16xi32>
          %jit3A = arith.constant 0.000000e+00 : f32
          %broadcast_in_dim3A_484 = vector.broadcast %jit3A : f32 to vector<16xf32>
          %select_n3A_485 = arith.select %eq3A_483, %exp3A_463, %broadcast_in_dim3A_484 : vector<16xi1>, vector<16xf32>
          %select_n3A_486 = arith.select %eq3A_480, %exp3A, %select_n3A_485 : vector<16xi1>, vector<16xf32>
          %get3A_487 = arith.index_cast %scan3A_319 : i32 to index
          %get3A_488 = tpu.vector_load %arg26[%get3A_487] {strides = array<i32>} : memref<80xi32, #tpu.memory_space<vmem>>, vector<16xi32>,
          %slice3A_489 = vector.extract_strided_slice %get3A_488 {offsets = [0], sizes = [1], strides = [1]} : vector<16xi32> to vector<1xi32>
          %squeeze3A_490 = vector.extract %slice3A_489[0] : i32 from vector<1xi32>
          %swap3A_491 = arith.index_cast %add3A_317 : i32 to index
          %swap3A_492 = arith.index_cast %squeeze3A_490 : i32 to index
          %swap3A_493 = tpu.vector_load %arg32[%swap3A_491, %swap3A_492] {strides = array<i32>} : memref<65x128xf32, #tpu.memory_space<vmem>>, vector<16xf32>,
          tpu.vector_store %arg32[%swap3A_491, %swap3A_492], %select_n3A_486 {strides = array<i32>} : memref<65x128xf32, #tpu.memory_space<vmem>>, vector<16xf32>,
          %broadcast_in_dim3A_494 = vector.broadcast %add3A_317 : i32 to vector<16xi32>
          %broadcast_in_dim3A_495 = vector.broadcast %squeeze3A_467 : i32 to vector<16xi32>
          tpu.vector_store_idx %arg25[%broadcast_in_dim3A_494], %broadcast_in_dim3A_495 masked %eq3A_66 : memref<80xi32, #tpu.memory_space<vmem>>[vector<16xi32>], vector<16xi32>, vector<16xi1>
          %broadcast_in_dim3A_496 = vector.broadcast %add3A_317 : i32 to vector<16xi32>
          %broadcast_in_dim3A_497 = vector.broadcast %squeeze3A_490 : i32 to vector<16xi32>
          tpu.vector_store_idx %arg27[%broadcast_in_dim3A_496], %broadcast_in_dim3A_497 masked %eq3A_66 : memref<80xi32, #tpu.memory_space<vmem>>[vector<16xi32>], vector<16xi32>, vector<16xi1>
          %shift_right_arithmetic3A = arith.constant 5 : i32
          %shift_right_arithmetic3A_498 = arith.shrsi %add3A_317, %shift_right_arithmetic3A : i32
          %broadcast_in_dim3A_499 = vector.broadcast %shift_right_arithmetic3A_498 : i32 to vector<16xi32>
          %and3A = arith.constant 31 : i32
          %and3A_500 = arith.andi %add3A_317, %and3A : i32
          %broadcast_in_dim3A_501 = vector.broadcast %and3A_500 : i32 to vector<16xi32>
          %get3A_502 = arith.index_cast %scan3A_319 : i32 to index
          %get3A_503 = tpu.vector_load %arg29[%get3A_502] {strides = array<i32>} : memref<80xi32, #tpu.memory_space<vmem>>, vector<16xi32>,
          %slice3A_504 = vector.extract_strided_slice %get3A_503 {offsets = [0], sizes = [1], strides = [1]} : vector<16xi32> to vector<1xi32>
          %squeeze3A_505 = vector.extract %slice3A_504[0] : i32 from vector<1xi32>
          %broadcast_in_dim3A_506 = vector.broadcast %squeeze3A_505 : i32 to vector<16xi32>
          tpu.vector_store_idx %arg21[%broadcast_in_dim3A_499, %broadcast_in_dim3A_501], %broadcast_in_dim3A_506 masked %eq3A_66 : memref<2x32xi32, #tpu.memory_space<vmem>>[vector<16xi32>, vector<16xi32>], vector<16xi32>, vector<16xi1>
          %get3A_507 = arith.index_cast %scan3A_319 : i32 to index
          %get3A_508 = tpu.vector_load %arg30[%get3A_507] {strides = array<i32>} : memref<80xi32, #tpu.memory_space<vmem>>, vector<16xi32>,
          %slice3A_509 = vector.extract_strided_slice %get3A_508 {offsets = [0], sizes = [1], strides = [1]} : vector<16xi32> to vector<1xi32>
          %squeeze3A_510 = vector.extract %slice3A_509[0] : i32 from vector<1xi32>
          %broadcast_in_dim3A_511 = vector.broadcast %squeeze3A_510 : i32 to vector<16xi32>
          tpu.vector_store_idx %arg23[%broadcast_in_dim3A_499, %broadcast_in_dim3A_501], %broadcast_in_dim3A_511 masked %eq3A_66 : memref<2x32xi32, #tpu.memory_space<vmem>>[vector<16xi32>, vector<16xi32>], vector<16xi32>, vector<16xi1>
        } else {
        }
        %add3A_329 = arith.addi %add3A_317, %squeeze3A_323 : i32
        scf.yield %add3A_329 : i32
      }
      %scan3A_254 = arith.constant 64 : i32
      %dma_start3A_255 = arith.constant 0 : i32
      %dma_start3A_256 = arith.constant 0 : i32
      %dma_start3A_257 = arith.constant 0 : i32
      %dma_start3A_258 = tpu.memref_slice %arg31[%dma_start3A_256, %dma_start3A_257] : memref<64x128xf32, #tpu.memory_space<vmem>> -> memref<32x128xf32, #tpu.memory_space<vmem>>
      %dma_start3A_259 = arith.constant 0 : i32
      %dma_start3A_260 = tpu.memref_slice %arg21[%dma_start3A_255, %dma_start3A_259] : memref<2x32xi32, #tpu.memory_space<vmem>> -> memref<1x32xi32, #tpu.memory_space<vmem>>
      %dma_start3A_261 = tpu.memref_squeeze %dma_start3A_260 : memref<1x32xi32, #tpu.memory_space<vmem>> -> memref<32xi32, #tpu.memory_space<vmem>>
      %dma_start3A_262 = arith.constant 0 : i32
      %dma_start3A_263 = arith.constant 0 : i32
      %dma_start3A_264 = tpu.memref_slice %arg10[%dma_start3A_262, %dma_start3A_263] : memref<4224x128xf32, #tpu.memory_space<vmem_shared>> -> memref<4224x128xf32, #tpu.memory_space<vmem_shared>>
      tpu.enqueue_indirect_dma source(%dma_start3A_258 : memref<32x128xf32, #tpu.memory_space<vmem>>) target(%dma_start3A_264 : memref<4224x128xf32, #tpu.memory_space<vmem_shared>>) offsets(%dma_start3A_261 : memref<32xi32, #tpu.memory_space<vmem>>) semaphore(%arg35 : memref<!tpu.dma_semaphore, #tpu.memory_space<semaphore_mem>>) {add = true}
      %dma_start3A_265 = arith.constant 0 : i32
      %dma_start3A_266 = arith.constant 0 : i32
      %dma_start3A_267 = arith.constant 0 : i32
      %dma_start3A_268 = tpu.memref_slice %arg32[%dma_start3A_266, %dma_start3A_267] : memref<65x128xf32, #tpu.memory_space<vmem>> -> memref<32x128xf32, #tpu.memory_space<vmem>>
      %dma_start3A_269 = arith.constant 0 : i32
      %dma_start3A_270 = tpu.memref_slice %arg23[%dma_start3A_265, %dma_start3A_269] : memref<2x32xi32, #tpu.memory_space<vmem>> -> memref<1x32xi32, #tpu.memory_space<vmem>>
      %dma_start3A_271 = tpu.memref_squeeze %dma_start3A_270 : memref<1x32xi32, #tpu.memory_space<vmem>> -> memref<32xi32, #tpu.memory_space<vmem>>
      %dma_start3A_272 = arith.constant 0 : i32
      %dma_start3A_273 = arith.constant 0 : i32
      %dma_start3A_274 = tpu.memref_slice %arg11[%dma_start3A_272, %dma_start3A_273] : memref<264x128xf32, #tpu.memory_space<vmem_shared>> -> memref<264x128xf32, #tpu.memory_space<vmem_shared>>
      tpu.enqueue_indirect_dma source(%dma_start3A_268 : memref<32x128xf32, #tpu.memory_space<vmem>>) target(%dma_start3A_274 : memref<264x128xf32, #tpu.memory_space<vmem_shared>>) offsets(%dma_start3A_271 : memref<32xi32, #tpu.memory_space<vmem>>) semaphore(%arg35 : memref<!tpu.dma_semaphore, #tpu.memory_space<semaphore_mem>>) {add = true}
      %gt3A_275 = arith.constant 32 : i32
      %gt3A_276 = arith.cmpi sgt, %scan3A_253, %gt3A_275 : i32
      %convert_element_type3A_277 = arith.extui %gt3A_276 : i1 to i32
      %cond3A_278 = arith.constant 0 : i32
      %cond3A_279 = arith.cmpi ne, %convert_element_type3A_277, %cond3A_278 : i32
      scf.if %cond3A_279 {
        %run_scoped3A = arith.constant 1 : i32
        "tpu.region"() ({
          %run_scoped3A_286 = tpu.sem_alloc : memref<!tpu.dma_semaphore, #tpu.memory_space<semaphore_mem>>
          %dma_start3A_287 = arith.constant 32 : i32
          %dma_start3A_288 = arith.constant 0 : i32
          %dma_start3A_289 = tpu.memref_slice %arg31[%dma_start3A_287, %dma_start3A_288] : memref<64x128xf32, #tpu.memory_space<vmem>> -> memref<32x128xf32, #tpu.memory_space<vmem>>
          %dma_start3A_290 = arith.constant 0 : i32
          %dma_start3A_291 = tpu.memref_slice %arg21[%run_scoped3A, %dma_start3A_290] : memref<2x32xi32, #tpu.memory_space<vmem>> -> memref<1x32xi32, #tpu.memory_space<vmem>>
          %dma_start3A_292 = tpu.memref_squeeze %dma_start3A_291 : memref<1x32xi32, #tpu.memory_space<vmem>> -> memref<32xi32, #tpu.memory_space<vmem>>
          %dma_start3A_293 = arith.constant 0 : i32
          %dma_start3A_294 = arith.constant 0 : i32
          %dma_start3A_295 = tpu.memref_slice %arg10[%dma_start3A_293, %dma_start3A_294] : memref<4224x128xf32, #tpu.memory_space<vmem_shared>> -> memref<4224x128xf32, #tpu.memory_space<vmem_shared>>
          tpu.enqueue_indirect_dma source(%dma_start3A_289 : memref<32x128xf32, #tpu.memory_space<vmem>>) target(%dma_start3A_295 : memref<4224x128xf32, #tpu.memory_space<vmem_shared>>) offsets(%dma_start3A_292 : memref<32xi32, #tpu.memory_space<vmem>>) semaphore(%run_scoped3A_286 : memref<!tpu.dma_semaphore, #tpu.memory_space<semaphore_mem>>) {add = true}
          %dma_wait3A_296 = arith.constant 32 : i32
          %dma_wait3A_297 = arith.constant 0 : i32
          %dma_wait3A_298 = tpu.memref_slice %arg31[%dma_wait3A_296, %dma_wait3A_297] : memref<64x128xf32, #tpu.memory_space<vmem>> -> memref<32x128xf32, #tpu.memory_space<vmem>>
          %dma_wait3A_299 = arith.constant 0 : i32
          %dma_wait3A_300 = tpu.memref_slice %arg21[%run_scoped3A, %dma_wait3A_299] : memref<2x32xi32, #tpu.memory_space<vmem>> -> memref<1x32xi32, #tpu.memory_space<vmem>>
          %dma_wait3A_301 = tpu.memref_squeeze %dma_wait3A_300 : memref<1x32xi32, #tpu.memory_space<vmem>> -> memref<32xi32, #tpu.memory_space<vmem>>
          %dma_wait3A_302 = arith.constant 0 : i32
          %dma_wait3A_303 = arith.constant 0 : i32
          %dma_wait3A_304 = tpu.memref_slice %arg10[%dma_wait3A_302, %dma_wait3A_303] : memref<4224x128xf32, #tpu.memory_space<vmem_shared>> -> memref<4224x128xf32, #tpu.memory_space<vmem_shared>>
          tpu.wait_indirect_dma semaphore(%run_scoped3A_286 : memref<!tpu.dma_semaphore, #tpu.memory_space<semaphore_mem>>) src(%dma_wait3A_298 : memref<32x128xf32, #tpu.memory_space<vmem>>) dst(%dma_wait3A_304 : memref<4224x128xf32, #tpu.memory_space<vmem_shared>>)
          tpu.yield
        }) : () -> ()
        %run_scoped3A_285 = arith.constant 1 : i32
        "tpu.region"() ({
          %run_scoped3A_286 = tpu.sem_alloc : memref<!tpu.dma_semaphore, #tpu.memory_space<semaphore_mem>>
          %dma_start3A_287 = arith.constant 32 : i32
          %dma_start3A_288 = arith.constant 0 : i32
          %dma_start3A_289 = tpu.memref_slice %arg32[%dma_start3A_287, %dma_start3A_288] : memref<65x128xf32, #tpu.memory_space<vmem>> -> memref<32x128xf32, #tpu.memory_space<vmem>>
          %dma_start3A_290 = arith.constant 0 : i32
          %dma_start3A_291 = tpu.memref_slice %arg23[%run_scoped3A_285, %dma_start3A_290] : memref<2x32xi32, #tpu.memory_space<vmem>> -> memref<1x32xi32, #tpu.memory_space<vmem>>
          %dma_start3A_292 = tpu.memref_squeeze %dma_start3A_291 : memref<1x32xi32, #tpu.memory_space<vmem>> -> memref<32xi32, #tpu.memory_space<vmem>>
          %dma_start3A_293 = arith.constant 0 : i32
          %dma_start3A_294 = arith.constant 0 : i32
          %dma_start3A_295 = tpu.memref_slice %arg11[%dma_start3A_293, %dma_start3A_294] : memref<264x128xf32, #tpu.memory_space<vmem_shared>> -> memref<264x128xf32, #tpu.memory_space<vmem_shared>>
          tpu.enqueue_indirect_dma source(%dma_start3A_289 : memref<32x128xf32, #tpu.memory_space<vmem>>) target(%dma_start3A_295 : memref<264x128xf32, #tpu.memory_space<vmem_shared>>) offsets(%dma_start3A_292 : memref<32xi32, #tpu.memory_space<vmem>>) semaphore(%run_scoped3A_286 : memref<!tpu.dma_semaphore, #tpu.memory_space<semaphore_mem>>) {add = true}
          %dma_wait3A_296 = arith.constant 32 : i32
          %dma_wait3A_297 = arith.constant 0 : i32
          %dma_wait3A_298 = tpu.memref_slice %arg32[%dma_wait3A_296, %dma_wait3A_297] : memref<65x128xf32, #tpu.memory_space<vmem>> -> memref<32x128xf32, #tpu.memory_space<vmem>>
          %dma_wait3A_299 = arith.constant 0 : i32
          %dma_wait3A_300 = tpu.memref_slice %arg23[%run_scoped3A_285, %dma_wait3A_299] : memref<2x32xi32, #tpu.memory_space<vmem>> -> memref<1x32xi32, #tpu.memory_space<vmem>>
          %dma_wait3A_301 = tpu.memref_squeeze %dma_wait3A_300 : memref<1x32xi32, #tpu.memory_space<vmem>> -> memref<32xi32, #tpu.memory_space<vmem>>
          %dma_wait3A_302 = arith.constant 0 : i32
          %dma_wait3A_303 = arith.constant 0 : i32
          %dma_wait3A_304 = tpu.memref_slice %arg11[%dma_wait3A_302, %dma_wait3A_303] : memref<264x128xf32, #tpu.memory_space<vmem_shared>> -> memref<264x128xf32, #tpu.memory_space<vmem_shared>>
          tpu.wait_indirect_dma semaphore(%run_scoped3A_286 : memref<!tpu.dma_semaphore, #tpu.memory_space<semaphore_mem>>) src(%dma_wait3A_298 : memref<32x128xf32, #tpu.memory_space<vmem>>) dst(%dma_wait3A_304 : memref<264x128xf32, #tpu.memory_space<vmem_shared>>)
          tpu.yield
        }) : () -> ()
      } else {
      }
      %lt3A_280 = arith.constant 390 : i32
      %lt3A_281 = arith.cmpi slt, %scan3A_104, %lt3A_280 : i32
      %convert_element_type3A_282 = arith.extui %lt3A_281 : i1 to i32
      %cond3A_283 = arith.constant 0 : i32
      %cond3A_284 = arith.cmpi ne, %convert_element_type3A_282, %cond3A_283 : i32
      scf.if %cond3A_284 {
        %add3A_285 = arith.constant 2 : i32
        %add3A_286 = arith.addi %add3A_196, %add3A_285 : i32
        %mul3A_287 = arith.constant 16 : i32
        %mul3A_288 = arith.muli %add3A_286, %mul3A_287 : i32
        %add3A_289 = arith.addi %arg1, %mul3A_288 : i32
        %mul3A_290 = arith.constant 64 : i32
        %mul3A_291 = arith.muli %add3A_289, %mul3A_290 : i32
        "tpu.region"() ({
          %run_scoped3A = tpu.sem_alloc : memref<!tpu.dma_semaphore, #tpu.memory_space<semaphore_mem>>
          %dma_start3A_302 = tpu.memref_slice %arg4[%mul3A_291] : memref<800768xi32, #tpu.memory_space<hbm>> -> memref<64xi32, #tpu.memory_space<hbm>>
          %dma_start3A_303 = tpu.memref_slice %arg4[%mul3A_291] : memref<800768xi32, #tpu.memory_space<hbm>> -> memref<64xi32, #tpu.memory_space<hbm>>
          tpu.enqueue_dma source(%dma_start3A_303 : memref<64xi32, #tpu.memory_space<hbm>>) target(%arg13 : memref<64xi32, #tpu.memory_space<vmem>>) target_semaphore(%run_scoped3A : memref<!tpu.dma_semaphore, #tpu.memory_space<semaphore_mem>>)
          %dma_wait3A_304 = tpu.memref_slice %arg4[%mul3A_291] : memref<800768xi32, #tpu.memory_space<hbm>> -> memref<64xi32, #tpu.memory_space<hbm>>
          %dma_wait3A_305 = tpu.memref_slice %arg4[%mul3A_291] : memref<800768xi32, #tpu.memory_space<hbm>> -> memref<64xi32, #tpu.memory_space<hbm>>
          tpu.wait_dma2 semaphore(%run_scoped3A : memref<!tpu.dma_semaphore, #tpu.memory_space<semaphore_mem>>) src(%dma_wait3A_305 : memref<64xi32, #tpu.memory_space<hbm>>) dst(%arg13 : memref<64xi32, #tpu.memory_space<vmem>>)
          tpu.yield
        }) : () -> ()
        %mul3A_292 = arith.constant 64 : i32
        %mul3A_293 = arith.muli %add3A_289, %mul3A_292 : i32
        "tpu.region"() ({
          %run_scoped3A = tpu.sem_alloc : memref<!tpu.dma_semaphore, #tpu.memory_space<semaphore_mem>>
          %dma_start3A_302 = arith.constant 0 : i32
          %dma_start3A_303 = tpu.memref_slice %arg15[%dma_start3A_302] : memref<80xi32, #tpu.memory_space<vmem>> -> memref<64xi32, #tpu.memory_space<vmem>>
          %dma_start3A_304 = tpu.memref_slice %arg5[%mul3A_293] : memref<800768xi32, #tpu.memory_space<hbm>> -> memref<64xi32, #tpu.memory_space<hbm>>
          %dma_start3A_305 = arith.constant 0 : i32
          %dma_start3A_306 = tpu.memref_slice %arg15[%dma_start3A_305] : memref<80xi32, #tpu.memory_space<vmem>> -> memref<64xi32, #tpu.memory_space<vmem>>
          %dma_start3A_307 = tpu.memref_slice %arg5[%mul3A_293] : memref<800768xi32, #tpu.memory_space<hbm>> -> memref<64xi32, #tpu.memory_space<hbm>>
          tpu.enqueue_dma source(%dma_start3A_307 : memref<64xi32, #tpu.memory_space<hbm>>) target(%dma_start3A_306 : memref<64xi32, #tpu.memory_space<vmem>>) target_semaphore(%run_scoped3A : memref<!tpu.dma_semaphore, #tpu.memory_space<semaphore_mem>>)
          %dma_wait3A_308 = arith.constant 0 : i32
          %dma_wait3A_309 = tpu.memref_slice %arg15[%dma_wait3A_308] : memref<80xi32, #tpu.memory_space<vmem>> -> memref<64xi32, #tpu.memory_space<vmem>>
          %dma_wait3A_310 = tpu.memref_slice %arg5[%mul3A_293] : memref<800768xi32, #tpu.memory_space<hbm>> -> memref<64xi32, #tpu.memory_space<hbm>>
          %dma_wait3A_311 = arith.constant 0 : i32
          %dma_wait3A_312 = tpu.memref_slice %arg15[%dma_wait3A_311] : memref<80xi32, #tpu.memory_space<vmem>> -> memref<64xi32, #tpu.memory_space<vmem>>
          %dma_wait3A_313 = tpu.memref_slice %arg5[%mul3A_293] : memref<800768xi32, #tpu.memory_space<hbm>> -> memref<64xi32, #tpu.memory_space<hbm>>
          tpu.wait_dma2 semaphore(%run_scoped3A : memref<!tpu.dma_semaphore, #tpu.memory_space<semaphore_mem>>) src(%dma_wait3A_313 : memref<64xi32, #tpu.memory_space<hbm>>) dst(%dma_wait3A_312 : memref<64xi32, #tpu.memory_space<vmem>>)
          tpu.yield
        }) : () -> ()
        %dma_start3A_294 = arith.constant 0 : i32
        %dma_start3A_295 = arith.constant 0 : i32
        %dma_start3A_296 = tpu.memref_slice %arg2[%dma_start3A_294, %dma_start3A_295] : memref<250000x128xf32, #tpu.memory_space<hbm>> -> memref<250000x128xf32, #tpu.memory_space<hbm>>
        tpu.enqueue_indirect_dma source(%dma_start3A_296 : memref<250000x128xf32, #tpu.memory_space<hbm>>) target(%arg17 : memref<64x128xf32, #tpu.memory_space<vmem>>) offsets(%arg13 : memref<64xi32, #tpu.memory_space<vmem>>) semaphore(%arg34 : memref<!tpu.dma_semaphore, #tpu.memory_space<semaphore_mem>>)
        %dma_start3A_297 = arith.constant 0 : i32
        %dma_start3A_298 = tpu.memref_slice %arg15[%dma_start3A_297] : memref<80xi32, #tpu.memory_space<vmem>> -> memref<64xi32, #tpu.memory_space<vmem>>
        %dma_start3A_299 = arith.constant 0 : i32
        %dma_start3A_300 = arith.constant 0 : i32
        %dma_start3A_301 = tpu.memref_slice %arg3[%dma_start3A_299, %dma_start3A_300] : memref<50008x128xf32, #tpu.memory_space<hbm>> -> memref<50008x128xf32, #tpu.memory_space<hbm>>
        tpu.enqueue_indirect_dma source(%dma_start3A_301 : memref<50008x128xf32, #tpu.memory_space<hbm>>) target(%arg19 : memref<64x128xf32, #tpu.memory_space<vmem>>) offsets(%dma_start3A_298 : memref<64xi32, #tpu.memory_space<vmem>>) semaphore(%arg34 : memref<!tpu.dma_semaphore, #tpu.memory_space<semaphore_mem>>)
      } else {
      }
    }
    %scan3A_76 = arith.constant 391 : i32
    %dma_wait3A = arith.constant 0 : i32
    %dma_wait3A_77 = arith.constant 0 : i32
    %dma_wait3A_78 = arith.constant 0 : i32
    %dma_wait3A_79 = tpu.memref_slice %arg31[%dma_wait3A_77, %dma_wait3A_78] : memref<64x128xf32, #tpu.memory_space<vmem>> -> memref<32x128xf32, #tpu.memory_space<vmem>>
    %dma_wait3A_80 = arith.constant 0 : i32
    %dma_wait3A_81 = tpu.memref_slice %arg21[%dma_wait3A, %dma_wait3A_80] : memref<2x32xi32, #tpu.memory_space<vmem>> -> memref<1x32xi32, #tpu.memory_space<vmem>>
    %dma_wait3A_82 = tpu.memref_squeeze %dma_wait3A_81 : memref<1x32xi32, #tpu.memory_space<vmem>> -> memref<32xi32, #tpu.memory_space<vmem>>
    %dma_wait3A_83 = arith.constant 0 : i32
    %dma_wait3A_84 = arith.constant 0 : i32
    %dma_wait3A_85 = tpu.memref_slice %arg10[%dma_wait3A_83, %dma_wait3A_84] : memref<4224x128xf32, #tpu.memory_space<vmem_shared>> -> memref<4224x128xf32, #tpu.memory_space<vmem_shared>>
    tpu.wait_indirect_dma semaphore(%arg35 : memref<!tpu.dma_semaphore, #tpu.memory_space<semaphore_mem>>) src(%dma_wait3A_79 : memref<32x128xf32, #tpu.memory_space<vmem>>) dst(%dma_wait3A_85 : memref<4224x128xf32, #tpu.memory_space<vmem_shared>>)
    %dma_wait3A_86 = arith.constant 0 : i32
    %dma_wait3A_87 = arith.constant 0 : i32
    %dma_wait3A_88 = arith.constant 0 : i32
    %dma_wait3A_89 = tpu.memref_slice %arg32[%dma_wait3A_87, %dma_wait3A_88] : memref<65x128xf32, #tpu.memory_space<vmem>> -> memref<32x128xf32, #tpu.memory_space<vmem>>
    %dma_wait3A_90 = arith.constant 0 : i32
    %dma_wait3A_91 = tpu.memref_slice %arg23[%dma_wait3A_86, %dma_wait3A_90] : memref<2x32xi32, #tpu.memory_space<vmem>> -> memref<1x32xi32, #tpu.memory_space<vmem>>
    %dma_wait3A_92 = tpu.memref_squeeze %dma_wait3A_91 : memref<1x32xi32, #tpu.memory_space<vmem>> -> memref<32xi32, #tpu.memory_space<vmem>>
    %dma_wait3A_93 = arith.constant 0 : i32
    %dma_wait3A_94 = arith.constant 0 : i32
    %dma_wait3A_95 = tpu.memref_slice %arg11[%dma_wait3A_93, %dma_wait3A_94] : memref<264x128xf32, #tpu.memory_space<vmem_shared>> -> memref<264x128xf32, #tpu.memory_space<vmem_shared>>
    tpu.wait_indirect_dma semaphore(%arg35 : memref<!tpu.dma_semaphore, #tpu.memory_space<semaphore_mem>>) src(%dma_wait3A_89 : memref<32x128xf32, #tpu.memory_space<vmem>>) dst(%dma_wait3A_95 : memref<264x128xf32, #tpu.memory_space<vmem_shared>>)
    %barrier3A_96 = arith.constant 0 : index
    tpu.barrier barrier_id(%barrier3A_96)
    %mul3A_97 = arith.constant 264 : i32
    %mul3A_98 = arith.muli %arg1, %mul3A_97 : i32
    "tpu.region"() ({
      %run_scoped3A = tpu.sem_alloc : memref<!tpu.dma_semaphore, #tpu.memory_space<semaphore_mem>>
      %dma_start3A_104 = arith.constant 0 : i32
      %dma_start3A_105 = arith.constant 0 : i32
      %dma_start3A_106 = tpu.memref_slice %arg8[%arg0, %arg1, %dma_start3A_104, %dma_start3A_105] : memref<2x16x264x128xf32, #tpu.memory_space<hbm>> -> memref<1x1x264x128xf32, #tpu.memory_space<hbm>>
      %dma_start3A_107 = tpu.memref_squeeze %dma_start3A_106 : memref<1x1x264x128xf32, #tpu.memory_space<hbm>> -> memref<264x128xf32, #tpu.memory_space<hbm>>
      %dma_start3A_108 = arith.constant 0 : i32
      %dma_start3A_109 = tpu.memref_slice %arg10[%mul3A_98, %dma_start3A_108] : memref<4224x128xf32, #tpu.memory_space<vmem_shared>> -> memref<264x128xf32, #tpu.memory_space<vmem_shared>>
      tpu.enqueue_dma source(%dma_start3A_109 : memref<264x128xf32, #tpu.memory_space<vmem_shared>>) target(%dma_start3A_107 : memref<264x128xf32, #tpu.memory_space<hbm>>) target_semaphore(%run_scoped3A : memref<!tpu.dma_semaphore, #tpu.memory_space<semaphore_mem>>)
      %dma_wait3A_110 = arith.constant 0 : i32
      %dma_wait3A_111 = arith.constant 0 : i32
      %dma_wait3A_112 = tpu.memref_slice %arg8[%arg0, %arg1, %dma_wait3A_110, %dma_wait3A_111] : memref<2x16x264x128xf32, #tpu.memory_space<hbm>> -> memref<1x1x264x128xf32, #tpu.memory_space<hbm>>
      %dma_wait3A_113 = tpu.memref_squeeze %dma_wait3A_112 : memref<1x1x264x128xf32, #tpu.memory_space<hbm>> -> memref<264x128xf32, #tpu.memory_space<hbm>>
      %dma_wait3A_114 = arith.constant 0 : i32
      %dma_wait3A_115 = tpu.memref_slice %arg10[%mul3A_98, %dma_wait3A_114] : memref<4224x128xf32, #tpu.memory_space<vmem_shared>> -> memref<264x128xf32, #tpu.memory_space<vmem_shared>>
      tpu.wait_dma2 semaphore(%run_scoped3A : memref<!tpu.dma_semaphore, #tpu.memory_space<semaphore_mem>>) src(%dma_wait3A_115 : memref<264x128xf32, #tpu.memory_space<vmem_shared>>) dst(%dma_wait3A_113 : memref<264x128xf32, #tpu.memory_space<hbm>>)
      tpu.yield
    }) : () -> ()
    %eq3A_99 = arith.constant 0 : i32
    %eq3A_100 = arith.cmpi eq, %arg1, %eq3A_99 : i32
    %convert_element_type3A_101 = arith.extui %eq3A_100 : i1 to i32
    %cond3A_102 = arith.constant 0 : i32
    %cond3A_103 = arith.cmpi ne, %convert_element_type3A_101, %cond3A_102 : i32
    scf.if %cond3A_103 {
      "tpu.region"() ({
        %run_scoped3A = tpu.sem_alloc : memref<!tpu.dma_semaphore, #tpu.memory_space<semaphore_mem>>
        %dma_start3A_104 = arith.constant 0 : i32
        %dma_start3A_105 = arith.constant 0 : i32
        %dma_start3A_106 = tpu.memref_slice %arg9[%arg0, %dma_start3A_104, %dma_start3A_105] : memref<2x264x128xf32, #tpu.memory_space<hbm>> -> memref<1x264x128xf32, #tpu.memory_space<hbm>>
        %dma_start3A_107 = tpu.memref_squeeze %dma_start3A_106 : memref<1x264x128xf32, #tpu.memory_space<hbm>> -> memref<264x128xf32, #tpu.memory_space<hbm>>
        tpu.enqueue_dma source(%arg11 : memref<264x128xf32, #tpu.memory_space<vmem_shared>>) target(%dma_start3A_107 : memref<264x128xf32, #tpu.memory_space<hbm>>) target_semaphore(%run_scoped3A : memref<!tpu.dma_semaphore, #tpu.memory_space<semaphore_mem>>)
        %dma_wait3A_108 = arith.constant 0 : i32
        %dma_wait3A_109 = arith.constant 0 : i32
        %dma_wait3A_110 = tpu.memref_slice %arg9[%arg0, %dma_wait3A_108, %dma_wait3A_109] : memref<2x264x128xf32, #tpu.memory_space<hbm>> -> memref<1x264x128xf32, #tpu.memory_space<hbm>>
        %dma_wait3A_111 = tpu.memref_squeeze %dma_wait3A_110 : memref<1x264x128xf32, #tpu.memory_space<hbm>> -> memref<264x128xf32, #tpu.memory_space<hbm>>
        tpu.wait_dma2 semaphore(%run_scoped3A : memref<!tpu.dma_semaphore, #tpu.memory_space<semaphore_mem>>) src(%arg11 : memref<264x128xf32, #tpu.memory_space<vmem_shared>>) dst(%dma_wait3A_111 : memref<264x128xf32, #tpu.memory_space<hbm>>)
        tpu.yield
      }) : () -> ()
    } else {
    }
    return
  }
}

</mosaic_0001>

<sc_bundles>
// kernel: _edge_pass.3.cloned.1.call-start
scs
__scs_entry_jumppad:
0x0: {  	(pc) =	sbr.rel $0x88, $3  }
0x1: {  	(tag) =	ssettag $0x0;
	lr =	simm.s32 $0x1  }
0x2: {  	[smem:$0x3F9B] =	sst lr;
	_ =	strace $0xD0000000  }
0x3: {  	_ = 	snop  }
0x4: {  	_ = 	snop  }
0x5: {  	_ = 	snop  }
0x6: {  	_ = 	snop  }
0x7: {  	_ = 	snop  }
__scs_overlays_trampoline_lowered:
0x8: {  	[smem:$0x3FAA] =	sst s0  }
0x9: {  	[smem:$0x3FAB] =	sst s1  }
0xa: {  	[smem:$0x3FAC] =	sst s2  }
0xb: {  	[smem:$0x3FAD] =	sst s3  }
0xc: {  	[smem:$0x3FAE] =	sst s4  }
0xd: {  	[smem:$0x3FAF] =	sst s5  }
0xe: {  	[smem:$0x3FB0] =	sst s6  }
0xf: {  	[smem:$0x3FB1] =	sst s7  }
0x10: {  	[smem:$0x3FB2] =	sst s8  }
0x11: {  	[smem:$0x3FB3] =	sst s9;
	s0 =	simm.s32 @!p0 $0x0  }
0x12: {  	s1 =	sld [smem:$0x3F99];
	s0 =	simm.s32 @p0 $0x1  }
0x13: {  	[smem:$0x3FB4] =	sst s0;
	s0 =	simm.s32 @!p1 $0x0  }
0x14: {  	s2 =	sld [smem:$0x3F98];
	s0 =	simm.s32 @p1 $0x1  }
0x15: {  	[smem:$0x3FB5] =	sst s0;
	s0 =	simm.s32 @!p2 $0x0  }
0x16: {  	s3 =	sld [smem:$0x3FDB];
	s0 =	simm.s32 @p2 $0x1  }
0x17: {  	s4 =	simm.s32 $0x1BF5;
	[smem:$0x3FB7] =	sst s0  }
0x18: {  	s0 =	sld [smem:$0x3F9A];
	_ =	swait.ge [sflag:s4], $0x0  }
0x19: {  	s7 =	sld [smem:$0x3F9B]  }
0x1a: {  	s8 =	sadd.s32 $0xFFFFE003, lr  }
0x1b: {  	s9 =	sadd.s32 $0xFFFFFEF7, lr;
	s5 =	simm.s32 $0xFFFFFFFF;
	p2 =	slt.u32 s8, $0xFFFFF086  }
0x1c: {  	p1 =	slt.u32 s9, $0xF7A;
	s5 =	simm.s32 @!p2 $0x0  }
0x1d: {  	s5 =	simm.s32 @p1 $0x1;
	p0 =	seq.s32 s7, s2  }
0x1e: {  	s7 =	smul.u32 @!p0 $0xF7A, s2;
	p2 =	seq.s32 @!p0 s5, $0x0  }
0x1f: {  	s9 =	smul.u32 $0xF7A, s1;
	s8 =	simm.s32 @!p0 $0x1BF5;
	p2 =	por !p2, p0  }
0x20: {  	[sflag:s8] =	ssyncset.s32 @!p0 $0xFFFFF086;
	s6 =	sadd.s32 @!p0 s3, s7;
	s7 =	simm.s32 @!p0 $0x108  }
0x21: {  	s3 =	sadd.s32 s3, s9;
	s6 =	sadd.s32 @!p0 $0x88, s6;
	s7 =	simm.s32 @p2 $0x1082  }
0x22: {  	[simem:s7], [sflag:s8] =	dma.local @!p0 [hbm:s6], $0xF7A  }
0x23: {  	s9 =	sor.u32 $0xD0000000, s2;
	s6 =	simm.s32 $0x108;
	_ =	swait.ge @!p0 [sflag:s8], $0x0  }
0x24: {  	s3 =	sadd.s32 $0x88, s3;
	s6 =	simm.s32 @!p1 $0x1082;
	[sflag:s4] =	ssyncset.s32 $0xFFFFF086  }
0x25: {  	[simem:s6], [sflag:s4] =	dma.local [hbm:s3], $0xF7A  }
0x26: {  	[smem:$0x3F9B] =	sst s1;
	(tag) =	ssettag s2;
	_ =	strace s9  }
0x27: {  	s1 =	sld [smem:$0x3FAB]  }
0x28: {  	s2 =	sld [smem:$0x3FAC]  }
0x29: {  	s4 =	sld [smem:$0x3FAE]  }
0x2a: {  	p0 =	seq.s32 s5, $0x0;
	s5 =	sld [smem:$0x3FAF]  }
0x2b: {  	s6 =	sld [smem:$0x3FB0]  }
0x2c: {  	s7 =	sld [smem:$0x3FB1]  }
0x2d: {  	s3 =	simm.s32 $0x108;
	s8 =	sld [smem:$0x3FB2]  }
0x2e: {  	s3 =	simm.s32 @!p0 $0x1082;
	s9 =	sld [smem:$0x3FB3]  }
0x2f: {  	lr =	sadd.s32 s0, s3;
	s0 =	sld [smem:$0x3FAA]  }
0x30: {  	s3 =	sld [smem:$0x3FAD]  }
0x31: {  	[smem:$0x3FB6] =	sst s10  }
0x32: {  	s10 =	sld [smem:$0x3FB4];
	_ =	sdelay $0x3  }
0x33: {  	p0 =	seq.s32 s10, $0x1;
	s10 =	sld [smem:$0x3FB6];
	_ =	sdelay $0x3  }
0x34: {  	[smem:$0x3FB6] =	sst s10  }
0x35: {  	s10 =	sld [smem:$0x3FB5];
	_ =	sdelay $0x3  }
0x36: {  	p1 =	seq.s32 s10, $0x1;
	s10 =	sld [smem:$0x3FB6];
	_ =	sdelay $0x3  }
0x37: {  	[smem:$0x3FB6] =	sst s10  }
0x38: {  	s10 =	sld [smem:$0x3FB7]  }
0x39: {  	_ = 	snop;
	(pc) =	sbr.ind lr, $3  }
0x3a: {  	_ = 	snop  }
0x3b: {  	_ = 	snop  }
0x3c: {  	p2 =	seq.s32 s10, $0x1;
	s10 =	sld [smem:$0x3FB6]  }
0x3d: {  	_ =	shalt  }
0x3e: {  	_ =	shalt  }
0x3f: {  	_ =	shalt  }
0x40: {  	_ =	shalt  }
0x41: {  	_ =	shalt  }
0x42: {  	_ =	shalt  }
0x43: {  	_ =	shalt  }
0x44: {  	_ =	shalt  }
0x45: {  	_ =	shalt  }
0x46: {  	_ =	shalt  }
0x47: {  	_ =	shalt  }
0x48: {  	_ =	shalt  }
0x49: {  	_ =	shalt  }
0x4a: {  	_ =	shalt  }
0x4b: {  	_ =	shalt  }
0x4c: {  	_ =	shalt  }
0x4d: {  	_ =	shalt  }
0x4e: {  	_ =	shalt  }
0x4f: {  	_ =	shalt  }
0x50: {  	_ =	shalt  }
0x51: {  	_ =	shalt  }
0x52: {  	_ =	shalt  }
0x53: {  	_ =	shalt  }
0x54: {  	_ =	shalt  }
0x55: {  	_ =	shalt  }
0x56: {  	_ =	shalt  }
0x57: {  	_ =	shalt  }
0x58: {  	_ =	shalt  }
0x59: {  	_ =	shalt  }
0x5a: {  	_ =	shalt  }
0x5b: {  	_ =	shalt  }
0x5c: {  	_ =	shalt  }
0x5d: {  	_ =	shalt  }
0x5e: {  	_ =	shalt  }
0x5f: {  	_ =	shalt  }
0x60: {  	_ =	shalt  }
0x61: {  	_ =	shalt  }
0x62: {  	_ =	shalt  }
0x63: {  	_ =	shalt  }
0x64: {  	_ =	shalt  }
0x65: {  	_ =	shalt  }
0x66: {  	_ =	shalt  }
0x67: {  	_ =	shalt  }
0x68: {  	_ =	shalt  }
0x69: {  	_ =	shalt  }
0x6a: {  	_ =	shalt  }
0x6b: {  	_ =	shalt  }
0x6c: {  	_ =	shalt  }
0x6d: {  	_ =	shalt  }
0x6e: {  	_ =	shalt  }
0x6f: {  	_ =	shalt  }
0x70: {  	_ =	shalt  }
0x71: {  	_ =	shalt  }
0x72: {  	_ =	shalt  }
0x73: {  	_ =	shalt  }
0x74: {  	_ =	shalt  }
0x75: {  	_ =	shalt  }
0x76: {  	_ =	shalt  }
0x77: {  	_ =	shalt  }
0x78: {  	_ =	shalt  }
0x79: {  	_ =	shalt  }
0x7a: {  	_ =	shalt  }
0x7b: {  	_ =	shalt  }
0x7c: {  	_ =	shalt  }
0x7d: {  	_ =	shalt  }
0x7e: {  	_ =	shalt  }
0x7f: {  	_ =	shalt  }
0x80: {  	_ =	shalt  }
0x81: {  	_ =	shalt  }
0x82: {  	_ =	shalt  }
0x83: {  	_ =	shalt  }
0x84: {  	_ =	shalt  }
0x85: {  	_ =	shalt  }
0x86: {  	_ =	shalt  }
0x87: {  	_ =	shalt  }
.Lfunc_end0:
.L_simem_size_0:
called_computation_lowered:
.L_overlay_start_0:
0x88: {  	s2 =	sld [smem:$0x3FD9]  }
0x89: {  	s3 =	sld [smem:$0x3FFE];
	_ =	sdelay $0x1  }
0x8a: {  	s1 =	srdreg.scid  }
0x8b: {  	s0 =	sand.u32 $0x1, s1  }
0x8c: {  	s15 =	sshll.u32 s0, $0xA;
	s2 =	sadd.s32 s3, s2  }
0x8d: {  	s2 =	sadd.s32 s2, s15  }
0x8e: {  	[smem:$0x3FC2] =	sst s2  }
0x8f: {  	_ = 	snop  }
0x90: {  	s2 =	sld [smem:$0x3FC9]  }
0x91: {  	s16 =	sld [smem:$0x3FC8]  }
0x92: {  	s4 =	sld [smem:$0x3FC7]  }
0x93: {  	s5 =	sld [smem:$0x3FD0]  }
0x94: {  	s6 =	sld [smem:$0x3FC6]  }
0x95: {  	s7 =	sld [smem:$0x3FC5]  }
0x96: {  	s9 =	simm.s32 $0xA;
	s10 =	simm.s32 $0x10;
	s8 =	sld [smem:$0x3FC4]  }
0x97: {  	[smem:s10], [sflag:s9] =	dma.local [hbm:s5], $0x1  }
0x98: {  	_ =	swait.eq [sflag:s9], $0x1  }
0x99: {  	[sflag:s9] =	ssyncset.done $0x0  }
0x9a: {  	s17 =	sld [smem:$0x10];
	[sflag:s9] =	ssyncadd.s32 $0xFFFFFFFF  }
0x9b: {  	s18 =	sld [smem:$0x11];
	(tm) =	ssettm $0x1  }
0x9c: {  	s19 =	sld [smem:$0x3FFB];
	_ =	sdelay $0x3  }
0x9d: {  	_ =	strace s19  }
0x9e: {  	s10 =	sld [smem:$0x3FFC];
	_ =	sdelay $0x3  }
0x9f: {  	_ =	strace s10  }
0xa0: {  	s10 =	sld [smem:$0x3FFD];
	_ =	sdelay $0x3  }
0xa1: {  	_ =	strace s10  }
0xa2: {  	_ =	strace $0x8FFFFFFF  }
0xa3: {  	s20 =	sld [smem:$0x3FDB];
	_ =	sdelay $0x1  }
0xa4: {  	s11 =	simm.s32 $_scs_section_size  }
0xa5: {  	s12 =	simm.s32 $_size__tile_overlayer_lowered;
	s13 =	simm.s32 $_tile_overlayer_lowered  }
0xa6: {  	s23 =	simm.s32 $0x1BFF;
	s22 =	sshll.u32 s13, $0x1;
	s10 =	sadd.s32 s11, s20  }
0xa7: {  	s14 =	simm.s32 $0x0;
	s21 =	sshll.u32 s12, $0x1;
	s12 =	sadd.s32 s22, s10  }
0xa8: {  	[timem:s14], [sflag:s23] =	dma.local [hbm:s12], s21  }
0xa9: {  	_ =	swait.ge [sflag:s23], s21  }
0xaa: {  	s11 =	ssub.s32 $0x0, s21;
	[sflag:s23] =	ssyncset.done $0x0  }
0xab: {  	[sflag:s23] =	ssyncadd.s32 s11;
	_ =	sdelay $0x1  }
0xac: {  	s24 =	simm.s32 $0x1B8B  }
0xad: {  	_ =	swait.ge [sflag:s24], $0x1  }
0xae: {  	[sflag:s24] =	ssyncset.done $0x0  }
0xaf: {  	s25 =	simm.s32 $0x1B8E;
	[sflag:s24] =	ssyncadd.s32 $0xFFFFFFFF  }
0xb0: {  	s26 =	simm.s32 $execute0_lowered;
	[smem:$0x3FD2] =	sst s25  }
0xb1: {  	s11 =	sshll.u32 s26, $0x1;
	_ =	strace $0x80000046;
	[dreg:$0x1] =	wrdreg $0xFFFFFFFF  }
0xb2: {  	s28 =	simm.s32 $_size_execute0_lowered;
	s10 =	sadd.s32 s10, s11;
	[dreg:$0x0] =	wrdreg $0x0  }
0xb3: {  	s11 =	sshll.u32 s28, $0x1;
	[dreg:$0x2] =	wrdreg s10  }
0xb4: {  	[dreg:$0x3] =	wrdreg s11  }
0xb5: {  	[dreg:$0x4] =	wrdreg $0xC0  }
0xb6: {  	_ =	task [dreg:s14], $0x5FFFF  }
0xb7: {  	[dreg:$0x1] =	wrdreg $0xFFFFFFFF  }
0xb8: {  	[dreg:$0x0] =	wrdreg $0x60  }
0xb9: {  	[dreg:$0x2] =	wrdreg s2  }
0xba: {  	[dreg:$0x3] =	wrdreg s16  }
0xbb: {  	[dreg:$0x4] =	wrdreg s4  }
0xbc: {  	[dreg:$0x5] =	wrdreg s6  }
0xbd: {  	[dreg:$0x6] =	wrdreg s7  }
0xbe: {  	[dreg:$0x7] =	wrdreg s8  }
0xbf: {  	[dreg:$0x8] =	wrdreg s17  }
0xc0: {  	[dreg:$0x9] =	wrdreg s18  }
0xc1: {  	[dreg:$0xa] =	wrdreg $0x0  }
0xc2: {  	[dreg:$0xb] =	wrdreg $0x84000  }
0xc3: {  	[dreg:$0xc] =	wrdreg $0x9  }
0xc4: {  	_ =	task.clear_ibuf [dreg:s14], $0xDFFFF;
	_ =	strace $0x90000046  }
0xc5: {  	s29 =	simm.s32 $0x9;
	_ =	strace $0x80000048  }
0xc6: {  	_ =	swait.ge [sflag:s29], $0x1  }
0xc7: {  	[sflag:s29] =	ssyncadd.s32 $0xFFFFFFFF  }
0xc8: {  	_ =	strace $0x90000048  }
0xc9: {  	_ =	sfence  }
0xca: {  	s30 =	sld [smem:$0x0];
	_ =	sdelay $0x2  }
0xcb: {  	s31 =	sshll.u32 s1, $0xD;
	s1 =	sshrl.u32 s1, $0x2  }
0xcc: {  	s3 =	sand.u32 $0x4000, s31;
	s1 =	sadd.s32 s1, s30  }
0xcd: {  	s0 =	sor.u32 s3, s0;
	s1 =	sshll.u32 s1, $0x11  }
0xce: {  	s0 =	sor.u32 s1, s0  }
0xcf: {  	s0 =	sadd.s32 $0x8F2B, s0  }
0xd0: {  	[sflag:s0] =	ssyncadd.remote.s32 $0x1  }
0xd1: {  	_ =	sfence.sel $0xFFFF  }
0xd2: {  	[dreg:$0x0] =	wrdreg $0xFFFFFFFF;
	(pc) =	sbr.abs _section_cstart, $3  }
0xd3: {  	[dreg:$0x1] =	wrdreg $0xFFFFFFFF  }
0xd4: {  	_ =	task.clear_ibuf [dreg:s14], $0x2FFFF;
	_ =	strace $0x9FFFFFFF  }
0xd5: {  	(tm) =	ssettm $0x7FFFFFFF  }
tec
execute0_lowered:
.L_overlay_start_1:
0x0: {  	(tag) =	ssettag $0x1  }
0x1: {  	s12 =	rddreg [dreg:$0x2]  }
0x2: {  	s13 =	rddreg [dreg:$0x3]  }
0x3: {  	s0 =	rddreg [dreg:$0x6]  }
0x4: {  	s1 =	rddreg [dreg:$0x7]  }
0x5: {  	s7 =	rddreg [dreg:$0x8]  }
0x6: {  	s8 =	rddreg [dreg:$0x9]  }
0x7: {  	s2 =	srdreg.scid;
	s4 =	simm.s32 $0x0;
	s3 =	stileid.u32  }
0x8: {  	s29 =	simm.s32 $0x40;
	s31 =	simm.s32 $0x1;
	s28 =	simm.s32 $0x10F40  }
0x9: {  	s2 =	sand.u32 $0x1, s2;
	[smem:$0x7FF] =	sst s4;
	s5 =	smul.u32 $0x21000, s3  }
0xa: {  	s9 =	sshll.u32 s3, $0x6;
	s10 =	sshll.u32 s3, $0x3;
	p0 =	sne.s32 s3, $0x0  }
0xb: {  	s11 =	ssub.s32 $0x2, s2;
	_ =	strace $0x80000047;
	s14 =	smul.u32 $0x84000, s2  }
0xc: {  	s16 =	sor.u32 $0x1C04, s9;
	s15 =	sadd.s32 s12, s10;
	s17 =	sadd.s32 s13, s10  }
0xd: {  	s18 =	sor.u32 $0x80, s10;
	s20 =	smul.u32 $0x1080, s2;
	s21 =	sshll.u32 s2, $0x6  }
0xe: {  	s22 =	sor.u32 $0x180, s10;
	s25 =	sor.u32 $0x100, s10;
	[dreg:$0xd] =	wrdreg s15  }
0xf: {  	v0 =	vimm.s32 $0xBA98FEDC;
	v1 =	vimm.s32 $0x32107654;
	s26 =	sshll.u32 s2, $0x5;
	s10 =	simm.s32 $0x112C0;
	[dreg:$0xe] =	wrdreg s17  }
0x10: {  	v2 =	vunpack.c.l.s4.s8 v0;
	v3 =	vunpack.c.l.s4.s8 v1;
	s6 =	sshrl.u32 s11, $0x1;
	s5 =	sshrl.u32 s5, $0x2;
	[dreg:$0x13] =	wrdreg s22  }
0x11: {  	v4 =	vimm.s32 $0x76543210;
	v5 =	vimm.s32 $0xFEDCBA98;
	s19 =	sadd.s32 s12, s18;
	s23 =	sadd.s32 $0x8F40, s21;
	[dreg:$0x16] =	wrdreg s25  }
0x12: {  	v6 =	vimm.s32 $0xDCFE98BA;
	v2 =	vunpack.c.0.s8.s32 v2;
	v3 =	vunpack.c.0.s8.s32 v3;
	s2 =	sor.u32 $0xCF40, s26;
	s30 =	sor.u32 $0xEF40, s26;
	[dreg:$0xc] =	wrdreg s16  }
0x13: {  	v8 =	vimm.s32 $0x67452301;
	vm0 =	vcmask $0x3F08;
	s25 =	simm.s32 $0x4;
	s12 =	simm.s32 $0x113C0;
	[dreg:$0xf] =	wrdreg s19  }
0x14: {  	v5 =	vunpack.c.l.s4.s8 v5;
	v8 =	vunpack.c.l.s4.s8 v8;
	s15 =	simm.s32 $0x20;
	s26 =	simm.s32 $0x3;
	[dreg:$0x14] =	wrdreg s23;
	v7 =	vcombine.low v3, v2  }
0x15: {  	s4 =	ssub.s32 s11, s6;
	s11 =	smul.u32 $0x8400, s3;
	[dreg:$0x17] =	wrdreg s2;
	v2 =	vunpack.c.l.s4.s8 v6;
	v3 =	vimm.s32 $0x54761032;
	v6 =	vimm.s32 $0xEFCDAB89  }
0x16: {  	vm1 =	vmmov $0x1;
	s5 =	sadd.s32 s5, s7;
	s1 =	sadd.s32 s1, s20;
	[dreg:$0x19] =	wrdreg s30;
	v3 =	vunpack.c.l.s4.s8 v3;
	v6 =	vunpack.c.l.s4.s8 v6  }
0x17: {  	v4 =	vunpack.c.l.s4.s8 v4;
	v5 =	vunpack.c.0.s8.s32 v5;
	v8 =	vunpack.c.0.s8.s32 v8;
	s20 =	simm.s32 $0x2;
	[dreg:$0xb] =	wrdreg s5;
	s5 =	sadd.s32 s13, s18  }
.Ltmp0:
0x18: {  	[dreg:$0x12] =	wrdreg s1;
	s6 =	sadd.s32 s11, s14;
	v2 =	vunpack.c.0.s8.s32 v2;
	v3 =	vunpack.c.0.s8.s32 v3;
	v6 =	vunpack.c.0.s8.s32 v6;
	(pc) =	sbr.rel .LBB2_1-.Ltmp0, $4  }
0x19: {  	v0 =	vimm.f32 $0.0e+00;
	v1 =	vimm.s32 $0x0;
	v4 =	vunpack.c.0.s8.s32 v4;
	s24 =	smax.u32 s4, $0x1;
	[dreg:$0x10] =	wrdreg s5;
	s6 =	sshrl.u32 s6, $0x3  }
0x1a: {  	s2 =	simm.s32 $0x0;
	v5 =	vand.u32 $0xF, v5;
	[dreg:$0x15] =	wrdreg s24;
	s0 =	sadd.s32 s0, s6;
	v9 =	vcombine.low v3, v2;
	v8 =	vcombine.low v8, v6  }
0x1b: {  	s13 =	simm.s32 $0x10E40;
	v4 =	vcombine.low v5, v4;
	v5 =	vand.u32 $0xF, v7;
	[dreg:$0x11] =	wrdreg s0;
	s0 =	sadd.s32 $0xAF40, s21;
	v2 =	vimm.s32 $0x1048  }
0x1c: {  	s14 =	simm.s32 $0x11040;
	s11 =	simm.s32 $0x11140;
	[dreg:$0x18] =	wrdreg s0;
	v3 =	vimm.s32 $0x105;
	v6 =	vand.u32 $0xF, v9;
	v7 =	vand.u32 $0xF, v8  }
.LBB2_28:
0x1d: {  	_ =	swait.ge [sflag:s26], $0x1000  }
0x1e: {  	[sflag:s26] =	ssyncset.done $0x0  }
0x1f: {  	[sflag:s26] =	ssyncadd.s32 $0xFFFFF000  }
0x20: {  	_ =	swait.ge [sflag:s26], $0x1000  }
0x21: {  	[sflag:s26] =	ssyncset.done $0x0  }
0x22: {  	[sflag:s26] =	ssyncadd.s32 $0xFFFFF000  }
0x23: {  	[bflag:$0x0] =	sbarrier.arrive $0xFFFF  }
0x24: {  	s16 =	rddreg [dreg:$0xc]  }
0x25: {  	s0 =	rddreg [dreg:$0x11]  }
0x26: {  	s1 =	rddreg [dreg:$0x1b]  }
0x27: {  	[hbm:s0], [sflag:s16] =	dma.local [spmem:s1], $0x1080  }
0x28: {  	_ =	swait.ge [sflag:s25], $0x1080  }
0x29: {  	[sflag:s25] =	ssyncset.done $0x0;
	s0 =	rddreg [dreg:$0x12]  }
0x2a: {  	s1 =	rddreg [dreg:$0x1c];
	[sflag:s25] =	ssyncadd.s32 $0xFFFFEF80  }
0x2b: {  	[hbm:s0], [sflag:s16] =	dma.local @!p0 [spmem:s1], $0x1080  }
0x2c: {  	s0 =	simm.s32 @!p0 $0x4  }
0x2d: {  	_ =	swait.ge @!p0 [sflag:s0], $0x1080  }
0x2e: {  	s2 =	rddreg [dreg:$0x1a]  }
0x2f: {  	s30 =	rddreg [dreg:$0x15];
	s2 =	sadd.s32 $0x1, s2  }
0x30: {  	p1 =	sne.s32 s2, s30  }
.Ltmp1:
0x31: {  	_ = 	snop;
	(pc) =	sbr.rel @!p1 .LBB2_29-.Ltmp1, $3  }
0x32: {  	_ =	sdelay $0x1  }
0x33: {  	[sflag:s0] =	ssyncset.done @!p0 $0x0  }
0x34: {  	[sflag:s0] =	ssyncadd.s32 @!p0 $0xFFFFEF80  }
.LBB2_1:
0x35: {  	s0 =	rddreg [dreg:$0xb]  }
0x36: {  	s30 =	rddreg [dreg:$0x4];
	s1 =	sshrl.u32 s0, $0x3  }
0x37: {  	[dreg:$0x1b] =	wrdreg s1  }
0x38: {  	[spmem:s1], [sflag:s16] =	dma.local [hbm:s30], $0x1080  }
0x39: {  	_ =	swait.ge [sflag:s25], $0x1080  }
0x3a: {  	s1 =	sshrl.u32 @!p0 s8, $0x3;
	[sflag:s25] =	ssyncset.done $0x0  }
0x3b: {  	[dreg:$0x1c] =	wrdreg s1;
	[sflag:s25] =	ssyncadd.s32 $0xFFFFEF80  }
0x3c: {  	s0 =	rddreg [dreg:$0x5]  }
0x3d: {  	[spmem:s1], [sflag:s16] =	dma.local @!p0 [hbm:s0], $0x1080  }
0x3e: {  	s0 =	simm.s32 @!p0 $0x4  }
0x3f: {  	_ =	swait.ge @!p0 [sflag:s0], $0x1080  }
0x40: {  	[sflag:s0] =	ssyncset.done @!p0 $0x0  }
0x41: {  	s1 =	simm.s32 $0x200;
	[sflag:s0] =	ssyncadd.s32 @!p0 $0xFFFFEF80;
	s0 =	simm.s32 $0x0  }
.LBB2_2:
0x42: {  	p1 =	sne.s32 s1, $0x7E00;
	[tilespmem:s0+$0x11630] =	vst v0  }
0x43: {  	[tilespmem:s0+$0x115C0] =	vst v0  }
0x44: {  	[tilespmem:s0+$0x115D0] =	vst v0  }
.Ltmp2:
0x45: {  	[tilespmem:s0+$0x115E0] =	vst v0;
	(pc) =	sbr.rel @p1 .LBB2_2-.Ltmp2, $4  }
0x46: {  	[tilespmem:s0+$0x115F0] =	vst v0  }
0x47: {  	[tilespmem:s0+$0x11600] =	vst v0  }
0x48: {  	[tilespmem:s0+$0x11610] =	vst v0  }
0x49: {  	[tilespmem:s0+$0x11620] =	vst v0;
	s0 =	sshra.s32 s1, $0x2;
	s1 =	sadd.s32 $0x200, s1  }
0x4a: {  	[tilespmem:s0+$0x11630] =	vst v0  }
0x4b: {  	[tilespmem:s0+$0x115C0] =	vst v0  }
0x4c: {  	[tilespmem:s0+$0x115D0] =	vst v0  }
0x4d: {  	[tilespmem:s0+$0x115E0] =	vst v0  }
0x4e: {  	[tilespmem:s0+$0x115F0] =	vst v0  }
0x4f: {  	[tilespmem:s0+$0x11600] =	vst v0  }
0x50: {  	[tilespmem:s0+$0x11610] =	vst v0  }
0x51: {  	[dreg:$0x1a] =	wrdreg s2;
	[tilespmem:s0+$0x11620] =	vst v0;
	s0 =	simm.s32 $0x0;
	s1 =	simm.s32 $0x200  }
.LBB2_4:
0x52: {  	p1 =	sne.s32 s1, $0x8000;
	[tilespmem:s0+$0x13630] =	vst v0  }
0x53: {  	[tilespmem:s0+$0x135C0] =	vst v0  }
0x54: {  	[tilespmem:s0+$0x135D0] =	vst v0  }
.Ltmp3:
0x55: {  	[tilespmem:s0+$0x135E0] =	vst v0;
	(pc) =	sbr.rel @p1 .LBB2_4-.Ltmp3, $4  }
0x56: {  	[tilespmem:s0+$0x135F0] =	vst v0  }
0x57: {  	[tilespmem:s0+$0x13600] =	vst v0  }
0x58: {  	[tilespmem:s0+$0x13610] =	vst v0  }
0x59: {  	[tilespmem:s0+$0x13620] =	vst v0;
	s0 =	sshra.s32 s1, $0x2;
	s1 =	sadd.s32 $0x200, s1  }
0x5a: {  	[tilespmem:s0+$0x13630] =	vst v0  }
0x5b: {  	[tilespmem:s0+$0x135C0] =	vst v0  }
0x5c: {  	[tilespmem:s0+$0x135D0] =	vst v0  }
0x5d: {  	[tilespmem:s0+$0x135E0] =	vst v0  }
0x5e: {  	[tilespmem:s0+$0x135F0] =	vst v0  }
0x5f: {  	[tilespmem:s0+$0x13600] =	vst v0  }
0x60: {  	[tilespmem:s0+$0x13610] =	vst v0  }
0x61: {  	[tilespmem:s0+$0x13620] =	vst v0  }
0x62: {  	[tilespmem:$0x112C0] =	vst v1  }
0x63: {  	[tilespmem:$0x113C0] =	vst v1  }
0x64: {  	[tilespmem:$0x112D0] =	vst v1  }
0x65: {  	[tilespmem:$0x113D0] =	vst v1  }
0x66: {  	[tilespmem:$0x112E0] =	vst v1  }
0x67: {  	[tilespmem:$0x113E0] =	vst v1  }
0x68: {  	[tilespmem:$0x112F0] =	vst v1  }
0x69: {  	[tilespmem:$0x113F0] =	vst v1  }
0x6a: {  	[tilespmem:$0x11300] =	vst v1  }
0x6b: {  	[tilespmem:$0x11400] =	vst v1  }
0x6c: {  	[bflag:$0x0] =	sbarrier.arrive $0xFFFF  }
0x6d: {  	s6 =	simm.s32 $0x0;
	s1 =	simm.s32 $0x8C40;
	s9 =	rddreg [dreg:$0xd]  }
0x6e: {  	[tilespmem:s1], [sflag:$0x4] =	stream.linear.gather [hbm4b:s9+s6], $0x40, $0x38;
	[tilespmem:$0x159C0] =	vst v63  }
0x6f: {  	_ =	swait.ge [sflag:s25], $0x40  }
0x70: {  	[sflag:s25] =	ssyncset.done $0x0  }
0x71: {  	s2 =	simm.s32 $0x8D40;
	s16 =	rddreg [dreg:$0xe];
	[sflag:s25] =	ssyncadd.s32 $0xFFFFFFC0  }
0x72: {  	[tilespmem:s2], [sflag:$0x4] =	stream.linear.gather [hbm4b:s16+s6], $0x40, $0x38;
	[tilespmem:$0x159C0] =	vst v63  }
0x73: {  	_ =	swait.ge [sflag:s25], $0x40  }
0x74: {  	[sflag:s25] =	ssyncset.done $0x0  }
0x75: {  	[sflag:s25] =	ssyncadd.s32 $0xFFFFFFC0  }
0x76: {  	s3 =	simm.s32 $0x8E40;
	s17 =	rddreg [dreg:$0x0]  }
0x77: {  	[tilespmem:s3], [sflag:$0x1] =	stream.indirect.gather [hbm4b:s17+s29], $0x80, s1, s29, $0xb8;
	[tilespmem:$0x159C0] =	vst v63  }
0x78: {  	s19 =	simm.s32 $0xCE40;
	s18 =	rddreg [dreg:$0x1]  }
0x79: {  	[tilespmem:s19], [sflag:$0x1] =	stream.indirect.gather [hbm4b:s18+s29], $0x80, s2, s29, $0xb8;
	[tilespmem:$0x159C0] =	vst v63  }
0x7a: {  	s22 =	simm.s32 $0x8CC0;
	s21 =	rddreg [dreg:$0xf]  }
0x7b: {  	[tilespmem:s22], [sflag:$0x4] =	stream.linear.gather [hbm4b:s21+s6], $0x40, $0x38;
	[tilespmem:$0x159C0] =	vst v63  }
0x7c: {  	_ =	swait.ge [sflag:s25], $0x40  }
0x7d: {  	[sflag:s25] =	ssyncset.done $0x0  }
0x7e: {  	s4 =	simm.s32 $0x8DC0;
	s23 =	rddreg [dreg:$0x10];
	[sflag:s25] =	ssyncadd.s32 $0xFFFFFFC0  }
0x7f: {  	[tilespmem:s4], [sflag:$0x4] =	stream.linear.gather [hbm4b:s23+s6], $0x40, $0x38;
	[tilespmem:$0x159C0] =	vst v63  }
0x80: {  	_ =	swait.ge [sflag:s25], $0x40  }
0x81: {  	[sflag:s25] =	ssyncset.done $0x0  }
0x82: {  	s24 =	simm.s32 $0xAE40;
	[sflag:s25] =	ssyncadd.s32 $0xFFFFFFC0  }
0x83: {  	[tilespmem:s24], [sflag:$0x2] =	stream.indirect.gather [hbm4b:s17+s29], $0x80, s22, s29, $0xb8;
	[tilespmem:$0x159C0] =	vst v63  }
0x84: {  	s30 =	simm.s32 $0xEE40  }
0x85: {  	[tilespmem:s30], [sflag:$0x2] =	stream.indirect.gather [hbm4b:s18+s29], $0x80, s4, s29, $0xb8;
	[tilespmem:$0x159C0] =	vst v63  }
.LBB2_6:
0x86: {  	p1 =	seq.s32 s6, $0x0  }
0x87: {  	s0 =	simm.s32 @!p1 $0x3  }
0x88: {  	_ =	swait.ge @!p1 [sflag:s0], $0x1000  }
0x89: {  	[sflag:s0] =	ssyncset.done @!p1 $0x0  }
0x8a: {  	[sflag:s0] =	ssyncadd.s32 @!p1 $0xFFFFF000  }
0x8b: {  	_ =	swait.ge @!p1 [sflag:s0], $0x1000  }
0x8c: {  	[sflag:s0] =	ssyncset.done @!p1 $0x0  }
0x8d: {  	[sflag:s0] =	ssyncadd.s32 @!p1 $0xFFFFF000  }
0x8e: {  	_ =	swait.ge [sflag:s31], $0x2000  }
0x8f: {  	[sflag:s31] =	ssyncset.done $0x0  }
0x90: {  	[sflag:s31] =	ssyncadd.s32 $0xFFFFE000  }
0x91: {  	_ =	swait.ge [sflag:s31], $0x2000  }
0x92: {  	[sflag:s31] =	ssyncset.done $0x0  }
0x93: {  	[sflag:s31] =	ssyncadd.s32 $0xFFFFE000  }
0x94: {  	v8 =	vld [tilespmem:$0x8D40]  }
0x95: {  	[tilespmem:$0x10E40] =	vst v2  }
0x96: {  	v9 =	vld [tilespmem:$0x8D50];
	[tilespmem:$0x10E50] =	vst v2  }
0x97: {  	[tilespmem:$0x11040] =	vst v3  }
0x98: {  	[tilespmem:$0x11050] =	vst v3  }
0x99: {  	[tilespmem:$0x10EC0] =	vst v2;
	vm2 =	vlt.u32 v8, $0x4120;
	v54 =	vshra.s32 v8, $0x2  }
0x9a: {  	[tilespmem:$0x10ED0] =	vst v2;
	v11 =	vshll.u32 v8, $0x5;
	v56 =	vshra.s32 v8, $0x6;
	v8 =	vshll.u32 v8, $0x1  }
0x9b: {  	v57 =	vld [tilespmem:$0x8D60];
	[tilespmem:$0x110C0] =	vst v3;
	v10 =	vsel vm2, $0x1, v1;
	v8 =	vand.u32 $0x7E, v8;
	vm2 =	vlt.u32 v9, $0x4120  }
0x9c: {  	[tilespmem:$0x11340] =	vst v8;
	v8 =	vsel vm2, $0x1, v1  }
0x9d: {  	v58 =	vshll.u32 v9, $0x5;
	[tilespmem:$0x11450] =	vst v8;
	v8 =	vshra.s32 v9, $0x2  }
0x9e: {  	[tilespmem:$0x114D0] =	vst v8;
	v8 =	vand.u32 $0x60, v58  }
0x9f: {  	[tilespmem:$0x11250] =	vst v8;
	v8 =	vshra.s32 v9, $0x6;
	v9 =	vshll.u32 v9, $0x1  }
0xa0: {  	vm2 =	vlt.u32 v57, $0x4120;
	[tilespmem:$0x11550] =	vst v8;
	v8 =	vand.u32 $0x7E, v9  }
0xa1: {  	[tilespmem:$0x11350] =	vst v8;
	v8 =	vsel vm2, $0x1, v1  }
0xa2: {  	[tilespmem:$0x11460] =	vst v8;
	v8 =	vshra.s32 v57, $0x2  }
0xa3: {  	[tilespmem:$0x114E0] =	vst v8;
	v8 =	vshll.u32 v57, $0x5  }
0xa4: {  	[tilespmem:$0x110D0] =	vst v3;
	v8 =	vand.u32 $0x60, v8  }
0xa5: {  	[tilespmem:$0x11260] =	vst v8;
	v8 =	vshra.s32 v57, $0x6  }
0xa6: {  	[tilespmem:$0x11560] =	vst v8;
	v8 =	vld [tilespmem:$0x8D70]  }
0xa7: {  	[tilespmem:$0x114C0] =	vst v54  }
0xa8: {  	[tilespmem:$0x11540] =	vst v56  }
0xa9: {  	v59 =	vshll.u32 v57, $0x1;
	v55 =	vand.u32 $0x60, v11;
	[tilespmem:$0x11440] =	vst v10  }
0xaa: {  	[tilespmem:$0x11240] =	vst v55;
	v9 =	vand.u32 $0x7E, v59  }
0xab: {  	[tilespmem:$0x11360] =	vst v9;
	v61 =	vshra.s32 v8, $0x2  }
.Ltmp4:
0xac: {  	vm2 =	vlt.u32 v8, $0x4120;
	v63 =	vshra.s32 v8, $0x6;
	[tilespmem:$0x114F0] =	vst v61;
	(pc) =	sbr.rel .LBB2_7-.Ltmp4, $4  }
0xad: {  	v62 =	vshll.u32 v8, $0x5;
	v60 =	vsel vm2, $0x1, v1;
	[tilespmem:$0x11570] =	vst v63  }
0xae: {  	s30 =	simm.s32 $0xFFFFFFFC;
	s9 =	simm.s32 $0x11442;
	s2 =	simm.s32 $0x11242;
	v8 =	vshll.u32 v8, $0x1;
	v9 =	vand.u32 $0x60, v62;
	[tilespmem:$0x11470] =	vst v60  }
0xaf: {  	s3 =	simm.s32 $0x11342;
	s18 =	simm.s32 $0x114C2;
	s22 =	rddreg [dreg:$0x17];
	v8 =	vand.u32 $0x7E, v8;
	[tilespmem:$0x11270] =	vst v9  }
0xb0: {  	s21 =	simm.s32 $0x0;
	s0 =	simm.s32 $0x11542;
	s19 =	rddreg [dreg:$0x14];
	[tilespmem:$0x11370] =	vst v8  }
.LBB2_15:
0xb1: {  	s30 =	sadd.s32 $0x4, s30  }
0xb2: {  	p1 =	slt.u32 s30, $0x3C  }
.Ltmp5:
0xb3: {  	_ = 	snop;
	(pc) =	sbr.rel @!p1 .LBB2_16-.Ltmp5, $4  }
0xb4: {  	_ = 	snop  }
0xb5: {  	s21 =	sadd.s32 s1, s23;
	s9 =	sadd.s32 $0x4, s9  }
0xb6: {  	s2 =	sadd.s32 $0x4, s2;
	s3 =	sadd.s32 $0x4, s3;
	s19 =	sadd.s32 $0x200, s19  }
0xb7: {  	s18 =	sadd.s32 $0x4, s18;
	s22 =	sadd.s32 $0x200, s22;
	s0 =	sadd.s32 $0x4, s0  }
.LBB2_7:
0xb8: {  	v8 =	vld [tilespmem:s9+$0xFFFFFFFE];
	_ =	sdelay $0x4  }
0xb9: {  	(v2sf) =	vpush v8, $0x0;
	_ =	sdelay $0xe  }
0xba: {  	s23 =	spop (v2sf)  }
0xbb: {  	p1 =	slt.s32 s23, $0x1  }
.Ltmp6:
0xbc: {  	_ = 	snop;
	(pc) =	sbr.rel @p1 .LBB2_9-.Ltmp6, $1  }
0xbd: {  	_ =	sdelay $0x3  }
0xbe: {  	v8 =	vld [tilespmem:s21+$0x112C0];
	_ =	sdelay $0x4  }
0xbf: {  	(v2sf) =	vpush v8, $0x0;
	_ =	sdelay $0xe  }
0xc0: {  	s24 =	sshll.u32 s21, $0x7;
	s1 =	spop (v2sf)  }
0xc1: {  	s4 =	sadd.s32 $0x115C0, s24;
	s5 =	sand.u32 $0xFFFFFF80, s1;
	s16 =	sadd.s32 $0x10, s1  }
0xc2: {  	s1 =	sand.u32 $0x7F, s1;
	s5 =	sadd.s32 s5, s4;
	s17 =	sand.u32 $0xFFFFFF80, s16  }
0xc3: {  	s16 =	sand.u32 $0x7F, s16;
	s1 =	sadd.s32 s1, s5;
	s17 =	sadd.s32 s17, s4  }
0xc4: {  	[tilespmem:s1+$0x0] =	vst v0;
	s17 =	sadd.s32 s16, s17  }
0xc5: {  	[tilespmem:s17+$0x0] =	vst v0  }
0xc6: {  	v8 =	vld [tilespmem:s21+$0x113C0];
	_ =	sdelay $0x4  }
0xc7: {  	(v2sf) =	vpush v8, $0x0;
	_ =	sdelay $0xe  }
0xc8: {  	s5 =	spop (v2sf)  }
0xc9: {  	s16 =	sadd.s32 $0x135C0, s24;
	s17 =	sand.u32 $0xFFFFFF80, s5  }
0xca: {  	s1 =	sand.u32 $0x7F, s5;
	s5 =	sadd.s32 s17, s16  }
0xcb: {  	s1 =	sadd.s32 s1, s5  }
0xcc: {  	[tilespmem:s1+$0x0] =	vst v0  }
0xcd: {  	v8 =	vld [tilespmem:s19+$0xFFFFFF00]  }
0xce: {  	v9 =	vld [tilespmem:s19+$0xFFFFFF10]  }
0xcf: {  	v10 =	vld [tilespmem:s22+$0xFFFFFF00]  }
0xd0: {  	v11 =	vld [tilespmem:s22+$0xFFFFFF10];
	_ =	sdelay $0x3  }
0xd1: {  	v8 =	vmul.f32 v10, v8  }
0xd2: {  	v9 =	vmul.f32 v11, v9  }
0xd3: {  	v10 =	vperm.xlane v8, v4  }
0xd4: {  	v11 =	vperm.xlane v9, v4  }
0xd5: {  	v8 =	vadd.f32 v10, v8  }
0xd6: {  	v9 =	vadd.f32 v11, v9  }
0xd7: {  	v10 =	vperm.xlane v8, v5  }
0xd8: {  	v11 =	vperm.xlane v9, v5  }
0xd9: {  	v57 =	vld [tilespmem:s2+$0xFFFFFFFE];
	v8 =	vadd.f32 v10, v8  }
0xda: {  	v9 =	vadd.f32 v11, v9  }
0xdb: {  	v58 =	vperm.xlane v8, v6  }
0xdc: {  	v12 =	vperm.xlane v9, v6  }
0xdd: {  	v8 =	vadd.f32 v58, v8  }
0xde: {  	(v2sf) =	vpush v57, $0x0;
	v9 =	vadd.f32 v12, v9  }
0xdf: {  	v11 =	vperm.xlane v8, v7  }
0xe0: {  	v12 =	vperm.xlane v9, v7  }
0xe1: {  	v8 =	vadd.f32 v11, v8  }
0xe2: {  	v9 =	vadd.f32 v12, v9  }
0xe3: {  	v8 =	vmul.f32 $1.442695020e+00, v8  }
0xe4: {  	v9 =	vmul.f32 $1.442695020e+00, v9  }
0xe5: {  	(erf) = vpow2.f32 v8  }
0xe6: {  	(erf) = vpow2.f32 v9;
	_ =	sdelay $0x3  }
0xe7: {  	v8 =	vld [tilespmem:s19+$0xFFFFFF20]  }
0xe8: {  	v59 =	vld [tilespmem:s19+$0xFFFFFF30];
	_ =	sdelay $0x1  }
0xe9: {  	s5 =	spop (v2sf)  }
0xea: {  	s24 =	sand.u32 $0xFFFFFF80, s5;
	s17 =	sadd.s32 $0x10, s5;
	v60 =	vpop (erf)  }
0xeb: {  	s1 =	sand.u32 $0x7F, s5;
	s5 =	sadd.s32 s24, s4;
	s24 =	sand.u32 $0xFFFFFF80, s17;
	v61 =	vpop (erf);
	v8 =	vmul.f32 v60, v8  }
0xec: {  	s17 =	sand.u32 $0x7F, s17;
	s1 =	sadd.s32 s1, s5;
	s4 =	sadd.s32 s24, s4;
	v9 =	vmul.f32 v61, v59  }
0xed: {  	s24 =	sadd.s32 s17, s4;
	[tilespmem:s1+$0x0] =	vst v8  }
0xee: {  	[tilespmem:s24+$0x0] =	vst v9  }
0xef: {  	v8 =	vld [tilespmem:s3+$0xFFFFFFFE];
	_ =	sdelay $0x4  }
0xf0: {  	(v2sf) =	vpush v8, $0x0;
	_ =	sdelay $0xe  }
0xf1: {  	v62 =	vmov s21;
	s4 =	spop (v2sf)  }
0xf2: {  	s5 =	sand.u32 $0xFFFFFF80, s4  }
0xf3: {  	v12 =	vsel vm0, $0x0, v61;
	s1 =	sand.u32 $0x7F, s4;
	s4 =	sadd.s32 s5, s16  }
0xf4: {  	v10 =	vbroadcast v57, $0x0;
	v11 =	vsel vm1, v60, v12;
	s1 =	sadd.s32 s1, s4  }
0xf5: {  	s17 =	sshll.u32 s21, $0x2;
	v8 =	vbroadcast v8, $0x0;
	[tilespmem:s1+$0x0] =	vst v11  }
0xf6: {  	s24 =	sand.u32 $0x1F, s21;
	s1 =	sand.u32 $0xFFFFFF80, s17;
	[tilespmem:v62+s10+$0x0] =	vst.idx.msk $0x1, v10  }
0xf7: {  	s1 =	sor.u32 s24, s1;
	[tilespmem:v62+s12+$0x0] =	vst.idx.msk $0x1, v8  }
0xf8: {  	v63 =	vmov s1;
	v8 =	vld.msk [tilespmem:s18+$0xFFFFFFFE ss:$0x0], $0xffff;
	_ =	sdelay $0x4  }
0xf9: {  	[tilespmem:v63+s13+$0x0] =	vst.idx.msk $0x1, v8  }
0xfa: {  	v8 =	vld.msk [tilespmem:s0+$0xFFFFFFFE ss:$0x0], $0xffff;
	_ =	sdelay $0x4  }
0xfb: {  	[tilespmem:v63+s14+$0x0] =	vst.idx.msk $0x1, v8  }
.LBB2_9:
0xfc: {  	v8 =	vld [tilespmem:s9+$0xFFFFFFFF];
	_ =	sdelay $0x4  }
0xfd: {  	(v2sf) =	vpush v8, $0x0;
	_ =	sdelay $0xe  }
0xfe: {  	s1 =	spop (v2sf)  }
0xff: {  	p1 =	slt.s32 s1, $0x1  }
.Ltmp7:
0x100: {  	_ = 	snop;
	(pc) =	sbr.rel @p1 .LBB2_11-.Ltmp7, $2  }
0x101: {  	_ =	sdelay $0x2  }
0x102: {  	s23 =	sadd.s32 s21, s23  }
0x103: {  	v8 =	vld [tilespmem:s23+$0x112C0];
	_ =	sdelay $0x4  }
0x104: {  	(v2sf) =	vpush v8, $0x0;
	_ =	sdelay $0xe  }
0x105: {  	s5 =	sshll.u32 s23, $0x7;
	s4 =	spop (v2sf)  }
0x106: {  	s17 =	sadd.s32 $0x115C0, s5;
	s16 =	sand.u32 $0xFFFFFF80, s4;
	s21 =	sadd.s32 $0x10, s4  }
0x107: {  	s4 =	sand.u32 $0x7F, s4;
	s16 =	sadd.s32 s16, s17;
	s24 =	sand.u32 $0xFFFFFF80, s21  }
0x108: {  	s21 =	sand.u32 $0x7F, s21;
	s4 =	sadd.s32 s4, s16;
	s24 =	sadd.s32 s24, s17  }
0x109: {  	[tilespmem:s4+$0x0] =	vst v0;
	s16 =	sadd.s32 s21, s24  }
0x10a: {  	[tilespmem:s16+$0x0] =	vst v0  }
0x10b: {  	v8 =	vld [tilespmem:s23+$0x113C0];
	_ =	sdelay $0x4  }
0x10c: {  	(v2sf) =	vpush v8, $0x0;
	_ =	sdelay $0xe  }
0x10d: {  	s21 =	spop (v2sf)  }
0x10e: {  	s5 =	sadd.s32 $0x135C0, s5;
	s24 =	sand.u32 $0xFFFFFF80, s21  }
0x10f: {  	s4 =	sand.u32 $0x7F, s21;
	s16 =	sadd.s32 s24, s5  }
0x110: {  	s4 =	sadd.s32 s4, s16  }
0x111: {  	[tilespmem:s4+$0x0] =	vst v0  }
0x112: {  	v8 =	vld [tilespmem:s19+$0xFFFFFF80]  }
0x113: {  	v9 =	vld [tilespmem:s19+$0xFFFFFF90]  }
0x114: {  	v10 =	vld [tilespmem:s22+$0xFFFFFF80]  }
0x115: {  	v11 =	vld [tilespmem:s22+$0xFFFFFF90];
	_ =	sdelay $0x3  }
0x116: {  	v8 =	vmul.f32 v10, v8  }
0x117: {  	v9 =	vmul.f32 v11, v9  }
0x118: {  	v10 =	vperm.xlane v8, v4  }
0x119: {  	v11 =	vperm.xlane v9, v4  }
0x11a: {  	v8 =	vadd.f32 v10, v8  }
0x11b: {  	v9 =	vadd.f32 v11, v9  }
0x11c: {  	v10 =	vperm.xlane v8, v5  }
0x11d: {  	v11 =	vperm.xlane v9, v5  }
0x11e: {  	v57 =	vld [tilespmem:s2+$0xFFFFFFFF];
	v8 =	vadd.f32 v10, v8  }
0x11f: {  	v9 =	vadd.f32 v11, v9  }
0x120: {  	v58 =	vperm.xlane v8, v6  }
0x121: {  	v12 =	vperm.xlane v9, v6  }
0x122: {  	v8 =	vadd.f32 v58, v8  }
0x123: {  	(v2sf) =	vpush v57, $0x0;
	v9 =	vadd.f32 v12, v9  }
0x124: {  	v11 =	vperm.xlane v8, v7  }
0x125: {  	v12 =	vperm.xlane v9, v7  }
0x126: {  	v8 =	vadd.f32 v11, v8  }
0x127: {  	v9 =	vadd.f32 v12, v9  }
0x128: {  	v8 =	vmul.f32 $1.442695020e+00, v8  }
0x129: {  	v9 =	vmul.f32 $1.442695020e+00, v9  }
0x12a: {  	(erf) = vpow2.f32 v8  }
0x12b: {  	(erf) = vpow2.f32 v9;
	_ =	sdelay $0x3  }
0x12c: {  	v8 =	vld [tilespmem:s19+$0xFFFFFFA0]  }
0x12d: {  	v59 =	vld [tilespmem:s19+$0xFFFFFFB0];
	_ =	sdelay $0x1  }
0x12e: {  	s16 =	spop (v2sf)  }
0x12f: {  	s24 =	sand.u32 $0xFFFFFF80, s16;
	s21 =	sadd.s32 $0x10, s16;
	v60 =	vpop (erf)  }
0x130: {  	s4 =	sand.u32 $0x7F, s16;
	s16 =	sadd.s32 s24, s17;
	s24 =	sand.u32 $0xFFFFFF80, s21;
	v61 =	vpop (erf);
	v8 =	vmul.f32 v60, v8  }
0x131: {  	s21 =	sand.u32 $0x7F, s21;
	s4 =	sadd.s32 s4, s16;
	s17 =	sadd.s32 s24, s17;
	v9 =	vmul.f32 v61, v59  }
0x132: {  	s24 =	sadd.s32 s21, s17;
	[tilespmem:s4+$0x0] =	vst v8  }
0x133: {  	[tilespmem:s24+$0x0] =	vst v9  }
0x134: {  	v8 =	vld [tilespmem:s3+$0xFFFFFFFF];
	_ =	sdelay $0x4  }
0x135: {  	(v2sf) =	vpush v8, $0x0;
	_ =	sdelay $0xe  }
0x136: {  	v62 =	vmov s23;
	s16 =	spop (v2sf)  }
0x137: {  	s17 =	sand.u32 $0xFFFFFF80, s16  }
0x138: {  	v12 =	vsel vm0, $0x0, v61;
	s4 =	sand.u32 $0x7F, s16;
	s5 =	sadd.s32 s17, s5  }
0x139: {  	v10 =	vbroadcast v57, $0x0;
	v11 =	vsel vm1, v60, v12;
	s4 =	sadd.s32 s4, s5  }
0x13a: {  	s21 =	sshll.u32 s23, $0x2;
	v8 =	vbroadcast v8, $0x0;
	[tilespmem:s4+$0x0] =	vst v11  }
0x13b: {  	s24 =	sand.u32 $0x1F, s23;
	s4 =	sand.u32 $0xFFFFFF80, s21;
	[tilespmem:v62+s10+$0x0] =	vst.idx.msk $0x1, v10  }
0x13c: {  	s4 =	sor.u32 s24, s4;
	[tilespmem:v62+s12+$0x0] =	vst.idx.msk $0x1, v8  }
0x13d: {  	v63 =	vmov s4;
	v8 =	vld.msk [tilespmem:s18+$0xFFFFFFFF ss:$0x0], $0xffff;
	_ =	sdelay $0x4  }
0x13e: {  	[tilespmem:v63+s13+$0x0] =	vst.idx.msk $0x1, v8  }
0x13f: {  	v8 =	vld.msk [tilespmem:s0+$0xFFFFFFFF ss:$0x0], $0xffff;
	_ =	sdelay $0x4  }
0x140: {  	[tilespmem:v63+s14+$0x0] =	vst.idx.msk $0x1, v8  }
.LBB2_11:
0x141: {  	v8 =	vld [tilespmem:s9+$0x0];
	_ =	sdelay $0x4  }
0x142: {  	(v2sf) =	vpush v8, $0x0;
	_ =	sdelay $0xe  }
0x143: {  	s21 =	spop (v2sf)  }
0x144: {  	p1 =	slt.s32 s21, $0x1  }
.Ltmp8:
0x145: {  	_ = 	snop;
	(pc) =	sbr.rel @p1 .LBB2_13-.Ltmp8, $2  }
0x146: {  	_ =	sdelay $0x2  }
0x147: {  	s1 =	sadd.s32 s23, s1  }
0x148: {  	v8 =	vld [tilespmem:s1+$0x112C0];
	_ =	sdelay $0x4  }
0x149: {  	(v2sf) =	vpush v8, $0x0;
	_ =	sdelay $0xe  }
0x14a: {  	s5 =	sshll.u32 s1, $0x7;
	s4 =	spop (v2sf)  }
0x14b: {  	s17 =	sadd.s32 $0x115C0, s5;
	s16 =	sand.u32 $0xFFFFFF80, s4;
	s23 =	sadd.s32 $0x10, s4  }
0x14c: {  	s4 =	sand.u32 $0x7F, s4;
	s16 =	sadd.s32 s16, s17;
	s24 =	sand.u32 $0xFFFFFF80, s23  }
0x14d: {  	s23 =	sand.u32 $0x7F, s23;
	s4 =	sadd.s32 s4, s16;
	s24 =	sadd.s32 s24, s17  }
0x14e: {  	[tilespmem:s4+$0x0] =	vst v0;
	s16 =	sadd.s32 s23, s24  }
0x14f: {  	[tilespmem:s16+$0x0] =	vst v0  }
0x150: {  	v8 =	vld [tilespmem:s1+$0x113C0];
	_ =	sdelay $0x4  }
0x151: {  	(v2sf) =	vpush v8, $0x0;
	_ =	sdelay $0xe  }
0x152: {  	s23 =	spop (v2sf)  }
0x153: {  	s5 =	sadd.s32 $0x135C0, s5;
	s24 =	sand.u32 $0xFFFFFF80, s23  }
0x154: {  	s4 =	sand.u32 $0x7F, s23;
	s16 =	sadd.s32 s24, s5  }
0x155: {  	s4 =	sadd.s32 s4, s16  }
0x156: {  	[tilespmem:s4+$0x0] =	vst v0  }
0x157: {  	v8 =	vld [tilespmem:s19+$0x0]  }
0x158: {  	v9 =	vld [tilespmem:s19+$0x10]  }
0x159: {  	v10 =	vld [tilespmem:s22+$0x0]  }
0x15a: {  	v11 =	vld [tilespmem:s22+$0x10];
	_ =	sdelay $0x3  }
0x15b: {  	v8 =	vmul.f32 v10, v8  }
0x15c: {  	v9 =	vmul.f32 v11, v9  }
0x15d: {  	v10 =	vperm.xlane v8, v4  }
0x15e: {  	v11 =	vperm.xlane v9, v4  }
0x15f: {  	v8 =	vadd.f32 v10, v8  }
0x160: {  	v9 =	vadd.f32 v11, v9  }
0x161: {  	v10 =	vperm.xlane v8, v5  }
0x162: {  	v11 =	vperm.xlane v9, v5  }
0x163: {  	v57 =	vld [tilespmem:s2+$0x0];
	v8 =	vadd.f32 v10, v8  }
0x164: {  	v9 =	vadd.f32 v11, v9  }
0x165: {  	v58 =	vperm.xlane v8, v6  }
0x166: {  	v12 =	vperm.xlane v9, v6  }
0x167: {  	v8 =	vadd.f32 v58, v8  }
0x168: {  	(v2sf) =	vpush v57, $0x0;
	v9 =	vadd.f32 v12, v9  }
0x169: {  	v11 =	vperm.xlane v8, v7  }
0x16a: {  	v12 =	vperm.xlane v9, v7  }
0x16b: {  	v8 =	vadd.f32 v11, v8  }
0x16c: {  	v9 =	vadd.f32 v12, v9  }
0x16d: {  	v8 =	vmul.f32 $1.442695020e+00, v8  }
0x16e: {  	v9 =	vmul.f32 $1.442695020e+00, v9  }
0x16f: {  	(erf) = vpow2.f32 v8  }
0x170: {  	(erf) = vpow2.f32 v9;
	_ =	sdelay $0x3  }
0x171: {  	v8 =	vld [tilespmem:s19+$0x20]  }
0x172: {  	v59 =	vld [tilespmem:s19+$0x30];
	_ =	sdelay $0x1  }
0x173: {  	s16 =	spop (v2sf)  }
0x174: {  	s24 =	sand.u32 $0xFFFFFF80, s16;
	s23 =	sadd.s32 $0x10, s16;
	v60 =	vpop (erf)  }
0x175: {  	s4 =	sand.u32 $0x7F, s16;
	s16 =	sadd.s32 s24, s17;
	s24 =	sand.u32 $0xFFFFFF80, s23;
	v61 =	vpop (erf);
	v8 =	vmul.f32 v60, v8  }
0x176: {  	s23 =	sand.u32 $0x7F, s23;
	s4 =	sadd.s32 s4, s16;
	s17 =	sadd.s32 s24, s17;
	v9 =	vmul.f32 v61, v59  }
0x177: {  	s24 =	sadd.s32 s23, s17;
	[tilespmem:s4+$0x0] =	vst v8  }
0x178: {  	[tilespmem:s24+$0x0] =	vst v9  }
0x179: {  	v8 =	vld [tilespmem:s3+$0x0];
	_ =	sdelay $0x4  }
0x17a: {  	(v2sf) =	vpush v8, $0x0;
	_ =	sdelay $0xe  }
0x17b: {  	v62 =	vmov s1;
	s16 =	spop (v2sf)  }
0x17c: {  	s17 =	sand.u32 $0xFFFFFF80, s16  }
0x17d: {  	v12 =	vsel vm0, $0x0, v61;
	s4 =	sand.u32 $0x7F, s16;
	s5 =	sadd.s32 s17, s5  }
0x17e: {  	v10 =	vbroadcast v57, $0x0;
	v11 =	vsel vm1, v60, v12;
	s4 =	sadd.s32 s4, s5  }
0x17f: {  	s23 =	sshll.u32 s1, $0x2;
	v8 =	vbroadcast v8, $0x0;
	[tilespmem:s4+$0x0] =	vst v11  }
0x180: {  	s24 =	sand.u32 $0x1F, s1;
	s4 =	sand.u32 $0xFFFFFF80, s23;
	[tilespmem:v62+s10+$0x0] =	vst.idx.msk $0x1, v10  }
0x181: {  	s4 =	sor.u32 s24, s4;
	[tilespmem:v62+s12+$0x0] =	vst.idx.msk $0x1, v8  }
0x182: {  	v63 =	vmov s4;
	v8 =	vld.msk [tilespmem:s18+$0x0 ss:$0x0], $0xffff;
	_ =	sdelay $0x4  }
0x183: {  	[tilespmem:v63+s13+$0x0] =	vst.idx.msk $0x1, v8  }
0x184: {  	v8 =	vld.msk [tilespmem:s0+$0x0 ss:$0x0], $0xffff;
	_ =	sdelay $0x4  }
0x185: {  	[tilespmem:v63+s14+$0x0] =	vst.idx.msk $0x1, v8  }
.LBB2_13:
0x186: {  	v8 =	vld [tilespmem:s9+$0x1];
	_ =	sdelay $0x4  }
0x187: {  	(v2sf) =	vpush v8, $0x0;
	_ =	sdelay $0xe  }
0x188: {  	s23 =	spop (v2sf)  }
0x189: {  	p1 =	slt.s32 s23, $0x1  }
.Ltmp9:
0x18a: {  	_ = 	snop;
	(pc) =	sbr.rel @p1 .LBB2_15-.Ltmp9, $2  }
0x18b: {  	_ =	sdelay $0x2  }
0x18c: {  	s1 =	sadd.s32 s1, s21  }
0x18d: {  	v8 =	vld [tilespmem:s1+$0x112C0];
	_ =	sdelay $0x4  }
0x18e: {  	(v2sf) =	vpush v8, $0x0;
	_ =	sdelay $0xe  }
0x18f: {  	s5 =	sshll.u32 s1, $0x7;
	s4 =	spop (v2sf)  }
0x190: {  	s17 =	sadd.s32 $0x115C0, s5;
	s16 =	sand.u32 $0xFFFFFF80, s4;
	s21 =	sadd.s32 $0x10, s4  }
0x191: {  	s4 =	sand.u32 $0x7F, s4;
	s16 =	sadd.s32 s16, s17;
	s24 =	sand.u32 $0xFFFFFF80, s21  }
0x192: {  	s21 =	sand.u32 $0x7F, s21;
	s4 =	sadd.s32 s4, s16;
	s24 =	sadd.s32 s24, s17  }
0x193: {  	[tilespmem:s4+$0x0] =	vst v0;
	s16 =	sadd.s32 s21, s24  }
0x194: {  	[tilespmem:s16+$0x0] =	vst v0  }
0x195: {  	v8 =	vld [tilespmem:s1+$0x113C0];
	_ =	sdelay $0x4  }
0x196: {  	(v2sf) =	vpush v8, $0x0;
	_ =	sdelay $0xe  }
0x197: {  	s21 =	spop (v2sf)  }
0x198: {  	s5 =	sadd.s32 $0x135C0, s5;
	s24 =	sand.u32 $0xFFFFFF80, s21  }
0x199: {  	s4 =	sand.u32 $0x7F, s21;
	s16 =	sadd.s32 s24, s5  }
0x19a: {  	s4 =	sadd.s32 s4, s16  }
0x19b: {  	[tilespmem:s4+$0x0] =	vst v0  }
0x19c: {  	v8 =	vld [tilespmem:s19+$0x80]  }
0x19d: {  	v9 =	vld [tilespmem:s19+$0x90]  }
0x19e: {  	v10 =	vld [tilespmem:s22+$0x80]  }
0x19f: {  	v11 =	vld [tilespmem:s22+$0x90];
	_ =	sdelay $0x3  }
0x1a0: {  	v8 =	vmul.f32 v10, v8  }
0x1a1: {  	v9 =	vmul.f32 v11, v9  }
0x1a2: {  	v10 =	vperm.xlane v8, v4  }
0x1a3: {  	v11 =	vperm.xlane v9, v4  }
0x1a4: {  	v8 =	vadd.f32 v10, v8  }
0x1a5: {  	v9 =	vadd.f32 v11, v9  }
0x1a6: {  	v10 =	vperm.xlane v8, v5  }
0x1a7: {  	v11 =	vperm.xlane v9, v5  }
0x1a8: {  	v57 =	vld [tilespmem:s2+$0x1];
	v8 =	vadd.f32 v10, v8  }
0x1a9: {  	v9 =	vadd.f32 v11, v9  }
0x1aa: {  	v58 =	vperm.xlane v8, v6  }
0x1ab: {  	v12 =	vperm.xlane v9, v6  }
0x1ac: {  	v8 =	vadd.f32 v58, v8  }
0x1ad: {  	(v2sf) =	vpush v57, $0x0;
	v9 =	vadd.f32 v12, v9  }
0x1ae: {  	v11 =	vperm.xlane v8, v7  }
0x1af: {  	v12 =	vperm.xlane v9, v7  }
0x1b0: {  	v8 =	vadd.f32 v11, v8  }
0x1b1: {  	v9 =	vadd.f32 v12, v9  }
0x1b2: {  	v8 =	vmul.f32 $1.442695020e+00, v8  }
0x1b3: {  	v9 =	vmul.f32 $1.442695020e+00, v9  }
0x1b4: {  	(erf) = vpow2.f32 v8  }
0x1b5: {  	(erf) = vpow2.f32 v9;
	_ =	sdelay $0x3  }
0x1b6: {  	v8 =	vld [tilespmem:s19+$0xA0]  }
0x1b7: {  	v59 =	vld [tilespmem:s19+$0xB0];
	_ =	sdelay $0x1  }
0x1b8: {  	s16 =	spop (v2sf)  }
0x1b9: {  	s24 =	sand.u32 $0xFFFFFF80, s16;
	s21 =	sadd.s32 $0x10, s16;
	v60 =	vpop (erf)  }
0x1ba: {  	s4 =	sand.u32 $0x7F, s16;
	s16 =	sadd.s32 s24, s17;
	s24 =	sand.u32 $0xFFFFFF80, s21;
	v61 =	vpop (erf);
	v8 =	vmul.f32 v60, v8  }
0x1bb: {  	s21 =	sand.u32 $0x7F, s21;
	s4 =	sadd.s32 s4, s16;
	s17 =	sadd.s32 s24, s17;
	v9 =	vmul.f32 v61, v59  }
0x1bc: {  	s24 =	sadd.s32 s21, s17;
	[tilespmem:s4+$0x0] =	vst v8  }
0x1bd: {  	[tilespmem:s24+$0x0] =	vst v9  }
0x1be: {  	v8 =	vld [tilespmem:s3+$0x1];
	_ =	sdelay $0x4  }
0x1bf: {  	(v2sf) =	vpush v8, $0x0;
	_ =	sdelay $0xe  }
0x1c0: {  	v62 =	vmov s1;
	s16 =	spop (v2sf)  }
0x1c1: {  	s17 =	sand.u32 $0xFFFFFF80, s16  }
0x1c2: {  	v12 =	vsel vm0, $0x0, v61;
	s4 =	sand.u32 $0x7F, s16;
	s5 =	sadd.s32 s17, s5  }
0x1c3: {  	v10 =	vbroadcast v57, $0x0;
	v11 =	vsel vm1, v60, v12;
	s4 =	sadd.s32 s4, s5  }
0x1c4: {  	s21 =	sshll.u32 s1, $0x2;
	v8 =	vbroadcast v8, $0x0;
	[tilespmem:s4+$0x0] =	vst v11  }
0x1c5: {  	s24 =	sand.u32 $0x1F, s1;
	s4 =	sand.u32 $0xFFFFFF80, s21;
	[tilespmem:v62+s10+$0x0] =	vst.idx.msk $0x1, v10  }
0x1c6: {  	s4 =	sor.u32 s24, s4;
	[tilespmem:v62+s12+$0x0] =	vst.idx.msk $0x1, v8  }
0x1c7: {  	v63 =	vmov s4;
	v8 =	vld.msk [tilespmem:s18+$0x1 ss:$0x0], $0xffff;
	_ =	sdelay $0x4  }
0x1c8: {  	[tilespmem:v63+s13+$0x0] =	vst.idx.msk $0x1, v8  }
0x1c9: {  	v8 =	vld.msk [tilespmem:s0+$0x1 ss:$0x0], $0xffff  }
.Ltmp10:
0x1ca: {  	_ = 	snop;
	(pc) =	sbr.rel .LBB2_15-.Ltmp10, $2  }
0x1cb: {  	_ =	sdelay $0x2  }
0x1cc: {  	[tilespmem:v63+s14+$0x0] =	vst.idx.msk $0x1, v8  }
.LBB2_16:
0x1cd: {  	s0 =	simm.s32 $0x115C0  }
0x1ce: {  	[spmem:s7] =	stream.indirect.scatter.add.f32 [tilespmem:s0], [sflag:$0x3], $0x80, s13, s15, $0xb8;
	[tilespmem:$0x159C0] =	vst v63  }
0x1cf: {  	s24 =	simm.s32 $0x135C0;
	p2 =	slt.s32 s21, $0x21  }
0x1d0: {  	[spmem:s8] =	stream.indirect.scatter.add.f32 [tilespmem:s24], [sflag:$0x3], $0x80, s14, s15, $0xb8;
	[tilespmem:$0x159C0] =	vst v63  }
0x1d1: {  	s0 =	simm.s32 @!p2 $0x20;
	s1 =	simm.s32 @!p2 $0x10EC0;
	s2 =	simm.s32 @!p2 $0x125C0  }
0x1d2: {  	[spmem:s7] =	stream.indirect.scatter.add.f32 @!p2 [tilespmem:s2], [sflag:$0x4], $0x80, s1, s0, $0xb8;
	[tilespmem:$0x159C0] =	vst v63  }
0x1d3: {  	s1 =	simm.s32 @!p2 $0x4  }
0x1d4: {  	_ =	swait.ge @!p2 [sflag:s1], $0x1000  }
0x1d5: {  	[sflag:s1] =	ssyncset.done @!p2 $0x0  }
0x1d6: {  	s3 =	simm.s32 @!p2 $0x145C0;
	s2 =	simm.s32 @!p2 $0x110C0;
	[sflag:s1] =	ssyncadd.s32 @!p2 $0xFFFFF000  }
0x1d7: {  	[spmem:s8] =	stream.indirect.scatter.add.f32 @!p2 [tilespmem:s3], [sflag:$0x4], $0x80, s2, s0, $0xb8;
	[tilespmem:$0x159C0] =	vst v63  }
0x1d8: {  	_ =	swait.ge @!p2 [sflag:s1], $0x1000  }
0x1d9: {  	p1 =	seq.s32 s6, $0x186;
	[sflag:s1] =	ssyncset.done @!p2 $0x0  }
0x1da: {  	s0 =	sshll.u32 @!p1 s6, $0x8;
	[sflag:s1] =	ssyncadd.s32 @!p2 $0xFFFFF000;
	s1 =	rddreg [dreg:$0x16]  }
0x1db: {  	s0 =	sadd.s32 @!p1 s1, s0;
	s1 =	rddreg [dreg:$0x2]  }
0x1dc: {  	s2 =	simm.s32 @!p1 $0x0;
	s3 =	simm.s32 @!p1 $0x8C40;
	s1 =	sadd.s32 @!p1 s1, s0  }
0x1dd: {  	[tilespmem:s3], [sflag:$0x4] =	stream.linear.gather @!p1 [hbm4b:s1+s2], $0x40, $0x38;
	[tilespmem:$0x159C0] =	vst v63  }
0x1de: {  	s1 =	simm.s32 @!p1 $0x4  }
0x1df: {  	_ =	swait.ge @!p1 [sflag:s1], $0x40  }
0x1e0: {  	[sflag:s1] =	ssyncset.done @!p1 $0x0  }
0x1e1: {  	[sflag:s1] =	ssyncadd.s32 @!p1 $0xFFFFFFC0  }
0x1e2: {  	s4 =	rddreg [dreg:$0x3]  }
0x1e3: {  	s0 =	sadd.s32 @!p1 s4, s0;
	s4 =	simm.s32 @!p1 $0x8D40  }
0x1e4: {  	[tilespmem:s4], [sflag:$0x4] =	stream.linear.gather @!p1 [hbm4b:s0+s2], $0x40, $0x38;
	[tilespmem:$0x159C0] =	vst v63  }
0x1e5: {  	_ =	swait.ge @!p1 [sflag:s1], $0x40  }
0x1e6: {  	[sflag:s1] =	ssyncset.done @!p1 $0x0  }
0x1e7: {  	[sflag:s1] =	ssyncadd.s32 @!p1 $0xFFFFFFC0  }
0x1e8: {  	s0 =	simm.s32 @!p1 $0x40;
	s1 =	simm.s32 @!p1 $0x8E40;
	s2 =	rddreg [dreg:$0x0]  }
0x1e9: {  	[tilespmem:s1], [sflag:$0x1] =	stream.indirect.gather @!p1 [hbm4b:s2+s0], $0x80, s3, s0, $0xb8;
	[tilespmem:$0x159C0] =	vst v63  }
0x1ea: {  	s1 =	simm.s32 @!p1 $0xCE40;
	s2 =	rddreg [dreg:$0x1]  }
0x1eb: {  	[tilespmem:s1], [sflag:$0x1] =	stream.indirect.gather @!p1 [hbm4b:s2+s0], $0x80, s4, s0, $0xb8;
	[tilespmem:$0x159C0] =	vst v63  }
0x1ec: {  	_ =	swait.ge [sflag:s26], $0x1000  }
0x1ed: {  	[sflag:s26] =	ssyncset.done $0x0  }
0x1ee: {  	[sflag:s26] =	ssyncadd.s32 $0xFFFFF000  }
0x1ef: {  	_ =	swait.ge [sflag:s26], $0x1000  }
0x1f0: {  	[sflag:s26] =	ssyncset.done $0x0  }
0x1f1: {  	[sflag:s26] =	ssyncadd.s32 $0xFFFFF000  }
0x1f2: {  	_ =	swait.ge [sflag:s20], $0x2000  }
0x1f3: {  	[sflag:s20] =	ssyncset.done $0x0  }
0x1f4: {  	[sflag:s20] =	ssyncadd.s32 $0xFFFFE000  }
0x1f5: {  	_ =	swait.ge [sflag:s20], $0x2000  }
0x1f6: {  	[sflag:s20] =	ssyncset.done $0x0  }
0x1f7: {  	[sflag:s20] =	ssyncadd.s32 $0xFFFFE000  }
0x1f8: {  	v8 =	vld [tilespmem:$0x8DC0]  }
0x1f9: {  	[tilespmem:$0x10F40] =	vst v2  }
0x1fa: {  	v9 =	vld [tilespmem:$0x8DD0];
	[tilespmem:$0x10F50] =	vst v2  }
0x1fb: {  	[tilespmem:$0x11140] =	vst v3  }
0x1fc: {  	[tilespmem:$0x11150] =	vst v3  }
0x1fd: {  	[tilespmem:$0x10FC0] =	vst v2;
	vm2 =	vlt.u32 v8, $0x4120;
	v54 =	vshra.s32 v8, $0x2  }
0x1fe: {  	[tilespmem:$0x10FD0] =	vst v2;
	v11 =	vshll.u32 v8, $0x5;
	v56 =	vshra.s32 v8, $0x6;
	v8 =	vshll.u32 v8, $0x1  }
0x1ff: {  	v57 =	vld [tilespmem:$0x8DE0];
	[tilespmem:$0x111C0] =	vst v3;
	v10 =	vsel vm2, $0x1, v1;
	v8 =	vand.u32 $0x7E, v8;
	vm2 =	vlt.u32 v9, $0x4120  }
0x200: {  	[tilespmem:$0x11340] =	vst v8;
	v8 =	vsel vm2, $0x1, v1  }
0x201: {  	v58 =	vshll.u32 v9, $0x5;
	[tilespmem:$0x11450] =	vst v8;
	v8 =	vshra.s32 v9, $0x2  }
0x202: {  	[tilespmem:$0x114D0] =	vst v8;
	v8 =	vand.u32 $0x60, v58  }
0x203: {  	[tilespmem:$0x11250] =	vst v8;
	v8 =	vshra.s32 v9, $0x6;
	v9 =	vshll.u32 v9, $0x1  }
0x204: {  	vm2 =	vlt.u32 v57, $0x4120;
	[tilespmem:$0x11550] =	vst v8;
	v8 =	vand.u32 $0x7E, v9  }
0x205: {  	[tilespmem:$0x11350] =	vst v8;
	v8 =	vsel vm2, $0x1, v1  }
0x206: {  	[tilespmem:$0x11460] =	vst v8;
	v8 =	vshra.s32 v57, $0x2  }
0x207: {  	[tilespmem:$0x114E0] =	vst v8;
	v8 =	vshll.u32 v57, $0x5  }
0x208: {  	[tilespmem:$0x111D0] =	vst v3;
	v8 =	vand.u32 $0x60, v8  }
0x209: {  	[tilespmem:$0x11260] =	vst v8;
	v8 =	vshra.s32 v57, $0x6  }
0x20a: {  	[tilespmem:$0x11560] =	vst v8;
	v8 =	vld [tilespmem:$0x8DF0]  }
0x20b: {  	[tilespmem:$0x114C0] =	vst v54  }
0x20c: {  	[tilespmem:$0x11540] =	vst v56  }
0x20d: {  	v59 =	vshll.u32 v57, $0x1;
	v55 =	vand.u32 $0x60, v11;
	[tilespmem:$0x11440] =	vst v10  }
0x20e: {  	[tilespmem:$0x11240] =	vst v55;
	v9 =	vand.u32 $0x7E, v59  }
0x20f: {  	[tilespmem:$0x11360] =	vst v9;
	v61 =	vshra.s32 v8, $0x2  }
.Ltmp11:
0x210: {  	vm2 =	vlt.u32 v8, $0x4120;
	v63 =	vshra.s32 v8, $0x6;
	[tilespmem:$0x114F0] =	vst v61;
	(pc) =	sbr.rel .LBB2_17-.Ltmp11, $4  }
0x211: {  	v62 =	vshll.u32 v8, $0x5;
	v60 =	vsel vm2, $0x1, v1;
	[tilespmem:$0x11570] =	vst v63  }
0x212: {  	s21 =	simm.s32 $0x0;
	s9 =	simm.s32 $0xFFFFFFFC;
	s18 =	simm.s32 $0x11342;
	v8 =	vshll.u32 v8, $0x1;
	v9 =	vand.u32 $0x60, v62;
	[tilespmem:$0x11470] =	vst v60  }
0x213: {  	s22 =	simm.s32 $0x11542;
	s3 =	simm.s32 $0x11242;
	s19 =	rddreg [dreg:$0x19];
	v8 =	vand.u32 $0x7E, v8;
	[tilespmem:$0x11270] =	vst v9  }
0x214: {  	s2 =	simm.s32 $0x11442;
	s0 =	simm.s32 $0x114C2;
	s30 =	rddreg [dreg:$0x18];
	[tilespmem:$0x11370] =	vst v8  }
.LBB2_25:
0x215: {  	s9 =	sadd.s32 $0x4, s9  }
0x216: {  	p2 =	slt.u32 s9, $0x3C  }
.Ltmp12:
0x217: {  	_ = 	snop;
	(pc) =	sbr.rel @!p2 .LBB2_26-.Ltmp12, $4  }
0x218: {  	_ = 	snop  }
0x219: {  	s21 =	sadd.s32 s1, s23;
	s2 =	sadd.s32 $0x4, s2  }
0x21a: {  	s3 =	sadd.s32 $0x4, s3;
	s18 =	sadd.s32 $0x4, s18;
	s30 =	sadd.s32 $0x200, s30  }
0x21b: {  	s0 =	sadd.s32 $0x4, s0;
	s19 =	sadd.s32 $0x200, s19;
	s22 =	sadd.s32 $0x4, s22  }
.LBB2_17:
0x21c: {  	v8 =	vld [tilespmem:s2+$0xFFFFFFFE];
	_ =	sdelay $0x4  }
0x21d: {  	(v2sf) =	vpush v8, $0x0;
	_ =	sdelay $0xe  }
0x21e: {  	s23 =	spop (v2sf)  }
0x21f: {  	p2 =	slt.s32 s23, $0x1  }
.Ltmp13:
0x220: {  	_ = 	snop;
	(pc) =	sbr.rel @p2 .LBB2_19-.Ltmp13, $1  }
0x221: {  	_ =	sdelay $0x3  }
0x222: {  	v8 =	vld [tilespmem:s21+$0x112C0];
	_ =	sdelay $0x4  }
0x223: {  	(v2sf) =	vpush v8, $0x0;
	_ =	sdelay $0xe  }
0x224: {  	s4 =	sshll.u32 s21, $0x7;
	s1 =	spop (v2sf)  }
0x225: {  	s16 =	sadd.s32 $0x115C0, s4;
	s5 =	sand.u32 $0xFFFFFF80, s1;
	s17 =	sadd.s32 $0x10, s1  }
0x226: {  	s1 =	sand.u32 $0x7F, s1;
	s5 =	sadd.s32 s5, s16;
	s24 =	sand.u32 $0xFFFFFF80, s17  }
0x227: {  	s17 =	sand.u32 $0x7F, s17;
	s1 =	sadd.s32 s1, s5;
	s24 =	sadd.s32 s24, s16  }
0x228: {  	[tilespmem:s1+$0x0] =	vst v0;
	s5 =	sadd.s32 s17, s24  }
0x229: {  	[tilespmem:s5+$0x0] =	vst v0  }
0x22a: {  	v8 =	vld [tilespmem:s21+$0x113C0];
	_ =	sdelay $0x4  }
0x22b: {  	(v2sf) =	vpush v8, $0x0;
	_ =	sdelay $0xe  }
0x22c: {  	s17 =	spop (v2sf)  }
0x22d: {  	s4 =	sadd.s32 $0x135C0, s4;
	s24 =	sand.u32 $0xFFFFFF80, s17  }
0x22e: {  	s1 =	sand.u32 $0x7F, s17;
	s5 =	sadd.s32 s24, s4  }
0x22f: {  	s1 =	sadd.s32 s1, s5  }
0x230: {  	[tilespmem:s1+$0x0] =	vst v0  }
0x231: {  	v8 =	vld [tilespmem:s30+$0xFFFFFF00]  }
0x232: {  	v9 =	vld [tilespmem:s30+$0xFFFFFF10]  }
0x233: {  	v10 =	vld [tilespmem:s19+$0xFFFFFF00]  }
0x234: {  	v11 =	vld [tilespmem:s19+$0xFFFFFF10];
	_ =	sdelay $0x3  }
0x235: {  	v8 =	vmul.f32 v10, v8  }
0x236: {  	v9 =	vmul.f32 v11, v9  }
0x237: {  	v10 =	vperm.xlane v8, v4  }
0x238: {  	v11 =	vperm.xlane v9, v4  }
0x239: {  	v8 =	vadd.f32 v10, v8  }
0x23a: {  	v9 =	vadd.f32 v11, v9  }
0x23b: {  	v10 =	vperm.xlane v8, v5  }
0x23c: {  	v11 =	vperm.xlane v9, v5  }
0x23d: {  	v57 =	vld [tilespmem:s3+$0xFFFFFFFE];
	v8 =	vadd.f32 v10, v8  }
0x23e: {  	v9 =	vadd.f32 v11, v9  }
0x23f: {  	v58 =	vperm.xlane v8, v6  }
0x240: {  	v12 =	vperm.xlane v9, v6  }
0x241: {  	v8 =	vadd.f32 v58, v8  }
0x242: {  	(v2sf) =	vpush v57, $0x0;
	v9 =	vadd.f32 v12, v9  }
0x243: {  	v11 =	vperm.xlane v8, v7  }
0x244: {  	v12 =	vperm.xlane v9, v7  }
0x245: {  	v8 =	vadd.f32 v11, v8  }
0x246: {  	v9 =	vadd.f32 v12, v9  }
0x247: {  	v8 =	vmul.f32 $1.442695020e+00, v8  }
0x248: {  	v9 =	vmul.f32 $1.442695020e+00, v9  }
0x249: {  	(erf) = vpow2.f32 v8  }
0x24a: {  	(erf) = vpow2.f32 v9;
	_ =	sdelay $0x3  }
0x24b: {  	v8 =	vld [tilespmem:s30+$0xFFFFFF20]  }
0x24c: {  	v59 =	vld [tilespmem:s30+$0xFFFFFF30];
	_ =	sdelay $0x1  }
0x24d: {  	s5 =	spop (v2sf)  }
0x24e: {  	s24 =	sand.u32 $0xFFFFFF80, s5;
	s17 =	sadd.s32 $0x10, s5;
	v60 =	vpop (erf)  }
0x24f: {  	s1 =	sand.u32 $0x7F, s5;
	s5 =	sadd.s32 s24, s16;
	s24 =	sand.u32 $0xFFFFFF80, s17;
	v61 =	vpop (erf);
	v8 =	vmul.f32 v60, v8  }
0x250: {  	s17 =	sand.u32 $0x7F, s17;
	s1 =	sadd.s32 s1, s5;
	s16 =	sadd.s32 s24, s16;
	v9 =	vmul.f32 v61, v59  }
0x251: {  	s24 =	sadd.s32 s17, s16;
	[tilespmem:s1+$0x0] =	vst v8  }
0x252: {  	[tilespmem:s24+$0x0] =	vst v9  }
0x253: {  	v8 =	vld [tilespmem:s18+$0xFFFFFFFE];
	_ =	sdelay $0x4  }
0x254: {  	(v2sf) =	vpush v8, $0x0;
	_ =	sdelay $0xe  }
0x255: {  	v62 =	vmov s21;
	s5 =	spop (v2sf)  }
0x256: {  	s16 =	sand.u32 $0xFFFFFF80, s5  }
0x257: {  	v12 =	vsel vm0, $0x0, v61;
	s1 =	sand.u32 $0x7F, s5;
	s4 =	sadd.s32 s16, s4  }
0x258: {  	v10 =	vbroadcast v57, $0x0;
	v11 =	vsel vm1, v60, v12;
	s1 =	sadd.s32 s1, s4  }
0x259: {  	s17 =	sshll.u32 s21, $0x2;
	v8 =	vbroadcast v8, $0x0;
	[tilespmem:s1+$0x0] =	vst v11  }
0x25a: {  	s24 =	sand.u32 $0x1F, s21;
	s1 =	sand.u32 $0xFFFFFF80, s17;
	[tilespmem:v62+s10+$0x0] =	vst.idx.msk $0x1, v10  }
0x25b: {  	s1 =	sor.u32 s24, s1;
	[tilespmem:v62+s12+$0x0] =	vst.idx.msk $0x1, v8  }
0x25c: {  	v63 =	vmov s1;
	v8 =	vld.msk [tilespmem:s0+$0xFFFFFFFE ss:$0x0], $0xffff;
	_ =	sdelay $0x4  }
0x25d: {  	[tilespmem:v63+s28+$0x0] =	vst.idx.msk $0x1, v8  }
0x25e: {  	v8 =	vld.msk [tilespmem:s22+$0xFFFFFFFE ss:$0x0], $0xffff;
	_ =	sdelay $0x4  }
0x25f: {  	[tilespmem:v63+s11+$0x0] =	vst.idx.msk $0x1, v8  }
.LBB2_19:
0x260: {  	v8 =	vld [tilespmem:s2+$0xFFFFFFFF];
	_ =	sdelay $0x4  }
0x261: {  	(v2sf) =	vpush v8, $0x0;
	_ =	sdelay $0xe  }
0x262: {  	s1 =	spop (v2sf)  }
0x263: {  	p2 =	slt.s32 s1, $0x1  }
.Ltmp14:
0x264: {  	_ = 	snop;
	(pc) =	sbr.rel @p2 .LBB2_21-.Ltmp14, $2  }
0x265: {  	_ =	sdelay $0x2  }
0x266: {  	s23 =	sadd.s32 s21, s23  }
0x267: {  	v8 =	vld [tilespmem:s23+$0x112C0];
	_ =	sdelay $0x4  }
0x268: {  	(v2sf) =	vpush v8, $0x0;
	_ =	sdelay $0xe  }
0x269: {  	s5 =	sshll.u32 s23, $0x7;
	s4 =	spop (v2sf)  }
0x26a: {  	s17 =	sadd.s32 $0x115C0, s5;
	s16 =	sand.u32 $0xFFFFFF80, s4;
	s21 =	sadd.s32 $0x10, s4  }
0x26b: {  	s4 =	sand.u32 $0x7F, s4;
	s16 =	sadd.s32 s16, s17;
	s24 =	sand.u32 $0xFFFFFF80, s21  }
0x26c: {  	s21 =	sand.u32 $0x7F, s21;
	s4 =	sadd.s32 s4, s16;
	s24 =	sadd.s32 s24, s17  }
0x26d: {  	[tilespmem:s4+$0x0] =	vst v0;
	s16 =	sadd.s32 s21, s24  }
0x26e: {  	[tilespmem:s16+$0x0] =	vst v0  }
0x26f: {  	v8 =	vld [tilespmem:s23+$0x113C0];
	_ =	sdelay $0x4  }
0x270: {  	(v2sf) =	vpush v8, $0x0;
	_ =	sdelay $0xe  }
0x271: {  	s21 =	spop (v2sf)  }
0x272: {  	s5 =	sadd.s32 $0x135C0, s5;
	s24 =	sand.u32 $0xFFFFFF80, s21  }
0x273: {  	s4 =	sand.u32 $0x7F, s21;
	s16 =	sadd.s32 s24, s5  }
0x274: {  	s4 =	sadd.s32 s4, s16  }
0x275: {  	[tilespmem:s4+$0x0] =	vst v0  }
0x276: {  	v8 =	vld [tilespmem:s30+$0xFFFFFF80]  }
0x277: {  	v9 =	vld [tilespmem:s30+$0xFFFFFF90]  }
0x278: {  	v10 =	vld [tilespmem:s19+$0xFFFFFF80]  }
0x279: {  	v11 =	vld [tilespmem:s19+$0xFFFFFF90];
	_ =	sdelay $0x3  }
0x27a: {  	v8 =	vmul.f32 v10, v8  }
0x27b: {  	v9 =	vmul.f32 v11, v9  }
0x27c: {  	v10 =	vperm.xlane v8, v4  }
0x27d: {  	v11 =	vperm.xlane v9, v4  }
0x27e: {  	v8 =	vadd.f32 v10, v8  }
0x27f: {  	v9 =	vadd.f32 v11, v9  }
0x280: {  	v10 =	vperm.xlane v8, v5  }
0x281: {  	v11 =	vperm.xlane v9, v5  }
0x282: {  	v57 =	vld [tilespmem:s3+$0xFFFFFFFF];
	v8 =	vadd.f32 v10, v8  }
0x283: {  	v9 =	vadd.f32 v11, v9  }
0x284: {  	v58 =	vperm.xlane v8, v6  }
0x285: {  	v12 =	vperm.xlane v9, v6  }
0x286: {  	v8 =	vadd.f32 v58, v8  }
0x287: {  	(v2sf) =	vpush v57, $0x0;
	v9 =	vadd.f32 v12, v9  }
0x288: {  	v11 =	vperm.xlane v8, v7  }
0x289: {  	v12 =	vperm.xlane v9, v7  }
0x28a: {  	v8 =	vadd.f32 v11, v8  }
0x28b: {  	v9 =	vadd.f32 v12, v9  }
0x28c: {  	v8 =	vmul.f32 $1.442695020e+00, v8  }
0x28d: {  	v9 =	vmul.f32 $1.442695020e+00, v9  }
0x28e: {  	(erf) = vpow2.f32 v8  }
0x28f: {  	(erf) = vpow2.f32 v9;
	_ =	sdelay $0x3  }
0x290: {  	v8 =	vld [tilespmem:s30+$0xFFFFFFA0]  }
0x291: {  	v59 =	vld [tilespmem:s30+$0xFFFFFFB0];
	_ =	sdelay $0x1  }
0x292: {  	s16 =	spop (v2sf)  }
0x293: {  	s24 =	sand.u32 $0xFFFFFF80, s16;
	s21 =	sadd.s32 $0x10, s16;
	v60 =	vpop (erf)  }
0x294: {  	s4 =	sand.u32 $0x7F, s16;
	s16 =	sadd.s32 s24, s17;
	s24 =	sand.u32 $0xFFFFFF80, s21;
	v61 =	vpop (erf);
	v8 =	vmul.f32 v60, v8  }
0x295: {  	s21 =	sand.u32 $0x7F, s21;
	s4 =	sadd.s32 s4, s16;
	s17 =	sadd.s32 s24, s17;
	v9 =	vmul.f32 v61, v59  }
0x296: {  	s24 =	sadd.s32 s21, s17;
	[tilespmem:s4+$0x0] =	vst v8  }
0x297: {  	[tilespmem:s24+$0x0] =	vst v9  }
0x298: {  	v8 =	vld [tilespmem:s18+$0xFFFFFFFF];
	_ =	sdelay $0x4  }
0x299: {  	(v2sf) =	vpush v8, $0x0;
	_ =	sdelay $0xe  }
0x29a: {  	v62 =	vmov s23;
	s16 =	spop (v2sf)  }
0x29b: {  	s17 =	sand.u32 $0xFFFFFF80, s16  }
0x29c: {  	v12 =	vsel vm0, $0x0, v61;
	s4 =	sand.u32 $0x7F, s16;
	s5 =	sadd.s32 s17, s5  }
0x29d: {  	v10 =	vbroadcast v57, $0x0;
	v11 =	vsel vm1, v60, v12;
	s4 =	sadd.s32 s4, s5  }
0x29e: {  	s21 =	sshll.u32 s23, $0x2;
	v8 =	vbroadcast v8, $0x0;
	[tilespmem:s4+$0x0] =	vst v11  }
0x29f: {  	s24 =	sand.u32 $0x1F, s23;
	s4 =	sand.u32 $0xFFFFFF80, s21;
	[tilespmem:v62+s10+$0x0] =	vst.idx.msk $0x1, v10  }
0x2a0: {  	s4 =	sor.u32 s24, s4;
	[tilespmem:v62+s12+$0x0] =	vst.idx.msk $0x1, v8  }
0x2a1: {  	v63 =	vmov s4;
	v8 =	vld.msk [tilespmem:s0+$0xFFFFFFFF ss:$0x0], $0xffff;
	_ =	sdelay $0x4  }
0x2a2: {  	[tilespmem:v63+s28+$0x0] =	vst.idx.msk $0x1, v8  }
0x2a3: {  	v8 =	vld.msk [tilespmem:s22+$0xFFFFFFFF ss:$0x0], $0xffff;
	_ =	sdelay $0x4  }
0x2a4: {  	[tilespmem:v63+s11+$0x0] =	vst.idx.msk $0x1, v8  }
.LBB2_21:
0x2a5: {  	v8 =	vld [tilespmem:s2+$0x0];
	_ =	sdelay $0x4  }
0x2a6: {  	(v2sf) =	vpush v8, $0x0;
	_ =	sdelay $0xe  }
0x2a7: {  	s21 =	spop (v2sf)  }
0x2a8: {  	p2 =	slt.s32 s21, $0x1  }
.Ltmp15:
0x2a9: {  	_ = 	snop;
	(pc) =	sbr.rel @p2 .LBB2_23-.Ltmp15, $2  }
0x2aa: {  	_ =	sdelay $0x2  }
0x2ab: {  	s1 =	sadd.s32 s23, s1  }
0x2ac: {  	v8 =	vld [tilespmem:s1+$0x112C0];
	_ =	sdelay $0x4  }
0x2ad: {  	(v2sf) =	vpush v8, $0x0;
	_ =	sdelay $0xe  }
0x2ae: {  	s5 =	sshll.u32 s1, $0x7;
	s4 =	spop (v2sf)  }
0x2af: {  	s17 =	sadd.s32 $0x115C0, s5;
	s16 =	sand.u32 $0xFFFFFF80, s4;
	s23 =	sadd.s32 $0x10, s4  }
0x2b0: {  	s4 =	sand.u32 $0x7F, s4;
	s16 =	sadd.s32 s16, s17;
	s24 =	sand.u32 $0xFFFFFF80, s23  }
0x2b1: {  	s23 =	sand.u32 $0x7F, s23;
	s4 =	sadd.s32 s4, s16;
	s24 =	sadd.s32 s24, s17  }
0x2b2: {  	[tilespmem:s4+$0x0] =	vst v0;
	s16 =	sadd.s32 s23, s24  }
0x2b3: {  	[tilespmem:s16+$0x0] =	vst v0  }
0x2b4: {  	v8 =	vld [tilespmem:s1+$0x113C0];
	_ =	sdelay $0x4  }
0x2b5: {  	(v2sf) =	vpush v8, $0x0;
	_ =	sdelay $0xe  }
0x2b6: {  	s23 =	spop (v2sf)  }
0x2b7: {  	s5 =	sadd.s32 $0x135C0, s5;
	s24 =	sand.u32 $0xFFFFFF80, s23  }
0x2b8: {  	s4 =	sand.u32 $0x7F, s23;
	s16 =	sadd.s32 s24, s5  }
0x2b9: {  	s4 =	sadd.s32 s4, s16  }
0x2ba: {  	[tilespmem:s4+$0x0] =	vst v0  }
0x2bb: {  	v8 =	vld [tilespmem:s30+$0x0]  }
0x2bc: {  	v9 =	vld [tilespmem:s30+$0x10]  }
0x2bd: {  	v10 =	vld [tilespmem:s19+$0x0]  }
0x2be: {  	v11 =	vld [tilespmem:s19+$0x10];
	_ =	sdelay $0x3  }
0x2bf: {  	v8 =	vmul.f32 v10, v8  }
0x2c0: {  	v9 =	vmul.f32 v11, v9  }
0x2c1: {  	v10 =	vperm.xlane v8, v4  }
0x2c2: {  	v11 =	vperm.xlane v9, v4  }
0x2c3: {  	v8 =	vadd.f32 v10, v8  }
0x2c4: {  	v9 =	vadd.f32 v11, v9  }
0x2c5: {  	v10 =	vperm.xlane v8, v5  }
0x2c6: {  	v11 =	vperm.xlane v9, v5  }
0x2c7: {  	v57 =	vld [tilespmem:s3+$0x0];
	v8 =	vadd.f32 v10, v8  }
0x2c8: {  	v9 =	vadd.f32 v11, v9  }
0x2c9: {  	v58 =	vperm.xlane v8, v6  }
0x2ca: {  	v12 =	vperm.xlane v9, v6  }
0x2cb: {  	v8 =	vadd.f32 v58, v8  }
0x2cc: {  	(v2sf) =	vpush v57, $0x0;
	v9 =	vadd.f32 v12, v9  }
0x2cd: {  	v11 =	vperm.xlane v8, v7  }
0x2ce: {  	v12 =	vperm.xlane v9, v7  }
0x2cf: {  	v8 =	vadd.f32 v11, v8  }
0x2d0: {  	v9 =	vadd.f32 v12, v9  }
0x2d1: {  	v8 =	vmul.f32 $1.442695020e+00, v8  }
0x2d2: {  	v9 =	vmul.f32 $1.442695020e+00, v9  }
0x2d3: {  	(erf) = vpow2.f32 v8  }
0x2d4: {  	(erf) = vpow2.f32 v9;
	_ =	sdelay $0x3  }
0x2d5: {  	v8 =	vld [tilespmem:s30+$0x20]  }
0x2d6: {  	v59 =	vld [tilespmem:s30+$0x30];
	_ =	sdelay $0x1  }
0x2d7: {  	s16 =	spop (v2sf)  }
0x2d8: {  	s24 =	sand.u32 $0xFFFFFF80, s16;
	s23 =	sadd.s32 $0x10, s16;
	v60 =	vpop (erf)  }
0x2d9: {  	s4 =	sand.u32 $0x7F, s16;
	s16 =	sadd.s32 s24, s17;
	s24 =	sand.u32 $0xFFFFFF80, s23;
	v61 =	vpop (erf);
	v8 =	vmul.f32 v60, v8  }
0x2da: {  	s23 =	sand.u32 $0x7F, s23;
	s4 =	sadd.s32 s4, s16;
	s17 =	sadd.s32 s24, s17;
	v9 =	vmul.f32 v61, v59  }
0x2db: {  	s24 =	sadd.s32 s23, s17;
	[tilespmem:s4+$0x0] =	vst v8  }
0x2dc: {  	[tilespmem:s24+$0x0] =	vst v9  }
0x2dd: {  	v8 =	vld [tilespmem:s18+$0x0];
	_ =	sdelay $0x4  }
0x2de: {  	(v2sf) =	vpush v8, $0x0;
	_ =	sdelay $0xe  }
0x2df: {  	v62 =	vmov s1;
	s16 =	spop (v2sf)  }
0x2e0: {  	s17 =	sand.u32 $0xFFFFFF80, s16  }
0x2e1: {  	v12 =	vsel vm0, $0x0, v61;
	s4 =	sand.u32 $0x7F, s16;
	s5 =	sadd.s32 s17, s5  }
0x2e2: {  	v10 =	vbroadcast v57, $0x0;
	v11 =	vsel vm1, v60, v12;
	s4 =	sadd.s32 s4, s5  }
0x2e3: {  	s23 =	sshll.u32 s1, $0x2;
	v8 =	vbroadcast v8, $0x0;
	[tilespmem:s4+$0x0] =	vst v11  }
0x2e4: {  	s24 =	sand.u32 $0x1F, s1;
	s4 =	sand.u32 $0xFFFFFF80, s23;
	[tilespmem:v62+s10+$0x0] =	vst.idx.msk $0x1, v10  }
0x2e5: {  	s4 =	sor.u32 s24, s4;
	[tilespmem:v62+s12+$0x0] =	vst.idx.msk $0x1, v8  }
0x2e6: {  	v63 =	vmov s4;
	v8 =	vld.msk [tilespmem:s0+$0x0 ss:$0x0], $0xffff;
	_ =	sdelay $0x4  }
0x2e7: {  	[tilespmem:v63+s28+$0x0] =	vst.idx.msk $0x1, v8  }
0x2e8: {  	v8 =	vld.msk [tilespmem:s22+$0x0 ss:$0x0], $0xffff;
	_ =	sdelay $0x4  }
0x2e9: {  	[tilespmem:v63+s11+$0x0] =	vst.idx.msk $0x1, v8  }
.LBB2_23:
0x2ea: {  	v8 =	vld [tilespmem:s2+$0x1];
	_ =	sdelay $0x4  }
0x2eb: {  	(v2sf) =	vpush v8, $0x0;
	_ =	sdelay $0xe  }
0x2ec: {  	s23 =	spop (v2sf)  }
0x2ed: {  	p2 =	slt.s32 s23, $0x1  }
.Ltmp16:
0x2ee: {  	_ = 	snop;
	(pc) =	sbr.rel @p2 .LBB2_25-.Ltmp16, $2  }
0x2ef: {  	_ =	sdelay $0x2  }
0x2f0: {  	s1 =	sadd.s32 s1, s21  }
0x2f1: {  	v8 =	vld [tilespmem:s1+$0x112C0];
	_ =	sdelay $0x4  }
0x2f2: {  	(v2sf) =	vpush v8, $0x0;
	_ =	sdelay $0xe  }
0x2f3: {  	s5 =	sshll.u32 s1, $0x7;
	s4 =	spop (v2sf)  }
0x2f4: {  	s17 =	sadd.s32 $0x115C0, s5;
	s16 =	sand.u32 $0xFFFFFF80, s4;
	s21 =	sadd.s32 $0x10, s4  }
0x2f5: {  	s4 =	sand.u32 $0x7F, s4;
	s16 =	sadd.s32 s16, s17;
	s24 =	sand.u32 $0xFFFFFF80, s21  }
0x2f6: {  	s21 =	sand.u32 $0x7F, s21;
	s4 =	sadd.s32 s4, s16;
	s24 =	sadd.s32 s24, s17  }
0x2f7: {  	[tilespmem:s4+$0x0] =	vst v0;
	s16 =	sadd.s32 s21, s24  }
0x2f8: {  	[tilespmem:s16+$0x0] =	vst v0  }
0x2f9: {  	v8 =	vld [tilespmem:s1+$0x113C0];
	_ =	sdelay $0x4  }
0x2fa: {  	(v2sf) =	vpush v8, $0x0;
	_ =	sdelay $0xe  }
0x2fb: {  	s21 =	spop (v2sf)  }
0x2fc: {  	s5 =	sadd.s32 $0x135C0, s5;
	s24 =	sand.u32 $0xFFFFFF80, s21  }
0x2fd: {  	s4 =	sand.u32 $0x7F, s21;
	s16 =	sadd.s32 s24, s5  }
0x2fe: {  	s4 =	sadd.s32 s4, s16  }
0x2ff: {  	[tilespmem:s4+$0x0] =	vst v0  }
0x300: {  	v8 =	vld [tilespmem:s30+$0x80]  }
0x301: {  	v9 =	vld [tilespmem:s30+$0x90]  }
0x302: {  	v10 =	vld [tilespmem:s19+$0x80]  }
0x303: {  	v11 =	vld [tilespmem:s19+$0x90];
	_ =	sdelay $0x3  }
0x304: {  	v8 =	vmul.f32 v10, v8  }
0x305: {  	v9 =	vmul.f32 v11, v9  }
0x306: {  	v10 =	vperm.xlane v8, v4  }
0x307: {  	v11 =	vperm.xlane v9, v4  }
0x308: {  	v8 =	vadd.f32 v10, v8  }
0x309: {  	v9 =	vadd.f32 v11, v9  }
0x30a: {  	v10 =	vperm.xlane v8, v5  }
0x30b: {  	v11 =	vperm.xlane v9, v5  }
0x30c: {  	v57 =	vld [tilespmem:s3+$0x1];
	v8 =	vadd.f32 v10, v8  }
0x30d: {  	v9 =	vadd.f32 v11, v9  }
0x30e: {  	v58 =	vperm.xlane v8, v6  }
0x30f: {  	v12 =	vperm.xlane v9, v6  }
0x310: {  	v8 =	vadd.f32 v58, v8  }
0x311: {  	(v2sf) =	vpush v57, $0x0;
	v9 =	vadd.f32 v12, v9  }
0x312: {  	v11 =	vperm.xlane v8, v7  }
0x313: {  	v12 =	vperm.xlane v9, v7  }
0x314: {  	v8 =	vadd.f32 v11, v8  }
0x315: {  	v9 =	vadd.f32 v12, v9  }
0x316: {  	v8 =	vmul.f32 $1.442695020e+00, v8  }
0x317: {  	v9 =	vmul.f32 $1.442695020e+00, v9  }
0x318: {  	(erf) = vpow2.f32 v8  }
0x319: {  	(erf) = vpow2.f32 v9;
	_ =	sdelay $0x3  }
0x31a: {  	v8 =	vld [tilespmem:s30+$0xA0]  }
0x31b: {  	v59 =	vld [tilespmem:s30+$0xB0];
	_ =	sdelay $0x1  }
0x31c: {  	s16 =	spop (v2sf)  }
0x31d: {  	s24 =	sand.u32 $0xFFFFFF80, s16;
	s21 =	sadd.s32 $0x10, s16;
	v60 =	vpop (erf)  }
0x31e: {  	s4 =	sand.u32 $0x7F, s16;
	s16 =	sadd.s32 s24, s17;
	s24 =	sand.u32 $0xFFFFFF80, s21;
	v61 =	vpop (erf);
	v8 =	vmul.f32 v60, v8  }
0x31f: {  	s21 =	sand.u32 $0x7F, s21;
	s4 =	sadd.s32 s4, s16;
	s17 =	sadd.s32 s24, s17;
	v9 =	vmul.f32 v61, v59  }
0x320: {  	s24 =	sadd.s32 s21, s17;
	[tilespmem:s4+$0x0] =	vst v8  }
0x321: {  	[tilespmem:s24+$0x0] =	vst v9  }
0x322: {  	v8 =	vld [tilespmem:s18+$0x1];
	_ =	sdelay $0x4  }
0x323: {  	(v2sf) =	vpush v8, $0x0;
	_ =	sdelay $0xe  }
0x324: {  	v62 =	vmov s1;
	s16 =	spop (v2sf)  }
0x325: {  	s17 =	sand.u32 $0xFFFFFF80, s16  }
0x326: {  	v12 =	vsel vm0, $0x0, v61;
	s4 =	sand.u32 $0x7F, s16;
	s5 =	sadd.s32 s17, s5  }
0x327: {  	v10 =	vbroadcast v57, $0x0;
	v11 =	vsel vm1, v60, v12;
	s4 =	sadd.s32 s4, s5  }
0x328: {  	s21 =	sshll.u32 s1, $0x2;
	v8 =	vbroadcast v8, $0x0;
	[tilespmem:s4+$0x0] =	vst v11  }
0x329: {  	s24 =	sand.u32 $0x1F, s1;
	s4 =	sand.u32 $0xFFFFFF80, s21;
	[tilespmem:v62+s10+$0x0] =	vst.idx.msk $0x1, v10  }
0x32a: {  	s4 =	sor.u32 s24, s4;
	[tilespmem:v62+s12+$0x0] =	vst.idx.msk $0x1, v8  }
0x32b: {  	v63 =	vmov s4;
	v8 =	vld.msk [tilespmem:s0+$0x1 ss:$0x0], $0xffff;
	_ =	sdelay $0x4  }
0x32c: {  	[tilespmem:v63+s28+$0x0] =	vst.idx.msk $0x1, v8  }
0x32d: {  	v8 =	vld.msk [tilespmem:s22+$0x1 ss:$0x0], $0xffff  }
.Ltmp17:
0x32e: {  	_ = 	snop;
	(pc) =	sbr.rel .LBB2_25-.Ltmp17, $2  }
0x32f: {  	_ =	sdelay $0x2  }
0x330: {  	[tilespmem:v63+s11+$0x0] =	vst.idx.msk $0x1, v8  }
.LBB2_26:
0x331: {  	s0 =	simm.s32 $0x115C0  }
0x332: {  	[spmem:s7] =	stream.indirect.scatter.add.f32 [tilespmem:s0], [sflag:$0x3], $0x80, s28, s15, $0xb8;
	[tilespmem:$0x159C0] =	vst v63  }
0x333: {  	s30 =	simm.s32 $0x135C0;
	p2 =	slt.s32 s21, $0x21  }
0x334: {  	[spmem:s8] =	stream.indirect.scatter.add.f32 [tilespmem:s30], [sflag:$0x3], $0x80, s11, s15, $0xb8;
	[tilespmem:$0x159C0] =	vst v63  }
0x335: {  	s0 =	simm.s32 @!p2 $0x20;
	s1 =	simm.s32 @!p2 $0x10FC0;
	s2 =	simm.s32 @!p2 $0x125C0  }
0x336: {  	[spmem:s7] =	stream.indirect.scatter.add.f32 @!p2 [tilespmem:s2], [sflag:$0x4], $0x80, s1, s0, $0xb8;
	[tilespmem:$0x159C0] =	vst v63  }
0x337: {  	s1 =	simm.s32 @!p2 $0x4  }
0x338: {  	_ =	swait.ge @!p2 [sflag:s1], $0x1000  }
0x339: {  	s3 =	simm.s32 @!p2 $0x145C0;
	[sflag:s1] =	ssyncset.done @!p2 $0x0  }
.Ltmp18:
0x33a: {  	s2 =	simm.s32 @!p2 $0x111C0;
	[sflag:s1] =	ssyncadd.s32 @!p2 $0xFFFFF000;
	(pc) =	sbr.rel @p1 .LBB2_28-.Ltmp18, $4  }
0x33b: {  	[spmem:s8] =	stream.indirect.scatter.add.f32 @!p2 [tilespmem:s3], [sflag:$0x4], $0x80, s2, s0, $0xb8;
	[tilespmem:$0x159C0] =	vst v63  }
0x33c: {  	_ =	swait.ge @!p2 [sflag:s1], $0x1000  }
0x33d: {  	[sflag:s1] =	ssyncset.done @!p2 $0x0  }
0x33e: {  	[sflag:s1] =	ssyncadd.s32 @!p2 $0xFFFFF000  }
0x33f: {  	s0 =	sshll.u32 s6, $0x8;
	s1 =	rddreg [dreg:$0x13]  }
0x340: {  	s18 =	rddreg [dreg:$0x2];
	s0 =	sadd.s32 s1, s0  }
0x341: {  	s2 =	simm.s32 $0x0;
	s3 =	simm.s32 $0x8CC0;
	s1 =	sadd.s32 s18, s0  }
0x342: {  	[tilespmem:s3], [sflag:$0x4] =	stream.linear.gather [hbm4b:s1+s2], $0x40, $0x38;
	[tilespmem:$0x159C0] =	vst v63  }
0x343: {  	_ =	swait.ge [sflag:s25], $0x40  }
0x344: {  	[sflag:s25] =	ssyncset.done $0x0  }
0x345: {  	[sflag:s25] =	ssyncadd.s32 $0xFFFFFFC0  }
0x346: {  	s19 =	rddreg [dreg:$0x3]  }
0x347: {  	s21 =	simm.s32 $0x8DC0;
	s0 =	sadd.s32 s19, s0  }
0x348: {  	[tilespmem:s21], [sflag:$0x4] =	stream.linear.gather [hbm4b:s0+s2], $0x40, $0x38;
	[tilespmem:$0x159C0] =	vst v63  }
0x349: {  	_ =	swait.ge [sflag:s25], $0x40  }
0x34a: {  	[sflag:s25] =	ssyncset.done $0x0  }
.Ltmp19:
0x34b: {  	[sflag:s25] =	ssyncadd.s32 $0xFFFFFFC0;
	(pc) =	sbr.rel .LBB2_6-.Ltmp19, $4  }
0x34c: {  	s23 =	simm.s32 $0xAE40;
	s22 =	rddreg [dreg:$0x0]  }
0x34d: {  	[tilespmem:s23], [sflag:$0x2] =	stream.indirect.gather [hbm4b:s22+s29], $0x80, s3, s29, $0xb8;
	[tilespmem:$0x159C0] =	vst v63  }
0x34e: {  	s30 =	simm.s32 $0xEE40;
	s6 =	sadd.s32 $0x1, s6;
	s24 =	rddreg [dreg:$0x1]  }
0x34f: {  	[tilespmem:s30], [sflag:$0x2] =	stream.indirect.gather [hbm4b:s24+s29], $0x80, s21, s29, $0xb8;
	[tilespmem:$0x159C0] =	vst v63  }
.LBB2_29:
0x350: {  	_ =	sfence.sel $0x180000  }
0x351: {  	[bflag:$0x0] =	sbarrier.arrive $0xFFFF  }
0x352: {  	_ =	strace $0x90000047  }
0x353: {  	[bflag:$0x2] =	sbarrier.arrive $0xFFFF  }
0x354: {  	s0 =	rddreg [dreg:$0xa]  }
0x355: {  	s0 =	sadd.s32 @!p0 $0x100000, s0  }
0x356: {  	[sflag:s0] =	ssyncadd.tile.s32 @!p0 $0x1;
	_ =	shalt  }
.Lfunc_end2:
_tile_overlayer_lowered:
.L_overlay_start_2:
0x357: {  	(tag) =	ssettag $0x2  }
0x358: {  	s0 =	rddreg [dreg:$0x0];
	s2 =	stileid.u32  }
0x359: {  	s1 =	rddreg [dreg:$0x1];
	p0 =	sne.s32 s2, $0x0  }
0x35a: {  	s3 =	rddreg [dreg:$0x2];
	[bflag:$0x3] =	sbarrier.arrive $0xFFFF;
	s2 =	simm.s32 @!p0 $0x1C04  }
0x35b: {  	[timem:s3], [sflag:s2] =	dma.local @!p0 [hbm:s0], s1  }
0x35c: {  	s0 =	simm.s32 @!p0 $0x4  }
0x35d: {  	_ =	swait.ge @!p0 [sflag:s0], s1  }
0x35e: {  	s1 =	ssub.s32 @!p0 $0x0, s1;
	[sflag:s0] =	ssyncset.done @!p0 $0x0  }
0x35f: {  	[sflag:s0] =	ssyncadd.s32 @!p0 s1  }
0x360: {  	[bflag:$0x3] =	sbarrier.arrive $0xFFFF  }
0x361: {  	_ =	shalt  }

</sc_bundles>
